<compile_context>
chip_gen: v7x
topology: tpu7x:2x2x1
jax: 0.10.2.dev20260603
libtpu: 0.0.44.dev20260713+nightly
codegen_flags: <defaults>
</compile_context>

<pallas_src>
import functools

import jax
import jax.numpy as jnp
from jax import lax
from jax.experimental import pallas as pl
from jax.experimental.pallas import tpu as pltpu
from jax.experimental.pallas import tpu_sc as plsc

NGBUF = 4
NRBUF = 2
LA = 3


def _make_sc_kernel(batch, seq_len, num_workers, scale):
    seq_per_w = batch // num_workers
    half = seq_len // 2
    split = min(128, seq_len)
    rest = seq_len - split

    def body(x_hbm, table_hbm, pe_hbm, out_hbm, idx_v, pe_v, rows_v, res_v, gsem, ssem):
        cid = lax.axis_index("c")
        sid = lax.axis_index("s")
        wid = sid * 2 + cid
        sbase = wid * seq_per_w

        pltpu.sync_copy(x_hbm.at[pl.ds(sbase, seq_per_w)], idx_v)
        pltpu.sync_copy(pe_hbm, pe_v)

        def start_gather(t, slot):
            pltpu.async_copy(
                table_hbm.at[idx_v.at[t, pl.ds(0, split)]],
                rows_v.at[slot, pl.ds(0, split)],
                gsem.at[slot],
            )
            if rest:
                pltpu.async_copy(
                    table_hbm.at[idx_v.at[t, pl.ds(split, rest)]],
                    rows_v.at[slot, pl.ds(split, rest)],
                    gsem.at[slot],
                )

        def wait_gather(t, slot):
            pltpu.make_async_copy(
                table_hbm.at[idx_v.at[t, pl.ds(0, split)]],
                rows_v.at[slot, pl.ds(0, split)],
                gsem.at[slot],
            ).wait()
            if rest:
                pltpu.make_async_copy(
                    table_hbm.at[idx_v.at[t, pl.ds(split, rest)]],
                    rows_v.at[slot, pl.ds(split, rest)],
                    gsem.at[slot],
                ).wait()

        def wait_scatter(slot):
            pltpu.make_async_copy(
                res_v.at[slot], out_hbm.at[0], ssem.at[slot]
            ).wait()

        def compute(gslot, rslot):
            def rbody(r2, carry):
                for g in range(8):
                    pos = g // 4
                    sl = pl.ds(g * 16, 16)
                    rsl = pl.ds((g % 4) * 16, 16)
                    res_v[rslot, r2, sl] = (
                        rows_v[gslot, 2 * r2 + pos, rsl] * scale + pe_v[r2, sl]
                    )
                return carry

            lax.fori_loop(0, half, rbody, 0, unroll=4)

        for t0 in range(LA):
            start_gather(t0, t0)

        def outer(o, carry):
            for b in range(NGBUF):
                t = o * NGBUF + b
                rb = b % NRBUF

                @pl.when(t + LA < seq_per_w)
                def _():
                    start_gather(t + LA, (b + LA) % NGBUF)

                wait_gather(t, b)

                @pl.when(t >= NRBUF)
                def _():
                    wait_scatter(rb)

                compute(b, rb)
                pltpu.async_copy(res_v.at[rb], out_hbm.at[sbase + t], ssem.at[rb])
            return carry

        lax.fori_loop(0, seq_per_w // NGBUF, outer, 0)

        for rb in range(NRBUF):
            wait_scatter(rb)

    mesh = plsc.VectorSubcoreMesh(core_axis_name="c", subcore_axis_name="s")
    return pl.kernel(
        body,
        out_type=jax.ShapeDtypeStruct((batch, half, 128), jnp.float32),
        mesh=mesh,
        compiler_params=pltpu.CompilerParams(use_tc_tiling_on_sc=False),
        scratch_types=[
            pltpu.VMEM((seq_per_w, seq_len), jnp.int32),
            pltpu.VMEM((half, 128), jnp.float32),
            pltpu.VMEM((NGBUF, seq_len, 64), jnp.float32),
            pltpu.VMEM((NRBUF, half, 128), jnp.float32),
            pltpu.SemaphoreType.DMA((NGBUF,)),
            pltpu.SemaphoreType.DMA((NRBUF,)),
        ],
    )


@jax.jit
def kernel(x_vals, seq_lengths, table, pe):
    batch, seq_len = x_vals.shape
    emb_dim = table.shape[1]
    scale = table.shape[1] ** 1 / 2
    pe2 = pe.reshape(pe.shape[-2], pe.shape[-1])[:seq_len].reshape(seq_len // 2, 128)
    k = _make_sc_kernel(batch, seq_len, 32, scale)
    out = k(x_vals.astype(jnp.int32), table, pe2)
    return out.reshape(batch, seq_len, emb_dim), seq_lengths

# --- scband reference (transcript-rebuilt; emitter-appended) ---
"""Pipeline reference for scband-token-and-positional-encoding-34497177321769 (READ-ONLY COPY).

The authoritative reference and input builder live on the scoring server;
editing this copy changes nothing except your own understanding.
"""

import jax, jax.numpy as jnp
import numpy as np

NUM_EMBEDDINGS = 1000000
EMBEDDING_DIM = 64
MAX_SEQ_LENGTH = 200
BATCH = 4096
SEQ_LEN = 200


def make_pe(max_len, d_model):
    position = np.arange(max_len, dtype=np.float64)[:, None]
    div_term = np.exp(np.arange(0, d_model, 2, dtype=np.float64) * (-np.log(10000.0) / d_model))
    pe = np.zeros((1, max_len, d_model), dtype=np.float64)
    pe[0, :, 0::2] = np.sin(position * div_term)
    pe[0, :, 1::2] = np.cos(position * div_term)
    return jnp.asarray(pe, dtype=jnp.float32)


def setup_inputs(seed: int = 0) -> dict:
    key = jax.random.key(seed)
    k1, k2, k3 = jax.random.split(key, 3)
    x_vals = jax.random.randint(k1, (BATCH, SEQ_LEN), 0, NUM_EMBEDDINGS, dtype=jnp.int64 if jax.config.jax_enable_x64 else jnp.int32)
    seq_lengths = jax.random.randint(k2, (BATCH,), 0, SEQ_LEN, dtype=jnp.int64 if jax.config.jax_enable_x64 else jnp.int32)
    table = jax.random.normal(k3, (NUM_EMBEDDINGS, EMBEDDING_DIM), dtype=jnp.float32) * 0.02
    # padding_idx=0 -> row 0 is zeros
    table = table.at[0].set(0.0)
    pe = make_pe(MAX_SEQ_LENGTH, EMBEDDING_DIM)
    return {"x_vals": x_vals, "seq_lengths": seq_lengths, "table": table, "pe": pe}


def reference(x_vals, seq_lengths, table, pe):
    # token embedding lookup (gather)
    tokens = jnp.take(table, x_vals, axis=0)  # [B, L, D]
    # positional encoding slice (buffer)
    positions = pe[:, :x_vals.shape[1], :]  # [1, L, D]
    # faithful to original: embedding_dim ** 1 / 2 == embedding_dim / 2 (python precedence)
    scale = table.shape[1] ** 1 / 2
    x_add = tokens * scale + positions[:, :tokens.shape[1]]
    # dropout in eval mode is identity
    return (x_add, seq_lengths)

if __name__ == "__main__":
    import jax
    _d = setup_inputs()
    print(jax.jit(kernel)(*tuple(_d.values())))

</pallas_src>

<mosaic_0001>
#map = affine_map<(d0, d1) -> (0, 0)>
#map1 = affine_map<(d0, d1) -> (0, 0, 0)>
module attributes {stable_mosaic.version = 14 : i64} {
  func.func @body(%arg0: i32, %arg1: i32, %arg2: memref<4096x200xi32, #tpu.memory_space<hbm>>, %arg3: memref<1000000x64xf32, #tpu.memory_space<hbm>>, %arg4: memref<100x128xf32, #tpu.memory_space<hbm>>, %arg5: memref<4096x100x128xf32, #tpu.memory_space<hbm>>, %arg6: memref<128x200xi32, #tpu.memory_space<vmem>>, %arg7: memref<100x128xf32, #tpu.memory_space<vmem>>, %arg8: memref<4x200x64xf32, #tpu.memory_space<vmem>>, %arg9: memref<2x100x128xf32, #tpu.memory_space<vmem>>, %arg10: memref<4x!tpu.dma_semaphore, #tpu.memory_space<semaphore_mem>>, %arg11: memref<2x!tpu.dma_semaphore, #tpu.memory_space<semaphore_mem>>) attributes {dimension_semantics = [#tpu.dimension_semantics<core_parallel>, #tpu.dimension_semantics<subcore_parallel>], iteration_bounds = array<i64: 2, 16>, scalar_prefetch = 0 : i64, scratch_operands = 6 : i64, tpu.core_type = #tpu.core_type<sc_vector_subcore>, window_params = [{transform_indices = #map}, {transform_indices = #map}, {transform_indices = #map}, {transform_indices = #map1}]} {
    %mul3A = arith.constant 2 : i32
    %mul3A_0 = arith.muli %arg1, %mul3A : i32
    %add3A = arith.addi %mul3A_0, %arg0 : i32
    %mul3A_1 = arith.constant 128 : i32
    %mul3A_2 = arith.muli %add3A, %mul3A_1 : i32
    "tpu.region"() ({
      %run_scoped3A = tpu.sem_alloc : memref<!tpu.dma_semaphore, #tpu.memory_space<semaphore_mem>>
      %dma_start3A_138 = arith.constant 0 : i32
      %dma_start3A_139 = tpu.memref_slice %arg2[%mul3A_2, %dma_start3A_138] : memref<4096x200xi32, #tpu.memory_space<hbm>> -> memref<128x200xi32, #tpu.memory_space<hbm>>
      %dma_start3A_140 = arith.constant 0 : i32
      %dma_start3A_141 = tpu.memref_slice %arg2[%mul3A_2, %dma_start3A_140] : memref<4096x200xi32, #tpu.memory_space<hbm>> -> memref<128x200xi32, #tpu.memory_space<hbm>>
      tpu.enqueue_dma source(%dma_start3A_141 : memref<128x200xi32, #tpu.memory_space<hbm>>) target(%arg6 : memref<128x200xi32, #tpu.memory_space<vmem>>) target_semaphore(%run_scoped3A : memref<!tpu.dma_semaphore, #tpu.memory_space<semaphore_mem>>)
      %dma_wait3A_142 = arith.constant 0 : i32
      %dma_wait3A_143 = tpu.memref_slice %arg2[%mul3A_2, %dma_wait3A_142] : memref<4096x200xi32, #tpu.memory_space<hbm>> -> memref<128x200xi32, #tpu.memory_space<hbm>>
      %dma_wait3A_144 = arith.constant 0 : i32
      %dma_wait3A_145 = tpu.memref_slice %arg2[%mul3A_2, %dma_wait3A_144] : memref<4096x200xi32, #tpu.memory_space<hbm>> -> memref<128x200xi32, #tpu.memory_space<hbm>>
      tpu.wait_dma2 semaphore(%run_scoped3A : memref<!tpu.dma_semaphore, #tpu.memory_space<semaphore_mem>>) src(%dma_wait3A_145 : memref<128x200xi32, #tpu.memory_space<hbm>>) dst(%arg6 : memref<128x200xi32, #tpu.memory_space<vmem>>)
      tpu.yield
    }) : () -> ()
    "tpu.region"() ({
      %run_scoped3A = tpu.sem_alloc : memref<!tpu.dma_semaphore, #tpu.memory_space<semaphore_mem>>
      tpu.enqueue_dma source(%arg4 : memref<100x128xf32, #tpu.memory_space<hbm>>) target(%arg7 : memref<100x128xf32, #tpu.memory_space<vmem>>) target_semaphore(%run_scoped3A : memref<!tpu.dma_semaphore, #tpu.memory_space<semaphore_mem>>)
      tpu.wait_dma2 semaphore(%run_scoped3A : memref<!tpu.dma_semaphore, #tpu.memory_space<semaphore_mem>>) src(%arg4 : memref<100x128xf32, #tpu.memory_space<hbm>>) dst(%arg7 : memref<100x128xf32, #tpu.memory_space<vmem>>)
      tpu.yield
    }) : () -> ()
    %dma_start3A = arith.constant 0 : i32
    %dma_start3A_3 = arith.constant 0 : i32
    %dma_start3A_4 = arith.constant 0 : i32
    %dma_start3A_5 = arith.constant 0 : i32
    %dma_start3A_6 = arith.constant 0 : i32
    %dma_start3A_7 = tpu.memref_slice %arg8[%dma_start3A_3, %dma_start3A_5, %dma_start3A_6] : memref<4x200x64xf32, #tpu.memory_space<vmem>> -> memref<1x128x64xf32, #tpu.memory_space<vmem>>
    %dma_start3A_8 = tpu.memref_squeeze %dma_start3A_7 : memref<1x128x64xf32, #tpu.memory_space<vmem>> -> memref<128x64xf32, #tpu.memory_space<vmem>>
    %dma_start3A_9 = arith.constant 0 : i32
    %dma_start3A_10 = tpu.memref_slice %arg6[%dma_start3A, %dma_start3A_9] : memref<128x200xi32, #tpu.memory_space<vmem>> -> memref<1x128xi32, #tpu.memory_space<vmem>>
    %dma_start3A_11 = tpu.memref_squeeze %dma_start3A_10 : memref<1x128xi32, #tpu.memory_space<vmem>> -> memref<128xi32, #tpu.memory_space<vmem>>
    %dma_start3A_12 = arith.constant 0 : i32
    %dma_start3A_13 = arith.constant 0 : i32
    %dma_start3A_14 = tpu.memref_slice %arg3[%dma_start3A_12, %dma_start3A_13] : memref<1000000x64xf32, #tpu.memory_space<hbm>> -> memref<1000000x64xf32, #tpu.memory_space<hbm>>
    %dma_start3A_15 = tpu.memref_slice %arg10[%dma_start3A_4] : memref<4x!tpu.dma_semaphore, #tpu.memory_space<semaphore_mem>> -> memref<1x!tpu.dma_semaphore, #tpu.memory_space<semaphore_mem>>
    %dma_start3A_16 = tpu.memref_squeeze %dma_start3A_15 : memref<1x!tpu.dma_semaphore, #tpu.memory_space<semaphore_mem>> -> memref<!tpu.dma_semaphore, #tpu.memory_space<semaphore_mem>>
    tpu.enqueue_indirect_dma source(%dma_start3A_14 : memref<1000000x64xf32, #tpu.memory_space<hbm>>) target(%dma_start3A_8 : memref<128x64xf32, #tpu.memory_space<vmem>>) offsets(%dma_start3A_11 : memref<128xi32, #tpu.memory_space<vmem>>) semaphore(%dma_start3A_16 : memref<!tpu.dma_semaphore, #tpu.memory_space<semaphore_mem>>)
    %dma_start3A_17 = arith.constant 0 : i32
    %dma_start3A_18 = arith.constant 0 : i32
    %dma_start3A_19 = arith.constant 0 : i32
    %dma_start3A_20 = arith.constant 128 : i32
    %dma_start3A_21 = arith.constant 0 : i32
    %dma_start3A_22 = tpu.memref_slice %arg8[%dma_start3A_18, %dma_start3A_20, %dma_start3A_21] : memref<4x200x64xf32, #tpu.memory_space<vmem>> -> memref<1x72x64xf32, #tpu.memory_space<vmem>>
    %dma_start3A_23 = tpu.memref_squeeze %dma_start3A_22 : memref<1x72x64xf32, #tpu.memory_space<vmem>> -> memref<72x64xf32, #tpu.memory_space<vmem>>
    %dma_start3A_24 = arith.constant 128 : i32
    %dma_start3A_25 = tpu.memref_slice %arg6[%dma_start3A_17, %dma_start3A_24] : memref<128x200xi32, #tpu.memory_space<vmem>> -> memref<1x72xi32, #tpu.memory_space<vmem>>
    %dma_start3A_26 = tpu.memref_squeeze %dma_start3A_25 : memref<1x72xi32, #tpu.memory_space<vmem>> -> memref<72xi32, #tpu.memory_space<vmem>>
    %dma_start3A_27 = arith.constant 0 : i32
    %dma_start3A_28 = arith.constant 0 : i32
    %dma_start3A_29 = tpu.memref_slice %arg3[%dma_start3A_27, %dma_start3A_28] : memref<1000000x64xf32, #tpu.memory_space<hbm>> -> memref<1000000x64xf32, #tpu.memory_space<hbm>>
    %dma_start3A_30 = tpu.memref_slice %arg10[%dma_start3A_19] : memref<4x!tpu.dma_semaphore, #tpu.memory_space<semaphore_mem>> -> memref<1x!tpu.dma_semaphore, #tpu.memory_space<semaphore_mem>>
    %dma_start3A_31 = tpu.memref_squeeze %dma_start3A_30 : memref<1x!tpu.dma_semaphore, #tpu.memory_space<semaphore_mem>> -> memref<!tpu.dma_semaphore, #tpu.memory_space<semaphore_mem>>
    tpu.enqueue_indirect_dma source(%dma_start3A_29 : memref<1000000x64xf32, #tpu.memory_space<hbm>>) target(%dma_start3A_23 : memref<72x64xf32, #tpu.memory_space<vmem>>) offsets(%dma_start3A_26 : memref<72xi32, #tpu.memory_space<vmem>>) semaphore(%dma_start3A_31 : memref<!tpu.dma_semaphore, #tpu.memory_space<semaphore_mem>>)
    %dma_start3A_32 = arith.constant 1 : i32
    %dma_start3A_33 = arith.constant 1 : i32
    %dma_start3A_34 = arith.constant 1 : i32
    %dma_start3A_35 = arith.constant 0 : i32
    %dma_start3A_36 = arith.constant 0 : i32
    %dma_start3A_37 = tpu.memref_slice %arg8[%dma_start3A_33, %dma_start3A_35, %dma_start3A_36] : memref<4x200x64xf32, #tpu.memory_space<vmem>> -> memref<1x128x64xf32, #tpu.memory_space<vmem>>
    %dma_start3A_38 = tpu.memref_squeeze %dma_start3A_37 : memref<1x128x64xf32, #tpu.memory_space<vmem>> -> memref<128x64xf32, #tpu.memory_space<vmem>>
    %dma_start3A_39 = arith.constant 0 : i32
    %dma_start3A_40 = tpu.memref_slice %arg6[%dma_start3A_32, %dma_start3A_39] : memref<128x200xi32, #tpu.memory_space<vmem>> -> memref<1x128xi32, #tpu.memory_space<vmem>>
    %dma_start3A_41 = tpu.memref_squeeze %dma_start3A_40 : memref<1x128xi32, #tpu.memory_space<vmem>> -> memref<128xi32, #tpu.memory_space<vmem>>
    %dma_start3A_42 = arith.constant 0 : i32
    %dma_start3A_43 = arith.constant 0 : i32
    %dma_start3A_44 = tpu.memref_slice %arg3[%dma_start3A_42, %dma_start3A_43] : memref<1000000x64xf32, #tpu.memory_space<hbm>> -> memref<1000000x64xf32, #tpu.memory_space<hbm>>
    %dma_start3A_45 = tpu.memref_slice %arg10[%dma_start3A_34] : memref<4x!tpu.dma_semaphore, #tpu.memory_space<semaphore_mem>> -> memref<1x!tpu.dma_semaphore, #tpu.memory_space<semaphore_mem>>
    %dma_start3A_46 = tpu.memref_squeeze %dma_start3A_45 : memref<1x!tpu.dma_semaphore, #tpu.memory_space<semaphore_mem>> -> memref<!tpu.dma_semaphore, #tpu.memory_space<semaphore_mem>>
    tpu.enqueue_indirect_dma source(%dma_start3A_44 : memref<1000000x64xf32, #tpu.memory_space<hbm>>) target(%dma_start3A_38 : memref<128x64xf32, #tpu.memory_space<vmem>>) offsets(%dma_start3A_41 : memref<128xi32, #tpu.memory_space<vmem>>) semaphore(%dma_start3A_46 : memref<!tpu.dma_semaphore, #tpu.memory_space<semaphore_mem>>)
    %dma_start3A_47 = arith.constant 1 : i32
    %dma_start3A_48 = arith.constant 1 : i32
    %dma_start3A_49 = arith.constant 1 : i32
    %dma_start3A_50 = arith.constant 128 : i32
    %dma_start3A_51 = arith.constant 0 : i32
    %dma_start3A_52 = tpu.memref_slice %arg8[%dma_start3A_48, %dma_start3A_50, %dma_start3A_51] : memref<4x200x64xf32, #tpu.memory_space<vmem>> -> memref<1x72x64xf32, #tpu.memory_space<vmem>>
    %dma_start3A_53 = tpu.memref_squeeze %dma_start3A_52 : memref<1x72x64xf32, #tpu.memory_space<vmem>> -> memref<72x64xf32, #tpu.memory_space<vmem>>
    %dma_start3A_54 = arith.constant 128 : i32
    %dma_start3A_55 = tpu.memref_slice %arg6[%dma_start3A_47, %dma_start3A_54] : memref<128x200xi32, #tpu.memory_space<vmem>> -> memref<1x72xi32, #tpu.memory_space<vmem>>
    %dma_start3A_56 = tpu.memref_squeeze %dma_start3A_55 : memref<1x72xi32, #tpu.memory_space<vmem>> -> memref<72xi32, #tpu.memory_space<vmem>>
    %dma_start3A_57 = arith.constant 0 : i32
    %dma_start3A_58 = arith.constant 0 : i32
    %dma_start3A_59 = tpu.memref_slice %arg3[%dma_start3A_57, %dma_start3A_58] : memref<1000000x64xf32, #tpu.memory_space<hbm>> -> memref<1000000x64xf32, #tpu.memory_space<hbm>>
    %dma_start3A_60 = tpu.memref_slice %arg10[%dma_start3A_49] : memref<4x!tpu.dma_semaphore, #tpu.memory_space<semaphore_mem>> -> memref<1x!tpu.dma_semaphore, #tpu.memory_space<semaphore_mem>>
    %dma_start3A_61 = tpu.memref_squeeze %dma_start3A_60 : memref<1x!tpu.dma_semaphore, #tpu.memory_space<semaphore_mem>> -> memref<!tpu.dma_semaphore, #tpu.memory_space<semaphore_mem>>
    tpu.enqueue_indirect_dma source(%dma_start3A_59 : memref<1000000x64xf32, #tpu.memory_space<hbm>>) target(%dma_start3A_53 : memref<72x64xf32, #tpu.memory_space<vmem>>) offsets(%dma_start3A_56 : memref<72xi32, #tpu.memory_space<vmem>>) semaphore(%dma_start3A_61 : memref<!tpu.dma_semaphore, #tpu.memory_space<semaphore_mem>>)
    %dma_start3A_62 = arith.constant 2 : i32
    %dma_start3A_63 = arith.constant 2 : i32
    %dma_start3A_64 = arith.constant 2 : i32
    %dma_start3A_65 = arith.constant 0 : i32
    %dma_start3A_66 = arith.constant 0 : i32
    %dma_start3A_67 = tpu.memref_slice %arg8[%dma_start3A_63, %dma_start3A_65, %dma_start3A_66] : memref<4x200x64xf32, #tpu.memory_space<vmem>> -> memref<1x128x64xf32, #tpu.memory_space<vmem>>
    %dma_start3A_68 = tpu.memref_squeeze %dma_start3A_67 : memref<1x128x64xf32, #tpu.memory_space<vmem>> -> memref<128x64xf32, #tpu.memory_space<vmem>>
    %dma_start3A_69 = arith.constant 0 : i32
    %dma_start3A_70 = tpu.memref_slice %arg6[%dma_start3A_62, %dma_start3A_69] : memref<128x200xi32, #tpu.memory_space<vmem>> -> memref<1x128xi32, #tpu.memory_space<vmem>>
    %dma_start3A_71 = tpu.memref_squeeze %dma_start3A_70 : memref<1x128xi32, #tpu.memory_space<vmem>> -> memref<128xi32, #tpu.memory_space<vmem>>
    %dma_start3A_72 = arith.constant 0 : i32
    %dma_start3A_73 = arith.constant 0 : i32
    %dma_start3A_74 = tpu.memref_slice %arg3[%dma_start3A_72, %dma_start3A_73] : memref<1000000x64xf32, #tpu.memory_space<hbm>> -> memref<1000000x64xf32, #tpu.memory_space<hbm>>
    %dma_start3A_75 = tpu.memref_slice %arg10[%dma_start3A_64] : memref<4x!tpu.dma_semaphore, #tpu.memory_space<semaphore_mem>> -> memref<1x!tpu.dma_semaphore, #tpu.memory_space<semaphore_mem>>
    %dma_start3A_76 = tpu.memref_squeeze %dma_start3A_75 : memref<1x!tpu.dma_semaphore, #tpu.memory_space<semaphore_mem>> -> memref<!tpu.dma_semaphore, #tpu.memory_space<semaphore_mem>>
    tpu.enqueue_indirect_dma source(%dma_start3A_74 : memref<1000000x64xf32, #tpu.memory_space<hbm>>) target(%dma_start3A_68 : memref<128x64xf32, #tpu.memory_space<vmem>>) offsets(%dma_start3A_71 : memref<128xi32, #tpu.memory_space<vmem>>) semaphore(%dma_start3A_76 : memref<!tpu.dma_semaphore, #tpu.memory_space<semaphore_mem>>)
    %dma_start3A_77 = arith.constant 2 : i32
    %dma_start3A_78 = arith.constant 2 : i32
    %dma_start3A_79 = arith.constant 2 : i32
    %dma_start3A_80 = arith.constant 128 : i32
    %dma_start3A_81 = arith.constant 0 : i32
    %dma_start3A_82 = tpu.memref_slice %arg8[%dma_start3A_78, %dma_start3A_80, %dma_start3A_81] : memref<4x200x64xf32, #tpu.memory_space<vmem>> -> memref<1x72x64xf32, #tpu.memory_space<vmem>>
    %dma_start3A_83 = tpu.memref_squeeze %dma_start3A_82 : memref<1x72x64xf32, #tpu.memory_space<vmem>> -> memref<72x64xf32, #tpu.memory_space<vmem>>
    %dma_start3A_84 = arith.constant 128 : i32
    %dma_start3A_85 = tpu.memref_slice %arg6[%dma_start3A_77, %dma_start3A_84] : memref<128x200xi32, #tpu.memory_space<vmem>> -> memref<1x72xi32, #tpu.memory_space<vmem>>
    %dma_start3A_86 = tpu.memref_squeeze %dma_start3A_85 : memref<1x72xi32, #tpu.memory_space<vmem>> -> memref<72xi32, #tpu.memory_space<vmem>>
    %dma_start3A_87 = arith.constant 0 : i32
    %dma_start3A_88 = arith.constant 0 : i32
    %dma_start3A_89 = tpu.memref_slice %arg3[%dma_start3A_87, %dma_start3A_88] : memref<1000000x64xf32, #tpu.memory_space<hbm>> -> memref<1000000x64xf32, #tpu.memory_space<hbm>>
    %dma_start3A_90 = tpu.memref_slice %arg10[%dma_start3A_79] : memref<4x!tpu.dma_semaphore, #tpu.memory_space<semaphore_mem>> -> memref<1x!tpu.dma_semaphore, #tpu.memory_space<semaphore_mem>>
    %dma_start3A_91 = tpu.memref_squeeze %dma_start3A_90 : memref<1x!tpu.dma_semaphore, #tpu.memory_space<semaphore_mem>> -> memref<!tpu.dma_semaphore, #tpu.memory_space<semaphore_mem>>
    tpu.enqueue_indirect_dma source(%dma_start3A_89 : memref<1000000x64xf32, #tpu.memory_space<hbm>>) target(%dma_start3A_83 : memref<72x64xf32, #tpu.memory_space<vmem>>) offsets(%dma_start3A_86 : memref<72xi32, #tpu.memory_space<vmem>>) semaphore(%dma_start3A_91 : memref<!tpu.dma_semaphore, #tpu.memory_space<semaphore_mem>>)
    %scan3A = arith.constant 0 : i32
    %scan3A_92 = arith.constant 0 : i32
    %scan3A_93 = arith.constant 32 : i32
    %scan3A_94 = arith.addi %scan3A_92, %scan3A_93 : i32
    %scan3A_95 = arith.constant 1 : i32
    scf.for %scan3A_138 = %scan3A_92 to %scan3A_94 step %scan3A_95  : i32 {
      %mul3A_139 = arith.constant 4 : i32
      %mul3A_140 = arith.muli %scan3A_138, %mul3A_139 : i32
      %add3A_141 = arith.constant 0 : i32
      %add3A_142 = arith.addi %mul3A_140, %add3A_141 : i32
      %add3A_143 = arith.constant 3 : i32
      %add3A_144 = arith.addi %add3A_142, %add3A_143 : i32
      %lt3A = arith.constant 128 : i32
      %lt3A_145 = arith.cmpi slt, %add3A_144, %lt3A : i32
      %convert_element_type3A = arith.extui %lt3A_145 : i1 to i32
      %cond3A = arith.constant 0 : i32
      %cond3A_146 = arith.cmpi ne, %convert_element_type3A, %cond3A : i32
      scf.if %cond3A_146 {
        %add3A_419 = arith.constant 3 : i32
        %add3A_420 = arith.addi %add3A_142, %add3A_419 : i32
        %dma_start3A_421 = arith.constant 3 : i32
        %dma_start3A_422 = arith.constant 3 : i32
        %dma_start3A_423 = arith.constant 0 : i32
        %dma_start3A_424 = arith.constant 0 : i32
        %dma_start3A_425 = tpu.memref_slice %arg8[%dma_start3A_421, %dma_start3A_423, %dma_start3A_424] : memref<4x200x64xf32, #tpu.memory_space<vmem>> -> memref<1x128x64xf32, #tpu.memory_space<vmem>>
        %dma_start3A_426 = tpu.memref_squeeze %dma_start3A_425 : memref<1x128x64xf32, #tpu.memory_space<vmem>> -> memref<128x64xf32, #tpu.memory_space<vmem>>
        %dma_start3A_427 = arith.constant 0 : i32
        %dma_start3A_428 = tpu.memref_slice %arg6[%add3A_420, %dma_start3A_427] : memref<128x200xi32, #tpu.memory_space<vmem>> -> memref<1x128xi32, #tpu.memory_space<vmem>>
        %dma_start3A_429 = tpu.memref_squeeze %dma_start3A_428 : memref<1x128xi32, #tpu.memory_space<vmem>> -> memref<128xi32, #tpu.memory_space<vmem>>
        %dma_start3A_430 = arith.constant 0 : i32
        %dma_start3A_431 = arith.constant 0 : i32
        %dma_start3A_432 = tpu.memref_slice %arg3[%dma_start3A_430, %dma_start3A_431] : memref<1000000x64xf32, #tpu.memory_space<hbm>> -> memref<1000000x64xf32, #tpu.memory_space<hbm>>
        %dma_start3A_433 = tpu.memref_slice %arg10[%dma_start3A_422] : memref<4x!tpu.dma_semaphore, #tpu.memory_space<semaphore_mem>> -> memref<1x!tpu.dma_semaphore, #tpu.memory_space<semaphore_mem>>
        %dma_start3A_434 = tpu.memref_squeeze %dma_start3A_433 : memref<1x!tpu.dma_semaphore, #tpu.memory_space<semaphore_mem>> -> memref<!tpu.dma_semaphore, #tpu.memory_space<semaphore_mem>>
        tpu.enqueue_indirect_dma source(%dma_start3A_432 : memref<1000000x64xf32, #tpu.memory_space<hbm>>) target(%dma_start3A_426 : memref<128x64xf32, #tpu.memory_space<vmem>>) offsets(%dma_start3A_429 : memref<128xi32, #tpu.memory_space<vmem>>) semaphore(%dma_start3A_434 : memref<!tpu.dma_semaphore, #tpu.memory_space<semaphore_mem>>)
        %dma_start3A_435 = arith.constant 3 : i32
        %dma_start3A_436 = arith.constant 3 : i32
        %dma_start3A_437 = arith.constant 128 : i32
        %dma_start3A_438 = arith.constant 0 : i32
        %dma_start3A_439 = tpu.memref_slice %arg8[%dma_start3A_435, %dma_start3A_437, %dma_start3A_438] : memref<4x200x64xf32, #tpu.memory_space<vmem>> -> memref<1x72x64xf32, #tpu.memory_space<vmem>>
        %dma_start3A_440 = tpu.memref_squeeze %dma_start3A_439 : memref<1x72x64xf32, #tpu.memory_space<vmem>> -> memref<72x64xf32, #tpu.memory_space<vmem>>
        %dma_start3A_441 = arith.constant 128 : i32
        %dma_start3A_442 = tpu.memref_slice %arg6[%add3A_420, %dma_start3A_441] : memref<128x200xi32, #tpu.memory_space<vmem>> -> memref<1x72xi32, #tpu.memory_space<vmem>>
        %dma_start3A_443 = tpu.memref_squeeze %dma_start3A_442 : memref<1x72xi32, #tpu.memory_space<vmem>> -> memref<72xi32, #tpu.memory_space<vmem>>
        %dma_start3A_444 = arith.constant 0 : i32
        %dma_start3A_445 = arith.constant 0 : i32
        %dma_start3A_446 = tpu.memref_slice %arg3[%dma_start3A_444, %dma_start3A_445] : memref<1000000x64xf32, #tpu.memory_space<hbm>> -> memref<1000000x64xf32, #tpu.memory_space<hbm>>
        %dma_start3A_447 = tpu.memref_slice %arg10[%dma_start3A_436] : memref<4x!tpu.dma_semaphore, #tpu.memory_space<semaphore_mem>> -> memref<1x!tpu.dma_semaphore, #tpu.memory_space<semaphore_mem>>
        %dma_start3A_448 = tpu.memref_squeeze %dma_start3A_447 : memref<1x!tpu.dma_semaphore, #tpu.memory_space<semaphore_mem>> -> memref<!tpu.dma_semaphore, #tpu.memory_space<semaphore_mem>>
        tpu.enqueue_indirect_dma source(%dma_start3A_446 : memref<1000000x64xf32, #tpu.memory_space<hbm>>) target(%dma_start3A_440 : memref<72x64xf32, #tpu.memory_space<vmem>>) offsets(%dma_start3A_443 : memref<72xi32, #tpu.memory_space<vmem>>) semaphore(%dma_start3A_448 : memref<!tpu.dma_semaphore, #tpu.memory_space<semaphore_mem>>)
      } else {
      }
      %dma_wait3A_147 = arith.constant 0 : i32
      %dma_wait3A_148 = arith.constant 0 : i32
      %dma_wait3A_149 = arith.constant 0 : i32
      %dma_wait3A_150 = arith.constant 0 : i32
      %dma_wait3A_151 = tpu.memref_slice %arg8[%dma_wait3A_147, %dma_wait3A_149, %dma_wait3A_150] : memref<4x200x64xf32, #tpu.memory_space<vmem>> -> memref<1x128x64xf32, #tpu.memory_space<vmem>>
      %dma_wait3A_152 = tpu.memref_squeeze %dma_wait3A_151 : memref<1x128x64xf32, #tpu.memory_space<vmem>> -> memref<128x64xf32, #tpu.memory_space<vmem>>
      %dma_wait3A_153 = arith.constant 0 : i32
      %dma_wait3A_154 = tpu.memref_slice %arg6[%add3A_142, %dma_wait3A_153] : memref<128x200xi32, #tpu.memory_space<vmem>> -> memref<1x128xi32, #tpu.memory_space<vmem>>
      %dma_wait3A_155 = tpu.memref_squeeze %dma_wait3A_154 : memref<1x128xi32, #tpu.memory_space<vmem>> -> memref<128xi32, #tpu.memory_space<vmem>>
      %dma_wait3A_156 = arith.constant 0 : i32
      %dma_wait3A_157 = arith.constant 0 : i32
      %dma_wait3A_158 = tpu.memref_slice %arg3[%dma_wait3A_156, %dma_wait3A_157] : memref<1000000x64xf32, #tpu.memory_space<hbm>> -> memref<1000000x64xf32, #tpu.memory_space<hbm>>
      %dma_wait3A_159 = tpu.memref_slice %arg10[%dma_wait3A_148] : memref<4x!tpu.dma_semaphore, #tpu.memory_space<semaphore_mem>> -> memref<1x!tpu.dma_semaphore, #tpu.memory_space<semaphore_mem>>
      %dma_wait3A_160 = tpu.memref_squeeze %dma_wait3A_159 : memref<1x!tpu.dma_semaphore, #tpu.memory_space<semaphore_mem>> -> memref<!tpu.dma_semaphore, #tpu.memory_space<semaphore_mem>>
      tpu.wait_indirect_dma semaphore(%dma_wait3A_160 : memref<!tpu.dma_semaphore, #tpu.memory_space<semaphore_mem>>) src(%dma_wait3A_158 : memref<1000000x64xf32, #tpu.memory_space<hbm>>) dst(%dma_wait3A_152 : memref<128x64xf32, #tpu.memory_space<vmem>>)
      %dma_wait3A_161 = arith.constant 0 : i32
      %dma_wait3A_162 = arith.constant 0 : i32
      %dma_wait3A_163 = arith.constant 128 : i32
      %dma_wait3A_164 = arith.constant 0 : i32
      %dma_wait3A_165 = tpu.memref_slice %arg8[%dma_wait3A_161, %dma_wait3A_163, %dma_wait3A_164] : memref<4x200x64xf32, #tpu.memory_space<vmem>> -> memref<1x72x64xf32, #tpu.memory_space<vmem>>
      %dma_wait3A_166 = tpu.memref_squeeze %dma_wait3A_165 : memref<1x72x64xf32, #tpu.memory_space<vmem>> -> memref<72x64xf32, #tpu.memory_space<vmem>>
      %dma_wait3A_167 = arith.constant 128 : i32
      %dma_wait3A_168 = tpu.memref_slice %arg6[%add3A_142, %dma_wait3A_167] : memref<128x200xi32, #tpu.memory_space<vmem>> -> memref<1x72xi32, #tpu.memory_space<vmem>>
      %dma_wait3A_169 = tpu.memref_squeeze %dma_wait3A_168 : memref<1x72xi32, #tpu.memory_space<vmem>> -> memref<72xi32, #tpu.memory_space<vmem>>
      %dma_wait3A_170 = arith.constant 0 : i32
      %dma_wait3A_171 = arith.constant 0 : i32
      %dma_wait3A_172 = tpu.memref_slice %arg3[%dma_wait3A_170, %dma_wait3A_171] : memref<1000000x64xf32, #tpu.memory_space<hbm>> -> memref<1000000x64xf32, #tpu.memory_space<hbm>>
      %dma_wait3A_173 = tpu.memref_slice %arg10[%dma_wait3A_162] : memref<4x!tpu.dma_semaphore, #tpu.memory_space<semaphore_mem>> -> memref<1x!tpu.dma_semaphore, #tpu.memory_space<semaphore_mem>>
      %dma_wait3A_174 = tpu.memref_squeeze %dma_wait3A_173 : memref<1x!tpu.dma_semaphore, #tpu.memory_space<semaphore_mem>> -> memref<!tpu.dma_semaphore, #tpu.memory_space<semaphore_mem>>
      tpu.wait_indirect_dma semaphore(%dma_wait3A_174 : memref<!tpu.dma_semaphore, #tpu.memory_space<semaphore_mem>>) src(%dma_wait3A_172 : memref<1000000x64xf32, #tpu.memory_space<hbm>>) dst(%dma_wait3A_166 : memref<72x64xf32, #tpu.memory_space<vmem>>)
      %ge3A = arith.constant 2 : i32
      %ge3A_175 = arith.cmpi sge, %add3A_142, %ge3A : i32
      %convert_element_type3A_176 = arith.extui %ge3A_175 : i1 to i32
      %cond3A_177 = arith.constant 0 : i32
      %cond3A_178 = arith.cmpi ne, %convert_element_type3A_176, %cond3A_177 : i32
      scf.if %cond3A_178 {
        %dma_wait3A_419 = arith.constant 0 : i32
        %dma_wait3A_420 = arith.constant 0 : i32
        %dma_wait3A_421 = arith.constant 0 : i32
        %dma_wait3A_422 = arith.constant 0 : i32
        %dma_wait3A_423 = arith.constant 0 : i32
        %dma_wait3A_424 = tpu.memref_slice %arg9[%dma_wait3A_419, %dma_wait3A_422, %dma_wait3A_423] : memref<2x100x128xf32, #tpu.memory_space<vmem>> -> memref<1x100x128xf32, #tpu.memory_space<vmem>>
        %dma_wait3A_425 = tpu.memref_squeeze %dma_wait3A_424 : memref<1x100x128xf32, #tpu.memory_space<vmem>> -> memref<100x128xf32, #tpu.memory_space<vmem>>
        %dma_wait3A_426 = arith.constant 0 : i32
        %dma_wait3A_427 = arith.constant 0 : i32
        %dma_wait3A_428 = tpu.memref_slice %arg5[%dma_wait3A_420, %dma_wait3A_426, %dma_wait3A_427] : memref<4096x100x128xf32, #tpu.memory_space<hbm>> -> memref<1x100x128xf32, #tpu.memory_space<hbm>>
        %dma_wait3A_429 = tpu.memref_squeeze %dma_wait3A_428 : memref<1x100x128xf32, #tpu.memory_space<hbm>> -> memref<100x128xf32, #tpu.memory_space<hbm>>
        %dma_wait3A_430 = tpu.memref_slice %arg11[%dma_wait3A_421] : memref<2x!tpu.dma_semaphore, #tpu.memory_space<semaphore_mem>> -> memref<1x!tpu.dma_semaphore, #tpu.memory_space<semaphore_mem>>
        %dma_wait3A_431 = tpu.memref_squeeze %dma_wait3A_430 : memref<1x!tpu.dma_semaphore, #tpu.memory_space<semaphore_mem>> -> memref<!tpu.dma_semaphore, #tpu.memory_space<semaphore_mem>>
        %dma_wait3A_432 = arith.constant 0 : i32
        %dma_wait3A_433 = arith.constant 0 : i32
        %dma_wait3A_434 = tpu.memref_slice %arg5[%dma_wait3A_420, %dma_wait3A_432, %dma_wait3A_433] : memref<4096x100x128xf32, #tpu.memory_space<hbm>> -> memref<1x100x128xf32, #tpu.memory_space<hbm>>
        %dma_wait3A_435 = tpu.memref_squeeze %dma_wait3A_434 : memref<1x100x128xf32, #tpu.memory_space<hbm>> -> memref<100x128xf32, #tpu.memory_space<hbm>>
        %dma_wait3A_436 = arith.constant 0 : i32
        %dma_wait3A_437 = arith.constant 0 : i32
        %dma_wait3A_438 = tpu.memref_slice %arg9[%dma_wait3A_419, %dma_wait3A_436, %dma_wait3A_437] : memref<2x100x128xf32, #tpu.memory_space<vmem>> -> memref<1x100x128xf32, #tpu.memory_space<vmem>>
        %dma_wait3A_439 = tpu.memref_squeeze %dma_wait3A_438 : memref<1x100x128xf32, #tpu.memory_space<vmem>> -> memref<100x128xf32, #tpu.memory_space<vmem>>
        tpu.wait_dma2 semaphore(%dma_wait3A_431 : memref<!tpu.dma_semaphore, #tpu.memory_space<semaphore_mem>>) src(%dma_wait3A_439 : memref<100x128xf32, #tpu.memory_space<vmem>>) dst(%dma_wait3A_435 : memref<100x128xf32, #tpu.memory_space<hbm>>)
      } else {
      }
      %scan3A_179 = arith.constant 0 : i32
      %scan3A_180 = arith.constant 0 : i32
      %scan3A_181 = arith.constant 100 : i32
      %scan3A_182 = arith.addi %scan3A_180, %scan3A_181 : i32
      %scan3A_183 = arith.constant 4 : i32
      scf.for %scan3A_419 = %scan3A_180 to %scan3A_182 step %scan3A_183  : i32 {
        %mul3A_420 = arith.constant 2 : i32
        %mul3A_421 = arith.muli %mul3A_420, %scan3A_419 : i32
        %add3A_422 = arith.constant 0 : i32
        %add3A_423 = arith.addi %mul3A_421, %add3A_422 : i32
        %get3A = arith.constant 0 : i32
        %get3A_424 = arith.index_cast %get3A : i32 to index
        %get3A_425 = arith.index_cast %add3A_423 : i32 to index
        %get3A_426 = arith.constant 0 : index
        %get3A_427 = tpu.vector_load %arg8[%get3A_424, %get3A_425, %get3A_426] {strides = array<i32>} : memref<4x200x64xf32, #tpu.memory_space<vmem>>, vector<1x1x16xf32>,
        %get3A_428 = vector.shape_cast %get3A_427 : vector<1x1x16xf32> to vector<16xf32>
        %mul3A_429 = arith.constant 3.200000e+01 : f32
        %mul3A_430 = vector.broadcast %mul3A_429 : f32 to vector<16xf32>
        %mul3A_431 = arith.mulf %get3A_428, %mul3A_430 : vector<16xf32>
        %get3A_432 = arith.index_cast %scan3A_419 : i32 to index
        %get3A_433 = arith.constant 0 : index
        %get3A_434 = tpu.vector_load %arg7[%get3A_432, %get3A_433] {strides = array<i32>} : memref<100x128xf32, #tpu.memory_space<vmem>>, vector<1x16xf32>,
        %get3A_435 = vector.shape_cast %get3A_434 : vector<1x16xf32> to vector<16xf32>
        %add3A_436 = arith.addf %mul3A_431, %get3A_435 : vector<16xf32>
        %swap3A = arith.constant 0 : i32
        %swap3A_437 = arith.index_cast %swap3A : i32 to index
        %swap3A_438 = arith.index_cast %scan3A_419 : i32 to index
        %swap3A_439 = arith.constant 0 : index
        %swap3A_440 = tpu.vector_load %arg9[%swap3A_437, %swap3A_438, %swap3A_439] {strides = array<i32>} : memref<2x100x128xf32, #tpu.memory_space<vmem>>, vector<1x1x16xf32>,
        %swap3A_441 = vector.shape_cast %swap3A_440 : vector<1x1x16xf32> to vector<16xf32>
        %swap3A_442 = vector.shape_cast %add3A_436 : vector<16xf32> to vector<1x1x16xf32>
        tpu.vector_store %arg9[%swap3A_437, %swap3A_438, %swap3A_439], %swap3A_442 {strides = array<i32>} : memref<2x100x128xf32, #tpu.memory_space<vmem>>, vector<1x1x16xf32>,
        %mul3A_443 = arith.constant 2 : i32
        %mul3A_444 = arith.muli %mul3A_443, %scan3A_419 : i32
        %add3A_445 = arith.constant 0 : i32
        %add3A_446 = arith.addi %mul3A_444, %add3A_445 : i32
        %get3A_447 = arith.constant 0 : i32
        %get3A_448 = arith.index_cast %get3A_447 : i32 to index
        %get3A_449 = arith.index_cast %add3A_446 : i32 to index
        %get3A_450 = arith.constant 16 : index
        %get3A_451 = tpu.vector_load %arg8[%get3A_448, %get3A_449, %get3A_450] {strides = array<i32>} : memref<4x200x64xf32, #tpu.memory_space<vmem>>, vector<1x1x16xf32>,
        %get3A_452 = vector.shape_cast %get3A_451 : vector<1x1x16xf32> to vector<16xf32>
        %mul3A_453 = arith.constant 3.200000e+01 : f32
        %mul3A_454 = vector.broadcast %mul3A_453 : f32 to vector<16xf32>
        %mul3A_455 = arith.mulf %get3A_452, %mul3A_454 : vector<16xf32>
        %get3A_456 = arith.index_cast %scan3A_419 : i32 to index
        %get3A_457 = arith.constant 16 : index
        %get3A_458 = tpu.vector_load %arg7[%get3A_456, %get3A_457] {strides = array<i32>} : memref<100x128xf32, #tpu.memory_space<vmem>>, vector<1x16xf32>,
        %get3A_459 = vector.shape_cast %get3A_458 : vector<1x16xf32> to vector<16xf32>
        %add3A_460 = arith.addf %mul3A_455, %get3A_459 : vector<16xf32>
        %swap3A_461 = arith.constant 0 : i32
        %swap3A_462 = arith.index_cast %swap3A_461 : i32 to index
        %swap3A_463 = arith.index_cast %scan3A_419 : i32 to index
        %swap3A_464 = arith.constant 16 : index
        %swap3A_465 = tpu.vector_load %arg9[%swap3A_462, %swap3A_463, %swap3A_464] {strides = array<i32>} : memref<2x100x128xf32, #tpu.memory_space<vmem>>, vector<1x1x16xf32>,
        %swap3A_466 = vector.shape_cast %swap3A_465 : vector<1x1x16xf32> to vector<16xf32>
        %swap3A_467 = vector.shape_cast %add3A_460 : vector<16xf32> to vector<1x1x16xf32>
        tpu.vector_store %arg9[%swap3A_462, %swap3A_463, %swap3A_464], %swap3A_467 {strides = array<i32>} : memref<2x100x128xf32, #tpu.memory_space<vmem>>, vector<1x1x16xf32>,
        %mul3A_468 = arith.constant 2 : i32
        %mul3A_469 = arith.muli %mul3A_468, %scan3A_419 : i32
        %add3A_470 = arith.constant 0 : i32
        %add3A_471 = arith.addi %mul3A_469, %add3A_470 : i32
        %get3A_472 = arith.constant 0 : i32
        %get3A_473 = arith.index_cast %get3A_472 : i32 to index
        %get3A_474 = arith.index_cast %add3A_471 : i32 to index
        %get3A_475 = arith.constant 32 : index
        %get3A_476 = tpu.vector_load %arg8[%get3A_473, %get3A_474, %get3A_475] {strides = array<i32>} : memref<4x200x64xf32, #tpu.memory_space<vmem>>, vector<1x1x16xf32>,
        %get3A_477 = vector.shape_cast %get3A_476 : vector<1x1x16xf32> to vector<16xf32>
        %mul3A_478 = arith.constant 3.200000e+01 : f32
        %mul3A_479 = vector.broadcast %mul3A_478 : f32 to vector<16xf32>
        %mul3A_480 = arith.mulf %get3A_477, %mul3A_479 : vector<16xf32>
        %get3A_481 = arith.index_cast %scan3A_419 : i32 to index
        %get3A_482 = arith.constant 32 : index
        %get3A_483 = tpu.vector_load %arg7[%get3A_481, %get3A_482] {strides = array<i32>} : memref<100x128xf32, #tpu.memory_space<vmem>>, vector<1x16xf32>,
        %get3A_484 = vector.shape_cast %get3A_483 : vector<1x16xf32> to vector<16xf32>
        %add3A_485 = arith.addf %mul3A_480, %get3A_484 : vector<16xf32>
        %swap3A_486 = arith.constant 0 : i32
        %swap3A_487 = arith.index_cast %swap3A_486 : i32 to index
        %swap3A_488 = arith.index_cast %scan3A_419 : i32 to index
        %swap3A_489 = arith.constant 32 : index
        %swap3A_490 = tpu.vector_load %arg9[%swap3A_487, %swap3A_488, %swap3A_489] {strides = array<i32>} : memref<2x100x128xf32, #tpu.memory_space<vmem>>, vector<1x1x16xf32>,
        %swap3A_491 = vector.shape_cast %swap3A_490 : vector<1x1x16xf32> to vector<16xf32>
        %swap3A_492 = vector.shape_cast %add3A_485 : vector<16xf32> to vector<1x1x16xf32>
        tpu.vector_store %arg9[%swap3A_487, %swap3A_488, %swap3A_489], %swap3A_492 {strides = array<i32>} : memref<2x100x128xf32, #tpu.memory_space<vmem>>, vector<1x1x16xf32>,
        %mul3A_493 = arith.constant 2 : i32
        %mul3A_494 = arith.muli %mul3A_493, %scan3A_419 : i32
        %add3A_495 = arith.constant 0 : i32
        %add3A_496 = arith.addi %mul3A_494, %add3A_495 : i32
        %get3A_497 = arith.constant 0 : i32
        %get3A_498 = arith.index_cast %get3A_497 : i32 to index
        %get3A_499 = arith.index_cast %add3A_496 : i32 to index
        %get3A_500 = arith.constant 48 : index
        %get3A_501 = tpu.vector_load %arg8[%get3A_498, %get3A_499, %get3A_500] {strides = array<i32>} : memref<4x200x64xf32, #tpu.memory_space<vmem>>, vector<1x1x16xf32>,
        %get3A_502 = vector.shape_cast %get3A_501 : vector<1x1x16xf32> to vector<16xf32>
        %mul3A_503 = arith.constant 3.200000e+01 : f32
        %mul3A_504 = vector.broadcast %mul3A_503 : f32 to vector<16xf32>
        %mul3A_505 = arith.mulf %get3A_502, %mul3A_504 : vector<16xf32>
        %get3A_506 = arith.index_cast %scan3A_419 : i32 to index
        %get3A_507 = arith.constant 48 : index
        %get3A_508 = tpu.vector_load %arg7[%get3A_506, %get3A_507] {strides = array<i32>} : memref<100x128xf32, #tpu.memory_space<vmem>>, vector<1x16xf32>,
        %get3A_509 = vector.shape_cast %get3A_508 : vector<1x16xf32> to vector<16xf32>
        %add3A_510 = arith.addf %mul3A_505, %get3A_509 : vector<16xf32>
        %swap3A_511 = arith.constant 0 : i32
        %swap3A_512 = arith.index_cast %swap3A_511 : i32 to index
        %swap3A_513 = arith.index_cast %scan3A_419 : i32 to index
        %swap3A_514 = arith.constant 48 : index
        %swap3A_515 = tpu.vector_load %arg9[%swap3A_512, %swap3A_513, %swap3A_514] {strides = array<i32>} : memref<2x100x128xf32, #tpu.memory_space<vmem>>, vector<1x1x16xf32>,
        %swap3A_516 = vector.shape_cast %swap3A_515 : vector<1x1x16xf32> to vector<16xf32>
        %swap3A_517 = vector.shape_cast %add3A_510 : vector<16xf32> to vector<1x1x16xf32>
        tpu.vector_store %arg9[%swap3A_512, %swap3A_513, %swap3A_514], %swap3A_517 {strides = array<i32>} : memref<2x100x128xf32, #tpu.memory_space<vmem>>, vector<1x1x16xf32>,
        %mul3A_518 = arith.constant 2 : i32
        %mul3A_519 = arith.muli %mul3A_518, %scan3A_419 : i32
        %add3A_520 = arith.constant 1 : i32
        %add3A_521 = arith.addi %mul3A_519, %add3A_520 : i32
        %get3A_522 = arith.constant 0 : i32
        %get3A_523 = arith.index_cast %get3A_522 : i32 to index
        %get3A_524 = arith.index_cast %add3A_521 : i32 to index
        %get3A_525 = arith.constant 0 : index
        %get3A_526 = tpu.vector_load %arg8[%get3A_523, %get3A_524, %get3A_525] {strides = array<i32>} : memref<4x200x64xf32, #tpu.memory_space<vmem>>, vector<1x1x16xf32>,
        %get3A_527 = vector.shape_cast %get3A_526 : vector<1x1x16xf32> to vector<16xf32>
        %mul3A_528 = arith.constant 3.200000e+01 : f32
        %mul3A_529 = vector.broadcast %mul3A_528 : f32 to vector<16xf32>
        %mul3A_530 = arith.mulf %get3A_527, %mul3A_529 : vector<16xf32>
        %get3A_531 = arith.index_cast %scan3A_419 : i32 to index
        %get3A_532 = arith.constant 64 : index
        %get3A_533 = tpu.vector_load %arg7[%get3A_531, %get3A_532] {strides = array<i32>} : memref<100x128xf32, #tpu.memory_space<vmem>>, vector<1x16xf32>,
        %get3A_534 = vector.shape_cast %get3A_533 : vector<1x16xf32> to vector<16xf32>
        %add3A_535 = arith.addf %mul3A_530, %get3A_534 : vector<16xf32>
        %swap3A_536 = arith.constant 0 : i32
        %swap3A_537 = arith.index_cast %swap3A_536 : i32 to index
        %swap3A_538 = arith.index_cast %scan3A_419 : i32 to index
        %swap3A_539 = arith.constant 64 : index
        %swap3A_540 = tpu.vector_load %arg9[%swap3A_537, %swap3A_538, %swap3A_539] {strides = array<i32>} : memref<2x100x128xf32, #tpu.memory_space<vmem>>, vector<1x1x16xf32>,
        %swap3A_541 = vector.shape_cast %swap3A_540 : vector<1x1x16xf32> to vector<16xf32>
        %swap3A_542 = vector.shape_cast %add3A_535 : vector<16xf32> to vector<1x1x16xf32>
        tpu.vector_store %arg9[%swap3A_537, %swap3A_538, %swap3A_539], %swap3A_542 {strides = array<i32>} : memref<2x100x128xf32, #tpu.memory_space<vmem>>, vector<1x1x16xf32>,
        %mul3A_543 = arith.constant 2 : i32
        %mul3A_544 = arith.muli %mul3A_543, %scan3A_419 : i32
        %add3A_545 = arith.constant 1 : i32
        %add3A_546 = arith.addi %mul3A_544, %add3A_545 : i32
        %get3A_547 = arith.constant 0 : i32
        %get3A_548 = arith.index_cast %get3A_547 : i32 to index
        %get3A_549 = arith.index_cast %add3A_546 : i32 to index
        %get3A_550 = arith.constant 16 : index
        %get3A_551 = tpu.vector_load %arg8[%get3A_548, %get3A_549, %get3A_550] {strides = array<i32>} : memref<4x200x64xf32, #tpu.memory_space<vmem>>, vector<1x1x16xf32>,
        %get3A_552 = vector.shape_cast %get3A_551 : vector<1x1x16xf32> to vector<16xf32>
        %mul3A_553 = arith.constant 3.200000e+01 : f32
        %mul3A_554 = vector.broadcast %mul3A_553 : f32 to vector<16xf32>
        %mul3A_555 = arith.mulf %get3A_552, %mul3A_554 : vector<16xf32>
        %get3A_556 = arith.index_cast %scan3A_419 : i32 to index
        %get3A_557 = arith.constant 80 : index
        %get3A_558 = tpu.vector_load %arg7[%get3A_556, %get3A_557] {strides = array<i32>} : memref<100x128xf32, #tpu.memory_space<vmem>>, vector<1x16xf32>,
        %get3A_559 = vector.shape_cast %get3A_558 : vector<1x16xf32> to vector<16xf32>
        %add3A_560 = arith.addf %mul3A_555, %get3A_559 : vector<16xf32>
        %swap3A_561 = arith.constant 0 : i32
        %swap3A_562 = arith.index_cast %swap3A_561 : i32 to index
        %swap3A_563 = arith.index_cast %scan3A_419 : i32 to index
        %swap3A_564 = arith.constant 80 : index
        %swap3A_565 = tpu.vector_load %arg9[%swap3A_562, %swap3A_563, %swap3A_564] {strides = array<i32>} : memref<2x100x128xf32, #tpu.memory_space<vmem>>, vector<1x1x16xf32>,
        %swap3A_566 = vector.shape_cast %swap3A_565 : vector<1x1x16xf32> to vector<16xf32>
        %swap3A_567 = vector.shape_cast %add3A_560 : vector<16xf32> to vector<1x1x16xf32>
        tpu.vector_store %arg9[%swap3A_562, %swap3A_563, %swap3A_564], %swap3A_567 {strides = array<i32>} : memref<2x100x128xf32, #tpu.memory_space<vmem>>, vector<1x1x16xf32>,
        %mul3A_568 = arith.constant 2 : i32
        %mul3A_569 = arith.muli %mul3A_568, %scan3A_419 : i32
        %add3A_570 = arith.constant 1 : i32
        %add3A_571 = arith.addi %mul3A_569, %add3A_570 : i32
        %get3A_572 = arith.constant 0 : i32
        %get3A_573 = arith.index_cast %get3A_572 : i32 to index
        %get3A_574 = arith.index_cast %add3A_571 : i32 to index
        %get3A_575 = arith.constant 32 : index
        %get3A_576 = tpu.vector_load %arg8[%get3A_573, %get3A_574, %get3A_575] {strides = array<i32>} : memref<4x200x64xf32, #tpu.memory_space<vmem>>, vector<1x1x16xf32>,
        %get3A_577 = vector.shape_cast %get3A_576 : vector<1x1x16xf32> to vector<16xf32>
        %mul3A_578 = arith.constant 3.200000e+01 : f32
        %mul3A_579 = vector.broadcast %mul3A_578 : f32 to vector<16xf32>
        %mul3A_580 = arith.mulf %get3A_577, %mul3A_579 : vector<16xf32>
        %get3A_581 = arith.index_cast %scan3A_419 : i32 to index
        %get3A_582 = arith.constant 96 : index
        %get3A_583 = tpu.vector_load %arg7[%get3A_581, %get3A_582] {strides = array<i32>} : memref<100x128xf32, #tpu.memory_space<vmem>>, vector<1x16xf32>,
        %get3A_584 = vector.shape_cast %get3A_583 : vector<1x16xf32> to vector<16xf32>
        %add3A_585 = arith.addf %mul3A_580, %get3A_584 : vector<16xf32>
        %swap3A_586 = arith.constant 0 : i32
        %swap3A_587 = arith.index_cast %swap3A_586 : i32 to index
        %swap3A_588 = arith.index_cast %scan3A_419 : i32 to index
        %swap3A_589 = arith.constant 96 : index
        %swap3A_590 = tpu.vector_load %arg9[%swap3A_587, %swap3A_588, %swap3A_589] {strides = array<i32>} : memref<2x100x128xf32, #tpu.memory_space<vmem>>, vector<1x1x16xf32>,
        %swap3A_591 = vector.shape_cast %swap3A_590 : vector<1x1x16xf32> to vector<16xf32>
        %swap3A_592 = vector.shape_cast %add3A_585 : vector<16xf32> to vector<1x1x16xf32>
        tpu.vector_store %arg9[%swap3A_587, %swap3A_588, %swap3A_589], %swap3A_592 {strides = array<i32>} : memref<2x100x128xf32, #tpu.memory_space<vmem>>, vector<1x1x16xf32>,
        %mul3A_593 = arith.constant 2 : i32
        %mul3A_594 = arith.muli %mul3A_593, %scan3A_419 : i32
        %add3A_595 = arith.constant 1 : i32
        %add3A_596 = arith.addi %mul3A_594, %add3A_595 : i32
        %get3A_597 = arith.constant 0 : i32
        %get3A_598 = arith.index_cast %get3A_597 : i32 to index
        %get3A_599 = arith.index_cast %add3A_596 : i32 to index
        %get3A_600 = arith.constant 48 : index
        %get3A_601 = tpu.vector_load %arg8[%get3A_598, %get3A_599, %get3A_600] {strides = array<i32>} : memref<4x200x64xf32, #tpu.memory_space<vmem>>, vector<1x1x16xf32>,
        %get3A_602 = vector.shape_cast %get3A_601 : vector<1x1x16xf32> to vector<16xf32>
        %mul3A_603 = arith.constant 3.200000e+01 : f32
        %mul3A_604 = vector.broadcast %mul3A_603 : f32 to vector<16xf32>
        %mul3A_605 = arith.mulf %get3A_602, %mul3A_604 : vector<16xf32>
        %get3A_606 = arith.index_cast %scan3A_419 : i32 to index
        %get3A_607 = arith.constant 112 : index
        %get3A_608 = tpu.vector_load %arg7[%get3A_606, %get3A_607] {strides = array<i32>} : memref<100x128xf32, #tpu.memory_space<vmem>>, vector<1x16xf32>,
        %get3A_609 = vector.shape_cast %get3A_608 : vector<1x16xf32> to vector<16xf32>
        %add3A_610 = arith.addf %mul3A_605, %get3A_609 : vector<16xf32>
        %swap3A_611 = arith.constant 0 : i32
        %swap3A_612 = arith.index_cast %swap3A_611 : i32 to index
        %swap3A_613 = arith.index_cast %scan3A_419 : i32 to index
        %swap3A_614 = arith.constant 112 : index
        %swap3A_615 = tpu.vector_load %arg9[%swap3A_612, %swap3A_613, %swap3A_614] {strides = array<i32>} : memref<2x100x128xf32, #tpu.memory_space<vmem>>, vector<1x1x16xf32>,
        %swap3A_616 = vector.shape_cast %swap3A_615 : vector<1x1x16xf32> to vector<16xf32>
        %swap3A_617 = vector.shape_cast %add3A_610 : vector<16xf32> to vector<1x1x16xf32>
        tpu.vector_store %arg9[%swap3A_612, %swap3A_613, %swap3A_614], %swap3A_617 {strides = array<i32>} : memref<2x100x128xf32, #tpu.memory_space<vmem>>, vector<1x1x16xf32>,
        %scan3A_618 = arith.constant 1 : i32
        %scan3A_619 = arith.addi %scan3A_419, %scan3A_618 : i32
        %mul3A_620 = arith.constant 2 : i32
        %mul3A_621 = arith.muli %mul3A_620, %scan3A_619 : i32
        %add3A_622 = arith.constant 0 : i32
        %add3A_623 = arith.addi %mul3A_621, %add3A_622 : i32
        %get3A_624 = arith.constant 0 : i32
        %get3A_625 = arith.index_cast %get3A_624 : i32 to index
        %get3A_626 = arith.index_cast %add3A_623 : i32 to index
        %get3A_627 = arith.constant 0 : index
        %get3A_628 = tpu.vector_load %arg8[%get3A_625, %get3A_626, %get3A_627] {strides = array<i32>} : memref<4x200x64xf32, #tpu.memory_space<vmem>>, vector<1x1x16xf32>,
        %get3A_629 = vector.shape_cast %get3A_628 : vector<1x1x16xf32> to vector<16xf32>
        %mul3A_630 = arith.constant 3.200000e+01 : f32
        %mul3A_631 = vector.broadcast %mul3A_630 : f32 to vector<16xf32>
        %mul3A_632 = arith.mulf %get3A_629, %mul3A_631 : vector<16xf32>
        %get3A_633 = arith.index_cast %scan3A_619 : i32 to index
        %get3A_634 = arith.constant 0 : index
        %get3A_635 = tpu.vector_load %arg7[%get3A_633, %get3A_634] {strides = array<i32>} : memref<100x128xf32, #tpu.memory_space<vmem>>, vector<1x16xf32>,
        %get3A_636 = vector.shape_cast %get3A_635 : vector<1x16xf32> to vector<16xf32>
        %add3A_637 = arith.addf %mul3A_632, %get3A_636 : vector<16xf32>
        %swap3A_638 = arith.constant 0 : i32
        %swap3A_639 = arith.index_cast %swap3A_638 : i32 to index
        %swap3A_640 = arith.index_cast %scan3A_619 : i32 to index
        %swap3A_641 = arith.constant 0 : index
        %swap3A_642 = tpu.vector_load %arg9[%swap3A_639, %swap3A_640, %swap3A_641] {strides = array<i32>} : memref<2x100x128xf32, #tpu.memory_space<vmem>>, vector<1x1x16xf32>,
        %swap3A_643 = vector.shape_cast %swap3A_642 : vector<1x1x16xf32> to vector<16xf32>
        %swap3A_644 = vector.shape_cast %add3A_637 : vector<16xf32> to vector<1x1x16xf32>
        tpu.vector_store %arg9[%swap3A_639, %swap3A_640, %swap3A_641], %swap3A_644 {strides = array<i32>} : memref<2x100x128xf32, #tpu.memory_space<vmem>>, vector<1x1x16xf32>,
        %mul3A_645 = arith.constant 2 : i32
        %mul3A_646 = arith.muli %mul3A_645, %scan3A_619 : i32
        %add3A_647 = arith.constant 0 : i32
        %add3A_648 = arith.addi %mul3A_646, %add3A_647 : i32
        %get3A_649 = arith.constant 0 : i32
        %get3A_650 = arith.index_cast %get3A_649 : i32 to index
        %get3A_651 = arith.index_cast %add3A_648 : i32 to index
        %get3A_652 = arith.constant 16 : index
        %get3A_653 = tpu.vector_load %arg8[%get3A_650, %get3A_651, %get3A_652] {strides = array<i32>} : memref<4x200x64xf32, #tpu.memory_space<vmem>>, vector<1x1x16xf32>,
        %get3A_654 = vector.shape_cast %get3A_653 : vector<1x1x16xf32> to vector<16xf32>
        %mul3A_655 = arith.constant 3.200000e+01 : f32
        %mul3A_656 = vector.broadcast %mul3A_655 : f32 to vector<16xf32>
        %mul3A_657 = arith.mulf %get3A_654, %mul3A_656 : vector<16xf32>
        %get3A_658 = arith.index_cast %scan3A_619 : i32 to index
        %get3A_659 = arith.constant 16 : index
        %get3A_660 = tpu.vector_load %arg7[%get3A_658, %get3A_659] {strides = array<i32>} : memref<100x128xf32, #tpu.memory_space<vmem>>, vector<1x16xf32>,
        %get3A_661 = vector.shape_cast %get3A_660 : vector<1x16xf32> to vector<16xf32>
        %add3A_662 = arith.addf %mul3A_657, %get3A_661 : vector<16xf32>
        %swap3A_663 = arith.constant 0 : i32
        %swap3A_664 = arith.index_cast %swap3A_663 : i32 to index
        %swap3A_665 = arith.index_cast %scan3A_619 : i32 to index
        %swap3A_666 = arith.constant 16 : index
        %swap3A_667 = tpu.vector_load %arg9[%swap3A_664, %swap3A_665, %swap3A_666] {strides = array<i32>} : memref<2x100x128xf32, #tpu.memory_space<vmem>>, vector<1x1x16xf32>,
        %swap3A_668 = vector.shape_cast %swap3A_667 : vector<1x1x16xf32> to vector<16xf32>
        %swap3A_669 = vector.shape_cast %add3A_662 : vector<16xf32> to vector<1x1x16xf32>
        tpu.vector_store %arg9[%swap3A_664, %swap3A_665, %swap3A_666], %swap3A_669 {strides = array<i32>} : memref<2x100x128xf32, #tpu.memory_space<vmem>>, vector<1x1x16xf32>,
        %mul3A_670 = arith.constant 2 : i32
        %mul3A_671 = arith.muli %mul3A_670, %scan3A_619 : i32
        %add3A_672 = arith.constant 0 : i32
        %add3A_673 = arith.addi %mul3A_671, %add3A_672 : i32
        %get3A_674 = arith.constant 0 : i32
        %get3A_675 = arith.index_cast %get3A_674 : i32 to index
        %get3A_676 = arith.index_cast %add3A_673 : i32 to index
        %get3A_677 = arith.constant 32 : index
        %get3A_678 = tpu.vector_load %arg8[%get3A_675, %get3A_676, %get3A_677] {strides = array<i32>} : memref<4x200x64xf32, #tpu.memory_space<vmem>>, vector<1x1x16xf32>,
        %get3A_679 = vector.shape_cast %get3A_678 : vector<1x1x16xf32> to vector<16xf32>
        %mul3A_680 = arith.constant 3.200000e+01 : f32
        %mul3A_681 = vector.broadcast %mul3A_680 : f32 to vector<16xf32>
        %mul3A_682 = arith.mulf %get3A_679, %mul3A_681 : vector<16xf32>
        %get3A_683 = arith.index_cast %scan3A_619 : i32 to index
        %get3A_684 = arith.constant 32 : index
        %get3A_685 = tpu.vector_load %arg7[%get3A_683, %get3A_684] {strides = array<i32>} : memref<100x128xf32, #tpu.memory_space<vmem>>, vector<1x16xf32>,
        %get3A_686 = vector.shape_cast %get3A_685 : vector<1x16xf32> to vector<16xf32>
        %add3A_687 = arith.addf %mul3A_682, %get3A_686 : vector<16xf32>
        %swap3A_688 = arith.constant 0 : i32
        %swap3A_689 = arith.index_cast %swap3A_688 : i32 to index
        %swap3A_690 = arith.index_cast %scan3A_619 : i32 to index
        %swap3A_691 = arith.constant 32 : index
        %swap3A_692 = tpu.vector_load %arg9[%swap3A_689, %swap3A_690, %swap3A_691] {strides = array<i32>} : memref<2x100x128xf32, #tpu.memory_space<vmem>>, vector<1x1x16xf32>,
        %swap3A_693 = vector.shape_cast %swap3A_692 : vector<1x1x16xf32> to vector<16xf32>
        %swap3A_694 = vector.shape_cast %add3A_687 : vector<16xf32> to vector<1x1x16xf32>
        tpu.vector_store %arg9[%swap3A_689, %swap3A_690, %swap3A_691], %swap3A_694 {strides = array<i32>} : memref<2x100x128xf32, #tpu.memory_space<vmem>>, vector<1x1x16xf32>,
        %mul3A_695 = arith.constant 2 : i32
        %mul3A_696 = arith.muli %mul3A_695, %scan3A_619 : i32
        %add3A_697 = arith.constant 0 : i32
        %add3A_698 = arith.addi %mul3A_696, %add3A_697 : i32
        %get3A_699 = arith.constant 0 : i32
        %get3A_700 = arith.index_cast %get3A_699 : i32 to index
        %get3A_701 = arith.index_cast %add3A_698 : i32 to index
        %get3A_702 = arith.constant 48 : index
        %get3A_703 = tpu.vector_load %arg8[%get3A_700, %get3A_701, %get3A_702] {strides = array<i32>} : memref<4x200x64xf32, #tpu.memory_space<vmem>>, vector<1x1x16xf32>,
        %get3A_704 = vector.shape_cast %get3A_703 : vector<1x1x16xf32> to vector<16xf32>
        %mul3A_705 = arith.constant 3.200000e+01 : f32
        %mul3A_706 = vector.broadcast %mul3A_705 : f32 to vector<16xf32>
        %mul3A_707 = arith.mulf %get3A_704, %mul3A_706 : vector<16xf32>
        %get3A_708 = arith.index_cast %scan3A_619 : i32 to index
        %get3A_709 = arith.constant 48 : index
        %get3A_710 = tpu.vector_load %arg7[%get3A_708, %get3A_709] {strides = array<i32>} : memref<100x128xf32, #tpu.memory_space<vmem>>, vector<1x16xf32>,
        %get3A_711 = vector.shape_cast %get3A_710 : vector<1x16xf32> to vector<16xf32>
        %add3A_712 = arith.addf %mul3A_707, %get3A_711 : vector<16xf32>
        %swap3A_713 = arith.constant 0 : i32
        %swap3A_714 = arith.index_cast %swap3A_713 : i32 to index
        %swap3A_715 = arith.index_cast %scan3A_619 : i32 to index
        %swap3A_716 = arith.constant 48 : index
        %swap3A_717 = tpu.vector_load %arg9[%swap3A_714, %swap3A_715, %swap3A_716] {strides = array<i32>} : memref<2x100x128xf32, #tpu.memory_space<vmem>>, vector<1x1x16xf32>,
        %swap3A_718 = vector.shape_cast %swap3A_717 : vector<1x1x16xf32> to vector<16xf32>
        %swap3A_719 = vector.shape_cast %add3A_712 : vector<16xf32> to vector<1x1x16xf32>
        tpu.vector_store %arg9[%swap3A_714, %swap3A_715, %swap3A_716], %swap3A_719 {strides = array<i32>} : memref<2x100x128xf32, #tpu.memory_space<vmem>>, vector<1x1x16xf32>,
        %mul3A_720 = arith.constant 2 : i32
        %mul3A_721 = arith.muli %mul3A_720, %scan3A_619 : i32
        %add3A_722 = arith.constant 1 : i32
        %add3A_723 = arith.addi %mul3A_721, %add3A_722 : i32
        %get3A_724 = arith.constant 0 : i32
        %get3A_725 = arith.index_cast %get3A_724 : i32 to index
        %get3A_726 = arith.index_cast %add3A_723 : i32 to index
        %get3A_727 = arith.constant 0 : index
        %get3A_728 = tpu.vector_load %arg8[%get3A_725, %get3A_726, %get3A_727] {strides = array<i32>} : memref<4x200x64xf32, #tpu.memory_space<vmem>>, vector<1x1x16xf32>,
        %get3A_729 = vector.shape_cast %get3A_728 : vector<1x1x16xf32> to vector<16xf32>
        %mul3A_730 = arith.constant 3.200000e+01 : f32
        %mul3A_731 = vector.broadcast %mul3A_730 : f32 to vector<16xf32>
        %mul3A_732 = arith.mulf %get3A_729, %mul3A_731 : vector<16xf32>
        %get3A_733 = arith.index_cast %scan3A_619 : i32 to index
        %get3A_734 = arith.constant 64 : index
        %get3A_735 = tpu.vector_load %arg7[%get3A_733, %get3A_734] {strides = array<i32>} : memref<100x128xf32, #tpu.memory_space<vmem>>, vector<1x16xf32>,
        %get3A_736 = vector.shape_cast %get3A_735 : vector<1x16xf32> to vector<16xf32>
        %add3A_737 = arith.addf %mul3A_732, %get3A_736 : vector<16xf32>
        %swap3A_738 = arith.constant 0 : i32
        %swap3A_739 = arith.index_cast %swap3A_738 : i32 to index
        %swap3A_740 = arith.index_cast %scan3A_619 : i32 to index
        %swap3A_741 = arith.constant 64 : index
        %swap3A_742 = tpu.vector_load %arg9[%swap3A_739, %swap3A_740, %swap3A_741] {strides = array<i32>} : memref<2x100x128xf32, #tpu.memory_space<vmem>>, vector<1x1x16xf32>,
        %swap3A_743 = vector.shape_cast %swap3A_742 : vector<1x1x16xf32> to vector<16xf32>
        %swap3A_744 = vector.shape_cast %add3A_737 : vector<16xf32> to vector<1x1x16xf32>
        tpu.vector_store %arg9[%swap3A_739, %swap3A_740, %swap3A_741], %swap3A_744 {strides = array<i32>} : memref<2x100x128xf32, #tpu.memory_space<vmem>>, vector<1x1x16xf32>,
        %mul3A_745 = arith.constant 2 : i32
        %mul3A_746 = arith.muli %mul3A_745, %scan3A_619 : i32
        %add3A_747 = arith.constant 1 : i32
        %add3A_748 = arith.addi %mul3A_746, %add3A_747 : i32
        %get3A_749 = arith.constant 0 : i32
        %get3A_750 = arith.index_cast %get3A_749 : i32 to index
        %get3A_751 = arith.index_cast %add3A_748 : i32 to index
        %get3A_752 = arith.constant 16 : index
        %get3A_753 = tpu.vector_load %arg8[%get3A_750, %get3A_751, %get3A_752] {strides = array<i32>} : memref<4x200x64xf32, #tpu.memory_space<vmem>>, vector<1x1x16xf32>,
        %get3A_754 = vector.shape_cast %get3A_753 : vector<1x1x16xf32> to vector<16xf32>
        %mul3A_755 = arith.constant 3.200000e+01 : f32
        %mul3A_756 = vector.broadcast %mul3A_755 : f32 to vector<16xf32>
        %mul3A_757 = arith.mulf %get3A_754, %mul3A_756 : vector<16xf32>
        %get3A_758 = arith.index_cast %scan3A_619 : i32 to index
        %get3A_759 = arith.constant 80 : index
        %get3A_760 = tpu.vector_load %arg7[%get3A_758, %get3A_759] {strides = array<i32>} : memref<100x128xf32, #tpu.memory_space<vmem>>, vector<1x16xf32>,
        %get3A_761 = vector.shape_cast %get3A_760 : vector<1x16xf32> to vector<16xf32>
        %add3A_762 = arith.addf %mul3A_757, %get3A_761 : vector<16xf32>
        %swap3A_763 = arith.constant 0 : i32
        %swap3A_764 = arith.index_cast %swap3A_763 : i32 to index
        %swap3A_765 = arith.index_cast %scan3A_619 : i32 to index
        %swap3A_766 = arith.constant 80 : index
        %swap3A_767 = tpu.vector_load %arg9[%swap3A_764, %swap3A_765, %swap3A_766] {strides = array<i32>} : memref<2x100x128xf32, #tpu.memory_space<vmem>>, vector<1x1x16xf32>,
        %swap3A_768 = vector.shape_cast %swap3A_767 : vector<1x1x16xf32> to vector<16xf32>
        %swap3A_769 = vector.shape_cast %add3A_762 : vector<16xf32> to vector<1x1x16xf32>
        tpu.vector_store %arg9[%swap3A_764, %swap3A_765, %swap3A_766], %swap3A_769 {strides = array<i32>} : memref<2x100x128xf32, #tpu.memory_space<vmem>>, vector<1x1x16xf32>,
        %mul3A_770 = arith.constant 2 : i32
        %mul3A_771 = arith.muli %mul3A_770, %scan3A_619 : i32
        %add3A_772 = arith.constant 1 : i32
        %add3A_773 = arith.addi %mul3A_771, %add3A_772 : i32
        %get3A_774 = arith.constant 0 : i32
        %get3A_775 = arith.index_cast %get3A_774 : i32 to index
        %get3A_776 = arith.index_cast %add3A_773 : i32 to index
        %get3A_777 = arith.constant 32 : index
        %get3A_778 = tpu.vector_load %arg8[%get3A_775, %get3A_776, %get3A_777] {strides = array<i32>} : memref<4x200x64xf32, #tpu.memory_space<vmem>>, vector<1x1x16xf32>,
        %get3A_779 = vector.shape_cast %get3A_778 : vector<1x1x16xf32> to vector<16xf32>
        %mul3A_780 = arith.constant 3.200000e+01 : f32
        %mul3A_781 = vector.broadcast %mul3A_780 : f32 to vector<16xf32>
        %mul3A_782 = arith.mulf %get3A_779, %mul3A_781 : vector<16xf32>
        %get3A_783 = arith.index_cast %scan3A_619 : i32 to index
        %get3A_784 = arith.constant 96 : index
        %get3A_785 = tpu.vector_load %arg7[%get3A_783, %get3A_784] {strides = array<i32>} : memref<100x128xf32, #tpu.memory_space<vmem>>, vector<1x16xf32>,
        %get3A_786 = vector.shape_cast %get3A_785 : vector<1x16xf32> to vector<16xf32>
        %add3A_787 = arith.addf %mul3A_782, %get3A_786 : vector<16xf32>
        %swap3A_788 = arith.constant 0 : i32
        %swap3A_789 = arith.index_cast %swap3A_788 : i32 to index
        %swap3A_790 = arith.index_cast %scan3A_619 : i32 to index
        %swap3A_791 = arith.constant 96 : index
        %swap3A_792 = tpu.vector_load %arg9[%swap3A_789, %swap3A_790, %swap3A_791] {strides = array<i32>} : memref<2x100x128xf32, #tpu.memory_space<vmem>>, vector<1x1x16xf32>,
        %swap3A_793 = vector.shape_cast %swap3A_792 : vector<1x1x16xf32> to vector<16xf32>
        %swap3A_794 = vector.shape_cast %add3A_787 : vector<16xf32> to vector<1x1x16xf32>
        tpu.vector_store %arg9[%swap3A_789, %swap3A_790, %swap3A_791], %swap3A_794 {strides = array<i32>} : memref<2x100x128xf32, #tpu.memory_space<vmem>>, vector<1x1x16xf32>,
        %mul3A_795 = arith.constant 2 : i32
        %mul3A_796 = arith.muli %mul3A_795, %scan3A_619 : i32
        %add3A_797 = arith.constant 1 : i32
        %add3A_798 = arith.addi %mul3A_796, %add3A_797 : i32
        %get3A_799 = arith.constant 0 : i32
        %get3A_800 = arith.index_cast %get3A_799 : i32 to index
        %get3A_801 = arith.index_cast %add3A_798 : i32 to index
        %get3A_802 = arith.constant 48 : index
        %get3A_803 = tpu.vector_load %arg8[%get3A_800, %get3A_801, %get3A_802] {strides = array<i32>} : memref<4x200x64xf32, #tpu.memory_space<vmem>>, vector<1x1x16xf32>,
        %get3A_804 = vector.shape_cast %get3A_803 : vector<1x1x16xf32> to vector<16xf32>
        %mul3A_805 = arith.constant 3.200000e+01 : f32
        %mul3A_806 = vector.broadcast %mul3A_805 : f32 to vector<16xf32>
        %mul3A_807 = arith.mulf %get3A_804, %mul3A_806 : vector<16xf32>
        %get3A_808 = arith.index_cast %scan3A_619 : i32 to index
        %get3A_809 = arith.constant 112 : index
        %get3A_810 = tpu.vector_load %arg7[%get3A_808, %get3A_809] {strides = array<i32>} : memref<100x128xf32, #tpu.memory_space<vmem>>, vector<1x16xf32>,
        %get3A_811 = vector.shape_cast %get3A_810 : vector<1x16xf32> to vector<16xf32>
        %add3A_812 = arith.addf %mul3A_807, %get3A_811 : vector<16xf32>
        %swap3A_813 = arith.constant 0 : i32
        %swap3A_814 = arith.index_cast %swap3A_813 : i32 to index
        %swap3A_815 = arith.index_cast %scan3A_619 : i32 to index
        %swap3A_816 = arith.constant 112 : index
        %swap3A_817 = tpu.vector_load %arg9[%swap3A_814, %swap3A_815, %swap3A_816] {strides = array<i32>} : memref<2x100x128xf32, #tpu.memory_space<vmem>>, vector<1x1x16xf32>,
        %swap3A_818 = vector.shape_cast %swap3A_817 : vector<1x1x16xf32> to vector<16xf32>
        %swap3A_819 = vector.shape_cast %add3A_812 : vector<16xf32> to vector<1x1x16xf32>
        tpu.vector_store %arg9[%swap3A_814, %swap3A_815, %swap3A_816], %swap3A_819 {strides = array<i32>} : memref<2x100x128xf32, #tpu.memory_space<vmem>>, vector<1x1x16xf32>,
        %scan3A_820 = arith.constant 2 : i32
        %scan3A_821 = arith.addi %scan3A_419, %scan3A_820 : i32
        %mul3A_822 = arith.constant 2 : i32
        %mul3A_823 = arith.muli %mul3A_822, %scan3A_821 : i32
        %add3A_824 = arith.constant 0 : i32
        %add3A_825 = arith.addi %mul3A_823, %add3A_824 : i32
        %get3A_826 = arith.constant 0 : i32
        %get3A_827 = arith.index_cast %get3A_826 : i32 to index
        %get3A_828 = arith.index_cast %add3A_825 : i32 to index
        %get3A_829 = arith.constant 0 : index
        %get3A_830 = tpu.vector_load %arg8[%get3A_827, %get3A_828, %get3A_829] {strides = array<i32>} : memref<4x200x64xf32, #tpu.memory_space<vmem>>, vector<1x1x16xf32>,
        %get3A_831 = vector.shape_cast %get3A_830 : vector<1x1x16xf32> to vector<16xf32>
        %mul3A_832 = arith.constant 3.200000e+01 : f32
        %mul3A_833 = vector.broadcast %mul3A_832 : f32 to vector<16xf32>
        %mul3A_834 = arith.mulf %get3A_831, %mul3A_833 : vector<16xf32>
        %get3A_835 = arith.index_cast %scan3A_821 : i32 to index
        %get3A_836 = arith.constant 0 : index
        %get3A_837 = tpu.vector_load %arg7[%get3A_835, %get3A_836] {strides = array<i32>} : memref<100x128xf32, #tpu.memory_space<vmem>>, vector<1x16xf32>,
        %get3A_838 = vector.shape_cast %get3A_837 : vector<1x16xf32> to vector<16xf32>
        %add3A_839 = arith.addf %mul3A_834, %get3A_838 : vector<16xf32>
        %swap3A_840 = arith.constant 0 : i32
        %swap3A_841 = arith.index_cast %swap3A_840 : i32 to index
        %swap3A_842 = arith.index_cast %scan3A_821 : i32 to index
        %swap3A_843 = arith.constant 0 : index
        %swap3A_844 = tpu.vector_load %arg9[%swap3A_841, %swap3A_842, %swap3A_843] {strides = array<i32>} : memref<2x100x128xf32, #tpu.memory_space<vmem>>, vector<1x1x16xf32>,
        %swap3A_845 = vector.shape_cast %swap3A_844 : vector<1x1x16xf32> to vector<16xf32>
        %swap3A_846 = vector.shape_cast %add3A_839 : vector<16xf32> to vector<1x1x16xf32>
        tpu.vector_store %arg9[%swap3A_841, %swap3A_842, %swap3A_843], %swap3A_846 {strides = array<i32>} : memref<2x100x128xf32, #tpu.memory_space<vmem>>, vector<1x1x16xf32>,
        %mul3A_847 = arith.constant 2 : i32
        %mul3A_848 = arith.muli %mul3A_847, %scan3A_821 : i32
        %add3A_849 = arith.constant 0 : i32
        %add3A_850 = arith.addi %mul3A_848, %add3A_849 : i32
        %get3A_851 = arith.constant 0 : i32
        %get3A_852 = arith.index_cast %get3A_851 : i32 to index
        %get3A_853 = arith.index_cast %add3A_850 : i32 to index
        %get3A_854 = arith.constant 16 : index
        %get3A_855 = tpu.vector_load %arg8[%get3A_852, %get3A_853, %get3A_854] {strides = array<i32>} : memref<4x200x64xf32, #tpu.memory_space<vmem>>, vector<1x1x16xf32>,
        %get3A_856 = vector.shape_cast %get3A_855 : vector<1x1x16xf32> to vector<16xf32>
        %mul3A_857 = arith.constant 3.200000e+01 : f32
        %mul3A_858 = vector.broadcast %mul3A_857 : f32 to vector<16xf32>
        %mul3A_859 = arith.mulf %get3A_856, %mul3A_858 : vector<16xf32>
        %get3A_860 = arith.index_cast %scan3A_821 : i32 to index
        %get3A_861 = arith.constant 16 : index
        %get3A_862 = tpu.vector_load %arg7[%get3A_860, %get3A_861] {strides = array<i32>} : memref<100x128xf32, #tpu.memory_space<vmem>>, vector<1x16xf32>,
        %get3A_863 = vector.shape_cast %get3A_862 : vector<1x16xf32> to vector<16xf32>
        %add3A_864 = arith.addf %mul3A_859, %get3A_863 : vector<16xf32>
        %swap3A_865 = arith.constant 0 : i32
        %swap3A_866 = arith.index_cast %swap3A_865 : i32 to index
        %swap3A_867 = arith.index_cast %scan3A_821 : i32 to index
        %swap3A_868 = arith.constant 16 : index
        %swap3A_869 = tpu.vector_load %arg9[%swap3A_866, %swap3A_867, %swap3A_868] {strides = array<i32>} : memref<2x100x128xf32, #tpu.memory_space<vmem>>, vector<1x1x16xf32>,
        %swap3A_870 = vector.shape_cast %swap3A_869 : vector<1x1x16xf32> to vector<16xf32>
        %swap3A_871 = vector.shape_cast %add3A_864 : vector<16xf32> to vector<1x1x16xf32>
        tpu.vector_store %arg9[%swap3A_866, %swap3A_867, %swap3A_868], %swap3A_871 {strides = array<i32>} : memref<2x100x128xf32, #tpu.memory_space<vmem>>, vector<1x1x16xf32>,
        %mul3A_872 = arith.constant 2 : i32
        %mul3A_873 = arith.muli %mul3A_872, %scan3A_821 : i32
        %add3A_874 = arith.constant 0 : i32
        %add3A_875 = arith.addi %mul3A_873, %add3A_874 : i32
        %get3A_876 = arith.constant 0 : i32
        %get3A_877 = arith.index_cast %get3A_876 : i32 to index
        %get3A_878 = arith.index_cast %add3A_875 : i32 to index
        %get3A_879 = arith.constant 32 : index
        %get3A_880 = tpu.vector_load %arg8[%get3A_877, %get3A_878, %get3A_879] {strides = array<i32>} : memref<4x200x64xf32, #tpu.memory_space<vmem>>, vector<1x1x16xf32>,
        %get3A_881 = vector.shape_cast %get3A_880 : vector<1x1x16xf32> to vector<16xf32>
        %mul3A_882 = arith.constant 3.200000e+01 : f32
        %mul3A_883 = vector.broadcast %mul3A_882 : f32 to vector<16xf32>
        %mul3A_884 = arith.mulf %get3A_881, %mul3A_883 : vector<16xf32>
        %get3A_885 = arith.index_cast %scan3A_821 : i32 to index
        %get3A_886 = arith.constant 32 : index
        %get3A_887 = tpu.vector_load %arg7[%get3A_885, %get3A_886] {strides = array<i32>} : memref<100x128xf32, #tpu.memory_space<vmem>>, vector<1x16xf32>,
        %get3A_888 = vector.shape_cast %get3A_887 : vector<1x16xf32> to vector<16xf32>
        %add3A_889 = arith.addf %mul3A_884, %get3A_888 : vector<16xf32>
        %swap3A_890 = arith.constant 0 : i32
        %swap3A_891 = arith.index_cast %swap3A_890 : i32 to index
        %swap3A_892 = arith.index_cast %scan3A_821 : i32 to index
        %swap3A_893 = arith.constant 32 : index
        %swap3A_894 = tpu.vector_load %arg9[%swap3A_891, %swap3A_892, %swap3A_893] {strides = array<i32>} : memref<2x100x128xf32, #tpu.memory_space<vmem>>, vector<1x1x16xf32>,
        %swap3A_895 = vector.shape_cast %swap3A_894 : vector<1x1x16xf32> to vector<16xf32>
        %swap3A_896 = vector.shape_cast %add3A_889 : vector<16xf32> to vector<1x1x16xf32>
        tpu.vector_store %arg9[%swap3A_891, %swap3A_892, %swap3A_893], %swap3A_896 {strides = array<i32>} : memref<2x100x128xf32, #tpu.memory_space<vmem>>, vector<1x1x16xf32>,
        %mul3A_897 = arith.constant 2 : i32
        %mul3A_898 = arith.muli %mul3A_897, %scan3A_821 : i32
        %add3A_899 = arith.constant 0 : i32
        %add3A_900 = arith.addi %mul3A_898, %add3A_899 : i32
        %get3A_901 = arith.constant 0 : i32
        %get3A_902 = arith.index_cast %get3A_901 : i32 to index
        %get3A_903 = arith.index_cast %add3A_900 : i32 to index
        %get3A_904 = arith.constant 48 : index
        %get3A_905 = tpu.vector_load %arg8[%get3A_902, %get3A_903, %get3A_904] {strides = array<i32>} : memref<4x200x64xf32, #tpu.memory_space<vmem>>, vector<1x1x16xf32>,
        %get3A_906 = vector.shape_cast %get3A_905 : vector<1x1x16xf32> to vector<16xf32>
        %mul3A_907 = arith.constant 3.200000e+01 : f32
        %mul3A_908 = vector.broadcast %mul3A_907 : f32 to vector<16xf32>
        %mul3A_909 = arith.mulf %get3A_906, %mul3A_908 : vector<16xf32>
        %get3A_910 = arith.index_cast %scan3A_821 : i32 to index
        %get3A_911 = arith.constant 48 : index
        %get3A_912 = tpu.vector_load %arg7[%get3A_910, %get3A_911] {strides = array<i32>} : memref<100x128xf32, #tpu.memory_space<vmem>>, vector<1x16xf32>,
        %get3A_913 = vector.shape_cast %get3A_912 : vector<1x16xf32> to vector<16xf32>
        %add3A_914 = arith.addf %mul3A_909, %get3A_913 : vector<16xf32>
        %swap3A_915 = arith.constant 0 : i32
        %swap3A_916 = arith.index_cast %swap3A_915 : i32 to index
        %swap3A_917 = arith.index_cast %scan3A_821 : i32 to index
        %swap3A_918 = arith.constant 48 : index
        %swap3A_919 = tpu.vector_load %arg9[%swap3A_916, %swap3A_917, %swap3A_918] {strides = array<i32>} : memref<2x100x128xf32, #tpu.memory_space<vmem>>, vector<1x1x16xf32>,
        %swap3A_920 = vector.shape_cast %swap3A_919 : vector<1x1x16xf32> to vector<16xf32>
        %swap3A_921 = vector.shape_cast %add3A_914 : vector<16xf32> to vector<1x1x16xf32>
        tpu.vector_store %arg9[%swap3A_916, %swap3A_917, %swap3A_918], %swap3A_921 {strides = array<i32>} : memref<2x100x128xf32, #tpu.memory_space<vmem>>, vector<1x1x16xf32>,
        %mul3A_922 = arith.constant 2 : i32
        %mul3A_923 = arith.muli %mul3A_922, %scan3A_821 : i32
        %add3A_924 = arith.constant 1 : i32
        %add3A_925 = arith.addi %mul3A_923, %add3A_924 : i32
        %get3A_926 = arith.constant 0 : i32
        %get3A_927 = arith.index_cast %get3A_926 : i32 to index
        %get3A_928 = arith.index_cast %add3A_925 : i32 to index
        %get3A_929 = arith.constant 0 : index
        %get3A_930 = tpu.vector_load %arg8[%get3A_927, %get3A_928, %get3A_929] {strides = array<i32>} : memref<4x200x64xf32, #tpu.memory_space<vmem>>, vector<1x1x16xf32>,
        %get3A_931 = vector.shape_cast %get3A_930 : vector<1x1x16xf32> to vector<16xf32>
        %mul3A_932 = arith.constant 3.200000e+01 : f32
        %mul3A_933 = vector.broadcast %mul3A_932 : f32 to vector<16xf32>
        %mul3A_934 = arith.mulf %get3A_931, %mul3A_933 : vector<16xf32>
        %get3A_935 = arith.index_cast %scan3A_821 : i32 to index
        %get3A_936 = arith.constant 64 : index
        %get3A_937 = tpu.vector_load %arg7[%get3A_935, %get3A_936] {strides = array<i32>} : memref<100x128xf32, #tpu.memory_space<vmem>>, vector<1x16xf32>,
        %get3A_938 = vector.shape_cast %get3A_937 : vector<1x16xf32> to vector<16xf32>
        %add3A_939 = arith.addf %mul3A_934, %get3A_938 : vector<16xf32>
        %swap3A_940 = arith.constant 0 : i32
        %swap3A_941 = arith.index_cast %swap3A_940 : i32 to index
        %swap3A_942 = arith.index_cast %scan3A_821 : i32 to index
        %swap3A_943 = arith.constant 64 : index
        %swap3A_944 = tpu.vector_load %arg9[%swap3A_941, %swap3A_942, %swap3A_943] {strides = array<i32>} : memref<2x100x128xf32, #tpu.memory_space<vmem>>, vector<1x1x16xf32>,
        %swap3A_945 = vector.shape_cast %swap3A_944 : vector<1x1x16xf32> to vector<16xf32>
        %swap3A_946 = vector.shape_cast %add3A_939 : vector<16xf32> to vector<1x1x16xf32>
        tpu.vector_store %arg9[%swap3A_941, %swap3A_942, %swap3A_943], %swap3A_946 {strides = array<i32>} : memref<2x100x128xf32, #tpu.memory_space<vmem>>, vector<1x1x16xf32>,
        %mul3A_947 = arith.constant 2 : i32
        %mul3A_948 = arith.muli %mul3A_947, %scan3A_821 : i32
        %add3A_949 = arith.constant 1 : i32
        %add3A_950 = arith.addi %mul3A_948, %add3A_949 : i32
        %get3A_951 = arith.constant 0 : i32
        %get3A_952 = arith.index_cast %get3A_951 : i32 to index
        %get3A_953 = arith.index_cast %add3A_950 : i32 to index
        %get3A_954 = arith.constant 16 : index
        %get3A_955 = tpu.vector_load %arg8[%get3A_952, %get3A_953, %get3A_954] {strides = array<i32>} : memref<4x200x64xf32, #tpu.memory_space<vmem>>, vector<1x1x16xf32>,
        %get3A_956 = vector.shape_cast %get3A_955 : vector<1x1x16xf32> to vector<16xf32>
        %mul3A_957 = arith.constant 3.200000e+01 : f32
        %mul3A_958 = vector.broadcast %mul3A_957 : f32 to vector<16xf32>
        %mul3A_959 = arith.mulf %get3A_956, %mul3A_958 : vector<16xf32>
        %get3A_960 = arith.index_cast %scan3A_821 : i32 to index
        %get3A_961 = arith.constant 80 : index
        %get3A_962 = tpu.vector_load %arg7[%get3A_960, %get3A_961] {strides = array<i32>} : memref<100x128xf32, #tpu.memory_space<vmem>>, vector<1x16xf32>,
        %get3A_963 = vector.shape_cast %get3A_962 : vector<1x16xf32> to vector<16xf32>
        %add3A_964 = arith.addf %mul3A_959, %get3A_963 : vector<16xf32>
        %swap3A_965 = arith.constant 0 : i32
        %swap3A_966 = arith.index_cast %swap3A_965 : i32 to index
        %swap3A_967 = arith.index_cast %scan3A_821 : i32 to index
        %swap3A_968 = arith.constant 80 : index
        %swap3A_969 = tpu.vector_load %arg9[%swap3A_966, %swap3A_967, %swap3A_968] {strides = array<i32>} : memref<2x100x128xf32, #tpu.memory_space<vmem>>, vector<1x1x16xf32>,
        %swap3A_970 = vector.shape_cast %swap3A_969 : vector<1x1x16xf32> to vector<16xf32>
        %swap3A_971 = vector.shape_cast %add3A_964 : vector<16xf32> to vector<1x1x16xf32>
        tpu.vector_store %arg9[%swap3A_966, %swap3A_967, %swap3A_968], %swap3A_971 {strides = array<i32>} : memref<2x100x128xf32, #tpu.memory_space<vmem>>, vector<1x1x16xf32>,
        %mul3A_972 = arith.constant 2 : i32
        %mul3A_973 = arith.muli %mul3A_972, %scan3A_821 : i32
        %add3A_974 = arith.constant 1 : i32
        %add3A_975 = arith.addi %mul3A_973, %add3A_974 : i32
        %get3A_976 = arith.constant 0 : i32
        %get3A_977 = arith.index_cast %get3A_976 : i32 to index
        %get3A_978 = arith.index_cast %add3A_975 : i32 to index
        %get3A_979 = arith.constant 32 : index
        %get3A_980 = tpu.vector_load %arg8[%get3A_977, %get3A_978, %get3A_979] {strides = array<i32>} : memref<4x200x64xf32, #tpu.memory_space<vmem>>, vector<1x1x16xf32>,
        %get3A_981 = vector.shape_cast %get3A_980 : vector<1x1x16xf32> to vector<16xf32>
        %mul3A_982 = arith.constant 3.200000e+01 : f32
        %mul3A_983 = vector.broadcast %mul3A_982 : f32 to vector<16xf32>
        %mul3A_984 = arith.mulf %get3A_981, %mul3A_983 : vector<16xf32>
        %get3A_985 = arith.index_cast %scan3A_821 : i32 to index
        %get3A_986 = arith.constant 96 : index
        %get3A_987 = tpu.vector_load %arg7[%get3A_985, %get3A_986] {strides = array<i32>} : memref<100x128xf32, #tpu.memory_space<vmem>>, vector<1x16xf32>,
        %get3A_988 = vector.shape_cast %get3A_987 : vector<1x16xf32> to vector<16xf32>
        %add3A_989 = arith.addf %mul3A_984, %get3A_988 : vector<16xf32>
        %swap3A_990 = arith.constant 0 : i32
        %swap3A_991 = arith.index_cast %swap3A_990 : i32 to index
        %swap3A_992 = arith.index_cast %scan3A_821 : i32 to index
        %swap3A_993 = arith.constant 96 : index
        %swap3A_994 = tpu.vector_load %arg9[%swap3A_991, %swap3A_992, %swap3A_993] {strides = array<i32>} : memref<2x100x128xf32, #tpu.memory_space<vmem>>, vector<1x1x16xf32>,
        %swap3A_995 = vector.shape_cast %swap3A_994 : vector<1x1x16xf32> to vector<16xf32>
        %swap3A_996 = vector.shape_cast %add3A_989 : vector<16xf32> to vector<1x1x16xf32>
        tpu.vector_store %arg9[%swap3A_991, %swap3A_992, %swap3A_993], %swap3A_996 {strides = array<i32>} : memref<2x100x128xf32, #tpu.memory_space<vmem>>, vector<1x1x16xf32>,
        %mul3A_997 = arith.constant 2 : i32
        %mul3A_998 = arith.muli %mul3A_997, %scan3A_821 : i32
        %add3A_999 = arith.constant 1 : i32
        %add3A_1000 = arith.addi %mul3A_998, %add3A_999 : i32
        %get3A_1001 = arith.constant 0 : i32
        %get3A_1002 = arith.index_cast %get3A_1001 : i32 to index
        %get3A_1003 = arith.index_cast %add3A_1000 : i32 to index
        %get3A_1004 = arith.constant 48 : index
        %get3A_1005 = tpu.vector_load %arg8[%get3A_1002, %get3A_1003, %get3A_1004] {strides = array<i32>} : memref<4x200x64xf32, #tpu.memory_space<vmem>>, vector<1x1x16xf32>,
        %get3A_1006 = vector.shape_cast %get3A_1005 : vector<1x1x16xf32> to vector<16xf32>
        %mul3A_1007 = arith.constant 3.200000e+01 : f32
        %mul3A_1008 = vector.broadcast %mul3A_1007 : f32 to vector<16xf32>
        %mul3A_1009 = arith.mulf %get3A_1006, %mul3A_1008 : vector<16xf32>
        %get3A_1010 = arith.index_cast %scan3A_821 : i32 to index
        %get3A_1011 = arith.constant 112 : index
        %get3A_1012 = tpu.vector_load %arg7[%get3A_1010, %get3A_1011] {strides = array<i32>} : memref<100x128xf32, #tpu.memory_space<vmem>>, vector<1x16xf32>,
        %get3A_1013 = vector.shape_cast %get3A_1012 : vector<1x16xf32> to vector<16xf32>
        %add3A_1014 = arith.addf %mul3A_1009, %get3A_1013 : vector<16xf32>
        %swap3A_1015 = arith.constant 0 : i32
        %swap3A_1016 = arith.index_cast %swap3A_1015 : i32 to index
        %swap3A_1017 = arith.index_cast %scan3A_821 : i32 to index
        %swap3A_1018 = arith.constant 112 : index
        %swap3A_1019 = tpu.vector_load %arg9[%swap3A_1016, %swap3A_1017, %swap3A_1018] {strides = array<i32>} : memref<2x100x128xf32, #tpu.memory_space<vmem>>, vector<1x1x16xf32>,
        %swap3A_1020 = vector.shape_cast %swap3A_1019 : vector<1x1x16xf32> to vector<16xf32>
        %swap3A_1021 = vector.shape_cast %add3A_1014 : vector<16xf32> to vector<1x1x16xf32>
        tpu.vector_store %arg9[%swap3A_1016, %swap3A_1017, %swap3A_1018], %swap3A_1021 {strides = array<i32>} : memref<2x100x128xf32, #tpu.memory_space<vmem>>, vector<1x1x16xf32>,
        %scan3A_1022 = arith.constant 3 : i32
        %scan3A_1023 = arith.addi %scan3A_419, %scan3A_1022 : i32
        %mul3A_1024 = arith.constant 2 : i32
        %mul3A_1025 = arith.muli %mul3A_1024, %scan3A_1023 : i32
        %add3A_1026 = arith.constant 0 : i32
        %add3A_1027 = arith.addi %mul3A_1025, %add3A_1026 : i32
        %get3A_1028 = arith.constant 0 : i32
        %get3A_1029 = arith.index_cast %get3A_1028 : i32 to index
        %get3A_1030 = arith.index_cast %add3A_1027 : i32 to index
        %get3A_1031 = arith.constant 0 : index
        %get3A_1032 = tpu.vector_load %arg8[%get3A_1029, %get3A_1030, %get3A_1031] {strides = array<i32>} : memref<4x200x64xf32, #tpu.memory_space<vmem>>, vector<1x1x16xf32>,
        %get3A_1033 = vector.shape_cast %get3A_1032 : vector<1x1x16xf32> to vector<16xf32>
        %mul3A_1034 = arith.constant 3.200000e+01 : f32
        %mul3A_1035 = vector.broadcast %mul3A_1034 : f32 to vector<16xf32>
        %mul3A_1036 = arith.mulf %get3A_1033, %mul3A_1035 : vector<16xf32>
        %get3A_1037 = arith.index_cast %scan3A_1023 : i32 to index
        %get3A_1038 = arith.constant 0 : index
        %get3A_1039 = tpu.vector_load %arg7[%get3A_1037, %get3A_1038] {strides = array<i32>} : memref<100x128xf32, #tpu.memory_space<vmem>>, vector<1x16xf32>,
        %get3A_1040 = vector.shape_cast %get3A_1039 : vector<1x16xf32> to vector<16xf32>
        %add3A_1041 = arith.addf %mul3A_1036, %get3A_1040 : vector<16xf32>
        %swap3A_1042 = arith.constant 0 : i32
        %swap3A_1043 = arith.index_cast %swap3A_1042 : i32 to index
        %swap3A_1044 = arith.index_cast %scan3A_1023 : i32 to index
        %swap3A_1045 = arith.constant 0 : index
        %swap3A_1046 = tpu.vector_load %arg9[%swap3A_1043, %swap3A_1044, %swap3A_1045] {strides = array<i32>} : memref<2x100x128xf32, #tpu.memory_space<vmem>>, vector<1x1x16xf32>,
        %swap3A_1047 = vector.shape_cast %swap3A_1046 : vector<1x1x16xf32> to vector<16xf32>
        %swap3A_1048 = vector.shape_cast %add3A_1041 : vector<16xf32> to vector<1x1x16xf32>
        tpu.vector_store %arg9[%swap3A_1043, %swap3A_1044, %swap3A_1045], %swap3A_1048 {strides = array<i32>} : memref<2x100x128xf32, #tpu.memory_space<vmem>>, vector<1x1x16xf32>,
        %mul3A_1049 = arith.constant 2 : i32
        %mul3A_1050 = arith.muli %mul3A_1049, %scan3A_1023 : i32
        %add3A_1051 = arith.constant 0 : i32
        %add3A_1052 = arith.addi %mul3A_1050, %add3A_1051 : i32
        %get3A_1053 = arith.constant 0 : i32
        %get3A_1054 = arith.index_cast %get3A_1053 : i32 to index
        %get3A_1055 = arith.index_cast %add3A_1052 : i32 to index
        %get3A_1056 = arith.constant 16 : index
        %get3A_1057 = tpu.vector_load %arg8[%get3A_1054, %get3A_1055, %get3A_1056] {strides = array<i32>} : memref<4x200x64xf32, #tpu.memory_space<vmem>>, vector<1x1x16xf32>,
        %get3A_1058 = vector.shape_cast %get3A_1057 : vector<1x1x16xf32> to vector<16xf32>
        %mul3A_1059 = arith.constant 3.200000e+01 : f32
        %mul3A_1060 = vector.broadcast %mul3A_1059 : f32 to vector<16xf32>
        %mul3A_1061 = arith.mulf %get3A_1058, %mul3A_1060 : vector<16xf32>
        %get3A_1062 = arith.index_cast %scan3A_1023 : i32 to index
        %get3A_1063 = arith.constant 16 : index
        %get3A_1064 = tpu.vector_load %arg7[%get3A_1062, %get3A_1063] {strides = array<i32>} : memref<100x128xf32, #tpu.memory_space<vmem>>, vector<1x16xf32>,
        %get3A_1065 = vector.shape_cast %get3A_1064 : vector<1x16xf32> to vector<16xf32>
        %add3A_1066 = arith.addf %mul3A_1061, %get3A_1065 : vector<16xf32>
        %swap3A_1067 = arith.constant 0 : i32
        %swap3A_1068 = arith.index_cast %swap3A_1067 : i32 to index
        %swap3A_1069 = arith.index_cast %scan3A_1023 : i32 to index
        %swap3A_1070 = arith.constant 16 : index
        %swap3A_1071 = tpu.vector_load %arg9[%swap3A_1068, %swap3A_1069, %swap3A_1070] {strides = array<i32>} : memref<2x100x128xf32, #tpu.memory_space<vmem>>, vector<1x1x16xf32>,
        %swap3A_1072 = vector.shape_cast %swap3A_1071 : vector<1x1x16xf32> to vector<16xf32>
        %swap3A_1073 = vector.shape_cast %add3A_1066 : vector<16xf32> to vector<1x1x16xf32>
        tpu.vector_store %arg9[%swap3A_1068, %swap3A_1069, %swap3A_1070], %swap3A_1073 {strides = array<i32>} : memref<2x100x128xf32, #tpu.memory_space<vmem>>, vector<1x1x16xf32>,
        %mul3A_1074 = arith.constant 2 : i32
        %mul3A_1075 = arith.muli %mul3A_1074, %scan3A_1023 : i32
        %add3A_1076 = arith.constant 0 : i32
        %add3A_1077 = arith.addi %mul3A_1075, %add3A_1076 : i32
        %get3A_1078 = arith.constant 0 : i32
        %get3A_1079 = arith.index_cast %get3A_1078 : i32 to index
        %get3A_1080 = arith.index_cast %add3A_1077 : i32 to index
        %get3A_1081 = arith.constant 32 : index
        %get3A_1082 = tpu.vector_load %arg8[%get3A_1079, %get3A_1080, %get3A_1081] {strides = array<i32>} : memref<4x200x64xf32, #tpu.memory_space<vmem>>, vector<1x1x16xf32>,
        %get3A_1083 = vector.shape_cast %get3A_1082 : vector<1x1x16xf32> to vector<16xf32>
        %mul3A_1084 = arith.constant 3.200000e+01 : f32
        %mul3A_1085 = vector.broadcast %mul3A_1084 : f32 to vector<16xf32>
        %mul3A_1086 = arith.mulf %get3A_1083, %mul3A_1085 : vector<16xf32>
        %get3A_1087 = arith.index_cast %scan3A_1023 : i32 to index
        %get3A_1088 = arith.constant 32 : index
        %get3A_1089 = tpu.vector_load %arg7[%get3A_1087, %get3A_1088] {strides = array<i32>} : memref<100x128xf32, #tpu.memory_space<vmem>>, vector<1x16xf32>,
        %get3A_1090 = vector.shape_cast %get3A_1089 : vector<1x16xf32> to vector<16xf32>
        %add3A_1091 = arith.addf %mul3A_1086, %get3A_1090 : vector<16xf32>
        %swap3A_1092 = arith.constant 0 : i32
        %swap3A_1093 = arith.index_cast %swap3A_1092 : i32 to index
        %swap3A_1094 = arith.index_cast %scan3A_1023 : i32 to index
        %swap3A_1095 = arith.constant 32 : index
        %swap3A_1096 = tpu.vector_load %arg9[%swap3A_1093, %swap3A_1094, %swap3A_1095] {strides = array<i32>} : memref<2x100x128xf32, #tpu.memory_space<vmem>>, vector<1x1x16xf32>,
        %swap3A_1097 = vector.shape_cast %swap3A_1096 : vector<1x1x16xf32> to vector<16xf32>
        %swap3A_1098 = vector.shape_cast %add3A_1091 : vector<16xf32> to vector<1x1x16xf32>
        tpu.vector_store %arg9[%swap3A_1093, %swap3A_1094, %swap3A_1095], %swap3A_1098 {strides = array<i32>} : memref<2x100x128xf32, #tpu.memory_space<vmem>>, vector<1x1x16xf32>,
        %mul3A_1099 = arith.constant 2 : i32
        %mul3A_1100 = arith.muli %mul3A_1099, %scan3A_1023 : i32
        %add3A_1101 = arith.constant 0 : i32
        %add3A_1102 = arith.addi %mul3A_1100, %add3A_1101 : i32
        %get3A_1103 = arith.constant 0 : i32
        %get3A_1104 = arith.index_cast %get3A_1103 : i32 to index
        %get3A_1105 = arith.index_cast %add3A_1102 : i32 to index
        %get3A_1106 = arith.constant 48 : index
        %get3A_1107 = tpu.vector_load %arg8[%get3A_1104, %get3A_1105, %get3A_1106] {strides = array<i32>} : memref<4x200x64xf32, #tpu.memory_space<vmem>>, vector<1x1x16xf32>,
        %get3A_1108 = vector.shape_cast %get3A_1107 : vector<1x1x16xf32> to vector<16xf32>
        %mul3A_1109 = arith.constant 3.200000e+01 : f32
        %mul3A_1110 = vector.broadcast %mul3A_1109 : f32 to vector<16xf32>
        %mul3A_1111 = arith.mulf %get3A_1108, %mul3A_1110 : vector<16xf32>
        %get3A_1112 = arith.index_cast %scan3A_1023 : i32 to index
        %get3A_1113 = arith.constant 48 : index
        %get3A_1114 = tpu.vector_load %arg7[%get3A_1112, %get3A_1113] {strides = array<i32>} : memref<100x128xf32, #tpu.memory_space<vmem>>, vector<1x16xf32>,
        %get3A_1115 = vector.shape_cast %get3A_1114 : vector<1x16xf32> to vector<16xf32>
        %add3A_1116 = arith.addf %mul3A_1111, %get3A_1115 : vector<16xf32>
        %swap3A_1117 = arith.constant 0 : i32
        %swap3A_1118 = arith.index_cast %swap3A_1117 : i32 to index
        %swap3A_1119 = arith.index_cast %scan3A_1023 : i32 to index
        %swap3A_1120 = arith.constant 48 : index
        %swap3A_1121 = tpu.vector_load %arg9[%swap3A_1118, %swap3A_1119, %swap3A_1120] {strides = array<i32>} : memref<2x100x128xf32, #tpu.memory_space<vmem>>, vector<1x1x16xf32>,
        %swap3A_1122 = vector.shape_cast %swap3A_1121 : vector<1x1x16xf32> to vector<16xf32>
        %swap3A_1123 = vector.shape_cast %add3A_1116 : vector<16xf32> to vector<1x1x16xf32>
        tpu.vector_store %arg9[%swap3A_1118, %swap3A_1119, %swap3A_1120], %swap3A_1123 {strides = array<i32>} : memref<2x100x128xf32, #tpu.memory_space<vmem>>, vector<1x1x16xf32>,
        %mul3A_1124 = arith.constant 2 : i32
        %mul3A_1125 = arith.muli %mul3A_1124, %scan3A_1023 : i32
        %add3A_1126 = arith.constant 1 : i32
        %add3A_1127 = arith.addi %mul3A_1125, %add3A_1126 : i32
        %get3A_1128 = arith.constant 0 : i32
        %get3A_1129 = arith.index_cast %get3A_1128 : i32 to index
        %get3A_1130 = arith.index_cast %add3A_1127 : i32 to index
        %get3A_1131 = arith.constant 0 : index
        %get3A_1132 = tpu.vector_load %arg8[%get3A_1129, %get3A_1130, %get3A_1131] {strides = array<i32>} : memref<4x200x64xf32, #tpu.memory_space<vmem>>, vector<1x1x16xf32>,
        %get3A_1133 = vector.shape_cast %get3A_1132 : vector<1x1x16xf32> to vector<16xf32>
        %mul3A_1134 = arith.constant 3.200000e+01 : f32
        %mul3A_1135 = vector.broadcast %mul3A_1134 : f32 to vector<16xf32>
        %mul3A_1136 = arith.mulf %get3A_1133, %mul3A_1135 : vector<16xf32>
        %get3A_1137 = arith.index_cast %scan3A_1023 : i32 to index
        %get3A_1138 = arith.constant 64 : index
        %get3A_1139 = tpu.vector_load %arg7[%get3A_1137, %get3A_1138] {strides = array<i32>} : memref<100x128xf32, #tpu.memory_space<vmem>>, vector<1x16xf32>,
        %get3A_1140 = vector.shape_cast %get3A_1139 : vector<1x16xf32> to vector<16xf32>
        %add3A_1141 = arith.addf %mul3A_1136, %get3A_1140 : vector<16xf32>
        %swap3A_1142 = arith.constant 0 : i32
        %swap3A_1143 = arith.index_cast %swap3A_1142 : i32 to index
        %swap3A_1144 = arith.index_cast %scan3A_1023 : i32 to index
        %swap3A_1145 = arith.constant 64 : index
        %swap3A_1146 = tpu.vector_load %arg9[%swap3A_1143, %swap3A_1144, %swap3A_1145] {strides = array<i32>} : memref<2x100x128xf32, #tpu.memory_space<vmem>>, vector<1x1x16xf32>,
        %swap3A_1147 = vector.shape_cast %swap3A_1146 : vector<1x1x16xf32> to vector<16xf32>
        %swap3A_1148 = vector.shape_cast %add3A_1141 : vector<16xf32> to vector<1x1x16xf32>
        tpu.vector_store %arg9[%swap3A_1143, %swap3A_1144, %swap3A_1145], %swap3A_1148 {strides = array<i32>} : memref<2x100x128xf32, #tpu.memory_space<vmem>>, vector<1x1x16xf32>,
        %mul3A_1149 = arith.constant 2 : i32
        %mul3A_1150 = arith.muli %mul3A_1149, %scan3A_1023 : i32
        %add3A_1151 = arith.constant 1 : i32
        %add3A_1152 = arith.addi %mul3A_1150, %add3A_1151 : i32
        %get3A_1153 = arith.constant 0 : i32
        %get3A_1154 = arith.index_cast %get3A_1153 : i32 to index
        %get3A_1155 = arith.index_cast %add3A_1152 : i32 to index
        %get3A_1156 = arith.constant 16 : index
        %get3A_1157 = tpu.vector_load %arg8[%get3A_1154, %get3A_1155, %get3A_1156] {strides = array<i32>} : memref<4x200x64xf32, #tpu.memory_space<vmem>>, vector<1x1x16xf32>,
        %get3A_1158 = vector.shape_cast %get3A_1157 : vector<1x1x16xf32> to vector<16xf32>
        %mul3A_1159 = arith.constant 3.200000e+01 : f32
        %mul3A_1160 = vector.broadcast %mul3A_1159 : f32 to vector<16xf32>
        %mul3A_1161 = arith.mulf %get3A_1158, %mul3A_1160 : vector<16xf32>
        %get3A_1162 = arith.index_cast %scan3A_1023 : i32 to index
        %get3A_1163 = arith.constant 80 : index
        %get3A_1164 = tpu.vector_load %arg7[%get3A_1162, %get3A_1163] {strides = array<i32>} : memref<100x128xf32, #tpu.memory_space<vmem>>, vector<1x16xf32>,
        %get3A_1165 = vector.shape_cast %get3A_1164 : vector<1x16xf32> to vector<16xf32>
        %add3A_1166 = arith.addf %mul3A_1161, %get3A_1165 : vector<16xf32>
        %swap3A_1167 = arith.constant 0 : i32
        %swap3A_1168 = arith.index_cast %swap3A_1167 : i32 to index
        %swap3A_1169 = arith.index_cast %scan3A_1023 : i32 to index
        %swap3A_1170 = arith.constant 80 : index
        %swap3A_1171 = tpu.vector_load %arg9[%swap3A_1168, %swap3A_1169, %swap3A_1170] {strides = array<i32>} : memref<2x100x128xf32, #tpu.memory_space<vmem>>, vector<1x1x16xf32>,
        %swap3A_1172 = vector.shape_cast %swap3A_1171 : vector<1x1x16xf32> to vector<16xf32>
        %swap3A_1173 = vector.shape_cast %add3A_1166 : vector<16xf32> to vector<1x1x16xf32>
        tpu.vector_store %arg9[%swap3A_1168, %swap3A_1169, %swap3A_1170], %swap3A_1173 {strides = array<i32>} : memref<2x100x128xf32, #tpu.memory_space<vmem>>, vector<1x1x16xf32>,
        %mul3A_1174 = arith.constant 2 : i32
        %mul3A_1175 = arith.muli %mul3A_1174, %scan3A_1023 : i32
        %add3A_1176 = arith.constant 1 : i32
        %add3A_1177 = arith.addi %mul3A_1175, %add3A_1176 : i32
        %get3A_1178 = arith.constant 0 : i32
        %get3A_1179 = arith.index_cast %get3A_1178 : i32 to index
        %get3A_1180 = arith.index_cast %add3A_1177 : i32 to index
        %get3A_1181 = arith.constant 32 : index
        %get3A_1182 = tpu.vector_load %arg8[%get3A_1179, %get3A_1180, %get3A_1181] {strides = array<i32>} : memref<4x200x64xf32, #tpu.memory_space<vmem>>, vector<1x1x16xf32>,
        %get3A_1183 = vector.shape_cast %get3A_1182 : vector<1x1x16xf32> to vector<16xf32>
        %mul3A_1184 = arith.constant 3.200000e+01 : f32
        %mul3A_1185 = vector.broadcast %mul3A_1184 : f32 to vector<16xf32>
        %mul3A_1186 = arith.mulf %get3A_1183, %mul3A_1185 : vector<16xf32>
        %get3A_1187 = arith.index_cast %scan3A_1023 : i32 to index
        %get3A_1188 = arith.constant 96 : index
        %get3A_1189 = tpu.vector_load %arg7[%get3A_1187, %get3A_1188] {strides = array<i32>} : memref<100x128xf32, #tpu.memory_space<vmem>>, vector<1x16xf32>,
        %get3A_1190 = vector.shape_cast %get3A_1189 : vector<1x16xf32> to vector<16xf32>
        %add3A_1191 = arith.addf %mul3A_1186, %get3A_1190 : vector<16xf32>
        %swap3A_1192 = arith.constant 0 : i32
        %swap3A_1193 = arith.index_cast %swap3A_1192 : i32 to index
        %swap3A_1194 = arith.index_cast %scan3A_1023 : i32 to index
        %swap3A_1195 = arith.constant 96 : index
        %swap3A_1196 = tpu.vector_load %arg9[%swap3A_1193, %swap3A_1194, %swap3A_1195] {strides = array<i32>} : memref<2x100x128xf32, #tpu.memory_space<vmem>>, vector<1x1x16xf32>,
        %swap3A_1197 = vector.shape_cast %swap3A_1196 : vector<1x1x16xf32> to vector<16xf32>
        %swap3A_1198 = vector.shape_cast %add3A_1191 : vector<16xf32> to vector<1x1x16xf32>
        tpu.vector_store %arg9[%swap3A_1193, %swap3A_1194, %swap3A_1195], %swap3A_1198 {strides = array<i32>} : memref<2x100x128xf32, #tpu.memory_space<vmem>>, vector<1x1x16xf32>,
        %mul3A_1199 = arith.constant 2 : i32
        %mul3A_1200 = arith.muli %mul3A_1199, %scan3A_1023 : i32
        %add3A_1201 = arith.constant 1 : i32
        %add3A_1202 = arith.addi %mul3A_1200, %add3A_1201 : i32
        %get3A_1203 = arith.constant 0 : i32
        %get3A_1204 = arith.index_cast %get3A_1203 : i32 to index
        %get3A_1205 = arith.index_cast %add3A_1202 : i32 to index
        %get3A_1206 = arith.constant 48 : index
        %get3A_1207 = tpu.vector_load %arg8[%get3A_1204, %get3A_1205, %get3A_1206] {strides = array<i32>} : memref<4x200x64xf32, #tpu.memory_space<vmem>>, vector<1x1x16xf32>,
        %get3A_1208 = vector.shape_cast %get3A_1207 : vector<1x1x16xf32> to vector<16xf32>
        %mul3A_1209 = arith.constant 3.200000e+01 : f32
        %mul3A_1210 = vector.broadcast %mul3A_1209 : f32 to vector<16xf32>
        %mul3A_1211 = arith.mulf %get3A_1208, %mul3A_1210 : vector<16xf32>
        %get3A_1212 = arith.index_cast %scan3A_1023 : i32 to index
        %get3A_1213 = arith.constant 112 : index
        %get3A_1214 = tpu.vector_load %arg7[%get3A_1212, %get3A_1213] {strides = array<i32>} : memref<100x128xf32, #tpu.memory_space<vmem>>, vector<1x16xf32>,
        %get3A_1215 = vector.shape_cast %get3A_1214 : vector<1x16xf32> to vector<16xf32>
        %add3A_1216 = arith.addf %mul3A_1211, %get3A_1215 : vector<16xf32>
        %swap3A_1217 = arith.constant 0 : i32
        %swap3A_1218 = arith.index_cast %swap3A_1217 : i32 to index
        %swap3A_1219 = arith.index_cast %scan3A_1023 : i32 to index
        %swap3A_1220 = arith.constant 112 : index
        %swap3A_1221 = tpu.vector_load %arg9[%swap3A_1218, %swap3A_1219, %swap3A_1220] {strides = array<i32>} : memref<2x100x128xf32, #tpu.memory_space<vmem>>, vector<1x1x16xf32>,
        %swap3A_1222 = vector.shape_cast %swap3A_1221 : vector<1x1x16xf32> to vector<16xf32>
        %swap3A_1223 = vector.shape_cast %add3A_1216 : vector<16xf32> to vector<1x1x16xf32>
        tpu.vector_store %arg9[%swap3A_1218, %swap3A_1219, %swap3A_1220], %swap3A_1223 {strides = array<i32>} : memref<2x100x128xf32, #tpu.memory_space<vmem>>, vector<1x1x16xf32>,
      }
      %scan3A_184 = arith.constant 100 : i32
      %add3A_185 = arith.addi %mul3A_2, %add3A_142 : i32
      %dma_start3A_186 = arith.constant 0 : i32
      %dma_start3A_187 = arith.constant 0 : i32
      %dma_start3A_188 = arith.constant 0 : i32
      %dma_start3A_189 = arith.constant 0 : i32
      %dma_start3A_190 = tpu.memref_slice %arg9[%dma_start3A_186, %dma_start3A_188, %dma_start3A_189] : memref<2x100x128xf32, #tpu.memory_space<vmem>> -> memref<1x100x128xf32, #tpu.memory_space<vmem>>
      %dma_start3A_191 = tpu.memref_squeeze %dma_start3A_190 : memref<1x100x128xf32, #tpu.memory_space<vmem>> -> memref<100x128xf32, #tpu.memory_space<vmem>>
      %dma_start3A_192 = arith.constant 0 : i32
      %dma_start3A_193 = arith.constant 0 : i32
      %dma_start3A_194 = tpu.memref_slice %arg5[%add3A_185, %dma_start3A_192, %dma_start3A_193] : memref<4096x100x128xf32, #tpu.memory_space<hbm>> -> memref<1x100x128xf32, #tpu.memory_space<hbm>>
      %dma_start3A_195 = tpu.memref_squeeze %dma_start3A_194 : memref<1x100x128xf32, #tpu.memory_space<hbm>> -> memref<100x128xf32, #tpu.memory_space<hbm>>
      %dma_start3A_196 = tpu.memref_slice %arg11[%dma_start3A_187] : memref<2x!tpu.dma_semaphore, #tpu.memory_space<semaphore_mem>> -> memref<1x!tpu.dma_semaphore, #tpu.memory_space<semaphore_mem>>
      %dma_start3A_197 = tpu.memref_squeeze %dma_start3A_196 : memref<1x!tpu.dma_semaphore, #tpu.memory_space<semaphore_mem>> -> memref<!tpu.dma_semaphore, #tpu.memory_space<semaphore_mem>>
      %dma_start3A_198 = arith.constant 0 : i32
      %dma_start3A_199 = arith.constant 0 : i32
      %dma_start3A_200 = tpu.memref_slice %arg5[%add3A_185, %dma_start3A_198, %dma_start3A_199] : memref<4096x100x128xf32, #tpu.memory_space<hbm>> -> memref<1x100x128xf32, #tpu.memory_space<hbm>>
      %dma_start3A_201 = tpu.memref_squeeze %dma_start3A_200 : memref<1x100x128xf32, #tpu.memory_space<hbm>> -> memref<100x128xf32, #tpu.memory_space<hbm>>
      %dma_start3A_202 = arith.constant 0 : i32
      %dma_start3A_203 = arith.constant 0 : i32
      %dma_start3A_204 = tpu.memref_slice %arg9[%dma_start3A_186, %dma_start3A_202, %dma_start3A_203] : memref<2x100x128xf32, #tpu.memory_space<vmem>> -> memref<1x100x128xf32, #tpu.memory_space<vmem>>
      %dma_start3A_205 = tpu.memref_squeeze %dma_start3A_204 : memref<1x100x128xf32, #tpu.memory_space<vmem>> -> memref<100x128xf32, #tpu.memory_space<vmem>>
      tpu.enqueue_dma source(%dma_start3A_205 : memref<100x128xf32, #tpu.memory_space<vmem>>) target(%dma_start3A_201 : memref<100x128xf32, #tpu.memory_space<hbm>>) target_semaphore(%dma_start3A_197 : memref<!tpu.dma_semaphore, #tpu.memory_space<semaphore_mem>>)
      %mul3A_206 = arith.constant 4 : i32
      %mul3A_207 = arith.muli %scan3A_138, %mul3A_206 : i32
      %add3A_208 = arith.constant 1 : i32
      %add3A_209 = arith.addi %mul3A_207, %add3A_208 : i32
      %add3A_210 = arith.constant 3 : i32
      %add3A_211 = arith.addi %add3A_209, %add3A_210 : i32
      %lt3A_212 = arith.constant 128 : i32
      %lt3A_213 = arith.cmpi slt, %add3A_211, %lt3A_212 : i32
      %convert_element_type3A_214 = arith.extui %lt3A_213 : i1 to i32
      %cond3A_215 = arith.constant 0 : i32
      %cond3A_216 = arith.cmpi ne, %convert_element_type3A_214, %cond3A_215 : i32
      scf.if %cond3A_216 {
        %add3A_419 = arith.constant 3 : i32
        %add3A_420 = arith.addi %add3A_209, %add3A_419 : i32
        %dma_start3A_421 = arith.constant 0 : i32
        %dma_start3A_422 = arith.constant 0 : i32
        %dma_start3A_423 = arith.constant 0 : i32
        %dma_start3A_424 = arith.constant 0 : i32
        %dma_start3A_425 = tpu.memref_slice %arg8[%dma_start3A_421, %dma_start3A_423, %dma_start3A_424] : memref<4x200x64xf32, #tpu.memory_space<vmem>> -> memref<1x128x64xf32, #tpu.memory_space<vmem>>
        %dma_start3A_426 = tpu.memref_squeeze %dma_start3A_425 : memref<1x128x64xf32, #tpu.memory_space<vmem>> -> memref<128x64xf32, #tpu.memory_space<vmem>>
        %dma_start3A_427 = arith.constant 0 : i32
        %dma_start3A_428 = tpu.memref_slice %arg6[%add3A_420, %dma_start3A_427] : memref<128x200xi32, #tpu.memory_space<vmem>> -> memref<1x128xi32, #tpu.memory_space<vmem>>
        %dma_start3A_429 = tpu.memref_squeeze %dma_start3A_428 : memref<1x128xi32, #tpu.memory_space<vmem>> -> memref<128xi32, #tpu.memory_space<vmem>>
        %dma_start3A_430 = arith.constant 0 : i32
        %dma_start3A_431 = arith.constant 0 : i32
        %dma_start3A_432 = tpu.memref_slice %arg3[%dma_start3A_430, %dma_start3A_431] : memref<1000000x64xf32, #tpu.memory_space<hbm>> -> memref<1000000x64xf32, #tpu.memory_space<hbm>>
        %dma_start3A_433 = tpu.memref_slice %arg10[%dma_start3A_422] : memref<4x!tpu.dma_semaphore, #tpu.memory_space<semaphore_mem>> -> memref<1x!tpu.dma_semaphore, #tpu.memory_space<semaphore_mem>>
        %dma_start3A_434 = tpu.memref_squeeze %dma_start3A_433 : memref<1x!tpu.dma_semaphore, #tpu.memory_space<semaphore_mem>> -> memref<!tpu.dma_semaphore, #tpu.memory_space<semaphore_mem>>
        tpu.enqueue_indirect_dma source(%dma_start3A_432 : memref<1000000x64xf32, #tpu.memory_space<hbm>>) target(%dma_start3A_426 : memref<128x64xf32, #tpu.memory_space<vmem>>) offsets(%dma_start3A_429 : memref<128xi32, #tpu.memory_space<vmem>>) semaphore(%dma_start3A_434 : memref<!tpu.dma_semaphore, #tpu.memory_space<semaphore_mem>>)
        %dma_start3A_435 = arith.constant 0 : i32
        %dma_start3A_436 = arith.constant 0 : i32
        %dma_start3A_437 = arith.constant 128 : i32
        %dma_start3A_438 = arith.constant 0 : i32
        %dma_start3A_439 = tpu.memref_slice %arg8[%dma_start3A_435, %dma_start3A_437, %dma_start3A_438] : memref<4x200x64xf32, #tpu.memory_space<vmem>> -> memref<1x72x64xf32, #tpu.memory_space<vmem>>
        %dma_start3A_440 = tpu.memref_squeeze %dma_start3A_439 : memref<1x72x64xf32, #tpu.memory_space<vmem>> -> memref<72x64xf32, #tpu.memory_space<vmem>>
        %dma_start3A_441 = arith.constant 128 : i32
        %dma_start3A_442 = tpu.memref_slice %arg6[%add3A_420, %dma_start3A_441] : memref<128x200xi32, #tpu.memory_space<vmem>> -> memref<1x72xi32, #tpu.memory_space<vmem>>
        %dma_start3A_443 = tpu.memref_squeeze %dma_start3A_442 : memref<1x72xi32, #tpu.memory_space<vmem>> -> memref<72xi32, #tpu.memory_space<vmem>>
        %dma_start3A_444 = arith.constant 0 : i32
        %dma_start3A_445 = arith.constant 0 : i32
        %dma_start3A_446 = tpu.memref_slice %arg3[%dma_start3A_444, %dma_start3A_445] : memref<1000000x64xf32, #tpu.memory_space<hbm>> -> memref<1000000x64xf32, #tpu.memory_space<hbm>>
        %dma_start3A_447 = tpu.memref_slice %arg10[%dma_start3A_436] : memref<4x!tpu.dma_semaphore, #tpu.memory_space<semaphore_mem>> -> memref<1x!tpu.dma_semaphore, #tpu.memory_space<semaphore_mem>>
        %dma_start3A_448 = tpu.memref_squeeze %dma_start3A_447 : memref<1x!tpu.dma_semaphore, #tpu.memory_space<semaphore_mem>> -> memref<!tpu.dma_semaphore, #tpu.memory_space<semaphore_mem>>
        tpu.enqueue_indirect_dma source(%dma_start3A_446 : memref<1000000x64xf32, #tpu.memory_space<hbm>>) target(%dma_start3A_440 : memref<72x64xf32, #tpu.memory_space<vmem>>) offsets(%dma_start3A_443 : memref<72xi32, #tpu.memory_space<vmem>>) semaphore(%dma_start3A_448 : memref<!tpu.dma_semaphore, #tpu.memory_space<semaphore_mem>>)
      } else {
      }
      %dma_wait3A_217 = arith.constant 1 : i32
      %dma_wait3A_218 = arith.constant 1 : i32
      %dma_wait3A_219 = arith.constant 0 : i32
      %dma_wait3A_220 = arith.constant 0 : i32
      %dma_wait3A_221 = tpu.memref_slice %arg8[%dma_wait3A_217, %dma_wait3A_219, %dma_wait3A_220] : memref<4x200x64xf32, #tpu.memory_space<vmem>> -> memref<1x128x64xf32, #tpu.memory_space<vmem>>
      %dma_wait3A_222 = tpu.memref_squeeze %dma_wait3A_221 : memref<1x128x64xf32, #tpu.memory_space<vmem>> -> memref<128x64xf32, #tpu.memory_space<vmem>>
      %dma_wait3A_223 = arith.constant 0 : i32
      %dma_wait3A_224 = tpu.memref_slice %arg6[%add3A_209, %dma_wait3A_223] : memref<128x200xi32, #tpu.memory_space<vmem>> -> memref<1x128xi32, #tpu.memory_space<vmem>>
      %dma_wait3A_225 = tpu.memref_squeeze %dma_wait3A_224 : memref<1x128xi32, #tpu.memory_space<vmem>> -> memref<128xi32, #tpu.memory_space<vmem>>
      %dma_wait3A_226 = arith.constant 0 : i32
      %dma_wait3A_227 = arith.constant 0 : i32
      %dma_wait3A_228 = tpu.memref_slice %arg3[%dma_wait3A_226, %dma_wait3A_227] : memref<1000000x64xf32, #tpu.memory_space<hbm>> -> memref<1000000x64xf32, #tpu.memory_space<hbm>>
      %dma_wait3A_229 = tpu.memref_slice %arg10[%dma_wait3A_218] : memref<4x!tpu.dma_semaphore, #tpu.memory_space<semaphore_mem>> -> memref<1x!tpu.dma_semaphore, #tpu.memory_space<semaphore_mem>>
      %dma_wait3A_230 = tpu.memref_squeeze %dma_wait3A_229 : memref<1x!tpu.dma_semaphore, #tpu.memory_space<semaphore_mem>> -> memref<!tpu.dma_semaphore, #tpu.memory_space<semaphore_mem>>
      tpu.wait_indirect_dma semaphore(%dma_wait3A_230 : memref<!tpu.dma_semaphore, #tpu.memory_space<semaphore_mem>>) src(%dma_wait3A_228 : memref<1000000x64xf32, #tpu.memory_space<hbm>>) dst(%dma_wait3A_222 : memref<128x64xf32, #tpu.memory_space<vmem>>)
      %dma_wait3A_231 = arith.constant 1 : i32
      %dma_wait3A_232 = arith.constant 1 : i32
      %dma_wait3A_233 = arith.constant 128 : i32
      %dma_wait3A_234 = arith.constant 0 : i32
      %dma_wait3A_235 = tpu.memref_slice %arg8[%dma_wait3A_231, %dma_wait3A_233, %dma_wait3A_234] : memref<4x200x64xf32, #tpu.memory_space<vmem>> -> memref<1x72x64xf32, #tpu.memory_space<vmem>>
      %dma_wait3A_236 = tpu.memref_squeeze %dma_wait3A_235 : memref<1x72x64xf32, #tpu.memory_space<vmem>> -> memref<72x64xf32, #tpu.memory_space<vmem>>
      %dma_wait3A_237 = arith.constant 128 : i32
      %dma_wait3A_238 = tpu.memref_slice %arg6[%add3A_209, %dma_wait3A_237] : memref<128x200xi32, #tpu.memory_space<vmem>> -> memref<1x72xi32, #tpu.memory_space<vmem>>
      %dma_wait3A_239 = tpu.memref_squeeze %dma_wait3A_238 : memref<1x72xi32, #tpu.memory_space<vmem>> -> memref<72xi32, #tpu.memory_space<vmem>>
      %dma_wait3A_240 = arith.constant 0 : i32
      %dma_wait3A_241 = arith.constant 0 : i32
      %dma_wait3A_242 = tpu.memref_slice %arg3[%dma_wait3A_240, %dma_wait3A_241] : memref<1000000x64xf32, #tpu.memory_space<hbm>> -> memref<1000000x64xf32, #tpu.memory_space<hbm>>
      %dma_wait3A_243 = tpu.memref_slice %arg10[%dma_wait3A_232] : memref<4x!tpu.dma_semaphore, #tpu.memory_space<semaphore_mem>> -> memref<1x!tpu.dma_semaphore, #tpu.memory_space<semaphore_mem>>
      %dma_wait3A_244 = tpu.memref_squeeze %dma_wait3A_243 : memref<1x!tpu.dma_semaphore, #tpu.memory_space<semaphore_mem>> -> memref<!tpu.dma_semaphore, #tpu.memory_space<semaphore_mem>>
      tpu.wait_indirect_dma semaphore(%dma_wait3A_244 : memref<!tpu.dma_semaphore, #tpu.memory_space<semaphore_mem>>) src(%dma_wait3A_242 : memref<1000000x64xf32, #tpu.memory_space<hbm>>) dst(%dma_wait3A_236 : memref<72x64xf32, #tpu.memory_space<vmem>>)
      %ge3A_245 = arith.constant 2 : i32
      %ge3A_246 = arith.cmpi sge, %add3A_209, %ge3A_245 : i32
      %convert_element_type3A_247 = arith.extui %ge3A_246 : i1 to i32
      %cond3A_248 = arith.constant 0 : i32
      %cond3A_249 = arith.cmpi ne, %convert_element_type3A_247, %cond3A_248 : i32
      scf.if %cond3A_249 {
        %dma_wait3A_419 = arith.constant 1 : i32
        %dma_wait3A_420 = arith.constant 0 : i32
        %dma_wait3A_421 = arith.constant 1 : i32
        %dma_wait3A_422 = arith.constant 0 : i32
        %dma_wait3A_423 = arith.constant 0 : i32
        %dma_wait3A_424 = tpu.memref_slice %arg9[%dma_wait3A_419, %dma_wait3A_422, %dma_wait3A_423] : memref<2x100x128xf32, #tpu.memory_space<vmem>> -> memref<1x100x128xf32, #tpu.memory_space<vmem>>
        %dma_wait3A_425 = tpu.memref_squeeze %dma_wait3A_424 : memref<1x100x128xf32, #tpu.memory_space<vmem>> -> memref<100x128xf32, #tpu.memory_space<vmem>>
        %dma_wait3A_426 = arith.constant 0 : i32
        %dma_wait3A_427 = arith.constant 0 : i32
        %dma_wait3A_428 = tpu.memref_slice %arg5[%dma_wait3A_420, %dma_wait3A_426, %dma_wait3A_427] : memref<4096x100x128xf32, #tpu.memory_space<hbm>> -> memref<1x100x128xf32, #tpu.memory_space<hbm>>
        %dma_wait3A_429 = tpu.memref_squeeze %dma_wait3A_428 : memref<1x100x128xf32, #tpu.memory_space<hbm>> -> memref<100x128xf32, #tpu.memory_space<hbm>>
        %dma_wait3A_430 = tpu.memref_slice %arg11[%dma_wait3A_421] : memref<2x!tpu.dma_semaphore, #tpu.memory_space<semaphore_mem>> -> memref<1x!tpu.dma_semaphore, #tpu.memory_space<semaphore_mem>>
        %dma_wait3A_431 = tpu.memref_squeeze %dma_wait3A_430 : memref<1x!tpu.dma_semaphore, #tpu.memory_space<semaphore_mem>> -> memref<!tpu.dma_semaphore, #tpu.memory_space<semaphore_mem>>
        %dma_wait3A_432 = arith.constant 0 : i32
        %dma_wait3A_433 = arith.constant 0 : i32
        %dma_wait3A_434 = tpu.memref_slice %arg5[%dma_wait3A_420, %dma_wait3A_432, %dma_wait3A_433] : memref<4096x100x128xf32, #tpu.memory_space<hbm>> -> memref<1x100x128xf32, #tpu.memory_space<hbm>>
        %dma_wait3A_435 = tpu.memref_squeeze %dma_wait3A_434 : memref<1x100x128xf32, #tpu.memory_space<hbm>> -> memref<100x128xf32, #tpu.memory_space<hbm>>
        %dma_wait3A_436 = arith.constant 0 : i32
        %dma_wait3A_437 = arith.constant 0 : i32
        %dma_wait3A_438 = tpu.memref_slice %arg9[%dma_wait3A_419, %dma_wait3A_436, %dma_wait3A_437] : memref<2x100x128xf32, #tpu.memory_space<vmem>> -> memref<1x100x128xf32, #tpu.memory_space<vmem>>
        %dma_wait3A_439 = tpu.memref_squeeze %dma_wait3A_438 : memref<1x100x128xf32, #tpu.memory_space<vmem>> -> memref<100x128xf32, #tpu.memory_space<vmem>>
        tpu.wait_dma2 semaphore(%dma_wait3A_431 : memref<!tpu.dma_semaphore, #tpu.memory_space<semaphore_mem>>) src(%dma_wait3A_439 : memref<100x128xf32, #tpu.memory_space<vmem>>) dst(%dma_wait3A_435 : memref<100x128xf32, #tpu.memory_space<hbm>>)
      } else {
      }
      %scan3A_250 = arith.constant 0 : i32
      %scan3A_251 = arith.constant 0 : i32
      %scan3A_252 = arith.constant 100 : i32
      %scan3A_253 = arith.addi %scan3A_251, %scan3A_252 : i32
      %scan3A_254 = arith.constant 4 : i32
      scf.for %scan3A_419 = %scan3A_251 to %scan3A_253 step %scan3A_254  : i32 {
        %mul3A_420 = arith.constant 2 : i32
        %mul3A_421 = arith.muli %mul3A_420, %scan3A_419 : i32
        %add3A_422 = arith.constant 0 : i32
        %add3A_423 = arith.addi %mul3A_421, %add3A_422 : i32
        %get3A = arith.constant 1 : i32
        %get3A_424 = arith.index_cast %get3A : i32 to index
        %get3A_425 = arith.index_cast %add3A_423 : i32 to index
        %get3A_426 = arith.constant 0 : index
        %get3A_427 = tpu.vector_load %arg8[%get3A_424, %get3A_425, %get3A_426] {strides = array<i32>} : memref<4x200x64xf32, #tpu.memory_space<vmem>>, vector<1x1x16xf32>,
        %get3A_428 = vector.shape_cast %get3A_427 : vector<1x1x16xf32> to vector<16xf32>
        %mul3A_429 = arith.constant 3.200000e+01 : f32
        %mul3A_430 = vector.broadcast %mul3A_429 : f32 to vector<16xf32>
        %mul3A_431 = arith.mulf %get3A_428, %mul3A_430 : vector<16xf32>
        %get3A_432 = arith.index_cast %scan3A_419 : i32 to index
        %get3A_433 = arith.constant 0 : index
        %get3A_434 = tpu.vector_load %arg7[%get3A_432, %get3A_433] {strides = array<i32>} : memref<100x128xf32, #tpu.memory_space<vmem>>, vector<1x16xf32>,
        %get3A_435 = vector.shape_cast %get3A_434 : vector<1x16xf32> to vector<16xf32>
        %add3A_436 = arith.addf %mul3A_431, %get3A_435 : vector<16xf32>
        %swap3A = arith.constant 1 : i32
        %swap3A_437 = arith.index_cast %swap3A : i32 to index
        %swap3A_438 = arith.index_cast %scan3A_419 : i32 to index
        %swap3A_439 = arith.constant 0 : index
        %swap3A_440 = tpu.vector_load %arg9[%swap3A_437, %swap3A_438, %swap3A_439] {strides = array<i32>} : memref<2x100x128xf32, #tpu.memory_space<vmem>>, vector<1x1x16xf32>,
        %swap3A_441 = vector.shape_cast %swap3A_440 : vector<1x1x16xf32> to vector<16xf32>
        %swap3A_442 = vector.shape_cast %add3A_436 : vector<16xf32> to vector<1x1x16xf32>
        tpu.vector_store %arg9[%swap3A_437, %swap3A_438, %swap3A_439], %swap3A_442 {strides = array<i32>} : memref<2x100x128xf32, #tpu.memory_space<vmem>>, vector<1x1x16xf32>,
        %mul3A_443 = arith.constant 2 : i32
        %mul3A_444 = arith.muli %mul3A_443, %scan3A_419 : i32
        %add3A_445 = arith.constant 0 : i32
        %add3A_446 = arith.addi %mul3A_444, %add3A_445 : i32
        %get3A_447 = arith.constant 1 : i32
        %get3A_448 = arith.index_cast %get3A_447 : i32 to index
        %get3A_449 = arith.index_cast %add3A_446 : i32 to index
        %get3A_450 = arith.constant 16 : index
        %get3A_451 = tpu.vector_load %arg8[%get3A_448, %get3A_449, %get3A_450] {strides = array<i32>} : memref<4x200x64xf32, #tpu.memory_space<vmem>>, vector<1x1x16xf32>,
        %get3A_452 = vector.shape_cast %get3A_451 : vector<1x1x16xf32> to vector<16xf32>
        %mul3A_453 = arith.constant 3.200000e+01 : f32
        %mul3A_454 = vector.broadcast %mul3A_453 : f32 to vector<16xf32>
        %mul3A_455 = arith.mulf %get3A_452, %mul3A_454 : vector<16xf32>
        %get3A_456 = arith.index_cast %scan3A_419 : i32 to index
        %get3A_457 = arith.constant 16 : index
        %get3A_458 = tpu.vector_load %arg7[%get3A_456, %get3A_457] {strides = array<i32>} : memref<100x128xf32, #tpu.memory_space<vmem>>, vector<1x16xf32>,
        %get3A_459 = vector.shape_cast %get3A_458 : vector<1x16xf32> to vector<16xf32>
        %add3A_460 = arith.addf %mul3A_455, %get3A_459 : vector<16xf32>
        %swap3A_461 = arith.constant 1 : i32
        %swap3A_462 = arith.index_cast %swap3A_461 : i32 to index
        %swap3A_463 = arith.index_cast %scan3A_419 : i32 to index
        %swap3A_464 = arith.constant 16 : index
        %swap3A_465 = tpu.vector_load %arg9[%swap3A_462, %swap3A_463, %swap3A_464] {strides = array<i32>} : memref<2x100x128xf32, #tpu.memory_space<vmem>>, vector<1x1x16xf32>,
        %swap3A_466 = vector.shape_cast %swap3A_465 : vector<1x1x16xf32> to vector<16xf32>
        %swap3A_467 = vector.shape_cast %add3A_460 : vector<16xf32> to vector<1x1x16xf32>
        tpu.vector_store %arg9[%swap3A_462, %swap3A_463, %swap3A_464], %swap3A_467 {strides = array<i32>} : memref<2x100x128xf32, #tpu.memory_space<vmem>>, vector<1x1x16xf32>,
        %mul3A_468 = arith.constant 2 : i32
        %mul3A_469 = arith.muli %mul3A_468, %scan3A_419 : i32
        %add3A_470 = arith.constant 0 : i32
        %add3A_471 = arith.addi %mul3A_469, %add3A_470 : i32
        %get3A_472 = arith.constant 1 : i32
        %get3A_473 = arith.index_cast %get3A_472 : i32 to index
        %get3A_474 = arith.index_cast %add3A_471 : i32 to index
        %get3A_475 = arith.constant 32 : index
        %get3A_476 = tpu.vector_load %arg8[%get3A_473, %get3A_474, %get3A_475] {strides = array<i32>} : memref<4x200x64xf32, #tpu.memory_space<vmem>>, vector<1x1x16xf32>,
        %get3A_477 = vector.shape_cast %get3A_476 : vector<1x1x16xf32> to vector<16xf32>
        %mul3A_478 = arith.constant 3.200000e+01 : f32
        %mul3A_479 = vector.broadcast %mul3A_478 : f32 to vector<16xf32>
        %mul3A_480 = arith.mulf %get3A_477, %mul3A_479 : vector<16xf32>
        %get3A_481 = arith.index_cast %scan3A_419 : i32 to index
        %get3A_482 = arith.constant 32 : index
        %get3A_483 = tpu.vector_load %arg7[%get3A_481, %get3A_482] {strides = array<i32>} : memref<100x128xf32, #tpu.memory_space<vmem>>, vector<1x16xf32>,
        %get3A_484 = vector.shape_cast %get3A_483 : vector<1x16xf32> to vector<16xf32>
        %add3A_485 = arith.addf %mul3A_480, %get3A_484 : vector<16xf32>
        %swap3A_486 = arith.constant 1 : i32
        %swap3A_487 = arith.index_cast %swap3A_486 : i32 to index
        %swap3A_488 = arith.index_cast %scan3A_419 : i32 to index
        %swap3A_489 = arith.constant 32 : index
        %swap3A_490 = tpu.vector_load %arg9[%swap3A_487, %swap3A_488, %swap3A_489] {strides = array<i32>} : memref<2x100x128xf32, #tpu.memory_space<vmem>>, vector<1x1x16xf32>,
        %swap3A_491 = vector.shape_cast %swap3A_490 : vector<1x1x16xf32> to vector<16xf32>
        %swap3A_492 = vector.shape_cast %add3A_485 : vector<16xf32> to vector<1x1x16xf32>
        tpu.vector_store %arg9[%swap3A_487, %swap3A_488, %swap3A_489], %swap3A_492 {strides = array<i32>} : memref<2x100x128xf32, #tpu.memory_space<vmem>>, vector<1x1x16xf32>,
        %mul3A_493 = arith.constant 2 : i32
        %mul3A_494 = arith.muli %mul3A_493, %scan3A_419 : i32
        %add3A_495 = arith.constant 0 : i32
        %add3A_496 = arith.addi %mul3A_494, %add3A_495 : i32
        %get3A_497 = arith.constant 1 : i32
        %get3A_498 = arith.index_cast %get3A_497 : i32 to index
        %get3A_499 = arith.index_cast %add3A_496 : i32 to index
        %get3A_500 = arith.constant 48 : index
        %get3A_501 = tpu.vector_load %arg8[%get3A_498, %get3A_499, %get3A_500] {strides = array<i32>} : memref<4x200x64xf32, #tpu.memory_space<vmem>>, vector<1x1x16xf32>,
        %get3A_502 = vector.shape_cast %get3A_501 : vector<1x1x16xf32> to vector<16xf32>
        %mul3A_503 = arith.constant 3.200000e+01 : f32
        %mul3A_504 = vector.broadcast %mul3A_503 : f32 to vector<16xf32>
        %mul3A_505 = arith.mulf %get3A_502, %mul3A_504 : vector<16xf32>
        %get3A_506 = arith.index_cast %scan3A_419 : i32 to index
        %get3A_507 = arith.constant 48 : index
        %get3A_508 = tpu.vector_load %arg7[%get3A_506, %get3A_507] {strides = array<i32>} : memref<100x128xf32, #tpu.memory_space<vmem>>, vector<1x16xf32>,
        %get3A_509 = vector.shape_cast %get3A_508 : vector<1x16xf32> to vector<16xf32>
        %add3A_510 = arith.addf %mul3A_505, %get3A_509 : vector<16xf32>
        %swap3A_511 = arith.constant 1 : i32
        %swap3A_512 = arith.index_cast %swap3A_511 : i32 to index
        %swap3A_513 = arith.index_cast %scan3A_419 : i32 to index
        %swap3A_514 = arith.constant 48 : index
        %swap3A_515 = tpu.vector_load %arg9[%swap3A_512, %swap3A_513, %swap3A_514] {strides = array<i32>} : memref<2x100x128xf32, #tpu.memory_space<vmem>>, vector<1x1x16xf32>,
        %swap3A_516 = vector.shape_cast %swap3A_515 : vector<1x1x16xf32> to vector<16xf32>
        %swap3A_517 = vector.shape_cast %add3A_510 : vector<16xf32> to vector<1x1x16xf32>
        tpu.vector_store %arg9[%swap3A_512, %swap3A_513, %swap3A_514], %swap3A_517 {strides = array<i32>} : memref<2x100x128xf32, #tpu.memory_space<vmem>>, vector<1x1x16xf32>,
        %mul3A_518 = arith.constant 2 : i32
        %mul3A_519 = arith.muli %mul3A_518, %scan3A_419 : i32
        %add3A_520 = arith.constant 1 : i32
        %add3A_521 = arith.addi %mul3A_519, %add3A_520 : i32
        %get3A_522 = arith.constant 1 : i32
        %get3A_523 = arith.index_cast %get3A_522 : i32 to index
        %get3A_524 = arith.index_cast %add3A_521 : i32 to index
        %get3A_525 = arith.constant 0 : index
        %get3A_526 = tpu.vector_load %arg8[%get3A_523, %get3A_524, %get3A_525] {strides = array<i32>} : memref<4x200x64xf32, #tpu.memory_space<vmem>>, vector<1x1x16xf32>,
        %get3A_527 = vector.shape_cast %get3A_526 : vector<1x1x16xf32> to vector<16xf32>
        %mul3A_528 = arith.constant 3.200000e+01 : f32
        %mul3A_529 = vector.broadcast %mul3A_528 : f32 to vector<16xf32>
        %mul3A_530 = arith.mulf %get3A_527, %mul3A_529 : vector<16xf32>
        %get3A_531 = arith.index_cast %scan3A_419 : i32 to index
        %get3A_532 = arith.constant 64 : index
        %get3A_533 = tpu.vector_load %arg7[%get3A_531, %get3A_532] {strides = array<i32>} : memref<100x128xf32, #tpu.memory_space<vmem>>, vector<1x16xf32>,
        %get3A_534 = vector.shape_cast %get3A_533 : vector<1x16xf32> to vector<16xf32>
        %add3A_535 = arith.addf %mul3A_530, %get3A_534 : vector<16xf32>
        %swap3A_536 = arith.constant 1 : i32
        %swap3A_537 = arith.index_cast %swap3A_536 : i32 to index
        %swap3A_538 = arith.index_cast %scan3A_419 : i32 to index
        %swap3A_539 = arith.constant 64 : index
        %swap3A_540 = tpu.vector_load %arg9[%swap3A_537, %swap3A_538, %swap3A_539] {strides = array<i32>} : memref<2x100x128xf32, #tpu.memory_space<vmem>>, vector<1x1x16xf32>,
        %swap3A_541 = vector.shape_cast %swap3A_540 : vector<1x1x16xf32> to vector<16xf32>
        %swap3A_542 = vector.shape_cast %add3A_535 : vector<16xf32> to vector<1x1x16xf32>
        tpu.vector_store %arg9[%swap3A_537, %swap3A_538, %swap3A_539], %swap3A_542 {strides = array<i32>} : memref<2x100x128xf32, #tpu.memory_space<vmem>>, vector<1x1x16xf32>,
        %mul3A_543 = arith.constant 2 : i32
        %mul3A_544 = arith.muli %mul3A_543, %scan3A_419 : i32
        %add3A_545 = arith.constant 1 : i32
        %add3A_546 = arith.addi %mul3A_544, %add3A_545 : i32
        %get3A_547 = arith.constant 1 : i32
        %get3A_548 = arith.index_cast %get3A_547 : i32 to index
        %get3A_549 = arith.index_cast %add3A_546 : i32 to index
        %get3A_550 = arith.constant 16 : index
        %get3A_551 = tpu.vector_load %arg8[%get3A_548, %get3A_549, %get3A_550] {strides = array<i32>} : memref<4x200x64xf32, #tpu.memory_space<vmem>>, vector<1x1x16xf32>,
        %get3A_552 = vector.shape_cast %get3A_551 : vector<1x1x16xf32> to vector<16xf32>
        %mul3A_553 = arith.constant 3.200000e+01 : f32
        %mul3A_554 = vector.broadcast %mul3A_553 : f32 to vector<16xf32>
        %mul3A_555 = arith.mulf %get3A_552, %mul3A_554 : vector<16xf32>
        %get3A_556 = arith.index_cast %scan3A_419 : i32 to index
        %get3A_557 = arith.constant 80 : index
        %get3A_558 = tpu.vector_load %arg7[%get3A_556, %get3A_557] {strides = array<i32>} : memref<100x128xf32, #tpu.memory_space<vmem>>, vector<1x16xf32>,
        %get3A_559 = vector.shape_cast %get3A_558 : vector<1x16xf32> to vector<16xf32>
        %add3A_560 = arith.addf %mul3A_555, %get3A_559 : vector<16xf32>
        %swap3A_561 = arith.constant 1 : i32
        %swap3A_562 = arith.index_cast %swap3A_561 : i32 to index
        %swap3A_563 = arith.index_cast %scan3A_419 : i32 to index
        %swap3A_564 = arith.constant 80 : index
        %swap3A_565 = tpu.vector_load %arg9[%swap3A_562, %swap3A_563, %swap3A_564] {strides = array<i32>} : memref<2x100x128xf32, #tpu.memory_space<vmem>>, vector<1x1x16xf32>,
        %swap3A_566 = vector.shape_cast %swap3A_565 : vector<1x1x16xf32> to vector<16xf32>
        %swap3A_567 = vector.shape_cast %add3A_560 : vector<16xf32> to vector<1x1x16xf32>
        tpu.vector_store %arg9[%swap3A_562, %swap3A_563, %swap3A_564], %swap3A_567 {strides = array<i32>} : memref<2x100x128xf32, #tpu.memory_space<vmem>>, vector<1x1x16xf32>,
        %mul3A_568 = arith.constant 2 : i32
        %mul3A_569 = arith.muli %mul3A_568, %scan3A_419 : i32
        %add3A_570 = arith.constant 1 : i32
        %add3A_571 = arith.addi %mul3A_569, %add3A_570 : i32
        %get3A_572 = arith.constant 1 : i32
        %get3A_573 = arith.index_cast %get3A_572 : i32 to index
        %get3A_574 = arith.index_cast %add3A_571 : i32 to index
        %get3A_575 = arith.constant 32 : index
        %get3A_576 = tpu.vector_load %arg8[%get3A_573, %get3A_574, %get3A_575] {strides = array<i32>} : memref<4x200x64xf32, #tpu.memory_space<vmem>>, vector<1x1x16xf32>,
        %get3A_577 = vector.shape_cast %get3A_576 : vector<1x1x16xf32> to vector<16xf32>
        %mul3A_578 = arith.constant 3.200000e+01 : f32
        %mul3A_579 = vector.broadcast %mul3A_578 : f32 to vector<16xf32>
        %mul3A_580 = arith.mulf %get3A_577, %mul3A_579 : vector<16xf32>
        %get3A_581 = arith.index_cast %scan3A_419 : i32 to index
        %get3A_582 = arith.constant 96 : index
        %get3A_583 = tpu.vector_load %arg7[%get3A_581, %get3A_582] {strides = array<i32>} : memref<100x128xf32, #tpu.memory_space<vmem>>, vector<1x16xf32>,
        %get3A_584 = vector.shape_cast %get3A_583 : vector<1x16xf32> to vector<16xf32>
        %add3A_585 = arith.addf %mul3A_580, %get3A_584 : vector<16xf32>
        %swap3A_586 = arith.constant 1 : i32
        %swap3A_587 = arith.index_cast %swap3A_586 : i32 to index
        %swap3A_588 = arith.index_cast %scan3A_419 : i32 to index
        %swap3A_589 = arith.constant 96 : index
        %swap3A_590 = tpu.vector_load %arg9[%swap3A_587, %swap3A_588, %swap3A_589] {strides = array<i32>} : memref<2x100x128xf32, #tpu.memory_space<vmem>>, vector<1x1x16xf32>,
        %swap3A_591 = vector.shape_cast %swap3A_590 : vector<1x1x16xf32> to vector<16xf32>
        %swap3A_592 = vector.shape_cast %add3A_585 : vector<16xf32> to vector<1x1x16xf32>
        tpu.vector_store %arg9[%swap3A_587, %swap3A_588, %swap3A_589], %swap3A_592 {strides = array<i32>} : memref<2x100x128xf32, #tpu.memory_space<vmem>>, vector<1x1x16xf32>,
        %mul3A_593 = arith.constant 2 : i32
        %mul3A_594 = arith.muli %mul3A_593, %scan3A_419 : i32
        %add3A_595 = arith.constant 1 : i32
        %add3A_596 = arith.addi %mul3A_594, %add3A_595 : i32
        %get3A_597 = arith.constant 1 : i32
        %get3A_598 = arith.index_cast %get3A_597 : i32 to index
        %get3A_599 = arith.index_cast %add3A_596 : i32 to index
        %get3A_600 = arith.constant 48 : index
        %get3A_601 = tpu.vector_load %arg8[%get3A_598, %get3A_599, %get3A_600] {strides = array<i32>} : memref<4x200x64xf32, #tpu.memory_space<vmem>>, vector<1x1x16xf32>,
        %get3A_602 = vector.shape_cast %get3A_601 : vector<1x1x16xf32> to vector<16xf32>
        %mul3A_603 = arith.constant 3.200000e+01 : f32
        %mul3A_604 = vector.broadcast %mul3A_603 : f32 to vector<16xf32>
        %mul3A_605 = arith.mulf %get3A_602, %mul3A_604 : vector<16xf32>
        %get3A_606 = arith.index_cast %scan3A_419 : i32 to index
        %get3A_607 = arith.constant 112 : index
        %get3A_608 = tpu.vector_load %arg7[%get3A_606, %get3A_607] {strides = array<i32>} : memref<100x128xf32, #tpu.memory_space<vmem>>, vector<1x16xf32>,
        %get3A_609 = vector.shape_cast %get3A_608 : vector<1x16xf32> to vector<16xf32>
        %add3A_610 = arith.addf %mul3A_605, %get3A_609 : vector<16xf32>
        %swap3A_611 = arith.constant 1 : i32
        %swap3A_612 = arith.index_cast %swap3A_611 : i32 to index
        %swap3A_613 = arith.index_cast %scan3A_419 : i32 to index
        %swap3A_614 = arith.constant 112 : index
        %swap3A_615 = tpu.vector_load %arg9[%swap3A_612, %swap3A_613, %swap3A_614] {strides = array<i32>} : memref<2x100x128xf32, #tpu.memory_space<vmem>>, vector<1x1x16xf32>,
        %swap3A_616 = vector.shape_cast %swap3A_615 : vector<1x1x16xf32> to vector<16xf32>
        %swap3A_617 = vector.shape_cast %add3A_610 : vector<16xf32> to vector<1x1x16xf32>
        tpu.vector_store %arg9[%swap3A_612, %swap3A_613, %swap3A_614], %swap3A_617 {strides = array<i32>} : memref<2x100x128xf32, #tpu.memory_space<vmem>>, vector<1x1x16xf32>,
        %scan3A_618 = arith.constant 1 : i32
        %scan3A_619 = arith.addi %scan3A_419, %scan3A_618 : i32
        %mul3A_620 = arith.constant 2 : i32
        %mul3A_621 = arith.muli %mul3A_620, %scan3A_619 : i32
        %add3A_622 = arith.constant 0 : i32
        %add3A_623 = arith.addi %mul3A_621, %add3A_622 : i32
        %get3A_624 = arith.constant 1 : i32
        %get3A_625 = arith.index_cast %get3A_624 : i32 to index
        %get3A_626 = arith.index_cast %add3A_623 : i32 to index
        %get3A_627 = arith.constant 0 : index
        %get3A_628 = tpu.vector_load %arg8[%get3A_625, %get3A_626, %get3A_627] {strides = array<i32>} : memref<4x200x64xf32, #tpu.memory_space<vmem>>, vector<1x1x16xf32>,
        %get3A_629 = vector.shape_cast %get3A_628 : vector<1x1x16xf32> to vector<16xf32>
        %mul3A_630 = arith.constant 3.200000e+01 : f32
        %mul3A_631 = vector.broadcast %mul3A_630 : f32 to vector<16xf32>
        %mul3A_632 = arith.mulf %get3A_629, %mul3A_631 : vector<16xf32>
        %get3A_633 = arith.index_cast %scan3A_619 : i32 to index
        %get3A_634 = arith.constant 0 : index
        %get3A_635 = tpu.vector_load %arg7[%get3A_633, %get3A_634] {strides = array<i32>} : memref<100x128xf32, #tpu.memory_space<vmem>>, vector<1x16xf32>,
        %get3A_636 = vector.shape_cast %get3A_635 : vector<1x16xf32> to vector<16xf32>
        %add3A_637 = arith.addf %mul3A_632, %get3A_636 : vector<16xf32>
        %swap3A_638 = arith.constant 1 : i32
        %swap3A_639 = arith.index_cast %swap3A_638 : i32 to index
        %swap3A_640 = arith.index_cast %scan3A_619 : i32 to index
        %swap3A_641 = arith.constant 0 : index
        %swap3A_642 = tpu.vector_load %arg9[%swap3A_639, %swap3A_640, %swap3A_641] {strides = array<i32>} : memref<2x100x128xf32, #tpu.memory_space<vmem>>, vector<1x1x16xf32>,
        %swap3A_643 = vector.shape_cast %swap3A_642 : vector<1x1x16xf32> to vector<16xf32>
        %swap3A_644 = vector.shape_cast %add3A_637 : vector<16xf32> to vector<1x1x16xf32>
        tpu.vector_store %arg9[%swap3A_639, %swap3A_640, %swap3A_641], %swap3A_644 {strides = array<i32>} : memref<2x100x128xf32, #tpu.memory_space<vmem>>, vector<1x1x16xf32>,
        %mul3A_645 = arith.constant 2 : i32
        %mul3A_646 = arith.muli %mul3A_645, %scan3A_619 : i32
        %add3A_647 = arith.constant 0 : i32
        %add3A_648 = arith.addi %mul3A_646, %add3A_647 : i32
        %get3A_649 = arith.constant 1 : i32
        %get3A_650 = arith.index_cast %get3A_649 : i32 to index
        %get3A_651 = arith.index_cast %add3A_648 : i32 to index
        %get3A_652 = arith.constant 16 : index
        %get3A_653 = tpu.vector_load %arg8[%get3A_650, %get3A_651, %get3A_652] {strides = array<i32>} : memref<4x200x64xf32, #tpu.memory_space<vmem>>, vector<1x1x16xf32>,
        %get3A_654 = vector.shape_cast %get3A_653 : vector<1x1x16xf32> to vector<16xf32>
        %mul3A_655 = arith.constant 3.200000e+01 : f32
        %mul3A_656 = vector.broadcast %mul3A_655 : f32 to vector<16xf32>
        %mul3A_657 = arith.mulf %get3A_654, %mul3A_656 : vector<16xf32>
        %get3A_658 = arith.index_cast %scan3A_619 : i32 to index
        %get3A_659 = arith.constant 16 : index
        %get3A_660 = tpu.vector_load %arg7[%get3A_658, %get3A_659] {strides = array<i32>} : memref<100x128xf32, #tpu.memory_space<vmem>>, vector<1x16xf32>,
        %get3A_661 = vector.shape_cast %get3A_660 : vector<1x16xf32> to vector<16xf32>
        %add3A_662 = arith.addf %mul3A_657, %get3A_661 : vector<16xf32>
        %swap3A_663 = arith.constant 1 : i32
        %swap3A_664 = arith.index_cast %swap3A_663 : i32 to index
        %swap3A_665 = arith.index_cast %scan3A_619 : i32 to index
        %swap3A_666 = arith.constant 16 : index
        %swap3A_667 = tpu.vector_load %arg9[%swap3A_664, %swap3A_665, %swap3A_666] {strides = array<i32>} : memref<2x100x128xf32, #tpu.memory_space<vmem>>, vector<1x1x16xf32>,
        %swap3A_668 = vector.shape_cast %swap3A_667 : vector<1x1x16xf32> to vector<16xf32>
        %swap3A_669 = vector.shape_cast %add3A_662 : vector<16xf32> to vector<1x1x16xf32>
        tpu.vector_store %arg9[%swap3A_664, %swap3A_665, %swap3A_666], %swap3A_669 {strides = array<i32>} : memref<2x100x128xf32, #tpu.memory_space<vmem>>, vector<1x1x16xf32>,
        %mul3A_670 = arith.constant 2 : i32
        %mul3A_671 = arith.muli %mul3A_670, %scan3A_619 : i32
        %add3A_672 = arith.constant 0 : i32
        %add3A_673 = arith.addi %mul3A_671, %add3A_672 : i32
        %get3A_674 = arith.constant 1 : i32
        %get3A_675 = arith.index_cast %get3A_674 : i32 to index
        %get3A_676 = arith.index_cast %add3A_673 : i32 to index
        %get3A_677 = arith.constant 32 : index
        %get3A_678 = tpu.vector_load %arg8[%get3A_675, %get3A_676, %get3A_677] {strides = array<i32>} : memref<4x200x64xf32, #tpu.memory_space<vmem>>, vector<1x1x16xf32>,
        %get3A_679 = vector.shape_cast %get3A_678 : vector<1x1x16xf32> to vector<16xf32>
        %mul3A_680 = arith.constant 3.200000e+01 : f32
        %mul3A_681 = vector.broadcast %mul3A_680 : f32 to vector<16xf32>
        %mul3A_682 = arith.mulf %get3A_679, %mul3A_681 : vector<16xf32>
        %get3A_683 = arith.index_cast %scan3A_619 : i32 to index
        %get3A_684 = arith.constant 32 : index
        %get3A_685 = tpu.vector_load %arg7[%get3A_683, %get3A_684] {strides = array<i32>} : memref<100x128xf32, #tpu.memory_space<vmem>>, vector<1x16xf32>,
        %get3A_686 = vector.shape_cast %get3A_685 : vector<1x16xf32> to vector<16xf32>
        %add3A_687 = arith.addf %mul3A_682, %get3A_686 : vector<16xf32>
        %swap3A_688 = arith.constant 1 : i32
        %swap3A_689 = arith.index_cast %swap3A_688 : i32 to index
        %swap3A_690 = arith.index_cast %scan3A_619 : i32 to index
        %swap3A_691 = arith.constant 32 : index
        %swap3A_692 = tpu.vector_load %arg9[%swap3A_689, %swap3A_690, %swap3A_691] {strides = array<i32>} : memref<2x100x128xf32, #tpu.memory_space<vmem>>, vector<1x1x16xf32>,
        %swap3A_693 = vector.shape_cast %swap3A_692 : vector<1x1x16xf32> to vector<16xf32>
        %swap3A_694 = vector.shape_cast %add3A_687 : vector<16xf32> to vector<1x1x16xf32>
        tpu.vector_store %arg9[%swap3A_689, %swap3A_690, %swap3A_691], %swap3A_694 {strides = array<i32>} : memref<2x100x128xf32, #tpu.memory_space<vmem>>, vector<1x1x16xf32>,
        %mul3A_695 = arith.constant 2 : i32
        %mul3A_696 = arith.muli %mul3A_695, %scan3A_619 : i32
        %add3A_697 = arith.constant 0 : i32
        %add3A_698 = arith.addi %mul3A_696, %add3A_697 : i32
        %get3A_699 = arith.constant 1 : i32
        %get3A_700 = arith.index_cast %get3A_699 : i32 to index
        %get3A_701 = arith.index_cast %add3A_698 : i32 to index
        %get3A_702 = arith.constant 48 : index
        %get3A_703 = tpu.vector_load %arg8[%get3A_700, %get3A_701, %get3A_702] {strides = array<i32>} : memref<4x200x64xf32, #tpu.memory_space<vmem>>, vector<1x1x16xf32>,
        %get3A_704 = vector.shape_cast %get3A_703 : vector<1x1x16xf32> to vector<16xf32>
        %mul3A_705 = arith.constant 3.200000e+01 : f32
        %mul3A_706 = vector.broadcast %mul3A_705 : f32 to vector<16xf32>
        %mul3A_707 = arith.mulf %get3A_704, %mul3A_706 : vector<16xf32>
        %get3A_708 = arith.index_cast %scan3A_619 : i32 to index
        %get3A_709 = arith.constant 48 : index
        %get3A_710 = tpu.vector_load %arg7[%get3A_708, %get3A_709] {strides = array<i32>} : memref<100x128xf32, #tpu.memory_space<vmem>>, vector<1x16xf32>,
        %get3A_711 = vector.shape_cast %get3A_710 : vector<1x16xf32> to vector<16xf32>
        %add3A_712 = arith.addf %mul3A_707, %get3A_711 : vector<16xf32>
        %swap3A_713 = arith.constant 1 : i32
        %swap3A_714 = arith.index_cast %swap3A_713 : i32 to index
        %swap3A_715 = arith.index_cast %scan3A_619 : i32 to index
        %swap3A_716 = arith.constant 48 : index
        %swap3A_717 = tpu.vector_load %arg9[%swap3A_714, %swap3A_715, %swap3A_716] {strides = array<i32>} : memref<2x100x128xf32, #tpu.memory_space<vmem>>, vector<1x1x16xf32>,
        %swap3A_718 = vector.shape_cast %swap3A_717 : vector<1x1x16xf32> to vector<16xf32>
        %swap3A_719 = vector.shape_cast %add3A_712 : vector<16xf32> to vector<1x1x16xf32>
        tpu.vector_store %arg9[%swap3A_714, %swap3A_715, %swap3A_716], %swap3A_719 {strides = array<i32>} : memref<2x100x128xf32, #tpu.memory_space<vmem>>, vector<1x1x16xf32>,
        %mul3A_720 = arith.constant 2 : i32
        %mul3A_721 = arith.muli %mul3A_720, %scan3A_619 : i32
        %add3A_722 = arith.constant 1 : i32
        %add3A_723 = arith.addi %mul3A_721, %add3A_722 : i32
        %get3A_724 = arith.constant 1 : i32
        %get3A_725 = arith.index_cast %get3A_724 : i32 to index
        %get3A_726 = arith.index_cast %add3A_723 : i32 to index
        %get3A_727 = arith.constant 0 : index
        %get3A_728 = tpu.vector_load %arg8[%get3A_725, %get3A_726, %get3A_727] {strides = array<i32>} : memref<4x200x64xf32, #tpu.memory_space<vmem>>, vector<1x1x16xf32>,
        %get3A_729 = vector.shape_cast %get3A_728 : vector<1x1x16xf32> to vector<16xf32>
        %mul3A_730 = arith.constant 3.200000e+01 : f32
        %mul3A_731 = vector.broadcast %mul3A_730 : f32 to vector<16xf32>
        %mul3A_732 = arith.mulf %get3A_729, %mul3A_731 : vector<16xf32>
        %get3A_733 = arith.index_cast %scan3A_619 : i32 to index
        %get3A_734 = arith.constant 64 : index
        %get3A_735 = tpu.vector_load %arg7[%get3A_733, %get3A_734] {strides = array<i32>} : memref<100x128xf32, #tpu.memory_space<vmem>>, vector<1x16xf32>,
        %get3A_736 = vector.shape_cast %get3A_735 : vector<1x16xf32> to vector<16xf32>
        %add3A_737 = arith.addf %mul3A_732, %get3A_736 : vector<16xf32>
        %swap3A_738 = arith.constant 1 : i32
        %swap3A_739 = arith.index_cast %swap3A_738 : i32 to index
        %swap3A_740 = arith.index_cast %scan3A_619 : i32 to index
        %swap3A_741 = arith.constant 64 : index
        %swap3A_742 = tpu.vector_load %arg9[%swap3A_739, %swap3A_740, %swap3A_741] {strides = array<i32>} : memref<2x100x128xf32, #tpu.memory_space<vmem>>, vector<1x1x16xf32>,
        %swap3A_743 = vector.shape_cast %swap3A_742 : vector<1x1x16xf32> to vector<16xf32>
        %swap3A_744 = vector.shape_cast %add3A_737 : vector<16xf32> to vector<1x1x16xf32>
        tpu.vector_store %arg9[%swap3A_739, %swap3A_740, %swap3A_741], %swap3A_744 {strides = array<i32>} : memref<2x100x128xf32, #tpu.memory_space<vmem>>, vector<1x1x16xf32>,
        %mul3A_745 = arith.constant 2 : i32
        %mul3A_746 = arith.muli %mul3A_745, %scan3A_619 : i32
        %add3A_747 = arith.constant 1 : i32
        %add3A_748 = arith.addi %mul3A_746, %add3A_747 : i32
        %get3A_749 = arith.constant 1 : i32
        %get3A_750 = arith.index_cast %get3A_749 : i32 to index
        %get3A_751 = arith.index_cast %add3A_748 : i32 to index
        %get3A_752 = arith.constant 16 : index
        %get3A_753 = tpu.vector_load %arg8[%get3A_750, %get3A_751, %get3A_752] {strides = array<i32>} : memref<4x200x64xf32, #tpu.memory_space<vmem>>, vector<1x1x16xf32>,
        %get3A_754 = vector.shape_cast %get3A_753 : vector<1x1x16xf32> to vector<16xf32>
        %mul3A_755 = arith.constant 3.200000e+01 : f32
        %mul3A_756 = vector.broadcast %mul3A_755 : f32 to vector<16xf32>
        %mul3A_757 = arith.mulf %get3A_754, %mul3A_756 : vector<16xf32>
        %get3A_758 = arith.index_cast %scan3A_619 : i32 to index
        %get3A_759 = arith.constant 80 : index
        %get3A_760 = tpu.vector_load %arg7[%get3A_758, %get3A_759] {strides = array<i32>} : memref<100x128xf32, #tpu.memory_space<vmem>>, vector<1x16xf32>,
        %get3A_761 = vector.shape_cast %get3A_760 : vector<1x16xf32> to vector<16xf32>
        %add3A_762 = arith.addf %mul3A_757, %get3A_761 : vector<16xf32>
        %swap3A_763 = arith.constant 1 : i32
        %swap3A_764 = arith.index_cast %swap3A_763 : i32 to index
        %swap3A_765 = arith.index_cast %scan3A_619 : i32 to index
        %swap3A_766 = arith.constant 80 : index
        %swap3A_767 = tpu.vector_load %arg9[%swap3A_764, %swap3A_765, %swap3A_766] {strides = array<i32>} : memref<2x100x128xf32, #tpu.memory_space<vmem>>, vector<1x1x16xf32>,
        %swap3A_768 = vector.shape_cast %swap3A_767 : vector<1x1x16xf32> to vector<16xf32>
        %swap3A_769 = vector.shape_cast %add3A_762 : vector<16xf32> to vector<1x1x16xf32>
        tpu.vector_store %arg9[%swap3A_764, %swap3A_765, %swap3A_766], %swap3A_769 {strides = array<i32>} : memref<2x100x128xf32, #tpu.memory_space<vmem>>, vector<1x1x16xf32>,
        %mul3A_770 = arith.constant 2 : i32
        %mul3A_771 = arith.muli %mul3A_770, %scan3A_619 : i32
        %add3A_772 = arith.constant 1 : i32
        %add3A_773 = arith.addi %mul3A_771, %add3A_772 : i32
        %get3A_774 = arith.constant 1 : i32
        %get3A_775 = arith.index_cast %get3A_774 : i32 to index
        %get3A_776 = arith.index_cast %add3A_773 : i32 to index
        %get3A_777 = arith.constant 32 : index
        %get3A_778 = tpu.vector_load %arg8[%get3A_775, %get3A_776, %get3A_777] {strides = array<i32>} : memref<4x200x64xf32, #tpu.memory_space<vmem>>, vector<1x1x16xf32>,
        %get3A_779 = vector.shape_cast %get3A_778 : vector<1x1x16xf32> to vector<16xf32>
        %mul3A_780 = arith.constant 3.200000e+01 : f32
        %mul3A_781 = vector.broadcast %mul3A_780 : f32 to vector<16xf32>
        %mul3A_782 = arith.mulf %get3A_779, %mul3A_781 : vector<16xf32>
        %get3A_783 = arith.index_cast %scan3A_619 : i32 to index
        %get3A_784 = arith.constant 96 : index
        %get3A_785 = tpu.vector_load %arg7[%get3A_783, %get3A_784] {strides = array<i32>} : memref<100x128xf32, #tpu.memory_space<vmem>>, vector<1x16xf32>,
        %get3A_786 = vector.shape_cast %get3A_785 : vector<1x16xf32> to vector<16xf32>
        %add3A_787 = arith.addf %mul3A_782, %get3A_786 : vector<16xf32>
        %swap3A_788 = arith.constant 1 : i32
        %swap3A_789 = arith.index_cast %swap3A_788 : i32 to index
        %swap3A_790 = arith.index_cast %scan3A_619 : i32 to index
        %swap3A_791 = arith.constant 96 : index
        %swap3A_792 = tpu.vector_load %arg9[%swap3A_789, %swap3A_790, %swap3A_791] {strides = array<i32>} : memref<2x100x128xf32, #tpu.memory_space<vmem>>, vector<1x1x16xf32>,
        %swap3A_793 = vector.shape_cast %swap3A_792 : vector<1x1x16xf32> to vector<16xf32>
        %swap3A_794 = vector.shape_cast %add3A_787 : vector<16xf32> to vector<1x1x16xf32>
        tpu.vector_store %arg9[%swap3A_789, %swap3A_790, %swap3A_791], %swap3A_794 {strides = array<i32>} : memref<2x100x128xf32, #tpu.memory_space<vmem>>, vector<1x1x16xf32>,
        %mul3A_795 = arith.constant 2 : i32
        %mul3A_796 = arith.muli %mul3A_795, %scan3A_619 : i32
        %add3A_797 = arith.constant 1 : i32
        %add3A_798 = arith.addi %mul3A_796, %add3A_797 : i32
        %get3A_799 = arith.constant 1 : i32
        %get3A_800 = arith.index_cast %get3A_799 : i32 to index
        %get3A_801 = arith.index_cast %add3A_798 : i32 to index
        %get3A_802 = arith.constant 48 : index
        %get3A_803 = tpu.vector_load %arg8[%get3A_800, %get3A_801, %get3A_802] {strides = array<i32>} : memref<4x200x64xf32, #tpu.memory_space<vmem>>, vector<1x1x16xf32>,
        %get3A_804 = vector.shape_cast %get3A_803 : vector<1x1x16xf32> to vector<16xf32>
        %mul3A_805 = arith.constant 3.200000e+01 : f32
        %mul3A_806 = vector.broadcast %mul3A_805 : f32 to vector<16xf32>
        %mul3A_807 = arith.mulf %get3A_804, %mul3A_806 : vector<16xf32>
        %get3A_808 = arith.index_cast %scan3A_619 : i32 to index
        %get3A_809 = arith.constant 112 : index
        %get3A_810 = tpu.vector_load %arg7[%get3A_808, %get3A_809] {strides = array<i32>} : memref<100x128xf32, #tpu.memory_space<vmem>>, vector<1x16xf32>,
        %get3A_811 = vector.shape_cast %get3A_810 : vector<1x16xf32> to vector<16xf32>
        %add3A_812 = arith.addf %mul3A_807, %get3A_811 : vector<16xf32>
        %swap3A_813 = arith.constant 1 : i32
        %swap3A_814 = arith.index_cast %swap3A_813 : i32 to index
        %swap3A_815 = arith.index_cast %scan3A_619 : i32 to index
        %swap3A_816 = arith.constant 112 : index
        %swap3A_817 = tpu.vector_load %arg9[%swap3A_814, %swap3A_815, %swap3A_816] {strides = array<i32>} : memref<2x100x128xf32, #tpu.memory_space<vmem>>, vector<1x1x16xf32>,
        %swap3A_818 = vector.shape_cast %swap3A_817 : vector<1x1x16xf32> to vector<16xf32>
        %swap3A_819 = vector.shape_cast %add3A_812 : vector<16xf32> to vector<1x1x16xf32>
        tpu.vector_store %arg9[%swap3A_814, %swap3A_815, %swap3A_816], %swap3A_819 {strides = array<i32>} : memref<2x100x128xf32, #tpu.memory_space<vmem>>, vector<1x1x16xf32>,
        %scan3A_820 = arith.constant 2 : i32
        %scan3A_821 = arith.addi %scan3A_419, %scan3A_820 : i32
        %mul3A_822 = arith.constant 2 : i32
        %mul3A_823 = arith.muli %mul3A_822, %scan3A_821 : i32
        %add3A_824 = arith.constant 0 : i32
        %add3A_825 = arith.addi %mul3A_823, %add3A_824 : i32
        %get3A_826 = arith.constant 1 : i32
        %get3A_827 = arith.index_cast %get3A_826 : i32 to index
        %get3A_828 = arith.index_cast %add3A_825 : i32 to index
        %get3A_829 = arith.constant 0 : index
        %get3A_830 = tpu.vector_load %arg8[%get3A_827, %get3A_828, %get3A_829] {strides = array<i32>} : memref<4x200x64xf32, #tpu.memory_space<vmem>>, vector<1x1x16xf32>,
        %get3A_831 = vector.shape_cast %get3A_830 : vector<1x1x16xf32> to vector<16xf32>
        %mul3A_832 = arith.constant 3.200000e+01 : f32
        %mul3A_833 = vector.broadcast %mul3A_832 : f32 to vector<16xf32>
        %mul3A_834 = arith.mulf %get3A_831, %mul3A_833 : vector<16xf32>
        %get3A_835 = arith.index_cast %scan3A_821 : i32 to index
        %get3A_836 = arith.constant 0 : index
        %get3A_837 = tpu.vector_load %arg7[%get3A_835, %get3A_836] {strides = array<i32>} : memref<100x128xf32, #tpu.memory_space<vmem>>, vector<1x16xf32>,
        %get3A_838 = vector.shape_cast %get3A_837 : vector<1x16xf32> to vector<16xf32>
        %add3A_839 = arith.addf %mul3A_834, %get3A_838 : vector<16xf32>
        %swap3A_840 = arith.constant 1 : i32
        %swap3A_841 = arith.index_cast %swap3A_840 : i32 to index
        %swap3A_842 = arith.index_cast %scan3A_821 : i32 to index
        %swap3A_843 = arith.constant 0 : index
        %swap3A_844 = tpu.vector_load %arg9[%swap3A_841, %swap3A_842, %swap3A_843] {strides = array<i32>} : memref<2x100x128xf32, #tpu.memory_space<vmem>>, vector<1x1x16xf32>,
        %swap3A_845 = vector.shape_cast %swap3A_844 : vector<1x1x16xf32> to vector<16xf32>
        %swap3A_846 = vector.shape_cast %add3A_839 : vector<16xf32> to vector<1x1x16xf32>
        tpu.vector_store %arg9[%swap3A_841, %swap3A_842, %swap3A_843], %swap3A_846 {strides = array<i32>} : memref<2x100x128xf32, #tpu.memory_space<vmem>>, vector<1x1x16xf32>,
        %mul3A_847 = arith.constant 2 : i32
        %mul3A_848 = arith.muli %mul3A_847, %scan3A_821 : i32
        %add3A_849 = arith.constant 0 : i32
        %add3A_850 = arith.addi %mul3A_848, %add3A_849 : i32
        %get3A_851 = arith.constant 1 : i32
        %get3A_852 = arith.index_cast %get3A_851 : i32 to index
        %get3A_853 = arith.index_cast %add3A_850 : i32 to index
        %get3A_854 = arith.constant 16 : index
        %get3A_855 = tpu.vector_load %arg8[%get3A_852, %get3A_853, %get3A_854] {strides = array<i32>} : memref<4x200x64xf32, #tpu.memory_space<vmem>>, vector<1x1x16xf32>,
        %get3A_856 = vector.shape_cast %get3A_855 : vector<1x1x16xf32> to vector<16xf32>
        %mul3A_857 = arith.constant 3.200000e+01 : f32
        %mul3A_858 = vector.broadcast %mul3A_857 : f32 to vector<16xf32>
        %mul3A_859 = arith.mulf %get3A_856, %mul3A_858 : vector<16xf32>
        %get3A_860 = arith.index_cast %scan3A_821 : i32 to index
        %get3A_861 = arith.constant 16 : index
        %get3A_862 = tpu.vector_load %arg7[%get3A_860, %get3A_861] {strides = array<i32>} : memref<100x128xf32, #tpu.memory_space<vmem>>, vector<1x16xf32>,
        %get3A_863 = vector.shape_cast %get3A_862 : vector<1x16xf32> to vector<16xf32>
        %add3A_864 = arith.addf %mul3A_859, %get3A_863 : vector<16xf32>
        %swap3A_865 = arith.constant 1 : i32
        %swap3A_866 = arith.index_cast %swap3A_865 : i32 to index
        %swap3A_867 = arith.index_cast %scan3A_821 : i32 to index
        %swap3A_868 = arith.constant 16 : index
        %swap3A_869 = tpu.vector_load %arg9[%swap3A_866, %swap3A_867, %swap3A_868] {strides = array<i32>} : memref<2x100x128xf32, #tpu.memory_space<vmem>>, vector<1x1x16xf32>,
        %swap3A_870 = vector.shape_cast %swap3A_869 : vector<1x1x16xf32> to vector<16xf32>
        %swap3A_871 = vector.shape_cast %add3A_864 : vector<16xf32> to vector<1x1x16xf32>
        tpu.vector_store %arg9[%swap3A_866, %swap3A_867, %swap3A_868], %swap3A_871 {strides = array<i32>} : memref<2x100x128xf32, #tpu.memory_space<vmem>>, vector<1x1x16xf32>,
        %mul3A_872 = arith.constant 2 : i32
        %mul3A_873 = arith.muli %mul3A_872, %scan3A_821 : i32
        %add3A_874 = arith.constant 0 : i32
        %add3A_875 = arith.addi %mul3A_873, %add3A_874 : i32
        %get3A_876 = arith.constant 1 : i32
        %get3A_877 = arith.index_cast %get3A_876 : i32 to index
        %get3A_878 = arith.index_cast %add3A_875 : i32 to index
        %get3A_879 = arith.constant 32 : index
        %get3A_880 = tpu.vector_load %arg8[%get3A_877, %get3A_878, %get3A_879] {strides = array<i32>} : memref<4x200x64xf32, #tpu.memory_space<vmem>>, vector<1x1x16xf32>,
        %get3A_881 = vector.shape_cast %get3A_880 : vector<1x1x16xf32> to vector<16xf32>
        %mul3A_882 = arith.constant 3.200000e+01 : f32
        %mul3A_883 = vector.broadcast %mul3A_882 : f32 to vector<16xf32>
        %mul3A_884 = arith.mulf %get3A_881, %mul3A_883 : vector<16xf32>
        %get3A_885 = arith.index_cast %scan3A_821 : i32 to index
        %get3A_886 = arith.constant 32 : index
        %get3A_887 = tpu.vector_load %arg7[%get3A_885, %get3A_886] {strides = array<i32>} : memref<100x128xf32, #tpu.memory_space<vmem>>, vector<1x16xf32>,
        %get3A_888 = vector.shape_cast %get3A_887 : vector<1x16xf32> to vector<16xf32>
        %add3A_889 = arith.addf %mul3A_884, %get3A_888 : vector<16xf32>
        %swap3A_890 = arith.constant 1 : i32
        %swap3A_891 = arith.index_cast %swap3A_890 : i32 to index
        %swap3A_892 = arith.index_cast %scan3A_821 : i32 to index
        %swap3A_893 = arith.constant 32 : index
        %swap3A_894 = tpu.vector_load %arg9[%swap3A_891, %swap3A_892, %swap3A_893] {strides = array<i32>} : memref<2x100x128xf32, #tpu.memory_space<vmem>>, vector<1x1x16xf32>,
        %swap3A_895 = vector.shape_cast %swap3A_894 : vector<1x1x16xf32> to vector<16xf32>
        %swap3A_896 = vector.shape_cast %add3A_889 : vector<16xf32> to vector<1x1x16xf32>
        tpu.vector_store %arg9[%swap3A_891, %swap3A_892, %swap3A_893], %swap3A_896 {strides = array<i32>} : memref<2x100x128xf32, #tpu.memory_space<vmem>>, vector<1x1x16xf32>,
        %mul3A_897 = arith.constant 2 : i32
        %mul3A_898 = arith.muli %mul3A_897, %scan3A_821 : i32
        %add3A_899 = arith.constant 0 : i32
        %add3A_900 = arith.addi %mul3A_898, %add3A_899 : i32
        %get3A_901 = arith.constant 1 : i32
        %get3A_902 = arith.index_cast %get3A_901 : i32 to index
        %get3A_903 = arith.index_cast %add3A_900 : i32 to index
        %get3A_904 = arith.constant 48 : index
        %get3A_905 = tpu.vector_load %arg8[%get3A_902, %get3A_903, %get3A_904] {strides = array<i32>} : memref<4x200x64xf32, #tpu.memory_space<vmem>>, vector<1x1x16xf32>,
        %get3A_906 = vector.shape_cast %get3A_905 : vector<1x1x16xf32> to vector<16xf32>
        %mul3A_907 = arith.constant 3.200000e+01 : f32
        %mul3A_908 = vector.broadcast %mul3A_907 : f32 to vector<16xf32>
        %mul3A_909 = arith.mulf %get3A_906, %mul3A_908 : vector<16xf32>
        %get3A_910 = arith.index_cast %scan3A_821 : i32 to index
        %get3A_911 = arith.constant 48 : index
        %get3A_912 = tpu.vector_load %arg7[%get3A_910, %get3A_911] {strides = array<i32>} : memref<100x128xf32, #tpu.memory_space<vmem>>, vector<1x16xf32>,
        %get3A_913 = vector.shape_cast %get3A_912 : vector<1x16xf32> to vector<16xf32>
        %add3A_914 = arith.addf %mul3A_909, %get3A_913 : vector<16xf32>
        %swap3A_915 = arith.constant 1 : i32
        %swap3A_916 = arith.index_cast %swap3A_915 : i32 to index
        %swap3A_917 = arith.index_cast %scan3A_821 : i32 to index
        %swap3A_918 = arith.constant 48 : index
        %swap3A_919 = tpu.vector_load %arg9[%swap3A_916, %swap3A_917, %swap3A_918] {strides = array<i32>} : memref<2x100x128xf32, #tpu.memory_space<vmem>>, vector<1x1x16xf32>,
        %swap3A_920 = vector.shape_cast %swap3A_919 : vector<1x1x16xf32> to vector<16xf32>
        %swap3A_921 = vector.shape_cast %add3A_914 : vector<16xf32> to vector<1x1x16xf32>
        tpu.vector_store %arg9[%swap3A_916, %swap3A_917, %swap3A_918], %swap3A_921 {strides = array<i32>} : memref<2x100x128xf32, #tpu.memory_space<vmem>>, vector<1x1x16xf32>,
        %mul3A_922 = arith.constant 2 : i32
        %mul3A_923 = arith.muli %mul3A_922, %scan3A_821 : i32
        %add3A_924 = arith.constant 1 : i32
        %add3A_925 = arith.addi %mul3A_923, %add3A_924 : i32
        %get3A_926 = arith.constant 1 : i32
        %get3A_927 = arith.index_cast %get3A_926 : i32 to index
        %get3A_928 = arith.index_cast %add3A_925 : i32 to index
        %get3A_929 = arith.constant 0 : index
        %get3A_930 = tpu.vector_load %arg8[%get3A_927, %get3A_928, %get3A_929] {strides = array<i32>} : memref<4x200x64xf32, #tpu.memory_space<vmem>>, vector<1x1x16xf32>,
        %get3A_931 = vector.shape_cast %get3A_930 : vector<1x1x16xf32> to vector<16xf32>
        %mul3A_932 = arith.constant 3.200000e+01 : f32
        %mul3A_933 = vector.broadcast %mul3A_932 : f32 to vector<16xf32>
        %mul3A_934 = arith.mulf %get3A_931, %mul3A_933 : vector<16xf32>
        %get3A_935 = arith.index_cast %scan3A_821 : i32 to index
        %get3A_936 = arith.constant 64 : index
        %get3A_937 = tpu.vector_load %arg7[%get3A_935, %get3A_936] {strides = array<i32>} : memref<100x128xf32, #tpu.memory_space<vmem>>, vector<1x16xf32>,
        %get3A_938 = vector.shape_cast %get3A_937 : vector<1x16xf32> to vector<16xf32>
        %add3A_939 = arith.addf %mul3A_934, %get3A_938 : vector<16xf32>
        %swap3A_940 = arith.constant 1 : i32
        %swap3A_941 = arith.index_cast %swap3A_940 : i32 to index
        %swap3A_942 = arith.index_cast %scan3A_821 : i32 to index
        %swap3A_943 = arith.constant 64 : index
        %swap3A_944 = tpu.vector_load %arg9[%swap3A_941, %swap3A_942, %swap3A_943] {strides = array<i32>} : memref<2x100x128xf32, #tpu.memory_space<vmem>>, vector<1x1x16xf32>,
        %swap3A_945 = vector.shape_cast %swap3A_944 : vector<1x1x16xf32> to vector<16xf32>
        %swap3A_946 = vector.shape_cast %add3A_939 : vector<16xf32> to vector<1x1x16xf32>
        tpu.vector_store %arg9[%swap3A_941, %swap3A_942, %swap3A_943], %swap3A_946 {strides = array<i32>} : memref<2x100x128xf32, #tpu.memory_space<vmem>>, vector<1x1x16xf32>,
        %mul3A_947 = arith.constant 2 : i32
        %mul3A_948 = arith.muli %mul3A_947, %scan3A_821 : i32
        %add3A_949 = arith.constant 1 : i32
        %add3A_950 = arith.addi %mul3A_948, %add3A_949 : i32
        %get3A_951 = arith.constant 1 : i32
        %get3A_952 = arith.index_cast %get3A_951 : i32 to index
        %get3A_953 = arith.index_cast %add3A_950 : i32 to index
        %get3A_954 = arith.constant 16 : index
        %get3A_955 = tpu.vector_load %arg8[%get3A_952, %get3A_953, %get3A_954] {strides = array<i32>} : memref<4x200x64xf32, #tpu.memory_space<vmem>>, vector<1x1x16xf32>,
        %get3A_956 = vector.shape_cast %get3A_955 : vector<1x1x16xf32> to vector<16xf32>
        %mul3A_957 = arith.constant 3.200000e+01 : f32
        %mul3A_958 = vector.broadcast %mul3A_957 : f32 to vector<16xf32>
        %mul3A_959 = arith.mulf %get3A_956, %mul3A_958 : vector<16xf32>
        %get3A_960 = arith.index_cast %scan3A_821 : i32 to index
        %get3A_961 = arith.constant 80 : index
        %get3A_962 = tpu.vector_load %arg7[%get3A_960, %get3A_961] {strides = array<i32>} : memref<100x128xf32, #tpu.memory_space<vmem>>, vector<1x16xf32>,
        %get3A_963 = vector.shape_cast %get3A_962 : vector<1x16xf32> to vector<16xf32>
        %add3A_964 = arith.addf %mul3A_959, %get3A_963 : vector<16xf32>
        %swap3A_965 = arith.constant 1 : i32
        %swap3A_966 = arith.index_cast %swap3A_965 : i32 to index
        %swap3A_967 = arith.index_cast %scan3A_821 : i32 to index
        %swap3A_968 = arith.constant 80 : index
        %swap3A_969 = tpu.vector_load %arg9[%swap3A_966, %swap3A_967, %swap3A_968] {strides = array<i32>} : memref<2x100x128xf32, #tpu.memory_space<vmem>>, vector<1x1x16xf32>,
        %swap3A_970 = vector.shape_cast %swap3A_969 : vector<1x1x16xf32> to vector<16xf32>
        %swap3A_971 = vector.shape_cast %add3A_964 : vector<16xf32> to vector<1x1x16xf32>
        tpu.vector_store %arg9[%swap3A_966, %swap3A_967, %swap3A_968], %swap3A_971 {strides = array<i32>} : memref<2x100x128xf32, #tpu.memory_space<vmem>>, vector<1x1x16xf32>,
        %mul3A_972 = arith.constant 2 : i32
        %mul3A_973 = arith.muli %mul3A_972, %scan3A_821 : i32
        %add3A_974 = arith.constant 1 : i32
        %add3A_975 = arith.addi %mul3A_973, %add3A_974 : i32
        %get3A_976 = arith.constant 1 : i32
        %get3A_977 = arith.index_cast %get3A_976 : i32 to index
        %get3A_978 = arith.index_cast %add3A_975 : i32 to index
        %get3A_979 = arith.constant 32 : index
        %get3A_980 = tpu.vector_load %arg8[%get3A_977, %get3A_978, %get3A_979] {strides = array<i32>} : memref<4x200x64xf32, #tpu.memory_space<vmem>>, vector<1x1x16xf32>,
        %get3A_981 = vector.shape_cast %get3A_980 : vector<1x1x16xf32> to vector<16xf32>
        %mul3A_982 = arith.constant 3.200000e+01 : f32
        %mul3A_983 = vector.broadcast %mul3A_982 : f32 to vector<16xf32>
        %mul3A_984 = arith.mulf %get3A_981, %mul3A_983 : vector<16xf32>
        %get3A_985 = arith.index_cast %scan3A_821 : i32 to index
        %get3A_986 = arith.constant 96 : index
        %get3A_987 = tpu.vector_load %arg7[%get3A_985, %get3A_986] {strides = array<i32>} : memref<100x128xf32, #tpu.memory_space<vmem>>, vector<1x16xf32>,
        %get3A_988 = vector.shape_cast %get3A_987 : vector<1x16xf32> to vector<16xf32>
        %add3A_989 = arith.addf %mul3A_984, %get3A_988 : vector<16xf32>
        %swap3A_990 = arith.constant 1 : i32
        %swap3A_991 = arith.index_cast %swap3A_990 : i32 to index
        %swap3A_992 = arith.index_cast %scan3A_821 : i32 to index
        %swap3A_993 = arith.constant 96 : index
        %swap3A_994 = tpu.vector_load %arg9[%swap3A_991, %swap3A_992, %swap3A_993] {strides = array<i32>} : memref<2x100x128xf32, #tpu.memory_space<vmem>>, vector<1x1x16xf32>,
        %swap3A_995 = vector.shape_cast %swap3A_994 : vector<1x1x16xf32> to vector<16xf32>
        %swap3A_996 = vector.shape_cast %add3A_989 : vector<16xf32> to vector<1x1x16xf32>
        tpu.vector_store %arg9[%swap3A_991, %swap3A_992, %swap3A_993], %swap3A_996 {strides = array<i32>} : memref<2x100x128xf32, #tpu.memory_space<vmem>>, vector<1x1x16xf32>,
        %mul3A_997 = arith.constant 2 : i32
        %mul3A_998 = arith.muli %mul3A_997, %scan3A_821 : i32
        %add3A_999 = arith.constant 1 : i32
        %add3A_1000 = arith.addi %mul3A_998, %add3A_999 : i32
        %get3A_1001 = arith.constant 1 : i32
        %get3A_1002 = arith.index_cast %get3A_1001 : i32 to index
        %get3A_1003 = arith.index_cast %add3A_1000 : i32 to index
        %get3A_1004 = arith.constant 48 : index
        %get3A_1005 = tpu.vector_load %arg8[%get3A_1002, %get3A_1003, %get3A_1004] {strides = array<i32>} : memref<4x200x64xf32, #tpu.memory_space<vmem>>, vector<1x1x16xf32>,
        %get3A_1006 = vector.shape_cast %get3A_1005 : vector<1x1x16xf32> to vector<16xf32>
        %mul3A_1007 = arith.constant 3.200000e+01 : f32
        %mul3A_1008 = vector.broadcast %mul3A_1007 : f32 to vector<16xf32>
        %mul3A_1009 = arith.mulf %get3A_1006, %mul3A_1008 : vector<16xf32>
        %get3A_1010 = arith.index_cast %scan3A_821 : i32 to index
        %get3A_1011 = arith.constant 112 : index
        %get3A_1012 = tpu.vector_load %arg7[%get3A_1010, %get3A_1011] {strides = array<i32>} : memref<100x128xf32, #tpu.memory_space<vmem>>, vector<1x16xf32>,
        %get3A_1013 = vector.shape_cast %get3A_1012 : vector<1x16xf32> to vector<16xf32>
        %add3A_1014 = arith.addf %mul3A_1009, %get3A_1013 : vector<16xf32>
        %swap3A_1015 = arith.constant 1 : i32
        %swap3A_1016 = arith.index_cast %swap3A_1015 : i32 to index
        %swap3A_1017 = arith.index_cast %scan3A_821 : i32 to index
        %swap3A_1018 = arith.constant 112 : index
        %swap3A_1019 = tpu.vector_load %arg9[%swap3A_1016, %swap3A_1017, %swap3A_1018] {strides = array<i32>} : memref<2x100x128xf32, #tpu.memory_space<vmem>>, vector<1x1x16xf32>,
        %swap3A_1020 = vector.shape_cast %swap3A_1019 : vector<1x1x16xf32> to vector<16xf32>
        %swap3A_1021 = vector.shape_cast %add3A_1014 : vector<16xf32> to vector<1x1x16xf32>
        tpu.vector_store %arg9[%swap3A_1016, %swap3A_1017, %swap3A_1018], %swap3A_1021 {strides = array<i32>} : memref<2x100x128xf32, #tpu.memory_space<vmem>>, vector<1x1x16xf32>,
        %scan3A_1022 = arith.constant 3 : i32
        %scan3A_1023 = arith.addi %scan3A_419, %scan3A_1022 : i32
        %mul3A_1024 = arith.constant 2 : i32
        %mul3A_1025 = arith.muli %mul3A_1024, %scan3A_1023 : i32
        %add3A_1026 = arith.constant 0 : i32
        %add3A_1027 = arith.addi %mul3A_1025, %add3A_1026 : i32
        %get3A_1028 = arith.constant 1 : i32
        %get3A_1029 = arith.index_cast %get3A_1028 : i32 to index
        %get3A_1030 = arith.index_cast %add3A_1027 : i32 to index
        %get3A_1031 = arith.constant 0 : index
        %get3A_1032 = tpu.vector_load %arg8[%get3A_1029, %get3A_1030, %get3A_1031] {strides = array<i32>} : memref<4x200x64xf32, #tpu.memory_space<vmem>>, vector<1x1x16xf32>,
        %get3A_1033 = vector.shape_cast %get3A_1032 : vector<1x1x16xf32> to vector<16xf32>
        %mul3A_1034 = arith.constant 3.200000e+01 : f32
        %mul3A_1035 = vector.broadcast %mul3A_1034 : f32 to vector<16xf32>
        %mul3A_1036 = arith.mulf %get3A_1033, %mul3A_1035 : vector<16xf32>
        %get3A_1037 = arith.index_cast %scan3A_1023 : i32 to index
        %get3A_1038 = arith.constant 0 : index
        %get3A_1039 = tpu.vector_load %arg7[%get3A_1037, %get3A_1038] {strides = array<i32>} : memref<100x128xf32, #tpu.memory_space<vmem>>, vector<1x16xf32>,
        %get3A_1040 = vector.shape_cast %get3A_1039 : vector<1x16xf32> to vector<16xf32>
        %add3A_1041 = arith.addf %mul3A_1036, %get3A_1040 : vector<16xf32>
        %swap3A_1042 = arith.constant 1 : i32
        %swap3A_1043 = arith.index_cast %swap3A_1042 : i32 to index
        %swap3A_1044 = arith.index_cast %scan3A_1023 : i32 to index
        %swap3A_1045 = arith.constant 0 : index
        %swap3A_1046 = tpu.vector_load %arg9[%swap3A_1043, %swap3A_1044, %swap3A_1045] {strides = array<i32>} : memref<2x100x128xf32, #tpu.memory_space<vmem>>, vector<1x1x16xf32>,
        %swap3A_1047 = vector.shape_cast %swap3A_1046 : vector<1x1x16xf32> to vector<16xf32>
        %swap3A_1048 = vector.shape_cast %add3A_1041 : vector<16xf32> to vector<1x1x16xf32>
        tpu.vector_store %arg9[%swap3A_1043, %swap3A_1044, %swap3A_1045], %swap3A_1048 {strides = array<i32>} : memref<2x100x128xf32, #tpu.memory_space<vmem>>, vector<1x1x16xf32>,
        %mul3A_1049 = arith.constant 2 : i32
        %mul3A_1050 = arith.muli %mul3A_1049, %scan3A_1023 : i32
        %add3A_1051 = arith.constant 0 : i32
        %add3A_1052 = arith.addi %mul3A_1050, %add3A_1051 : i32
        %get3A_1053 = arith.constant 1 : i32
        %get3A_1054 = arith.index_cast %get3A_1053 : i32 to index
        %get3A_1055 = arith.index_cast %add3A_1052 : i32 to index
        %get3A_1056 = arith.constant 16 : index
        %get3A_1057 = tpu.vector_load %arg8[%get3A_1054, %get3A_1055, %get3A_1056] {strides = array<i32>} : memref<4x200x64xf32, #tpu.memory_space<vmem>>, vector<1x1x16xf32>,
        %get3A_1058 = vector.shape_cast %get3A_1057 : vector<1x1x16xf32> to vector<16xf32>
        %mul3A_1059 = arith.constant 3.200000e+01 : f32
        %mul3A_1060 = vector.broadcast %mul3A_1059 : f32 to vector<16xf32>
        %mul3A_1061 = arith.mulf %get3A_1058, %mul3A_1060 : vector<16xf32>
        %get3A_1062 = arith.index_cast %scan3A_1023 : i32 to index
        %get3A_1063 = arith.constant 16 : index
        %get3A_1064 = tpu.vector_load %arg7[%get3A_1062, %get3A_1063] {strides = array<i32>} : memref<100x128xf32, #tpu.memory_space<vmem>>, vector<1x16xf32>,
        %get3A_1065 = vector.shape_cast %get3A_1064 : vector<1x16xf32> to vector<16xf32>
        %add3A_1066 = arith.addf %mul3A_1061, %get3A_1065 : vector<16xf32>
        %swap3A_1067 = arith.constant 1 : i32
        %swap3A_1068 = arith.index_cast %swap3A_1067 : i32 to index
        %swap3A_1069 = arith.index_cast %scan3A_1023 : i32 to index
        %swap3A_1070 = arith.constant 16 : index
        %swap3A_1071 = tpu.vector_load %arg9[%swap3A_1068, %swap3A_1069, %swap3A_1070] {strides = array<i32>} : memref<2x100x128xf32, #tpu.memory_space<vmem>>, vector<1x1x16xf32>,
        %swap3A_1072 = vector.shape_cast %swap3A_1071 : vector<1x1x16xf32> to vector<16xf32>
        %swap3A_1073 = vector.shape_cast %add3A_1066 : vector<16xf32> to vector<1x1x16xf32>
        tpu.vector_store %arg9[%swap3A_1068, %swap3A_1069, %swap3A_1070], %swap3A_1073 {strides = array<i32>} : memref<2x100x128xf32, #tpu.memory_space<vmem>>, vector<1x1x16xf32>,
        %mul3A_1074 = arith.constant 2 : i32
        %mul3A_1075 = arith.muli %mul3A_1074, %scan3A_1023 : i32
        %add3A_1076 = arith.constant 0 : i32
        %add3A_1077 = arith.addi %mul3A_1075, %add3A_1076 : i32
        %get3A_1078 = arith.constant 1 : i32
        %get3A_1079 = arith.index_cast %get3A_1078 : i32 to index
        %get3A_1080 = arith.index_cast %add3A_1077 : i32 to index
        %get3A_1081 = arith.constant 32 : index
        %get3A_1082 = tpu.vector_load %arg8[%get3A_1079, %get3A_1080, %get3A_1081] {strides = array<i32>} : memref<4x200x64xf32, #tpu.memory_space<vmem>>, vector<1x1x16xf32>,
        %get3A_1083 = vector.shape_cast %get3A_1082 : vector<1x1x16xf32> to vector<16xf32>
        %mul3A_1084 = arith.constant 3.200000e+01 : f32
        %mul3A_1085 = vector.broadcast %mul3A_1084 : f32 to vector<16xf32>
        %mul3A_1086 = arith.mulf %get3A_1083, %mul3A_1085 : vector<16xf32>
        %get3A_1087 = arith.index_cast %scan3A_1023 : i32 to index
        %get3A_1088 = arith.constant 32 : index
        %get3A_1089 = tpu.vector_load %arg7[%get3A_1087, %get3A_1088] {strides = array<i32>} : memref<100x128xf32, #tpu.memory_space<vmem>>, vector<1x16xf32>,
        %get3A_1090 = vector.shape_cast %get3A_1089 : vector<1x16xf32> to vector<16xf32>
        %add3A_1091 = arith.addf %mul3A_1086, %get3A_1090 : vector<16xf32>
        %swap3A_1092 = arith.constant 1 : i32
        %swap3A_1093 = arith.index_cast %swap3A_1092 : i32 to index
        %swap3A_1094 = arith.index_cast %scan3A_1023 : i32 to index
        %swap3A_1095 = arith.constant 32 : index
        %swap3A_1096 = tpu.vector_load %arg9[%swap3A_1093, %swap3A_1094, %swap3A_1095] {strides = array<i32>} : memref<2x100x128xf32, #tpu.memory_space<vmem>>, vector<1x1x16xf32>,
        %swap3A_1097 = vector.shape_cast %swap3A_1096 : vector<1x1x16xf32> to vector<16xf32>
        %swap3A_1098 = vector.shape_cast %add3A_1091 : vector<16xf32> to vector<1x1x16xf32>
        tpu.vector_store %arg9[%swap3A_1093, %swap3A_1094, %swap3A_1095], %swap3A_1098 {strides = array<i32>} : memref<2x100x128xf32, #tpu.memory_space<vmem>>, vector<1x1x16xf32>,
        %mul3A_1099 = arith.constant 2 : i32
        %mul3A_1100 = arith.muli %mul3A_1099, %scan3A_1023 : i32
        %add3A_1101 = arith.constant 0 : i32
        %add3A_1102 = arith.addi %mul3A_1100, %add3A_1101 : i32
        %get3A_1103 = arith.constant 1 : i32
        %get3A_1104 = arith.index_cast %get3A_1103 : i32 to index
        %get3A_1105 = arith.index_cast %add3A_1102 : i32 to index
        %get3A_1106 = arith.constant 48 : index
        %get3A_1107 = tpu.vector_load %arg8[%get3A_1104, %get3A_1105, %get3A_1106] {strides = array<i32>} : memref<4x200x64xf32, #tpu.memory_space<vmem>>, vector<1x1x16xf32>,
        %get3A_1108 = vector.shape_cast %get3A_1107 : vector<1x1x16xf32> to vector<16xf32>
        %mul3A_1109 = arith.constant 3.200000e+01 : f32
        %mul3A_1110 = vector.broadcast %mul3A_1109 : f32 to vector<16xf32>
        %mul3A_1111 = arith.mulf %get3A_1108, %mul3A_1110 : vector<16xf32>
        %get3A_1112 = arith.index_cast %scan3A_1023 : i32 to index
        %get3A_1113 = arith.constant 48 : index
        %get3A_1114 = tpu.vector_load %arg7[%get3A_1112, %get3A_1113] {strides = array<i32>} : memref<100x128xf32, #tpu.memory_space<vmem>>, vector<1x16xf32>,
        %get3A_1115 = vector.shape_cast %get3A_1114 : vector<1x16xf32> to vector<16xf32>
        %add3A_1116 = arith.addf %mul3A_1111, %get3A_1115 : vector<16xf32>
        %swap3A_1117 = arith.constant 1 : i32
        %swap3A_1118 = arith.index_cast %swap3A_1117 : i32 to index
        %swap3A_1119 = arith.index_cast %scan3A_1023 : i32 to index
        %swap3A_1120 = arith.constant 48 : index
        %swap3A_1121 = tpu.vector_load %arg9[%swap3A_1118, %swap3A_1119, %swap3A_1120] {strides = array<i32>} : memref<2x100x128xf32, #tpu.memory_space<vmem>>, vector<1x1x16xf32>,
        %swap3A_1122 = vector.shape_cast %swap3A_1121 : vector<1x1x16xf32> to vector<16xf32>
        %swap3A_1123 = vector.shape_cast %add3A_1116 : vector<16xf32> to vector<1x1x16xf32>
        tpu.vector_store %arg9[%swap3A_1118, %swap3A_1119, %swap3A_1120], %swap3A_1123 {strides = array<i32>} : memref<2x100x128xf32, #tpu.memory_space<vmem>>, vector<1x1x16xf32>,
        %mul3A_1124 = arith.constant 2 : i32
        %mul3A_1125 = arith.muli %mul3A_1124, %scan3A_1023 : i32
        %add3A_1126 = arith.constant 1 : i32
        %add3A_1127 = arith.addi %mul3A_1125, %add3A_1126 : i32
        %get3A_1128 = arith.constant 1 : i32
        %get3A_1129 = arith.index_cast %get3A_1128 : i32 to index
        %get3A_1130 = arith.index_cast %add3A_1127 : i32 to index
        %get3A_1131 = arith.constant 0 : index
        %get3A_1132 = tpu.vector_load %arg8[%get3A_1129, %get3A_1130, %get3A_1131] {strides = array<i32>} : memref<4x200x64xf32, #tpu.memory_space<vmem>>, vector<1x1x16xf32>,
        %get3A_1133 = vector.shape_cast %get3A_1132 : vector<1x1x16xf32> to vector<16xf32>
        %mul3A_1134 = arith.constant 3.200000e+01 : f32
        %mul3A_1135 = vector.broadcast %mul3A_1134 : f32 to vector<16xf32>
        %mul3A_1136 = arith.mulf %get3A_1133, %mul3A_1135 : vector<16xf32>
        %get3A_1137 = arith.index_cast %scan3A_1023 : i32 to index
        %get3A_1138 = arith.constant 64 : index
        %get3A_1139 = tpu.vector_load %arg7[%get3A_1137, %get3A_1138] {strides = array<i32>} : memref<100x128xf32, #tpu.memory_space<vmem>>, vector<1x16xf32>,
        %get3A_1140 = vector.shape_cast %get3A_1139 : vector<1x16xf32> to vector<16xf32>
        %add3A_1141 = arith.addf %mul3A_1136, %get3A_1140 : vector<16xf32>
        %swap3A_1142 = arith.constant 1 : i32
        %swap3A_1143 = arith.index_cast %swap3A_1142 : i32 to index
        %swap3A_1144 = arith.index_cast %scan3A_1023 : i32 to index
        %swap3A_1145 = arith.constant 64 : index
        %swap3A_1146 = tpu.vector_load %arg9[%swap3A_1143, %swap3A_1144, %swap3A_1145] {strides = array<i32>} : memref<2x100x128xf32, #tpu.memory_space<vmem>>, vector<1x1x16xf32>,
        %swap3A_1147 = vector.shape_cast %swap3A_1146 : vector<1x1x16xf32> to vector<16xf32>
        %swap3A_1148 = vector.shape_cast %add3A_1141 : vector<16xf32> to vector<1x1x16xf32>
        tpu.vector_store %arg9[%swap3A_1143, %swap3A_1144, %swap3A_1145], %swap3A_1148 {strides = array<i32>} : memref<2x100x128xf32, #tpu.memory_space<vmem>>, vector<1x1x16xf32>,
        %mul3A_1149 = arith.constant 2 : i32
        %mul3A_1150 = arith.muli %mul3A_1149, %scan3A_1023 : i32
        %add3A_1151 = arith.constant 1 : i32
        %add3A_1152 = arith.addi %mul3A_1150, %add3A_1151 : i32
        %get3A_1153 = arith.constant 1 : i32
        %get3A_1154 = arith.index_cast %get3A_1153 : i32 to index
        %get3A_1155 = arith.index_cast %add3A_1152 : i32 to index
        %get3A_1156 = arith.constant 16 : index
        %get3A_1157 = tpu.vector_load %arg8[%get3A_1154, %get3A_1155, %get3A_1156] {strides = array<i32>} : memref<4x200x64xf32, #tpu.memory_space<vmem>>, vector<1x1x16xf32>,
        %get3A_1158 = vector.shape_cast %get3A_1157 : vector<1x1x16xf32> to vector<16xf32>
        %mul3A_1159 = arith.constant 3.200000e+01 : f32
        %mul3A_1160 = vector.broadcast %mul3A_1159 : f32 to vector<16xf32>
        %mul3A_1161 = arith.mulf %get3A_1158, %mul3A_1160 : vector<16xf32>
        %get3A_1162 = arith.index_cast %scan3A_1023 : i32 to index
        %get3A_1163 = arith.constant 80 : index
        %get3A_1164 = tpu.vector_load %arg7[%get3A_1162, %get3A_1163] {strides = array<i32>} : memref<100x128xf32, #tpu.memory_space<vmem>>, vector<1x16xf32>,
        %get3A_1165 = vector.shape_cast %get3A_1164 : vector<1x16xf32> to vector<16xf32>
        %add3A_1166 = arith.addf %mul3A_1161, %get3A_1165 : vector<16xf32>
        %swap3A_1167 = arith.constant 1 : i32
        %swap3A_1168 = arith.index_cast %swap3A_1167 : i32 to index
        %swap3A_1169 = arith.index_cast %scan3A_1023 : i32 to index
        %swap3A_1170 = arith.constant 80 : index
        %swap3A_1171 = tpu.vector_load %arg9[%swap3A_1168, %swap3A_1169, %swap3A_1170] {strides = array<i32>} : memref<2x100x128xf32, #tpu.memory_space<vmem>>, vector<1x1x16xf32>,
        %swap3A_1172 = vector.shape_cast %swap3A_1171 : vector<1x1x16xf32> to vector<16xf32>
        %swap3A_1173 = vector.shape_cast %add3A_1166 : vector<16xf32> to vector<1x1x16xf32>
        tpu.vector_store %arg9[%swap3A_1168, %swap3A_1169, %swap3A_1170], %swap3A_1173 {strides = array<i32>} : memref<2x100x128xf32, #tpu.memory_space<vmem>>, vector<1x1x16xf32>,
        %mul3A_1174 = arith.constant 2 : i32
        %mul3A_1175 = arith.muli %mul3A_1174, %scan3A_1023 : i32
        %add3A_1176 = arith.constant 1 : i32
        %add3A_1177 = arith.addi %mul3A_1175, %add3A_1176 : i32
        %get3A_1178 = arith.constant 1 : i32
        %get3A_1179 = arith.index_cast %get3A_1178 : i32 to index
        %get3A_1180 = arith.index_cast %add3A_1177 : i32 to index
        %get3A_1181 = arith.constant 32 : index
        %get3A_1182 = tpu.vector_load %arg8[%get3A_1179, %get3A_1180, %get3A_1181] {strides = array<i32>} : memref<4x200x64xf32, #tpu.memory_space<vmem>>, vector<1x1x16xf32>,
        %get3A_1183 = vector.shape_cast %get3A_1182 : vector<1x1x16xf32> to vector<16xf32>
        %mul3A_1184 = arith.constant 3.200000e+01 : f32
        %mul3A_1185 = vector.broadcast %mul3A_1184 : f32 to vector<16xf32>
        %mul3A_1186 = arith.mulf %get3A_1183, %mul3A_1185 : vector<16xf32>
        %get3A_1187 = arith.index_cast %scan3A_1023 : i32 to index
        %get3A_1188 = arith.constant 96 : index
        %get3A_1189 = tpu.vector_load %arg7[%get3A_1187, %get3A_1188] {strides = array<i32>} : memref<100x128xf32, #tpu.memory_space<vmem>>, vector<1x16xf32>,
        %get3A_1190 = vector.shape_cast %get3A_1189 : vector<1x16xf32> to vector<16xf32>
        %add3A_1191 = arith.addf %mul3A_1186, %get3A_1190 : vector<16xf32>
        %swap3A_1192 = arith.constant 1 : i32
        %swap3A_1193 = arith.index_cast %swap3A_1192 : i32 to index
        %swap3A_1194 = arith.index_cast %scan3A_1023 : i32 to index
        %swap3A_1195 = arith.constant 96 : index
        %swap3A_1196 = tpu.vector_load %arg9[%swap3A_1193, %swap3A_1194, %swap3A_1195] {strides = array<i32>} : memref<2x100x128xf32, #tpu.memory_space<vmem>>, vector<1x1x16xf32>,
        %swap3A_1197 = vector.shape_cast %swap3A_1196 : vector<1x1x16xf32> to vector<16xf32>
        %swap3A_1198 = vector.shape_cast %add3A_1191 : vector<16xf32> to vector<1x1x16xf32>
        tpu.vector_store %arg9[%swap3A_1193, %swap3A_1194, %swap3A_1195], %swap3A_1198 {strides = array<i32>} : memref<2x100x128xf32, #tpu.memory_space<vmem>>, vector<1x1x16xf32>,
        %mul3A_1199 = arith.constant 2 : i32
        %mul3A_1200 = arith.muli %mul3A_1199, %scan3A_1023 : i32
        %add3A_1201 = arith.constant 1 : i32
        %add3A_1202 = arith.addi %mul3A_1200, %add3A_1201 : i32
        %get3A_1203 = arith.constant 1 : i32
        %get3A_1204 = arith.index_cast %get3A_1203 : i32 to index
        %get3A_1205 = arith.index_cast %add3A_1202 : i32 to index
        %get3A_1206 = arith.constant 48 : index
        %get3A_1207 = tpu.vector_load %arg8[%get3A_1204, %get3A_1205, %get3A_1206] {strides = array<i32>} : memref<4x200x64xf32, #tpu.memory_space<vmem>>, vector<1x1x16xf32>,
        %get3A_1208 = vector.shape_cast %get3A_1207 : vector<1x1x16xf32> to vector<16xf32>
        %mul3A_1209 = arith.constant 3.200000e+01 : f32
        %mul3A_1210 = vector.broadcast %mul3A_1209 : f32 to vector<16xf32>
        %mul3A_1211 = arith.mulf %get3A_1208, %mul3A_1210 : vector<16xf32>
        %get3A_1212 = arith.index_cast %scan3A_1023 : i32 to index
        %get3A_1213 = arith.constant 112 : index
        %get3A_1214 = tpu.vector_load %arg7[%get3A_1212, %get3A_1213] {strides = array<i32>} : memref<100x128xf32, #tpu.memory_space<vmem>>, vector<1x16xf32>,
        %get3A_1215 = vector.shape_cast %get3A_1214 : vector<1x16xf32> to vector<16xf32>
        %add3A_1216 = arith.addf %mul3A_1211, %get3A_1215 : vector<16xf32>
        %swap3A_1217 = arith.constant 1 : i32
        %swap3A_1218 = arith.index_cast %swap3A_1217 : i32 to index
        %swap3A_1219 = arith.index_cast %scan3A_1023 : i32 to index
        %swap3A_1220 = arith.constant 112 : index
        %swap3A_1221 = tpu.vector_load %arg9[%swap3A_1218, %swap3A_1219, %swap3A_1220] {strides = array<i32>} : memref<2x100x128xf32, #tpu.memory_space<vmem>>, vector<1x1x16xf32>,
        %swap3A_1222 = vector.shape_cast %swap3A_1221 : vector<1x1x16xf32> to vector<16xf32>
        %swap3A_1223 = vector.shape_cast %add3A_1216 : vector<16xf32> to vector<1x1x16xf32>
        tpu.vector_store %arg9[%swap3A_1218, %swap3A_1219, %swap3A_1220], %swap3A_1223 {strides = array<i32>} : memref<2x100x128xf32, #tpu.memory_space<vmem>>, vector<1x1x16xf32>,
      }
      %scan3A_255 = arith.constant 100 : i32
      %add3A_256 = arith.addi %mul3A_2, %add3A_209 : i32
      %dma_start3A_257 = arith.constant 1 : i32
      %dma_start3A_258 = arith.constant 1 : i32
      %dma_start3A_259 = arith.constant 0 : i32
      %dma_start3A_260 = arith.constant 0 : i32
      %dma_start3A_261 = tpu.memref_slice %arg9[%dma_start3A_257, %dma_start3A_259, %dma_start3A_260] : memref<2x100x128xf32, #tpu.memory_space<vmem>> -> memref<1x100x128xf32, #tpu.memory_space<vmem>>
      %dma_start3A_262 = tpu.memref_squeeze %dma_start3A_261 : memref<1x100x128xf32, #tpu.memory_space<vmem>> -> memref<100x128xf32, #tpu.memory_space<vmem>>
      %dma_start3A_263 = arith.constant 0 : i32
      %dma_start3A_264 = arith.constant 0 : i32
      %dma_start3A_265 = tpu.memref_slice %arg5[%add3A_256, %dma_start3A_263, %dma_start3A_264] : memref<4096x100x128xf32, #tpu.memory_space<hbm>> -> memref<1x100x128xf32, #tpu.memory_space<hbm>>
      %dma_start3A_266 = tpu.memref_squeeze %dma_start3A_265 : memref<1x100x128xf32, #tpu.memory_space<hbm>> -> memref<100x128xf32, #tpu.memory_space<hbm>>
      %dma_start3A_267 = tpu.memref_slice %arg11[%dma_start3A_258] : memref<2x!tpu.dma_semaphore, #tpu.memory_space<semaphore_mem>> -> memref<1x!tpu.dma_semaphore, #tpu.memory_space<semaphore_mem>>
      %dma_start3A_268 = tpu.memref_squeeze %dma_start3A_267 : memref<1x!tpu.dma_semaphore, #tpu.memory_space<semaphore_mem>> -> memref<!tpu.dma_semaphore, #tpu.memory_space<semaphore_mem>>
      %dma_start3A_269 = arith.constant 0 : i32
      %dma_start3A_270 = arith.constant 0 : i32
      %dma_start3A_271 = tpu.memref_slice %arg5[%add3A_256, %dma_start3A_269, %dma_start3A_270] : memref<4096x100x128xf32, #tpu.memory_space<hbm>> -> memref<1x100x128xf32, #tpu.memory_space<hbm>>
      %dma_start3A_272 = tpu.memref_squeeze %dma_start3A_271 : memref<1x100x128xf32, #tpu.memory_space<hbm>> -> memref<100x128xf32, #tpu.memory_space<hbm>>
      %dma_start3A_273 = arith.constant 0 : i32
      %dma_start3A_274 = arith.constant 0 : i32
      %dma_start3A_275 = tpu.memref_slice %arg9[%dma_start3A_257, %dma_start3A_273, %dma_start3A_274] : memref<2x100x128xf32, #tpu.memory_space<vmem>> -> memref<1x100x128xf32, #tpu.memory_space<vmem>>
      %dma_start3A_276 = tpu.memref_squeeze %dma_start3A_275 : memref<1x100x128xf32, #tpu.memory_space<vmem>> -> memref<100x128xf32, #tpu.memory_space<vmem>>
      tpu.enqueue_dma source(%dma_start3A_276 : memref<100x128xf32, #tpu.memory_space<vmem>>) target(%dma_start3A_272 : memref<100x128xf32, #tpu.memory_space<hbm>>) target_semaphore(%dma_start3A_268 : memref<!tpu.dma_semaphore, #tpu.memory_space<semaphore_mem>>)
      %mul3A_277 = arith.constant 4 : i32
      %mul3A_278 = arith.muli %scan3A_138, %mul3A_277 : i32
      %add3A_279 = arith.constant 2 : i32
      %add3A_280 = arith.addi %mul3A_278, %add3A_279 : i32
      %add3A_281 = arith.constant 3 : i32
      %add3A_282 = arith.addi %add3A_280, %add3A_281 : i32
      %lt3A_283 = arith.constant 128 : i32
      %lt3A_284 = arith.cmpi slt, %add3A_282, %lt3A_283 : i32
      %convert_element_type3A_285 = arith.extui %lt3A_284 : i1 to i32
      %cond3A_286 = arith.constant 0 : i32
      %cond3A_287 = arith.cmpi ne, %convert_element_type3A_285, %cond3A_286 : i32
      scf.if %cond3A_287 {
        %add3A_419 = arith.constant 3 : i32
        %add3A_420 = arith.addi %add3A_280, %add3A_419 : i32
        %dma_start3A_421 = arith.constant 1 : i32
        %dma_start3A_422 = arith.constant 1 : i32
        %dma_start3A_423 = arith.constant 0 : i32
        %dma_start3A_424 = arith.constant 0 : i32
        %dma_start3A_425 = tpu.memref_slice %arg8[%dma_start3A_421, %dma_start3A_423, %dma_start3A_424] : memref<4x200x64xf32, #tpu.memory_space<vmem>> -> memref<1x128x64xf32, #tpu.memory_space<vmem>>
        %dma_start3A_426 = tpu.memref_squeeze %dma_start3A_425 : memref<1x128x64xf32, #tpu.memory_space<vmem>> -> memref<128x64xf32, #tpu.memory_space<vmem>>
        %dma_start3A_427 = arith.constant 0 : i32
        %dma_start3A_428 = tpu.memref_slice %arg6[%add3A_420, %dma_start3A_427] : memref<128x200xi32, #tpu.memory_space<vmem>> -> memref<1x128xi32, #tpu.memory_space<vmem>>
        %dma_start3A_429 = tpu.memref_squeeze %dma_start3A_428 : memref<1x128xi32, #tpu.memory_space<vmem>> -> memref<128xi32, #tpu.memory_space<vmem>>
        %dma_start3A_430 = arith.constant 0 : i32
        %dma_start3A_431 = arith.constant 0 : i32
        %dma_start3A_432 = tpu.memref_slice %arg3[%dma_start3A_430, %dma_start3A_431] : memref<1000000x64xf32, #tpu.memory_space<hbm>> -> memref<1000000x64xf32, #tpu.memory_space<hbm>>
        %dma_start3A_433 = tpu.memref_slice %arg10[%dma_start3A_422] : memref<4x!tpu.dma_semaphore, #tpu.memory_space<semaphore_mem>> -> memref<1x!tpu.dma_semaphore, #tpu.memory_space<semaphore_mem>>
        %dma_start3A_434 = tpu.memref_squeeze %dma_start3A_433 : memref<1x!tpu.dma_semaphore, #tpu.memory_space<semaphore_mem>> -> memref<!tpu.dma_semaphore, #tpu.memory_space<semaphore_mem>>
        tpu.enqueue_indirect_dma source(%dma_start3A_432 : memref<1000000x64xf32, #tpu.memory_space<hbm>>) target(%dma_start3A_426 : memref<128x64xf32, #tpu.memory_space<vmem>>) offsets(%dma_start3A_429 : memref<128xi32, #tpu.memory_space<vmem>>) semaphore(%dma_start3A_434 : memref<!tpu.dma_semaphore, #tpu.memory_space<semaphore_mem>>)
        %dma_start3A_435 = arith.constant 1 : i32
        %dma_start3A_436 = arith.constant 1 : i32
        %dma_start3A_437 = arith.constant 128 : i32
        %dma_start3A_438 = arith.constant 0 : i32
        %dma_start3A_439 = tpu.memref_slice %arg8[%dma_start3A_435, %dma_start3A_437, %dma_start3A_438] : memref<4x200x64xf32, #tpu.memory_space<vmem>> -> memref<1x72x64xf32, #tpu.memory_space<vmem>>
        %dma_start3A_440 = tpu.memref_squeeze %dma_start3A_439 : memref<1x72x64xf32, #tpu.memory_space<vmem>> -> memref<72x64xf32, #tpu.memory_space<vmem>>
        %dma_start3A_441 = arith.constant 128 : i32
        %dma_start3A_442 = tpu.memref_slice %arg6[%add3A_420, %dma_start3A_441] : memref<128x200xi32, #tpu.memory_space<vmem>> -> memref<1x72xi32, #tpu.memory_space<vmem>>
        %dma_start3A_443 = tpu.memref_squeeze %dma_start3A_442 : memref<1x72xi32, #tpu.memory_space<vmem>> -> memref<72xi32, #tpu.memory_space<vmem>>
        %dma_start3A_444 = arith.constant 0 : i32
        %dma_start3A_445 = arith.constant 0 : i32
        %dma_start3A_446 = tpu.memref_slice %arg3[%dma_start3A_444, %dma_start3A_445] : memref<1000000x64xf32, #tpu.memory_space<hbm>> -> memref<1000000x64xf32, #tpu.memory_space<hbm>>
        %dma_start3A_447 = tpu.memref_slice %arg10[%dma_start3A_436] : memref<4x!tpu.dma_semaphore, #tpu.memory_space<semaphore_mem>> -> memref<1x!tpu.dma_semaphore, #tpu.memory_space<semaphore_mem>>
        %dma_start3A_448 = tpu.memref_squeeze %dma_start3A_447 : memref<1x!tpu.dma_semaphore, #tpu.memory_space<semaphore_mem>> -> memref<!tpu.dma_semaphore, #tpu.memory_space<semaphore_mem>>
        tpu.enqueue_indirect_dma source(%dma_start3A_446 : memref<1000000x64xf32, #tpu.memory_space<hbm>>) target(%dma_start3A_440 : memref<72x64xf32, #tpu.memory_space<vmem>>) offsets(%dma_start3A_443 : memref<72xi32, #tpu.memory_space<vmem>>) semaphore(%dma_start3A_448 : memref<!tpu.dma_semaphore, #tpu.memory_space<semaphore_mem>>)
      } else {
      }
      %dma_wait3A_288 = arith.constant 2 : i32
      %dma_wait3A_289 = arith.constant 2 : i32
      %dma_wait3A_290 = arith.constant 0 : i32
      %dma_wait3A_291 = arith.constant 0 : i32
      %dma_wait3A_292 = tpu.memref_slice %arg8[%dma_wait3A_288, %dma_wait3A_290, %dma_wait3A_291] : memref<4x200x64xf32, #tpu.memory_space<vmem>> -> memref<1x128x64xf32, #tpu.memory_space<vmem>>
      %dma_wait3A_293 = tpu.memref_squeeze %dma_wait3A_292 : memref<1x128x64xf32, #tpu.memory_space<vmem>> -> memref<128x64xf32, #tpu.memory_space<vmem>>
      %dma_wait3A_294 = arith.constant 0 : i32
      %dma_wait3A_295 = tpu.memref_slice %arg6[%add3A_280, %dma_wait3A_294] : memref<128x200xi32, #tpu.memory_space<vmem>> -> memref<1x128xi32, #tpu.memory_space<vmem>>
      %dma_wait3A_296 = tpu.memref_squeeze %dma_wait3A_295 : memref<1x128xi32, #tpu.memory_space<vmem>> -> memref<128xi32, #tpu.memory_space<vmem>>
      %dma_wait3A_297 = arith.constant 0 : i32
      %dma_wait3A_298 = arith.constant 0 : i32
      %dma_wait3A_299 = tpu.memref_slice %arg3[%dma_wait3A_297, %dma_wait3A_298] : memref<1000000x64xf32, #tpu.memory_space<hbm>> -> memref<1000000x64xf32, #tpu.memory_space<hbm>>
      %dma_wait3A_300 = tpu.memref_slice %arg10[%dma_wait3A_289] : memref<4x!tpu.dma_semaphore, #tpu.memory_space<semaphore_mem>> -> memref<1x!tpu.dma_semaphore, #tpu.memory_space<semaphore_mem>>
      %dma_wait3A_301 = tpu.memref_squeeze %dma_wait3A_300 : memref<1x!tpu.dma_semaphore, #tpu.memory_space<semaphore_mem>> -> memref<!tpu.dma_semaphore, #tpu.memory_space<semaphore_mem>>
      tpu.wait_indirect_dma semaphore(%dma_wait3A_301 : memref<!tpu.dma_semaphore, #tpu.memory_space<semaphore_mem>>) src(%dma_wait3A_299 : memref<1000000x64xf32, #tpu.memory_space<hbm>>) dst(%dma_wait3A_293 : memref<128x64xf32, #tpu.memory_space<vmem>>)
      %dma_wait3A_302 = arith.constant 2 : i32
      %dma_wait3A_303 = arith.constant 2 : i32
      %dma_wait3A_304 = arith.constant 128 : i32
      %dma_wait3A_305 = arith.constant 0 : i32
      %dma_wait3A_306 = tpu.memref_slice %arg8[%dma_wait3A_302, %dma_wait3A_304, %dma_wait3A_305] : memref<4x200x64xf32, #tpu.memory_space<vmem>> -> memref<1x72x64xf32, #tpu.memory_space<vmem>>
      %dma_wait3A_307 = tpu.memref_squeeze %dma_wait3A_306 : memref<1x72x64xf32, #tpu.memory_space<vmem>> -> memref<72x64xf32, #tpu.memory_space<vmem>>
      %dma_wait3A_308 = arith.constant 128 : i32
      %dma_wait3A_309 = tpu.memref_slice %arg6[%add3A_280, %dma_wait3A_308] : memref<128x200xi32, #tpu.memory_space<vmem>> -> memref<1x72xi32, #tpu.memory_space<vmem>>
      %dma_wait3A_310 = tpu.memref_squeeze %dma_wait3A_309 : memref<1x72xi32, #tpu.memory_space<vmem>> -> memref<72xi32, #tpu.memory_space<vmem>>
      %dma_wait3A_311 = arith.constant 0 : i32
      %dma_wait3A_312 = arith.constant 0 : i32
      %dma_wait3A_313 = tpu.memref_slice %arg3[%dma_wait3A_311, %dma_wait3A_312] : memref<1000000x64xf32, #tpu.memory_space<hbm>> -> memref<1000000x64xf32, #tpu.memory_space<hbm>>
      %dma_wait3A_314 = tpu.memref_slice %arg10[%dma_wait3A_303] : memref<4x!tpu.dma_semaphore, #tpu.memory_space<semaphore_mem>> -> memref<1x!tpu.dma_semaphore, #tpu.memory_space<semaphore_mem>>
      %dma_wait3A_315 = tpu.memref_squeeze %dma_wait3A_314 : memref<1x!tpu.dma_semaphore, #tpu.memory_space<semaphore_mem>> -> memref<!tpu.dma_semaphore, #tpu.memory_space<semaphore_mem>>
      tpu.wait_indirect_dma semaphore(%dma_wait3A_315 : memref<!tpu.dma_semaphore, #tpu.memory_space<semaphore_mem>>) src(%dma_wait3A_313 : memref<1000000x64xf32, #tpu.memory_space<hbm>>) dst(%dma_wait3A_307 : memref<72x64xf32, #tpu.memory_space<vmem>>)
      %ge3A_316 = arith.constant 2 : i32
      %ge3A_317 = arith.cmpi sge, %add3A_280, %ge3A_316 : i32
      %convert_element_type3A_318 = arith.extui %ge3A_317 : i1 to i32
      %cond3A_319 = arith.constant 0 : i32
      %cond3A_320 = arith.cmpi ne, %convert_element_type3A_318, %cond3A_319 : i32
      scf.if %cond3A_320 {
        %dma_wait3A_419 = arith.constant 0 : i32
        %dma_wait3A_420 = arith.constant 0 : i32
        %dma_wait3A_421 = arith.constant 0 : i32
        %dma_wait3A_422 = arith.constant 0 : i32
        %dma_wait3A_423 = arith.constant 0 : i32
        %dma_wait3A_424 = tpu.memref_slice %arg9[%dma_wait3A_419, %dma_wait3A_422, %dma_wait3A_423] : memref<2x100x128xf32, #tpu.memory_space<vmem>> -> memref<1x100x128xf32, #tpu.memory_space<vmem>>
        %dma_wait3A_425 = tpu.memref_squeeze %dma_wait3A_424 : memref<1x100x128xf32, #tpu.memory_space<vmem>> -> memref<100x128xf32, #tpu.memory_space<vmem>>
        %dma_wait3A_426 = arith.constant 0 : i32
        %dma_wait3A_427 = arith.constant 0 : i32
        %dma_wait3A_428 = tpu.memref_slice %arg5[%dma_wait3A_420, %dma_wait3A_426, %dma_wait3A_427] : memref<4096x100x128xf32, #tpu.memory_space<hbm>> -> memref<1x100x128xf32, #tpu.memory_space<hbm>>
        %dma_wait3A_429 = tpu.memref_squeeze %dma_wait3A_428 : memref<1x100x128xf32, #tpu.memory_space<hbm>> -> memref<100x128xf32, #tpu.memory_space<hbm>>
        %dma_wait3A_430 = tpu.memref_slice %arg11[%dma_wait3A_421] : memref<2x!tpu.dma_semaphore, #tpu.memory_space<semaphore_mem>> -> memref<1x!tpu.dma_semaphore, #tpu.memory_space<semaphore_mem>>
        %dma_wait3A_431 = tpu.memref_squeeze %dma_wait3A_430 : memref<1x!tpu.dma_semaphore, #tpu.memory_space<semaphore_mem>> -> memref<!tpu.dma_semaphore, #tpu.memory_space<semaphore_mem>>
        %dma_wait3A_432 = arith.constant 0 : i32
        %dma_wait3A_433 = arith.constant 0 : i32
        %dma_wait3A_434 = tpu.memref_slice %arg5[%dma_wait3A_420, %dma_wait3A_432, %dma_wait3A_433] : memref<4096x100x128xf32, #tpu.memory_space<hbm>> -> memref<1x100x128xf32, #tpu.memory_space<hbm>>
        %dma_wait3A_435 = tpu.memref_squeeze %dma_wait3A_434 : memref<1x100x128xf32, #tpu.memory_space<hbm>> -> memref<100x128xf32, #tpu.memory_space<hbm>>
        %dma_wait3A_436 = arith.constant 0 : i32
        %dma_wait3A_437 = arith.constant 0 : i32
        %dma_wait3A_438 = tpu.memref_slice %arg9[%dma_wait3A_419, %dma_wait3A_436, %dma_wait3A_437] : memref<2x100x128xf32, #tpu.memory_space<vmem>> -> memref<1x100x128xf32, #tpu.memory_space<vmem>>
        %dma_wait3A_439 = tpu.memref_squeeze %dma_wait3A_438 : memref<1x100x128xf32, #tpu.memory_space<vmem>> -> memref<100x128xf32, #tpu.memory_space<vmem>>
        tpu.wait_dma2 semaphore(%dma_wait3A_431 : memref<!tpu.dma_semaphore, #tpu.memory_space<semaphore_mem>>) src(%dma_wait3A_439 : memref<100x128xf32, #tpu.memory_space<vmem>>) dst(%dma_wait3A_435 : memref<100x128xf32, #tpu.memory_space<hbm>>)
      } else {
      }
      %scan3A_321 = arith.constant 0 : i32
      %scan3A_322 = arith.constant 0 : i32
      %scan3A_323 = arith.constant 100 : i32
      %scan3A_324 = arith.addi %scan3A_322, %scan3A_323 : i32
      %scan3A_325 = arith.constant 4 : i32
      scf.for %scan3A_419 = %scan3A_322 to %scan3A_324 step %scan3A_325  : i32 {
        %mul3A_420 = arith.constant 2 : i32
        %mul3A_421 = arith.muli %mul3A_420, %scan3A_419 : i32
        %add3A_422 = arith.constant 0 : i32
        %add3A_423 = arith.addi %mul3A_421, %add3A_422 : i32
        %get3A = arith.constant 2 : i32
        %get3A_424 = arith.index_cast %get3A : i32 to index
        %get3A_425 = arith.index_cast %add3A_423 : i32 to index
        %get3A_426 = arith.constant 0 : index
        %get3A_427 = tpu.vector_load %arg8[%get3A_424, %get3A_425, %get3A_426] {strides = array<i32>} : memref<4x200x64xf32, #tpu.memory_space<vmem>>, vector<1x1x16xf32>,
        %get3A_428 = vector.shape_cast %get3A_427 : vector<1x1x16xf32> to vector<16xf32>
        %mul3A_429 = arith.constant 3.200000e+01 : f32
        %mul3A_430 = vector.broadcast %mul3A_429 : f32 to vector<16xf32>
        %mul3A_431 = arith.mulf %get3A_428, %mul3A_430 : vector<16xf32>
        %get3A_432 = arith.index_cast %scan3A_419 : i32 to index
        %get3A_433 = arith.constant 0 : index
        %get3A_434 = tpu.vector_load %arg7[%get3A_432, %get3A_433] {strides = array<i32>} : memref<100x128xf32, #tpu.memory_space<vmem>>, vector<1x16xf32>,
        %get3A_435 = vector.shape_cast %get3A_434 : vector<1x16xf32> to vector<16xf32>
        %add3A_436 = arith.addf %mul3A_431, %get3A_435 : vector<16xf32>
        %swap3A = arith.constant 0 : i32
        %swap3A_437 = arith.index_cast %swap3A : i32 to index
        %swap3A_438 = arith.index_cast %scan3A_419 : i32 to index
        %swap3A_439 = arith.constant 0 : index
        %swap3A_440 = tpu.vector_load %arg9[%swap3A_437, %swap3A_438, %swap3A_439] {strides = array<i32>} : memref<2x100x128xf32, #tpu.memory_space<vmem>>, vector<1x1x16xf32>,
        %swap3A_441 = vector.shape_cast %swap3A_440 : vector<1x1x16xf32> to vector<16xf32>
        %swap3A_442 = vector.shape_cast %add3A_436 : vector<16xf32> to vector<1x1x16xf32>
        tpu.vector_store %arg9[%swap3A_437, %swap3A_438, %swap3A_439], %swap3A_442 {strides = array<i32>} : memref<2x100x128xf32, #tpu.memory_space<vmem>>, vector<1x1x16xf32>,
        %mul3A_443 = arith.constant 2 : i32
        %mul3A_444 = arith.muli %mul3A_443, %scan3A_419 : i32
        %add3A_445 = arith.constant 0 : i32
        %add3A_446 = arith.addi %mul3A_444, %add3A_445 : i32
        %get3A_447 = arith.constant 2 : i32
        %get3A_448 = arith.index_cast %get3A_447 : i32 to index
        %get3A_449 = arith.index_cast %add3A_446 : i32 to index
        %get3A_450 = arith.constant 16 : index
        %get3A_451 = tpu.vector_load %arg8[%get3A_448, %get3A_449, %get3A_450] {strides = array<i32>} : memref<4x200x64xf32, #tpu.memory_space<vmem>>, vector<1x1x16xf32>,
        %get3A_452 = vector.shape_cast %get3A_451 : vector<1x1x16xf32> to vector<16xf32>
        %mul3A_453 = arith.constant 3.200000e+01 : f32
        %mul3A_454 = vector.broadcast %mul3A_453 : f32 to vector<16xf32>
        %mul3A_455 = arith.mulf %get3A_452, %mul3A_454 : vector<16xf32>
        %get3A_456 = arith.index_cast %scan3A_419 : i32 to index
        %get3A_457 = arith.constant 16 : index
        %get3A_458 = tpu.vector_load %arg7[%get3A_456, %get3A_457] {strides = array<i32>} : memref<100x128xf32, #tpu.memory_space<vmem>>, vector<1x16xf32>,
        %get3A_459 = vector.shape_cast %get3A_458 : vector<1x16xf32> to vector<16xf32>
        %add3A_460 = arith.addf %mul3A_455, %get3A_459 : vector<16xf32>
        %swap3A_461 = arith.constant 0 : i32
        %swap3A_462 = arith.index_cast %swap3A_461 : i32 to index
        %swap3A_463 = arith.index_cast %scan3A_419 : i32 to index
        %swap3A_464 = arith.constant 16 : index
        %swap3A_465 = tpu.vector_load %arg9[%swap3A_462, %swap3A_463, %swap3A_464] {strides = array<i32>} : memref<2x100x128xf32, #tpu.memory_space<vmem>>, vector<1x1x16xf32>,
        %swap3A_466 = vector.shape_cast %swap3A_465 : vector<1x1x16xf32> to vector<16xf32>
        %swap3A_467 = vector.shape_cast %add3A_460 : vector<16xf32> to vector<1x1x16xf32>
        tpu.vector_store %arg9[%swap3A_462, %swap3A_463, %swap3A_464], %swap3A_467 {strides = array<i32>} : memref<2x100x128xf32, #tpu.memory_space<vmem>>, vector<1x1x16xf32>,
        %mul3A_468 = arith.constant 2 : i32
        %mul3A_469 = arith.muli %mul3A_468, %scan3A_419 : i32
        %add3A_470 = arith.constant 0 : i32
        %add3A_471 = arith.addi %mul3A_469, %add3A_470 : i32
        %get3A_472 = arith.constant 2 : i32
        %get3A_473 = arith.index_cast %get3A_472 : i32 to index
        %get3A_474 = arith.index_cast %add3A_471 : i32 to index
        %get3A_475 = arith.constant 32 : index
        %get3A_476 = tpu.vector_load %arg8[%get3A_473, %get3A_474, %get3A_475] {strides = array<i32>} : memref<4x200x64xf32, #tpu.memory_space<vmem>>, vector<1x1x16xf32>,
        %get3A_477 = vector.shape_cast %get3A_476 : vector<1x1x16xf32> to vector<16xf32>
        %mul3A_478 = arith.constant 3.200000e+01 : f32
        %mul3A_479 = vector.broadcast %mul3A_478 : f32 to vector<16xf32>
        %mul3A_480 = arith.mulf %get3A_477, %mul3A_479 : vector<16xf32>
        %get3A_481 = arith.index_cast %scan3A_419 : i32 to index
        %get3A_482 = arith.constant 32 : index
        %get3A_483 = tpu.vector_load %arg7[%get3A_481, %get3A_482] {strides = array<i32>} : memref<100x128xf32, #tpu.memory_space<vmem>>, vector<1x16xf32>,
        %get3A_484 = vector.shape_cast %get3A_483 : vector<1x16xf32> to vector<16xf32>
        %add3A_485 = arith.addf %mul3A_480, %get3A_484 : vector<16xf32>
        %swap3A_486 = arith.constant 0 : i32
        %swap3A_487 = arith.index_cast %swap3A_486 : i32 to index
        %swap3A_488 = arith.index_cast %scan3A_419 : i32 to index
        %swap3A_489 = arith.constant 32 : index
        %swap3A_490 = tpu.vector_load %arg9[%swap3A_487, %swap3A_488, %swap3A_489] {strides = array<i32>} : memref<2x100x128xf32, #tpu.memory_space<vmem>>, vector<1x1x16xf32>,
        %swap3A_491 = vector.shape_cast %swap3A_490 : vector<1x1x16xf32> to vector<16xf32>
        %swap3A_492 = vector.shape_cast %add3A_485 : vector<16xf32> to vector<1x1x16xf32>
        tpu.vector_store %arg9[%swap3A_487, %swap3A_488, %swap3A_489], %swap3A_492 {strides = array<i32>} : memref<2x100x128xf32, #tpu.memory_space<vmem>>, vector<1x1x16xf32>,
        %mul3A_493 = arith.constant 2 : i32
        %mul3A_494 = arith.muli %mul3A_493, %scan3A_419 : i32
        %add3A_495 = arith.constant 0 : i32
        %add3A_496 = arith.addi %mul3A_494, %add3A_495 : i32
        %get3A_497 = arith.constant 2 : i32
        %get3A_498 = arith.index_cast %get3A_497 : i32 to index
        %get3A_499 = arith.index_cast %add3A_496 : i32 to index
        %get3A_500 = arith.constant 48 : index
        %get3A_501 = tpu.vector_load %arg8[%get3A_498, %get3A_499, %get3A_500] {strides = array<i32>} : memref<4x200x64xf32, #tpu.memory_space<vmem>>, vector<1x1x16xf32>,
        %get3A_502 = vector.shape_cast %get3A_501 : vector<1x1x16xf32> to vector<16xf32>
        %mul3A_503 = arith.constant 3.200000e+01 : f32
        %mul3A_504 = vector.broadcast %mul3A_503 : f32 to vector<16xf32>
        %mul3A_505 = arith.mulf %get3A_502, %mul3A_504 : vector<16xf32>
        %get3A_506 = arith.index_cast %scan3A_419 : i32 to index
        %get3A_507 = arith.constant 48 : index
        %get3A_508 = tpu.vector_load %arg7[%get3A_506, %get3A_507] {strides = array<i32>} : memref<100x128xf32, #tpu.memory_space<vmem>>, vector<1x16xf32>,
        %get3A_509 = vector.shape_cast %get3A_508 : vector<1x16xf32> to vector<16xf32>
        %add3A_510 = arith.addf %mul3A_505, %get3A_509 : vector<16xf32>
        %swap3A_511 = arith.constant 0 : i32
        %swap3A_512 = arith.index_cast %swap3A_511 : i32 to index
        %swap3A_513 = arith.index_cast %scan3A_419 : i32 to index
        %swap3A_514 = arith.constant 48 : index
        %swap3A_515 = tpu.vector_load %arg9[%swap3A_512, %swap3A_513, %swap3A_514] {strides = array<i32>} : memref<2x100x128xf32, #tpu.memory_space<vmem>>, vector<1x1x16xf32>,
        %swap3A_516 = vector.shape_cast %swap3A_515 : vector<1x1x16xf32> to vector<16xf32>
        %swap3A_517 = vector.shape_cast %add3A_510 : vector<16xf32> to vector<1x1x16xf32>
        tpu.vector_store %arg9[%swap3A_512, %swap3A_513, %swap3A_514], %swap3A_517 {strides = array<i32>} : memref<2x100x128xf32, #tpu.memory_space<vmem>>, vector<1x1x16xf32>,
        %mul3A_518 = arith.constant 2 : i32
        %mul3A_519 = arith.muli %mul3A_518, %scan3A_419 : i32
        %add3A_520 = arith.constant 1 : i32
        %add3A_521 = arith.addi %mul3A_519, %add3A_520 : i32
        %get3A_522 = arith.constant 2 : i32
        %get3A_523 = arith.index_cast %get3A_522 : i32 to index
        %get3A_524 = arith.index_cast %add3A_521 : i32 to index
        %get3A_525 = arith.constant 0 : index
        %get3A_526 = tpu.vector_load %arg8[%get3A_523, %get3A_524, %get3A_525] {strides = array<i32>} : memref<4x200x64xf32, #tpu.memory_space<vmem>>, vector<1x1x16xf32>,
        %get3A_527 = vector.shape_cast %get3A_526 : vector<1x1x16xf32> to vector<16xf32>
        %mul3A_528 = arith.constant 3.200000e+01 : f32
        %mul3A_529 = vector.broadcast %mul3A_528 : f32 to vector<16xf32>
        %mul3A_530 = arith.mulf %get3A_527, %mul3A_529 : vector<16xf32>
        %get3A_531 = arith.index_cast %scan3A_419 : i32 to index
        %get3A_532 = arith.constant 64 : index
        %get3A_533 = tpu.vector_load %arg7[%get3A_531, %get3A_532] {strides = array<i32>} : memref<100x128xf32, #tpu.memory_space<vmem>>, vector<1x16xf32>,
        %get3A_534 = vector.shape_cast %get3A_533 : vector<1x16xf32> to vector<16xf32>
        %add3A_535 = arith.addf %mul3A_530, %get3A_534 : vector<16xf32>
        %swap3A_536 = arith.constant 0 : i32
        %swap3A_537 = arith.index_cast %swap3A_536 : i32 to index
        %swap3A_538 = arith.index_cast %scan3A_419 : i32 to index
        %swap3A_539 = arith.constant 64 : index
        %swap3A_540 = tpu.vector_load %arg9[%swap3A_537, %swap3A_538, %swap3A_539] {strides = array<i32>} : memref<2x100x128xf32, #tpu.memory_space<vmem>>, vector<1x1x16xf32>,
        %swap3A_541 = vector.shape_cast %swap3A_540 : vector<1x1x16xf32> to vector<16xf32>
        %swap3A_542 = vector.shape_cast %add3A_535 : vector<16xf32> to vector<1x1x16xf32>
        tpu.vector_store %arg9[%swap3A_537, %swap3A_538, %swap3A_539], %swap3A_542 {strides = array<i32>} : memref<2x100x128xf32, #tpu.memory_space<vmem>>, vector<1x1x16xf32>,
        %mul3A_543 = arith.constant 2 : i32
        %mul3A_544 = arith.muli %mul3A_543, %scan3A_419 : i32
        %add3A_545 = arith.constant 1 : i32
        %add3A_546 = arith.addi %mul3A_544, %add3A_545 : i32
        %get3A_547 = arith.constant 2 : i32
        %get3A_548 = arith.index_cast %get3A_547 : i32 to index
        %get3A_549 = arith.index_cast %add3A_546 : i32 to index
        %get3A_550 = arith.constant 16 : index
        %get3A_551 = tpu.vector_load %arg8[%get3A_548, %get3A_549, %get3A_550] {strides = array<i32>} : memref<4x200x64xf32, #tpu.memory_space<vmem>>, vector<1x1x16xf32>,
        %get3A_552 = vector.shape_cast %get3A_551 : vector<1x1x16xf32> to vector<16xf32>
        %mul3A_553 = arith.constant 3.200000e+01 : f32
        %mul3A_554 = vector.broadcast %mul3A_553 : f32 to vector<16xf32>
        %mul3A_555 = arith.mulf %get3A_552, %mul3A_554 : vector<16xf32>
        %get3A_556 = arith.index_cast %scan3A_419 : i32 to index
        %get3A_557 = arith.constant 80 : index
        %get3A_558 = tpu.vector_load %arg7[%get3A_556, %get3A_557] {strides = array<i32>} : memref<100x128xf32, #tpu.memory_space<vmem>>, vector<1x16xf32>,
        %get3A_559 = vector.shape_cast %get3A_558 : vector<1x16xf32> to vector<16xf32>
        %add3A_560 = arith.addf %mul3A_555, %get3A_559 : vector<16xf32>
        %swap3A_561 = arith.constant 0 : i32
        %swap3A_562 = arith.index_cast %swap3A_561 : i32 to index
        %swap3A_563 = arith.index_cast %scan3A_419 : i32 to index
        %swap3A_564 = arith.constant 80 : index
        %swap3A_565 = tpu.vector_load %arg9[%swap3A_562, %swap3A_563, %swap3A_564] {strides = array<i32>} : memref<2x100x128xf32, #tpu.memory_space<vmem>>, vector<1x1x16xf32>,
        %swap3A_566 = vector.shape_cast %swap3A_565 : vector<1x1x16xf32> to vector<16xf32>
        %swap3A_567 = vector.shape_cast %add3A_560 : vector<16xf32> to vector<1x1x16xf32>
        tpu.vector_store %arg9[%swap3A_562, %swap3A_563, %swap3A_564], %swap3A_567 {strides = array<i32>} : memref<2x100x128xf32, #tpu.memory_space<vmem>>, vector<1x1x16xf32>,
        %mul3A_568 = arith.constant 2 : i32
        %mul3A_569 = arith.muli %mul3A_568, %scan3A_419 : i32
        %add3A_570 = arith.constant 1 : i32
        %add3A_571 = arith.addi %mul3A_569, %add3A_570 : i32
        %get3A_572 = arith.constant 2 : i32
        %get3A_573 = arith.index_cast %get3A_572 : i32 to index
        %get3A_574 = arith.index_cast %add3A_571 : i32 to index
        %get3A_575 = arith.constant 32 : index
        %get3A_576 = tpu.vector_load %arg8[%get3A_573, %get3A_574, %get3A_575] {strides = array<i32>} : memref<4x200x64xf32, #tpu.memory_space<vmem>>, vector<1x1x16xf32>,
        %get3A_577 = vector.shape_cast %get3A_576 : vector<1x1x16xf32> to vector<16xf32>
        %mul3A_578 = arith.constant 3.200000e+01 : f32
        %mul3A_579 = vector.broadcast %mul3A_578 : f32 to vector<16xf32>
        %mul3A_580 = arith.mulf %get3A_577, %mul3A_579 : vector<16xf32>
        %get3A_581 = arith.index_cast %scan3A_419 : i32 to index
        %get3A_582 = arith.constant 96 : index
        %get3A_583 = tpu.vector_load %arg7[%get3A_581, %get3A_582] {strides = array<i32>} : memref<100x128xf32, #tpu.memory_space<vmem>>, vector<1x16xf32>,
        %get3A_584 = vector.shape_cast %get3A_583 : vector<1x16xf32> to vector<16xf32>
        %add3A_585 = arith.addf %mul3A_580, %get3A_584 : vector<16xf32>
        %swap3A_586 = arith.constant 0 : i32
        %swap3A_587 = arith.index_cast %swap3A_586 : i32 to index
        %swap3A_588 = arith.index_cast %scan3A_419 : i32 to index
        %swap3A_589 = arith.constant 96 : index
        %swap3A_590 = tpu.vector_load %arg9[%swap3A_587, %swap3A_588, %swap3A_589] {strides = array<i32>} : memref<2x100x128xf32, #tpu.memory_space<vmem>>, vector<1x1x16xf32>,
        %swap3A_591 = vector.shape_cast %swap3A_590 : vector<1x1x16xf32> to vector<16xf32>
        %swap3A_592 = vector.shape_cast %add3A_585 : vector<16xf32> to vector<1x1x16xf32>
        tpu.vector_store %arg9[%swap3A_587, %swap3A_588, %swap3A_589], %swap3A_592 {strides = array<i32>} : memref<2x100x128xf32, #tpu.memory_space<vmem>>, vector<1x1x16xf32>,
        %mul3A_593 = arith.constant 2 : i32
        %mul3A_594 = arith.muli %mul3A_593, %scan3A_419 : i32
        %add3A_595 = arith.constant 1 : i32
        %add3A_596 = arith.addi %mul3A_594, %add3A_595 : i32
        %get3A_597 = arith.constant 2 : i32
        %get3A_598 = arith.index_cast %get3A_597 : i32 to index
        %get3A_599 = arith.index_cast %add3A_596 : i32 to index
        %get3A_600 = arith.constant 48 : index
        %get3A_601 = tpu.vector_load %arg8[%get3A_598, %get3A_599, %get3A_600] {strides = array<i32>} : memref<4x200x64xf32, #tpu.memory_space<vmem>>, vector<1x1x16xf32>,
        %get3A_602 = vector.shape_cast %get3A_601 : vector<1x1x16xf32> to vector<16xf32>
        %mul3A_603 = arith.constant 3.200000e+01 : f32
        %mul3A_604 = vector.broadcast %mul3A_603 : f32 to vector<16xf32>
        %mul3A_605 = arith.mulf %get3A_602, %mul3A_604 : vector<16xf32>
        %get3A_606 = arith.index_cast %scan3A_419 : i32 to index
        %get3A_607 = arith.constant 112 : index
        %get3A_608 = tpu.vector_load %arg7[%get3A_606, %get3A_607] {strides = array<i32>} : memref<100x128xf32, #tpu.memory_space<vmem>>, vector<1x16xf32>,
        %get3A_609 = vector.shape_cast %get3A_608 : vector<1x16xf32> to vector<16xf32>
        %add3A_610 = arith.addf %mul3A_605, %get3A_609 : vector<16xf32>
        %swap3A_611 = arith.constant 0 : i32
        %swap3A_612 = arith.index_cast %swap3A_611 : i32 to index
        %swap3A_613 = arith.index_cast %scan3A_419 : i32 to index
        %swap3A_614 = arith.constant 112 : index
        %swap3A_615 = tpu.vector_load %arg9[%swap3A_612, %swap3A_613, %swap3A_614] {strides = array<i32>} : memref<2x100x128xf32, #tpu.memory_space<vmem>>, vector<1x1x16xf32>,
        %swap3A_616 = vector.shape_cast %swap3A_615 : vector<1x1x16xf32> to vector<16xf32>
        %swap3A_617 = vector.shape_cast %add3A_610 : vector<16xf32> to vector<1x1x16xf32>
        tpu.vector_store %arg9[%swap3A_612, %swap3A_613, %swap3A_614], %swap3A_617 {strides = array<i32>} : memref<2x100x128xf32, #tpu.memory_space<vmem>>, vector<1x1x16xf32>,
        %scan3A_618 = arith.constant 1 : i32
        %scan3A_619 = arith.addi %scan3A_419, %scan3A_618 : i32
        %mul3A_620 = arith.constant 2 : i32
        %mul3A_621 = arith.muli %mul3A_620, %scan3A_619 : i32
        %add3A_622 = arith.constant 0 : i32
        %add3A_623 = arith.addi %mul3A_621, %add3A_622 : i32
        %get3A_624 = arith.constant 2 : i32
        %get3A_625 = arith.index_cast %get3A_624 : i32 to index
        %get3A_626 = arith.index_cast %add3A_623 : i32 to index
        %get3A_627 = arith.constant 0 : index
        %get3A_628 = tpu.vector_load %arg8[%get3A_625, %get3A_626, %get3A_627] {strides = array<i32>} : memref<4x200x64xf32, #tpu.memory_space<vmem>>, vector<1x1x16xf32>,
        %get3A_629 = vector.shape_cast %get3A_628 : vector<1x1x16xf32> to vector<16xf32>
        %mul3A_630 = arith.constant 3.200000e+01 : f32
        %mul3A_631 = vector.broadcast %mul3A_630 : f32 to vector<16xf32>
        %mul3A_632 = arith.mulf %get3A_629, %mul3A_631 : vector<16xf32>
        %get3A_633 = arith.index_cast %scan3A_619 : i32 to index
        %get3A_634 = arith.constant 0 : index
        %get3A_635 = tpu.vector_load %arg7[%get3A_633, %get3A_634] {strides = array<i32>} : memref<100x128xf32, #tpu.memory_space<vmem>>, vector<1x16xf32>,
        %get3A_636 = vector.shape_cast %get3A_635 : vector<1x16xf32> to vector<16xf32>
        %add3A_637 = arith.addf %mul3A_632, %get3A_636 : vector<16xf32>
        %swap3A_638 = arith.constant 0 : i32
        %swap3A_639 = arith.index_cast %swap3A_638 : i32 to index
        %swap3A_640 = arith.index_cast %scan3A_619 : i32 to index
        %swap3A_641 = arith.constant 0 : index
        %swap3A_642 = tpu.vector_load %arg9[%swap3A_639, %swap3A_640, %swap3A_641] {strides = array<i32>} : memref<2x100x128xf32, #tpu.memory_space<vmem>>, vector<1x1x16xf32>,
        %swap3A_643 = vector.shape_cast %swap3A_642 : vector<1x1x16xf32> to vector<16xf32>
        %swap3A_644 = vector.shape_cast %add3A_637 : vector<16xf32> to vector<1x1x16xf32>
        tpu.vector_store %arg9[%swap3A_639, %swap3A_640, %swap3A_641], %swap3A_644 {strides = array<i32>} : memref<2x100x128xf32, #tpu.memory_space<vmem>>, vector<1x1x16xf32>,
        %mul3A_645 = arith.constant 2 : i32
        %mul3A_646 = arith.muli %mul3A_645, %scan3A_619 : i32
        %add3A_647 = arith.constant 0 : i32
        %add3A_648 = arith.addi %mul3A_646, %add3A_647 : i32
        %get3A_649 = arith.constant 2 : i32
        %get3A_650 = arith.index_cast %get3A_649 : i32 to index
        %get3A_651 = arith.index_cast %add3A_648 : i32 to index
        %get3A_652 = arith.constant 16 : index
        %get3A_653 = tpu.vector_load %arg8[%get3A_650, %get3A_651, %get3A_652] {strides = array<i32>} : memref<4x200x64xf32, #tpu.memory_space<vmem>>, vector<1x1x16xf32>,
        %get3A_654 = vector.shape_cast %get3A_653 : vector<1x1x16xf32> to vector<16xf32>
        %mul3A_655 = arith.constant 3.200000e+01 : f32
        %mul3A_656 = vector.broadcast %mul3A_655 : f32 to vector<16xf32>
        %mul3A_657 = arith.mulf %get3A_654, %mul3A_656 : vector<16xf32>
        %get3A_658 = arith.index_cast %scan3A_619 : i32 to index
        %get3A_659 = arith.constant 16 : index
        %get3A_660 = tpu.vector_load %arg7[%get3A_658, %get3A_659] {strides = array<i32>} : memref<100x128xf32, #tpu.memory_space<vmem>>, vector<1x16xf32>,
        %get3A_661 = vector.shape_cast %get3A_660 : vector<1x16xf32> to vector<16xf32>
        %add3A_662 = arith.addf %mul3A_657, %get3A_661 : vector<16xf32>
        %swap3A_663 = arith.constant 0 : i32
        %swap3A_664 = arith.index_cast %swap3A_663 : i32 to index
        %swap3A_665 = arith.index_cast %scan3A_619 : i32 to index
        %swap3A_666 = arith.constant 16 : index
        %swap3A_667 = tpu.vector_load %arg9[%swap3A_664, %swap3A_665, %swap3A_666] {strides = array<i32>} : memref<2x100x128xf32, #tpu.memory_space<vmem>>, vector<1x1x16xf32>,
        %swap3A_668 = vector.shape_cast %swap3A_667 : vector<1x1x16xf32> to vector<16xf32>
        %swap3A_669 = vector.shape_cast %add3A_662 : vector<16xf32> to vector<1x1x16xf32>
        tpu.vector_store %arg9[%swap3A_664, %swap3A_665, %swap3A_666], %swap3A_669 {strides = array<i32>} : memref<2x100x128xf32, #tpu.memory_space<vmem>>, vector<1x1x16xf32>,
        %mul3A_670 = arith.constant 2 : i32
        %mul3A_671 = arith.muli %mul3A_670, %scan3A_619 : i32
        %add3A_672 = arith.constant 0 : i32
        %add3A_673 = arith.addi %mul3A_671, %add3A_672 : i32
        %get3A_674 = arith.constant 2 : i32
        %get3A_675 = arith.index_cast %get3A_674 : i32 to index
        %get3A_676 = arith.index_cast %add3A_673 : i32 to index
        %get3A_677 = arith.constant 32 : index
        %get3A_678 = tpu.vector_load %arg8[%get3A_675, %get3A_676, %get3A_677] {strides = array<i32>} : memref<4x200x64xf32, #tpu.memory_space<vmem>>, vector<1x1x16xf32>,
        %get3A_679 = vector.shape_cast %get3A_678 : vector<1x1x16xf32> to vector<16xf32>
        %mul3A_680 = arith.constant 3.200000e+01 : f32
        %mul3A_681 = vector.broadcast %mul3A_680 : f32 to vector<16xf32>
        %mul3A_682 = arith.mulf %get3A_679, %mul3A_681 : vector<16xf32>
        %get3A_683 = arith.index_cast %scan3A_619 : i32 to index
        %get3A_684 = arith.constant 32 : index
        %get3A_685 = tpu.vector_load %arg7[%get3A_683, %get3A_684] {strides = array<i32>} : memref<100x128xf32, #tpu.memory_space<vmem>>, vector<1x16xf32>,
        %get3A_686 = vector.shape_cast %get3A_685 : vector<1x16xf32> to vector<16xf32>
        %add3A_687 = arith.addf %mul3A_682, %get3A_686 : vector<16xf32>
        %swap3A_688 = arith.constant 0 : i32
        %swap3A_689 = arith.index_cast %swap3A_688 : i32 to index
        %swap3A_690 = arith.index_cast %scan3A_619 : i32 to index
        %swap3A_691 = arith.constant 32 : index
        %swap3A_692 = tpu.vector_load %arg9[%swap3A_689, %swap3A_690, %swap3A_691] {strides = array<i32>} : memref<2x100x128xf32, #tpu.memory_space<vmem>>, vector<1x1x16xf32>,
        %swap3A_693 = vector.shape_cast %swap3A_692 : vector<1x1x16xf32> to vector<16xf32>
        %swap3A_694 = vector.shape_cast %add3A_687 : vector<16xf32> to vector<1x1x16xf32>
        tpu.vector_store %arg9[%swap3A_689, %swap3A_690, %swap3A_691], %swap3A_694 {strides = array<i32>} : memref<2x100x128xf32, #tpu.memory_space<vmem>>, vector<1x1x16xf32>,
        %mul3A_695 = arith.constant 2 : i32
        %mul3A_696 = arith.muli %mul3A_695, %scan3A_619 : i32
        %add3A_697 = arith.constant 0 : i32
        %add3A_698 = arith.addi %mul3A_696, %add3A_697 : i32
        %get3A_699 = arith.constant 2 : i32
        %get3A_700 = arith.index_cast %get3A_699 : i32 to index
        %get3A_701 = arith.index_cast %add3A_698 : i32 to index
        %get3A_702 = arith.constant 48 : index
        %get3A_703 = tpu.vector_load %arg8[%get3A_700, %get3A_701, %get3A_702] {strides = array<i32>} : memref<4x200x64xf32, #tpu.memory_space<vmem>>, vector<1x1x16xf32>,
        %get3A_704 = vector.shape_cast %get3A_703 : vector<1x1x16xf32> to vector<16xf32>
        %mul3A_705 = arith.constant 3.200000e+01 : f32
        %mul3A_706 = vector.broadcast %mul3A_705 : f32 to vector<16xf32>
        %mul3A_707 = arith.mulf %get3A_704, %mul3A_706 : vector<16xf32>
        %get3A_708 = arith.index_cast %scan3A_619 : i32 to index
        %get3A_709 = arith.constant 48 : index
        %get3A_710 = tpu.vector_load %arg7[%get3A_708, %get3A_709] {strides = array<i32>} : memref<100x128xf32, #tpu.memory_space<vmem>>, vector<1x16xf32>,
        %get3A_711 = vector.shape_cast %get3A_710 : vector<1x16xf32> to vector<16xf32>
        %add3A_712 = arith.addf %mul3A_707, %get3A_711 : vector<16xf32>
        %swap3A_713 = arith.constant 0 : i32
        %swap3A_714 = arith.index_cast %swap3A_713 : i32 to index
        %swap3A_715 = arith.index_cast %scan3A_619 : i32 to index
        %swap3A_716 = arith.constant 48 : index
        %swap3A_717 = tpu.vector_load %arg9[%swap3A_714, %swap3A_715, %swap3A_716] {strides = array<i32>} : memref<2x100x128xf32, #tpu.memory_space<vmem>>, vector<1x1x16xf32>,
        %swap3A_718 = vector.shape_cast %swap3A_717 : vector<1x1x16xf32> to vector<16xf32>
        %swap3A_719 = vector.shape_cast %add3A_712 : vector<16xf32> to vector<1x1x16xf32>
        tpu.vector_store %arg9[%swap3A_714, %swap3A_715, %swap3A_716], %swap3A_719 {strides = array<i32>} : memref<2x100x128xf32, #tpu.memory_space<vmem>>, vector<1x1x16xf32>,
        %mul3A_720 = arith.constant 2 : i32
        %mul3A_721 = arith.muli %mul3A_720, %scan3A_619 : i32
        %add3A_722 = arith.constant 1 : i32
        %add3A_723 = arith.addi %mul3A_721, %add3A_722 : i32
        %get3A_724 = arith.constant 2 : i32
        %get3A_725 = arith.index_cast %get3A_724 : i32 to index
        %get3A_726 = arith.index_cast %add3A_723 : i32 to index
        %get3A_727 = arith.constant 0 : index
        %get3A_728 = tpu.vector_load %arg8[%get3A_725, %get3A_726, %get3A_727] {strides = array<i32>} : memref<4x200x64xf32, #tpu.memory_space<vmem>>, vector<1x1x16xf32>,
        %get3A_729 = vector.shape_cast %get3A_728 : vector<1x1x16xf32> to vector<16xf32>
        %mul3A_730 = arith.constant 3.200000e+01 : f32
        %mul3A_731 = vector.broadcast %mul3A_730 : f32 to vector<16xf32>
        %mul3A_732 = arith.mulf %get3A_729, %mul3A_731 : vector<16xf32>
        %get3A_733 = arith.index_cast %scan3A_619 : i32 to index
        %get3A_734 = arith.constant 64 : index
        %get3A_735 = tpu.vector_load %arg7[%get3A_733, %get3A_734] {strides = array<i32>} : memref<100x128xf32, #tpu.memory_space<vmem>>, vector<1x16xf32>,
        %get3A_736 = vector.shape_cast %get3A_735 : vector<1x16xf32> to vector<16xf32>
        %add3A_737 = arith.addf %mul3A_732, %get3A_736 : vector<16xf32>
        %swap3A_738 = arith.constant 0 : i32
        %swap3A_739 = arith.index_cast %swap3A_738 : i32 to index
        %swap3A_740 = arith.index_cast %scan3A_619 : i32 to index
        %swap3A_741 = arith.constant 64 : index
        %swap3A_742 = tpu.vector_load %arg9[%swap3A_739, %swap3A_740, %swap3A_741] {strides = array<i32>} : memref<2x100x128xf32, #tpu.memory_space<vmem>>, vector<1x1x16xf32>,
        %swap3A_743 = vector.shape_cast %swap3A_742 : vector<1x1x16xf32> to vector<16xf32>
        %swap3A_744 = vector.shape_cast %add3A_737 : vector<16xf32> to vector<1x1x16xf32>
        tpu.vector_store %arg9[%swap3A_739, %swap3A_740, %swap3A_741], %swap3A_744 {strides = array<i32>} : memref<2x100x128xf32, #tpu.memory_space<vmem>>, vector<1x1x16xf32>,
        %mul3A_745 = arith.constant 2 : i32
        %mul3A_746 = arith.muli %mul3A_745, %scan3A_619 : i32
        %add3A_747 = arith.constant 1 : i32
        %add3A_748 = arith.addi %mul3A_746, %add3A_747 : i32
        %get3A_749 = arith.constant 2 : i32
        %get3A_750 = arith.index_cast %get3A_749 : i32 to index
        %get3A_751 = arith.index_cast %add3A_748 : i32 to index
        %get3A_752 = arith.constant 16 : index
        %get3A_753 = tpu.vector_load %arg8[%get3A_750, %get3A_751, %get3A_752] {strides = array<i32>} : memref<4x200x64xf32, #tpu.memory_space<vmem>>, vector<1x1x16xf32>,
        %get3A_754 = vector.shape_cast %get3A_753 : vector<1x1x16xf32> to vector<16xf32>
        %mul3A_755 = arith.constant 3.200000e+01 : f32
        %mul3A_756 = vector.broadcast %mul3A_755 : f32 to vector<16xf32>
        %mul3A_757 = arith.mulf %get3A_754, %mul3A_756 : vector<16xf32>
        %get3A_758 = arith.index_cast %scan3A_619 : i32 to index
        %get3A_759 = arith.constant 80 : index
        %get3A_760 = tpu.vector_load %arg7[%get3A_758, %get3A_759] {strides = array<i32>} : memref<100x128xf32, #tpu.memory_space<vmem>>, vector<1x16xf32>,
        %get3A_761 = vector.shape_cast %get3A_760 : vector<1x16xf32> to vector<16xf32>
        %add3A_762 = arith.addf %mul3A_757, %get3A_761 : vector<16xf32>
        %swap3A_763 = arith.constant 0 : i32
        %swap3A_764 = arith.index_cast %swap3A_763 : i32 to index
        %swap3A_765 = arith.index_cast %scan3A_619 : i32 to index
        %swap3A_766 = arith.constant 80 : index
        %swap3A_767 = tpu.vector_load %arg9[%swap3A_764, %swap3A_765, %swap3A_766] {strides = array<i32>} : memref<2x100x128xf32, #tpu.memory_space<vmem>>, vector<1x1x16xf32>,
        %swap3A_768 = vector.shape_cast %swap3A_767 : vector<1x1x16xf32> to vector<16xf32>
        %swap3A_769 = vector.shape_cast %add3A_762 : vector<16xf32> to vector<1x1x16xf32>
        tpu.vector_store %arg9[%swap3A_764, %swap3A_765, %swap3A_766], %swap3A_769 {strides = array<i32>} : memref<2x100x128xf32, #tpu.memory_space<vmem>>, vector<1x1x16xf32>,
        %mul3A_770 = arith.constant 2 : i32
        %mul3A_771 = arith.muli %mul3A_770, %scan3A_619 : i32
        %add3A_772 = arith.constant 1 : i32
        %add3A_773 = arith.addi %mul3A_771, %add3A_772 : i32
        %get3A_774 = arith.constant 2 : i32
        %get3A_775 = arith.index_cast %get3A_774 : i32 to index
        %get3A_776 = arith.index_cast %add3A_773 : i32 to index
        %get3A_777 = arith.constant 32 : index
        %get3A_778 = tpu.vector_load %arg8[%get3A_775, %get3A_776, %get3A_777] {strides = array<i32>} : memref<4x200x64xf32, #tpu.memory_space<vmem>>, vector<1x1x16xf32>,
        %get3A_779 = vector.shape_cast %get3A_778 : vector<1x1x16xf32> to vector<16xf32>
        %mul3A_780 = arith.constant 3.200000e+01 : f32
        %mul3A_781 = vector.broadcast %mul3A_780 : f32 to vector<16xf32>
        %mul3A_782 = arith.mulf %get3A_779, %mul3A_781 : vector<16xf32>
        %get3A_783 = arith.index_cast %scan3A_619 : i32 to index
        %get3A_784 = arith.constant 96 : index
        %get3A_785 = tpu.vector_load %arg7[%get3A_783, %get3A_784] {strides = array<i32>} : memref<100x128xf32, #tpu.memory_space<vmem>>, vector<1x16xf32>,
        %get3A_786 = vector.shape_cast %get3A_785 : vector<1x16xf32> to vector<16xf32>
        %add3A_787 = arith.addf %mul3A_782, %get3A_786 : vector<16xf32>
        %swap3A_788 = arith.constant 0 : i32
        %swap3A_789 = arith.index_cast %swap3A_788 : i32 to index
        %swap3A_790 = arith.index_cast %scan3A_619 : i32 to index
        %swap3A_791 = arith.constant 96 : index
        %swap3A_792 = tpu.vector_load %arg9[%swap3A_789, %swap3A_790, %swap3A_791] {strides = array<i32>} : memref<2x100x128xf32, #tpu.memory_space<vmem>>, vector<1x1x16xf32>,
        %swap3A_793 = vector.shape_cast %swap3A_792 : vector<1x1x16xf32> to vector<16xf32>
        %swap3A_794 = vector.shape_cast %add3A_787 : vector<16xf32> to vector<1x1x16xf32>
        tpu.vector_store %arg9[%swap3A_789, %swap3A_790, %swap3A_791], %swap3A_794 {strides = array<i32>} : memref<2x100x128xf32, #tpu.memory_space<vmem>>, vector<1x1x16xf32>,
        %mul3A_795 = arith.constant 2 : i32
        %mul3A_796 = arith.muli %mul3A_795, %scan3A_619 : i32
        %add3A_797 = arith.constant 1 : i32
        %add3A_798 = arith.addi %mul3A_796, %add3A_797 : i32
        %get3A_799 = arith.constant 2 : i32
        %get3A_800 = arith.index_cast %get3A_799 : i32 to index
        %get3A_801 = arith.index_cast %add3A_798 : i32 to index
        %get3A_802 = arith.constant 48 : index
        %get3A_803 = tpu.vector_load %arg8[%get3A_800, %get3A_801, %get3A_802] {strides = array<i32>} : memref<4x200x64xf32, #tpu.memory_space<vmem>>, vector<1x1x16xf32>,
        %get3A_804 = vector.shape_cast %get3A_803 : vector<1x1x16xf32> to vector<16xf32>
        %mul3A_805 = arith.constant 3.200000e+01 : f32
        %mul3A_806 = vector.broadcast %mul3A_805 : f32 to vector<16xf32>
        %mul3A_807 = arith.mulf %get3A_804, %mul3A_806 : vector<16xf32>
        %get3A_808 = arith.index_cast %scan3A_619 : i32 to index
        %get3A_809 = arith.constant 112 : index
        %get3A_810 = tpu.vector_load %arg7[%get3A_808, %get3A_809] {strides = array<i32>} : memref<100x128xf32, #tpu.memory_space<vmem>>, vector<1x16xf32>,
        %get3A_811 = vector.shape_cast %get3A_810 : vector<1x16xf32> to vector<16xf32>
        %add3A_812 = arith.addf %mul3A_807, %get3A_811 : vector<16xf32>
        %swap3A_813 = arith.constant 0 : i32
        %swap3A_814 = arith.index_cast %swap3A_813 : i32 to index
        %swap3A_815 = arith.index_cast %scan3A_619 : i32 to index
        %swap3A_816 = arith.constant 112 : index
        %swap3A_817 = tpu.vector_load %arg9[%swap3A_814, %swap3A_815, %swap3A_816] {strides = array<i32>} : memref<2x100x128xf32, #tpu.memory_space<vmem>>, vector<1x1x16xf32>,
        %swap3A_818 = vector.shape_cast %swap3A_817 : vector<1x1x16xf32> to vector<16xf32>
        %swap3A_819 = vector.shape_cast %add3A_812 : vector<16xf32> to vector<1x1x16xf32>
        tpu.vector_store %arg9[%swap3A_814, %swap3A_815, %swap3A_816], %swap3A_819 {strides = array<i32>} : memref<2x100x128xf32, #tpu.memory_space<vmem>>, vector<1x1x16xf32>,
        %scan3A_820 = arith.constant 2 : i32
        %scan3A_821 = arith.addi %scan3A_419, %scan3A_820 : i32
        %mul3A_822 = arith.constant 2 : i32
        %mul3A_823 = arith.muli %mul3A_822, %scan3A_821 : i32
        %add3A_824 = arith.constant 0 : i32
        %add3A_825 = arith.addi %mul3A_823, %add3A_824 : i32
        %get3A_826 = arith.constant 2 : i32
        %get3A_827 = arith.index_cast %get3A_826 : i32 to index
        %get3A_828 = arith.index_cast %add3A_825 : i32 to index
        %get3A_829 = arith.constant 0 : index
        %get3A_830 = tpu.vector_load %arg8[%get3A_827, %get3A_828, %get3A_829] {strides = array<i32>} : memref<4x200x64xf32, #tpu.memory_space<vmem>>, vector<1x1x16xf32>,
        %get3A_831 = vector.shape_cast %get3A_830 : vector<1x1x16xf32> to vector<16xf32>
        %mul3A_832 = arith.constant 3.200000e+01 : f32
        %mul3A_833 = vector.broadcast %mul3A_832 : f32 to vector<16xf32>
        %mul3A_834 = arith.mulf %get3A_831, %mul3A_833 : vector<16xf32>
        %get3A_835 = arith.index_cast %scan3A_821 : i32 to index
        %get3A_836 = arith.constant 0 : index
        %get3A_837 = tpu.vector_load %arg7[%get3A_835, %get3A_836] {strides = array<i32>} : memref<100x128xf32, #tpu.memory_space<vmem>>, vector<1x16xf32>,
        %get3A_838 = vector.shape_cast %get3A_837 : vector<1x16xf32> to vector<16xf32>
        %add3A_839 = arith.addf %mul3A_834, %get3A_838 : vector<16xf32>
        %swap3A_840 = arith.constant 0 : i32
        %swap3A_841 = arith.index_cast %swap3A_840 : i32 to index
        %swap3A_842 = arith.index_cast %scan3A_821 : i32 to index
        %swap3A_843 = arith.constant 0 : index
        %swap3A_844 = tpu.vector_load %arg9[%swap3A_841, %swap3A_842, %swap3A_843] {strides = array<i32>} : memref<2x100x128xf32, #tpu.memory_space<vmem>>, vector<1x1x16xf32>,
        %swap3A_845 = vector.shape_cast %swap3A_844 : vector<1x1x16xf32> to vector<16xf32>
        %swap3A_846 = vector.shape_cast %add3A_839 : vector<16xf32> to vector<1x1x16xf32>
        tpu.vector_store %arg9[%swap3A_841, %swap3A_842, %swap3A_843], %swap3A_846 {strides = array<i32>} : memref<2x100x128xf32, #tpu.memory_space<vmem>>, vector<1x1x16xf32>,
        %mul3A_847 = arith.constant 2 : i32
        %mul3A_848 = arith.muli %mul3A_847, %scan3A_821 : i32
        %add3A_849 = arith.constant 0 : i32
        %add3A_850 = arith.addi %mul3A_848, %add3A_849 : i32
        %get3A_851 = arith.constant 2 : i32
        %get3A_852 = arith.index_cast %get3A_851 : i32 to index
        %get3A_853 = arith.index_cast %add3A_850 : i32 to index
        %get3A_854 = arith.constant 16 : index
        %get3A_855 = tpu.vector_load %arg8[%get3A_852, %get3A_853, %get3A_854] {strides = array<i32>} : memref<4x200x64xf32, #tpu.memory_space<vmem>>, vector<1x1x16xf32>,
        %get3A_856 = vector.shape_cast %get3A_855 : vector<1x1x16xf32> to vector<16xf32>
        %mul3A_857 = arith.constant 3.200000e+01 : f32
        %mul3A_858 = vector.broadcast %mul3A_857 : f32 to vector<16xf32>
        %mul3A_859 = arith.mulf %get3A_856, %mul3A_858 : vector<16xf32>
        %get3A_860 = arith.index_cast %scan3A_821 : i32 to index
        %get3A_861 = arith.constant 16 : index
        %get3A_862 = tpu.vector_load %arg7[%get3A_860, %get3A_861] {strides = array<i32>} : memref<100x128xf32, #tpu.memory_space<vmem>>, vector<1x16xf32>,
        %get3A_863 = vector.shape_cast %get3A_862 : vector<1x16xf32> to vector<16xf32>
        %add3A_864 = arith.addf %mul3A_859, %get3A_863 : vector<16xf32>
        %swap3A_865 = arith.constant 0 : i32
        %swap3A_866 = arith.index_cast %swap3A_865 : i32 to index
        %swap3A_867 = arith.index_cast %scan3A_821 : i32 to index
        %swap3A_868 = arith.constant 16 : index
        %swap3A_869 = tpu.vector_load %arg9[%swap3A_866, %swap3A_867, %swap3A_868] {strides = array<i32>} : memref<2x100x128xf32, #tpu.memory_space<vmem>>, vector<1x1x16xf32>,
        %swap3A_870 = vector.shape_cast %swap3A_869 : vector<1x1x16xf32> to vector<16xf32>
        %swap3A_871 = vector.shape_cast %add3A_864 : vector<16xf32> to vector<1x1x16xf32>
        tpu.vector_store %arg9[%swap3A_866, %swap3A_867, %swap3A_868], %swap3A_871 {strides = array<i32>} : memref<2x100x128xf32, #tpu.memory_space<vmem>>, vector<1x1x16xf32>,
        %mul3A_872 = arith.constant 2 : i32
        %mul3A_873 = arith.muli %mul3A_872, %scan3A_821 : i32
        %add3A_874 = arith.constant 0 : i32
        %add3A_875 = arith.addi %mul3A_873, %add3A_874 : i32
        %get3A_876 = arith.constant 2 : i32
        %get3A_877 = arith.index_cast %get3A_876 : i32 to index
        %get3A_878 = arith.index_cast %add3A_875 : i32 to index
        %get3A_879 = arith.constant 32 : index
        %get3A_880 = tpu.vector_load %arg8[%get3A_877, %get3A_878, %get3A_879] {strides = array<i32>} : memref<4x200x64xf32, #tpu.memory_space<vmem>>, vector<1x1x16xf32>,
        %get3A_881 = vector.shape_cast %get3A_880 : vector<1x1x16xf32> to vector<16xf32>
        %mul3A_882 = arith.constant 3.200000e+01 : f32
        %mul3A_883 = vector.broadcast %mul3A_882 : f32 to vector<16xf32>
        %mul3A_884 = arith.mulf %get3A_881, %mul3A_883 : vector<16xf32>
        %get3A_885 = arith.index_cast %scan3A_821 : i32 to index
        %get3A_886 = arith.constant 32 : index
        %get3A_887 = tpu.vector_load %arg7[%get3A_885, %get3A_886] {strides = array<i32>} : memref<100x128xf32, #tpu.memory_space<vmem>>, vector<1x16xf32>,
        %get3A_888 = vector.shape_cast %get3A_887 : vector<1x16xf32> to vector<16xf32>
        %add3A_889 = arith.addf %mul3A_884, %get3A_888 : vector<16xf32>
        %swap3A_890 = arith.constant 0 : i32
        %swap3A_891 = arith.index_cast %swap3A_890 : i32 to index
        %swap3A_892 = arith.index_cast %scan3A_821 : i32 to index
        %swap3A_893 = arith.constant 32 : index
        %swap3A_894 = tpu.vector_load %arg9[%swap3A_891, %swap3A_892, %swap3A_893] {strides = array<i32>} : memref<2x100x128xf32, #tpu.memory_space<vmem>>, vector<1x1x16xf32>,
        %swap3A_895 = vector.shape_cast %swap3A_894 : vector<1x1x16xf32> to vector<16xf32>
        %swap3A_896 = vector.shape_cast %add3A_889 : vector<16xf32> to vector<1x1x16xf32>
        tpu.vector_store %arg9[%swap3A_891, %swap3A_892, %swap3A_893], %swap3A_896 {strides = array<i32>} : memref<2x100x128xf32, #tpu.memory_space<vmem>>, vector<1x1x16xf32>,
        %mul3A_897 = arith.constant 2 : i32
        %mul3A_898 = arith.muli %mul3A_897, %scan3A_821 : i32
        %add3A_899 = arith.constant 0 : i32
        %add3A_900 = arith.addi %mul3A_898, %add3A_899 : i32
        %get3A_901 = arith.constant 2 : i32
        %get3A_902 = arith.index_cast %get3A_901 : i32 to index
        %get3A_903 = arith.index_cast %add3A_900 : i32 to index
        %get3A_904 = arith.constant 48 : index
        %get3A_905 = tpu.vector_load %arg8[%get3A_902, %get3A_903, %get3A_904] {strides = array<i32>} : memref<4x200x64xf32, #tpu.memory_space<vmem>>, vector<1x1x16xf32>,
        %get3A_906 = vector.shape_cast %get3A_905 : vector<1x1x16xf32> to vector<16xf32>
        %mul3A_907 = arith.constant 3.200000e+01 : f32
        %mul3A_908 = vector.broadcast %mul3A_907 : f32 to vector<16xf32>
        %mul3A_909 = arith.mulf %get3A_906, %mul3A_908 : vector<16xf32>
        %get3A_910 = arith.index_cast %scan3A_821 : i32 to index
        %get3A_911 = arith.constant 48 : index
        %get3A_912 = tpu.vector_load %arg7[%get3A_910, %get3A_911] {strides = array<i32>} : memref<100x128xf32, #tpu.memory_space<vmem>>, vector<1x16xf32>,
        %get3A_913 = vector.shape_cast %get3A_912 : vector<1x16xf32> to vector<16xf32>
        %add3A_914 = arith.addf %mul3A_909, %get3A_913 : vector<16xf32>
        %swap3A_915 = arith.constant 0 : i32
        %swap3A_916 = arith.index_cast %swap3A_915 : i32 to index
        %swap3A_917 = arith.index_cast %scan3A_821 : i32 to index
        %swap3A_918 = arith.constant 48 : index
        %swap3A_919 = tpu.vector_load %arg9[%swap3A_916, %swap3A_917, %swap3A_918] {strides = array<i32>} : memref<2x100x128xf32, #tpu.memory_space<vmem>>, vector<1x1x16xf32>,
        %swap3A_920 = vector.shape_cast %swap3A_919 : vector<1x1x16xf32> to vector<16xf32>
        %swap3A_921 = vector.shape_cast %add3A_914 : vector<16xf32> to vector<1x1x16xf32>
        tpu.vector_store %arg9[%swap3A_916, %swap3A_917, %swap3A_918], %swap3A_921 {strides = array<i32>} : memref<2x100x128xf32, #tpu.memory_space<vmem>>, vector<1x1x16xf32>,
        %mul3A_922 = arith.constant 2 : i32
        %mul3A_923 = arith.muli %mul3A_922, %scan3A_821 : i32
        %add3A_924 = arith.constant 1 : i32
        %add3A_925 = arith.addi %mul3A_923, %add3A_924 : i32
        %get3A_926 = arith.constant 2 : i32
        %get3A_927 = arith.index_cast %get3A_926 : i32 to index
        %get3A_928 = arith.index_cast %add3A_925 : i32 to index
        %get3A_929 = arith.constant 0 : index
        %get3A_930 = tpu.vector_load %arg8[%get3A_927, %get3A_928, %get3A_929] {strides = array<i32>} : memref<4x200x64xf32, #tpu.memory_space<vmem>>, vector<1x1x16xf32>,
        %get3A_931 = vector.shape_cast %get3A_930 : vector<1x1x16xf32> to vector<16xf32>
        %mul3A_932 = arith.constant 3.200000e+01 : f32
        %mul3A_933 = vector.broadcast %mul3A_932 : f32 to vector<16xf32>
        %mul3A_934 = arith.mulf %get3A_931, %mul3A_933 : vector<16xf32>
        %get3A_935 = arith.index_cast %scan3A_821 : i32 to index
        %get3A_936 = arith.constant 64 : index
        %get3A_937 = tpu.vector_load %arg7[%get3A_935, %get3A_936] {strides = array<i32>} : memref<100x128xf32, #tpu.memory_space<vmem>>, vector<1x16xf32>,
        %get3A_938 = vector.shape_cast %get3A_937 : vector<1x16xf32> to vector<16xf32>
        %add3A_939 = arith.addf %mul3A_934, %get3A_938 : vector<16xf32>
        %swap3A_940 = arith.constant 0 : i32
        %swap3A_941 = arith.index_cast %swap3A_940 : i32 to index
        %swap3A_942 = arith.index_cast %scan3A_821 : i32 to index
        %swap3A_943 = arith.constant 64 : index
        %swap3A_944 = tpu.vector_load %arg9[%swap3A_941, %swap3A_942, %swap3A_943] {strides = array<i32>} : memref<2x100x128xf32, #tpu.memory_space<vmem>>, vector<1x1x16xf32>,
        %swap3A_945 = vector.shape_cast %swap3A_944 : vector<1x1x16xf32> to vector<16xf32>
        %swap3A_946 = vector.shape_cast %add3A_939 : vector<16xf32> to vector<1x1x16xf32>
        tpu.vector_store %arg9[%swap3A_941, %swap3A_942, %swap3A_943], %swap3A_946 {strides = array<i32>} : memref<2x100x128xf32, #tpu.memory_space<vmem>>, vector<1x1x16xf32>,
        %mul3A_947 = arith.constant 2 : i32
        %mul3A_948 = arith.muli %mul3A_947, %scan3A_821 : i32
        %add3A_949 = arith.constant 1 : i32
        %add3A_950 = arith.addi %mul3A_948, %add3A_949 : i32
        %get3A_951 = arith.constant 2 : i32
        %get3A_952 = arith.index_cast %get3A_951 : i32 to index
        %get3A_953 = arith.index_cast %add3A_950 : i32 to index
        %get3A_954 = arith.constant 16 : index
        %get3A_955 = tpu.vector_load %arg8[%get3A_952, %get3A_953, %get3A_954] {strides = array<i32>} : memref<4x200x64xf32, #tpu.memory_space<vmem>>, vector<1x1x16xf32>,
        %get3A_956 = vector.shape_cast %get3A_955 : vector<1x1x16xf32> to vector<16xf32>
        %mul3A_957 = arith.constant 3.200000e+01 : f32
        %mul3A_958 = vector.broadcast %mul3A_957 : f32 to vector<16xf32>
        %mul3A_959 = arith.mulf %get3A_956, %mul3A_958 : vector<16xf32>
        %get3A_960 = arith.index_cast %scan3A_821 : i32 to index
        %get3A_961 = arith.constant 80 : index
        %get3A_962 = tpu.vector_load %arg7[%get3A_960, %get3A_961] {strides = array<i32>} : memref<100x128xf32, #tpu.memory_space<vmem>>, vector<1x16xf32>,
        %get3A_963 = vector.shape_cast %get3A_962 : vector<1x16xf32> to vector<16xf32>
        %add3A_964 = arith.addf %mul3A_959, %get3A_963 : vector<16xf32>
        %swap3A_965 = arith.constant 0 : i32
        %swap3A_966 = arith.index_cast %swap3A_965 : i32 to index
        %swap3A_967 = arith.index_cast %scan3A_821 : i32 to index
        %swap3A_968 = arith.constant 80 : index
        %swap3A_969 = tpu.vector_load %arg9[%swap3A_966, %swap3A_967, %swap3A_968] {strides = array<i32>} : memref<2x100x128xf32, #tpu.memory_space<vmem>>, vector<1x1x16xf32>,
        %swap3A_970 = vector.shape_cast %swap3A_969 : vector<1x1x16xf32> to vector<16xf32>
        %swap3A_971 = vector.shape_cast %add3A_964 : vector<16xf32> to vector<1x1x16xf32>
        tpu.vector_store %arg9[%swap3A_966, %swap3A_967, %swap3A_968], %swap3A_971 {strides = array<i32>} : memref<2x100x128xf32, #tpu.memory_space<vmem>>, vector<1x1x16xf32>,
        %mul3A_972 = arith.constant 2 : i32
        %mul3A_973 = arith.muli %mul3A_972, %scan3A_821 : i32
        %add3A_974 = arith.constant 1 : i32
        %add3A_975 = arith.addi %mul3A_973, %add3A_974 : i32
        %get3A_976 = arith.constant 2 : i32
        %get3A_977 = arith.index_cast %get3A_976 : i32 to index
        %get3A_978 = arith.index_cast %add3A_975 : i32 to index
        %get3A_979 = arith.constant 32 : index
        %get3A_980 = tpu.vector_load %arg8[%get3A_977, %get3A_978, %get3A_979] {strides = array<i32>} : memref<4x200x64xf32, #tpu.memory_space<vmem>>, vector<1x1x16xf32>,
        %get3A_981 = vector.shape_cast %get3A_980 : vector<1x1x16xf32> to vector<16xf32>
        %mul3A_982 = arith.constant 3.200000e+01 : f32
        %mul3A_983 = vector.broadcast %mul3A_982 : f32 to vector<16xf32>
        %mul3A_984 = arith.mulf %get3A_981, %mul3A_983 : vector<16xf32>
        %get3A_985 = arith.index_cast %scan3A_821 : i32 to index
        %get3A_986 = arith.constant 96 : index
        %get3A_987 = tpu.vector_load %arg7[%get3A_985, %get3A_986] {strides = array<i32>} : memref<100x128xf32, #tpu.memory_space<vmem>>, vector<1x16xf32>,
        %get3A_988 = vector.shape_cast %get3A_987 : vector<1x16xf32> to vector<16xf32>
        %add3A_989 = arith.addf %mul3A_984, %get3A_988 : vector<16xf32>
        %swap3A_990 = arith.constant 0 : i32
        %swap3A_991 = arith.index_cast %swap3A_990 : i32 to index
        %swap3A_992 = arith.index_cast %scan3A_821 : i32 to index
        %swap3A_993 = arith.constant 96 : index
        %swap3A_994 = tpu.vector_load %arg9[%swap3A_991, %swap3A_992, %swap3A_993] {strides = array<i32>} : memref<2x100x128xf32, #tpu.memory_space<vmem>>, vector<1x1x16xf32>,
        %swap3A_995 = vector.shape_cast %swap3A_994 : vector<1x1x16xf32> to vector<16xf32>
        %swap3A_996 = vector.shape_cast %add3A_989 : vector<16xf32> to vector<1x1x16xf32>
        tpu.vector_store %arg9[%swap3A_991, %swap3A_992, %swap3A_993], %swap3A_996 {strides = array<i32>} : memref<2x100x128xf32, #tpu.memory_space<vmem>>, vector<1x1x16xf32>,
        %mul3A_997 = arith.constant 2 : i32
        %mul3A_998 = arith.muli %mul3A_997, %scan3A_821 : i32
        %add3A_999 = arith.constant 1 : i32
        %add3A_1000 = arith.addi %mul3A_998, %add3A_999 : i32
        %get3A_1001 = arith.constant 2 : i32
        %get3A_1002 = arith.index_cast %get3A_1001 : i32 to index
        %get3A_1003 = arith.index_cast %add3A_1000 : i32 to index
        %get3A_1004 = arith.constant 48 : index
        %get3A_1005 = tpu.vector_load %arg8[%get3A_1002, %get3A_1003, %get3A_1004] {strides = array<i32>} : memref<4x200x64xf32, #tpu.memory_space<vmem>>, vector<1x1x16xf32>,
        %get3A_1006 = vector.shape_cast %get3A_1005 : vector<1x1x16xf32> to vector<16xf32>
        %mul3A_1007 = arith.constant 3.200000e+01 : f32
        %mul3A_1008 = vector.broadcast %mul3A_1007 : f32 to vector<16xf32>
        %mul3A_1009 = arith.mulf %get3A_1006, %mul3A_1008 : vector<16xf32>
        %get3A_1010 = arith.index_cast %scan3A_821 : i32 to index
        %get3A_1011 = arith.constant 112 : index
        %get3A_1012 = tpu.vector_load %arg7[%get3A_1010, %get3A_1011] {strides = array<i32>} : memref<100x128xf32, #tpu.memory_space<vmem>>, vector<1x16xf32>,
        %get3A_1013 = vector.shape_cast %get3A_1012 : vector<1x16xf32> to vector<16xf32>
        %add3A_1014 = arith.addf %mul3A_1009, %get3A_1013 : vector<16xf32>
        %swap3A_1015 = arith.constant 0 : i32
        %swap3A_1016 = arith.index_cast %swap3A_1015 : i32 to index
        %swap3A_1017 = arith.index_cast %scan3A_821 : i32 to index
        %swap3A_1018 = arith.constant 112 : index
        %swap3A_1019 = tpu.vector_load %arg9[%swap3A_1016, %swap3A_1017, %swap3A_1018] {strides = array<i32>} : memref<2x100x128xf32, #tpu.memory_space<vmem>>, vector<1x1x16xf32>,
        %swap3A_1020 = vector.shape_cast %swap3A_1019 : vector<1x1x16xf32> to vector<16xf32>
        %swap3A_1021 = vector.shape_cast %add3A_1014 : vector<16xf32> to vector<1x1x16xf32>
        tpu.vector_store %arg9[%swap3A_1016, %swap3A_1017, %swap3A_1018], %swap3A_1021 {strides = array<i32>} : memref<2x100x128xf32, #tpu.memory_space<vmem>>, vector<1x1x16xf32>,
        %scan3A_1022 = arith.constant 3 : i32
        %scan3A_1023 = arith.addi %scan3A_419, %scan3A_1022 : i32
        %mul3A_1024 = arith.constant 2 : i32
        %mul3A_1025 = arith.muli %mul3A_1024, %scan3A_1023 : i32
        %add3A_1026 = arith.constant 0 : i32
        %add3A_1027 = arith.addi %mul3A_1025, %add3A_1026 : i32
        %get3A_1028 = arith.constant 2 : i32
        %get3A_1029 = arith.index_cast %get3A_1028 : i32 to index
        %get3A_1030 = arith.index_cast %add3A_1027 : i32 to index
        %get3A_1031 = arith.constant 0 : index
        %get3A_1032 = tpu.vector_load %arg8[%get3A_1029, %get3A_1030, %get3A_1031] {strides = array<i32>} : memref<4x200x64xf32, #tpu.memory_space<vmem>>, vector<1x1x16xf32>,
        %get3A_1033 = vector.shape_cast %get3A_1032 : vector<1x1x16xf32> to vector<16xf32>
        %mul3A_1034 = arith.constant 3.200000e+01 : f32
        %mul3A_1035 = vector.broadcast %mul3A_1034 : f32 to vector<16xf32>
        %mul3A_1036 = arith.mulf %get3A_1033, %mul3A_1035 : vector<16xf32>
        %get3A_1037 = arith.index_cast %scan3A_1023 : i32 to index
        %get3A_1038 = arith.constant 0 : index
        %get3A_1039 = tpu.vector_load %arg7[%get3A_1037, %get3A_1038] {strides = array<i32>} : memref<100x128xf32, #tpu.memory_space<vmem>>, vector<1x16xf32>,
        %get3A_1040 = vector.shape_cast %get3A_1039 : vector<1x16xf32> to vector<16xf32>
        %add3A_1041 = arith.addf %mul3A_1036, %get3A_1040 : vector<16xf32>
        %swap3A_1042 = arith.constant 0 : i32
        %swap3A_1043 = arith.index_cast %swap3A_1042 : i32 to index
        %swap3A_1044 = arith.index_cast %scan3A_1023 : i32 to index
        %swap3A_1045 = arith.constant 0 : index
        %swap3A_1046 = tpu.vector_load %arg9[%swap3A_1043, %swap3A_1044, %swap3A_1045] {strides = array<i32>} : memref<2x100x128xf32, #tpu.memory_space<vmem>>, vector<1x1x16xf32>,
        %swap3A_1047 = vector.shape_cast %swap3A_1046 : vector<1x1x16xf32> to vector<16xf32>
        %swap3A_1048 = vector.shape_cast %add3A_1041 : vector<16xf32> to vector<1x1x16xf32>
        tpu.vector_store %arg9[%swap3A_1043, %swap3A_1044, %swap3A_1045], %swap3A_1048 {strides = array<i32>} : memref<2x100x128xf32, #tpu.memory_space<vmem>>, vector<1x1x16xf32>,
        %mul3A_1049 = arith.constant 2 : i32
        %mul3A_1050 = arith.muli %mul3A_1049, %scan3A_1023 : i32
        %add3A_1051 = arith.constant 0 : i32
        %add3A_1052 = arith.addi %mul3A_1050, %add3A_1051 : i32
        %get3A_1053 = arith.constant 2 : i32
        %get3A_1054 = arith.index_cast %get3A_1053 : i32 to index
        %get3A_1055 = arith.index_cast %add3A_1052 : i32 to index
        %get3A_1056 = arith.constant 16 : index
        %get3A_1057 = tpu.vector_load %arg8[%get3A_1054, %get3A_1055, %get3A_1056] {strides = array<i32>} : memref<4x200x64xf32, #tpu.memory_space<vmem>>, vector<1x1x16xf32>,
        %get3A_1058 = vector.shape_cast %get3A_1057 : vector<1x1x16xf32> to vector<16xf32>
        %mul3A_1059 = arith.constant 3.200000e+01 : f32
        %mul3A_1060 = vector.broadcast %mul3A_1059 : f32 to vector<16xf32>
        %mul3A_1061 = arith.mulf %get3A_1058, %mul3A_1060 : vector<16xf32>
        %get3A_1062 = arith.index_cast %scan3A_1023 : i32 to index
        %get3A_1063 = arith.constant 16 : index
        %get3A_1064 = tpu.vector_load %arg7[%get3A_1062, %get3A_1063] {strides = array<i32>} : memref<100x128xf32, #tpu.memory_space<vmem>>, vector<1x16xf32>,
        %get3A_1065 = vector.shape_cast %get3A_1064 : vector<1x16xf32> to vector<16xf32>
        %add3A_1066 = arith.addf %mul3A_1061, %get3A_1065 : vector<16xf32>
        %swap3A_1067 = arith.constant 0 : i32
        %swap3A_1068 = arith.index_cast %swap3A_1067 : i32 to index
        %swap3A_1069 = arith.index_cast %scan3A_1023 : i32 to index
        %swap3A_1070 = arith.constant 16 : index
        %swap3A_1071 = tpu.vector_load %arg9[%swap3A_1068, %swap3A_1069, %swap3A_1070] {strides = array<i32>} : memref<2x100x128xf32, #tpu.memory_space<vmem>>, vector<1x1x16xf32>,
        %swap3A_1072 = vector.shape_cast %swap3A_1071 : vector<1x1x16xf32> to vector<16xf32>
        %swap3A_1073 = vector.shape_cast %add3A_1066 : vector<16xf32> to vector<1x1x16xf32>
        tpu.vector_store %arg9[%swap3A_1068, %swap3A_1069, %swap3A_1070], %swap3A_1073 {strides = array<i32>} : memref<2x100x128xf32, #tpu.memory_space<vmem>>, vector<1x1x16xf32>,
        %mul3A_1074 = arith.constant 2 : i32
        %mul3A_1075 = arith.muli %mul3A_1074, %scan3A_1023 : i32
        %add3A_1076 = arith.constant 0 : i32
        %add3A_1077 = arith.addi %mul3A_1075, %add3A_1076 : i32
        %get3A_1078 = arith.constant 2 : i32
        %get3A_1079 = arith.index_cast %get3A_1078 : i32 to index
        %get3A_1080 = arith.index_cast %add3A_1077 : i32 to index
        %get3A_1081 = arith.constant 32 : index
        %get3A_1082 = tpu.vector_load %arg8[%get3A_1079, %get3A_1080, %get3A_1081] {strides = array<i32>} : memref<4x200x64xf32, #tpu.memory_space<vmem>>, vector<1x1x16xf32>,
        %get3A_1083 = vector.shape_cast %get3A_1082 : vector<1x1x16xf32> to vector<16xf32>
        %mul3A_1084 = arith.constant 3.200000e+01 : f32
        %mul3A_1085 = vector.broadcast %mul3A_1084 : f32 to vector<16xf32>
        %mul3A_1086 = arith.mulf %get3A_1083, %mul3A_1085 : vector<16xf32>
        %get3A_1087 = arith.index_cast %scan3A_1023 : i32 to index
        %get3A_1088 = arith.constant 32 : index
        %get3A_1089 = tpu.vector_load %arg7[%get3A_1087, %get3A_1088] {strides = array<i32>} : memref<100x128xf32, #tpu.memory_space<vmem>>, vector<1x16xf32>,
        %get3A_1090 = vector.shape_cast %get3A_1089 : vector<1x16xf32> to vector<16xf32>
        %add3A_1091 = arith.addf %mul3A_1086, %get3A_1090 : vector<16xf32>
        %swap3A_1092 = arith.constant 0 : i32
        %swap3A_1093 = arith.index_cast %swap3A_1092 : i32 to index
        %swap3A_1094 = arith.index_cast %scan3A_1023 : i32 to index
        %swap3A_1095 = arith.constant 32 : index
        %swap3A_1096 = tpu.vector_load %arg9[%swap3A_1093, %swap3A_1094, %swap3A_1095] {strides = array<i32>} : memref<2x100x128xf32, #tpu.memory_space<vmem>>, vector<1x1x16xf32>,
        %swap3A_1097 = vector.shape_cast %swap3A_1096 : vector<1x1x16xf32> to vector<16xf32>
        %swap3A_1098 = vector.shape_cast %add3A_1091 : vector<16xf32> to vector<1x1x16xf32>
        tpu.vector_store %arg9[%swap3A_1093, %swap3A_1094, %swap3A_1095], %swap3A_1098 {strides = array<i32>} : memref<2x100x128xf32, #tpu.memory_space<vmem>>, vector<1x1x16xf32>,
        %mul3A_1099 = arith.constant 2 : i32
        %mul3A_1100 = arith.muli %mul3A_1099, %scan3A_1023 : i32
        %add3A_1101 = arith.constant 0 : i32
        %add3A_1102 = arith.addi %mul3A_1100, %add3A_1101 : i32
        %get3A_1103 = arith.constant 2 : i32
        %get3A_1104 = arith.index_cast %get3A_1103 : i32 to index
        %get3A_1105 = arith.index_cast %add3A_1102 : i32 to index
        %get3A_1106 = arith.constant 48 : index
        %get3A_1107 = tpu.vector_load %arg8[%get3A_1104, %get3A_1105, %get3A_1106] {strides = array<i32>} : memref<4x200x64xf32, #tpu.memory_space<vmem>>, vector<1x1x16xf32>,
        %get3A_1108 = vector.shape_cast %get3A_1107 : vector<1x1x16xf32> to vector<16xf32>
        %mul3A_1109 = arith.constant 3.200000e+01 : f32
        %mul3A_1110 = vector.broadcast %mul3A_1109 : f32 to vector<16xf32>
        %mul3A_1111 = arith.mulf %get3A_1108, %mul3A_1110 : vector<16xf32>
        %get3A_1112 = arith.index_cast %scan3A_1023 : i32 to index
        %get3A_1113 = arith.constant 48 : index
        %get3A_1114 = tpu.vector_load %arg7[%get3A_1112, %get3A_1113] {strides = array<i32>} : memref<100x128xf32, #tpu.memory_space<vmem>>, vector<1x16xf32>,
        %get3A_1115 = vector.shape_cast %get3A_1114 : vector<1x16xf32> to vector<16xf32>
        %add3A_1116 = arith.addf %mul3A_1111, %get3A_1115 : vector<16xf32>
        %swap3A_1117 = arith.constant 0 : i32
        %swap3A_1118 = arith.index_cast %swap3A_1117 : i32 to index
        %swap3A_1119 = arith.index_cast %scan3A_1023 : i32 to index
        %swap3A_1120 = arith.constant 48 : index
        %swap3A_1121 = tpu.vector_load %arg9[%swap3A_1118, %swap3A_1119, %swap3A_1120] {strides = array<i32>} : memref<2x100x128xf32, #tpu.memory_space<vmem>>, vector<1x1x16xf32>,
        %swap3A_1122 = vector.shape_cast %swap3A_1121 : vector<1x1x16xf32> to vector<16xf32>
        %swap3A_1123 = vector.shape_cast %add3A_1116 : vector<16xf32> to vector<1x1x16xf32>
        tpu.vector_store %arg9[%swap3A_1118, %swap3A_1119, %swap3A_1120], %swap3A_1123 {strides = array<i32>} : memref<2x100x128xf32, #tpu.memory_space<vmem>>, vector<1x1x16xf32>,
        %mul3A_1124 = arith.constant 2 : i32
        %mul3A_1125 = arith.muli %mul3A_1124, %scan3A_1023 : i32
        %add3A_1126 = arith.constant 1 : i32
        %add3A_1127 = arith.addi %mul3A_1125, %add3A_1126 : i32
        %get3A_1128 = arith.constant 2 : i32
        %get3A_1129 = arith.index_cast %get3A_1128 : i32 to index
        %get3A_1130 = arith.index_cast %add3A_1127 : i32 to index
        %get3A_1131 = arith.constant 0 : index
        %get3A_1132 = tpu.vector_load %arg8[%get3A_1129, %get3A_1130, %get3A_1131] {strides = array<i32>} : memref<4x200x64xf32, #tpu.memory_space<vmem>>, vector<1x1x16xf32>,
        %get3A_1133 = vector.shape_cast %get3A_1132 : vector<1x1x16xf32> to vector<16xf32>
        %mul3A_1134 = arith.constant 3.200000e+01 : f32
        %mul3A_1135 = vector.broadcast %mul3A_1134 : f32 to vector<16xf32>
        %mul3A_1136 = arith.mulf %get3A_1133, %mul3A_1135 : vector<16xf32>
        %get3A_1137 = arith.index_cast %scan3A_1023 : i32 to index
        %get3A_1138 = arith.constant 64 : index
        %get3A_1139 = tpu.vector_load %arg7[%get3A_1137, %get3A_1138] {strides = array<i32>} : memref<100x128xf32, #tpu.memory_space<vmem>>, vector<1x16xf32>,
        %get3A_1140 = vector.shape_cast %get3A_1139 : vector<1x16xf32> to vector<16xf32>
        %add3A_1141 = arith.addf %mul3A_1136, %get3A_1140 : vector<16xf32>
        %swap3A_1142 = arith.constant 0 : i32
        %swap3A_1143 = arith.index_cast %swap3A_1142 : i32 to index
        %swap3A_1144 = arith.index_cast %scan3A_1023 : i32 to index
        %swap3A_1145 = arith.constant 64 : index
        %swap3A_1146 = tpu.vector_load %arg9[%swap3A_1143, %swap3A_1144, %swap3A_1145] {strides = array<i32>} : memref<2x100x128xf32, #tpu.memory_space<vmem>>, vector<1x1x16xf32>,
        %swap3A_1147 = vector.shape_cast %swap3A_1146 : vector<1x1x16xf32> to vector<16xf32>
        %swap3A_1148 = vector.shape_cast %add3A_1141 : vector<16xf32> to vector<1x1x16xf32>
        tpu.vector_store %arg9[%swap3A_1143, %swap3A_1144, %swap3A_1145], %swap3A_1148 {strides = array<i32>} : memref<2x100x128xf32, #tpu.memory_space<vmem>>, vector<1x1x16xf32>,
        %mul3A_1149 = arith.constant 2 : i32
        %mul3A_1150 = arith.muli %mul3A_1149, %scan3A_1023 : i32
        %add3A_1151 = arith.constant 1 : i32
        %add3A_1152 = arith.addi %mul3A_1150, %add3A_1151 : i32
        %get3A_1153 = arith.constant 2 : i32
        %get3A_1154 = arith.index_cast %get3A_1153 : i32 to index
        %get3A_1155 = arith.index_cast %add3A_1152 : i32 to index
        %get3A_1156 = arith.constant 16 : index
        %get3A_1157 = tpu.vector_load %arg8[%get3A_1154, %get3A_1155, %get3A_1156] {strides = array<i32>} : memref<4x200x64xf32, #tpu.memory_space<vmem>>, vector<1x1x16xf32>,
        %get3A_1158 = vector.shape_cast %get3A_1157 : vector<1x1x16xf32> to vector<16xf32>
        %mul3A_1159 = arith.constant 3.200000e+01 : f32
        %mul3A_1160 = vector.broadcast %mul3A_1159 : f32 to vector<16xf32>
        %mul3A_1161 = arith.mulf %get3A_1158, %mul3A_1160 : vector<16xf32>
        %get3A_1162 = arith.index_cast %scan3A_1023 : i32 to index
        %get3A_1163 = arith.constant 80 : index
        %get3A_1164 = tpu.vector_load %arg7[%get3A_1162, %get3A_1163] {strides = array<i32>} : memref<100x128xf32, #tpu.memory_space<vmem>>, vector<1x16xf32>,
        %get3A_1165 = vector.shape_cast %get3A_1164 : vector<1x16xf32> to vector<16xf32>
        %add3A_1166 = arith.addf %mul3A_1161, %get3A_1165 : vector<16xf32>
        %swap3A_1167 = arith.constant 0 : i32
        %swap3A_1168 = arith.index_cast %swap3A_1167 : i32 to index
        %swap3A_1169 = arith.index_cast %scan3A_1023 : i32 to index
        %swap3A_1170 = arith.constant 80 : index
        %swap3A_1171 = tpu.vector_load %arg9[%swap3A_1168, %swap3A_1169, %swap3A_1170] {strides = array<i32>} : memref<2x100x128xf32, #tpu.memory_space<vmem>>, vector<1x1x16xf32>,
        %swap3A_1172 = vector.shape_cast %swap3A_1171 : vector<1x1x16xf32> to vector<16xf32>
        %swap3A_1173 = vector.shape_cast %add3A_1166 : vector<16xf32> to vector<1x1x16xf32>
        tpu.vector_store %arg9[%swap3A_1168, %swap3A_1169, %swap3A_1170], %swap3A_1173 {strides = array<i32>} : memref<2x100x128xf32, #tpu.memory_space<vmem>>, vector<1x1x16xf32>,
        %mul3A_1174 = arith.constant 2 : i32
        %mul3A_1175 = arith.muli %mul3A_1174, %scan3A_1023 : i32
        %add3A_1176 = arith.constant 1 : i32
        %add3A_1177 = arith.addi %mul3A_1175, %add3A_1176 : i32
        %get3A_1178 = arith.constant 2 : i32
        %get3A_1179 = arith.index_cast %get3A_1178 : i32 to index
        %get3A_1180 = arith.index_cast %add3A_1177 : i32 to index
        %get3A_1181 = arith.constant 32 : index
        %get3A_1182 = tpu.vector_load %arg8[%get3A_1179, %get3A_1180, %get3A_1181] {strides = array<i32>} : memref<4x200x64xf32, #tpu.memory_space<vmem>>, vector<1x1x16xf32>,
        %get3A_1183 = vector.shape_cast %get3A_1182 : vector<1x1x16xf32> to vector<16xf32>
        %mul3A_1184 = arith.constant 3.200000e+01 : f32
        %mul3A_1185 = vector.broadcast %mul3A_1184 : f32 to vector<16xf32>
        %mul3A_1186 = arith.mulf %get3A_1183, %mul3A_1185 : vector<16xf32>
        %get3A_1187 = arith.index_cast %scan3A_1023 : i32 to index
        %get3A_1188 = arith.constant 96 : index
        %get3A_1189 = tpu.vector_load %arg7[%get3A_1187, %get3A_1188] {strides = array<i32>} : memref<100x128xf32, #tpu.memory_space<vmem>>, vector<1x16xf32>,
        %get3A_1190 = vector.shape_cast %get3A_1189 : vector<1x16xf32> to vector<16xf32>
        %add3A_1191 = arith.addf %mul3A_1186, %get3A_1190 : vector<16xf32>
        %swap3A_1192 = arith.constant 0 : i32
        %swap3A_1193 = arith.index_cast %swap3A_1192 : i32 to index
        %swap3A_1194 = arith.index_cast %scan3A_1023 : i32 to index
        %swap3A_1195 = arith.constant 96 : index
        %swap3A_1196 = tpu.vector_load %arg9[%swap3A_1193, %swap3A_1194, %swap3A_1195] {strides = array<i32>} : memref<2x100x128xf32, #tpu.memory_space<vmem>>, vector<1x1x16xf32>,
        %swap3A_1197 = vector.shape_cast %swap3A_1196 : vector<1x1x16xf32> to vector<16xf32>
        %swap3A_1198 = vector.shape_cast %add3A_1191 : vector<16xf32> to vector<1x1x16xf32>
        tpu.vector_store %arg9[%swap3A_1193, %swap3A_1194, %swap3A_1195], %swap3A_1198 {strides = array<i32>} : memref<2x100x128xf32, #tpu.memory_space<vmem>>, vector<1x1x16xf32>,
        %mul3A_1199 = arith.constant 2 : i32
        %mul3A_1200 = arith.muli %mul3A_1199, %scan3A_1023 : i32
        %add3A_1201 = arith.constant 1 : i32
        %add3A_1202 = arith.addi %mul3A_1200, %add3A_1201 : i32
        %get3A_1203 = arith.constant 2 : i32
        %get3A_1204 = arith.index_cast %get3A_1203 : i32 to index
        %get3A_1205 = arith.index_cast %add3A_1202 : i32 to index
        %get3A_1206 = arith.constant 48 : index
        %get3A_1207 = tpu.vector_load %arg8[%get3A_1204, %get3A_1205, %get3A_1206] {strides = array<i32>} : memref<4x200x64xf32, #tpu.memory_space<vmem>>, vector<1x1x16xf32>,
        %get3A_1208 = vector.shape_cast %get3A_1207 : vector<1x1x16xf32> to vector<16xf32>
        %mul3A_1209 = arith.constant 3.200000e+01 : f32
        %mul3A_1210 = vector.broadcast %mul3A_1209 : f32 to vector<16xf32>
        %mul3A_1211 = arith.mulf %get3A_1208, %mul3A_1210 : vector<16xf32>
        %get3A_1212 = arith.index_cast %scan3A_1023 : i32 to index
        %get3A_1213 = arith.constant 112 : index
        %get3A_1214 = tpu.vector_load %arg7[%get3A_1212, %get3A_1213] {strides = array<i32>} : memref<100x128xf32, #tpu.memory_space<vmem>>, vector<1x16xf32>,
        %get3A_1215 = vector.shape_cast %get3A_1214 : vector<1x16xf32> to vector<16xf32>
        %add3A_1216 = arith.addf %mul3A_1211, %get3A_1215 : vector<16xf32>
        %swap3A_1217 = arith.constant 0 : i32
        %swap3A_1218 = arith.index_cast %swap3A_1217 : i32 to index
        %swap3A_1219 = arith.index_cast %scan3A_1023 : i32 to index
        %swap3A_1220 = arith.constant 112 : index
        %swap3A_1221 = tpu.vector_load %arg9[%swap3A_1218, %swap3A_1219, %swap3A_1220] {strides = array<i32>} : memref<2x100x128xf32, #tpu.memory_space<vmem>>, vector<1x1x16xf32>,
        %swap3A_1222 = vector.shape_cast %swap3A_1221 : vector<1x1x16xf32> to vector<16xf32>
        %swap3A_1223 = vector.shape_cast %add3A_1216 : vector<16xf32> to vector<1x1x16xf32>
        tpu.vector_store %arg9[%swap3A_1218, %swap3A_1219, %swap3A_1220], %swap3A_1223 {strides = array<i32>} : memref<2x100x128xf32, #tpu.memory_space<vmem>>, vector<1x1x16xf32>,
      }
      %scan3A_326 = arith.constant 100 : i32
      %add3A_327 = arith.addi %mul3A_2, %add3A_280 : i32
      %dma_start3A_328 = arith.constant 0 : i32
      %dma_start3A_329 = arith.constant 0 : i32
      %dma_start3A_330 = arith.constant 0 : i32
      %dma_start3A_331 = arith.constant 0 : i32
      %dma_start3A_332 = tpu.memref_slice %arg9[%dma_start3A_328, %dma_start3A_330, %dma_start3A_331] : memref<2x100x128xf32, #tpu.memory_space<vmem>> -> memref<1x100x128xf32, #tpu.memory_space<vmem>>
      %dma_start3A_333 = tpu.memref_squeeze %dma_start3A_332 : memref<1x100x128xf32, #tpu.memory_space<vmem>> -> memref<100x128xf32, #tpu.memory_space<vmem>>
      %dma_start3A_334 = arith.constant 0 : i32
      %dma_start3A_335 = arith.constant 0 : i32
      %dma_start3A_336 = tpu.memref_slice %arg5[%add3A_327, %dma_start3A_334, %dma_start3A_335] : memref<4096x100x128xf32, #tpu.memory_space<hbm>> -> memref<1x100x128xf32, #tpu.memory_space<hbm>>
      %dma_start3A_337 = tpu.memref_squeeze %dma_start3A_336 : memref<1x100x128xf32, #tpu.memory_space<hbm>> -> memref<100x128xf32, #tpu.memory_space<hbm>>
      %dma_start3A_338 = tpu.memref_slice %arg11[%dma_start3A_329] : memref<2x!tpu.dma_semaphore, #tpu.memory_space<semaphore_mem>> -> memref<1x!tpu.dma_semaphore, #tpu.memory_space<semaphore_mem>>
      %dma_start3A_339 = tpu.memref_squeeze %dma_start3A_338 : memref<1x!tpu.dma_semaphore, #tpu.memory_space<semaphore_mem>> -> memref<!tpu.dma_semaphore, #tpu.memory_space<semaphore_mem>>
      %dma_start3A_340 = arith.constant 0 : i32
      %dma_start3A_341 = arith.constant 0 : i32
      %dma_start3A_342 = tpu.memref_slice %arg5[%add3A_327, %dma_start3A_340, %dma_start3A_341] : memref<4096x100x128xf32, #tpu.memory_space<hbm>> -> memref<1x100x128xf32, #tpu.memory_space<hbm>>
      %dma_start3A_343 = tpu.memref_squeeze %dma_start3A_342 : memref<1x100x128xf32, #tpu.memory_space<hbm>> -> memref<100x128xf32, #tpu.memory_space<hbm>>
      %dma_start3A_344 = arith.constant 0 : i32
      %dma_start3A_345 = arith.constant 0 : i32
      %dma_start3A_346 = tpu.memref_slice %arg9[%dma_start3A_328, %dma_start3A_344, %dma_start3A_345] : memref<2x100x128xf32, #tpu.memory_space<vmem>> -> memref<1x100x128xf32, #tpu.memory_space<vmem>>
      %dma_start3A_347 = tpu.memref_squeeze %dma_start3A_346 : memref<1x100x128xf32, #tpu.memory_space<vmem>> -> memref<100x128xf32, #tpu.memory_space<vmem>>
      tpu.enqueue_dma source(%dma_start3A_347 : memref<100x128xf32, #tpu.memory_space<vmem>>) target(%dma_start3A_343 : memref<100x128xf32, #tpu.memory_space<hbm>>) target_semaphore(%dma_start3A_339 : memref<!tpu.dma_semaphore, #tpu.memory_space<semaphore_mem>>)
      %mul3A_348 = arith.constant 4 : i32
      %mul3A_349 = arith.muli %scan3A_138, %mul3A_348 : i32
      %add3A_350 = arith.constant 3 : i32
      %add3A_351 = arith.addi %mul3A_349, %add3A_350 : i32
      %add3A_352 = arith.constant 3 : i32
      %add3A_353 = arith.addi %add3A_351, %add3A_352 : i32
      %lt3A_354 = arith.constant 128 : i32
      %lt3A_355 = arith.cmpi slt, %add3A_353, %lt3A_354 : i32
      %convert_element_type3A_356 = arith.extui %lt3A_355 : i1 to i32
      %cond3A_357 = arith.constant 0 : i32
      %cond3A_358 = arith.cmpi ne, %convert_element_type3A_356, %cond3A_357 : i32
      scf.if %cond3A_358 {
        %add3A_419 = arith.constant 3 : i32
        %add3A_420 = arith.addi %add3A_351, %add3A_419 : i32
        %dma_start3A_421 = arith.constant 2 : i32
        %dma_start3A_422 = arith.constant 2 : i32
        %dma_start3A_423 = arith.constant 0 : i32
        %dma_start3A_424 = arith.constant 0 : i32
        %dma_start3A_425 = tpu.memref_slice %arg8[%dma_start3A_421, %dma_start3A_423, %dma_start3A_424] : memref<4x200x64xf32, #tpu.memory_space<vmem>> -> memref<1x128x64xf32, #tpu.memory_space<vmem>>
        %dma_start3A_426 = tpu.memref_squeeze %dma_start3A_425 : memref<1x128x64xf32, #tpu.memory_space<vmem>> -> memref<128x64xf32, #tpu.memory_space<vmem>>
        %dma_start3A_427 = arith.constant 0 : i32
        %dma_start3A_428 = tpu.memref_slice %arg6[%add3A_420, %dma_start3A_427] : memref<128x200xi32, #tpu.memory_space<vmem>> -> memref<1x128xi32, #tpu.memory_space<vmem>>
        %dma_start3A_429 = tpu.memref_squeeze %dma_start3A_428 : memref<1x128xi32, #tpu.memory_space<vmem>> -> memref<128xi32, #tpu.memory_space<vmem>>
        %dma_start3A_430 = arith.constant 0 : i32
        %dma_start3A_431 = arith.constant 0 : i32
        %dma_start3A_432 = tpu.memref_slice %arg3[%dma_start3A_430, %dma_start3A_431] : memref<1000000x64xf32, #tpu.memory_space<hbm>> -> memref<1000000x64xf32, #tpu.memory_space<hbm>>
        %dma_start3A_433 = tpu.memref_slice %arg10[%dma_start3A_422] : memref<4x!tpu.dma_semaphore, #tpu.memory_space<semaphore_mem>> -> memref<1x!tpu.dma_semaphore, #tpu.memory_space<semaphore_mem>>
        %dma_start3A_434 = tpu.memref_squeeze %dma_start3A_433 : memref<1x!tpu.dma_semaphore, #tpu.memory_space<semaphore_mem>> -> memref<!tpu.dma_semaphore, #tpu.memory_space<semaphore_mem>>
        tpu.enqueue_indirect_dma source(%dma_start3A_432 : memref<1000000x64xf32, #tpu.memory_space<hbm>>) target(%dma_start3A_426 : memref<128x64xf32, #tpu.memory_space<vmem>>) offsets(%dma_start3A_429 : memref<128xi32, #tpu.memory_space<vmem>>) semaphore(%dma_start3A_434 : memref<!tpu.dma_semaphore, #tpu.memory_space<semaphore_mem>>)
        %dma_start3A_435 = arith.constant 2 : i32
        %dma_start3A_436 = arith.constant 2 : i32
        %dma_start3A_437 = arith.constant 128 : i32
        %dma_start3A_438 = arith.constant 0 : i32
        %dma_start3A_439 = tpu.memref_slice %arg8[%dma_start3A_435, %dma_start3A_437, %dma_start3A_438] : memref<4x200x64xf32, #tpu.memory_space<vmem>> -> memref<1x72x64xf32, #tpu.memory_space<vmem>>
        %dma_start3A_440 = tpu.memref_squeeze %dma_start3A_439 : memref<1x72x64xf32, #tpu.memory_space<vmem>> -> memref<72x64xf32, #tpu.memory_space<vmem>>
        %dma_start3A_441 = arith.constant 128 : i32
        %dma_start3A_442 = tpu.memref_slice %arg6[%add3A_420, %dma_start3A_441] : memref<128x200xi32, #tpu.memory_space<vmem>> -> memref<1x72xi32, #tpu.memory_space<vmem>>
        %dma_start3A_443 = tpu.memref_squeeze %dma_start3A_442 : memref<1x72xi32, #tpu.memory_space<vmem>> -> memref<72xi32, #tpu.memory_space<vmem>>
        %dma_start3A_444 = arith.constant 0 : i32
        %dma_start3A_445 = arith.constant 0 : i32
        %dma_start3A_446 = tpu.memref_slice %arg3[%dma_start3A_444, %dma_start3A_445] : memref<1000000x64xf32, #tpu.memory_space<hbm>> -> memref<1000000x64xf32, #tpu.memory_space<hbm>>
        %dma_start3A_447 = tpu.memref_slice %arg10[%dma_start3A_436] : memref<4x!tpu.dma_semaphore, #tpu.memory_space<semaphore_mem>> -> memref<1x!tpu.dma_semaphore, #tpu.memory_space<semaphore_mem>>
        %dma_start3A_448 = tpu.memref_squeeze %dma_start3A_447 : memref<1x!tpu.dma_semaphore, #tpu.memory_space<semaphore_mem>> -> memref<!tpu.dma_semaphore, #tpu.memory_space<semaphore_mem>>
        tpu.enqueue_indirect_dma source(%dma_start3A_446 : memref<1000000x64xf32, #tpu.memory_space<hbm>>) target(%dma_start3A_440 : memref<72x64xf32, #tpu.memory_space<vmem>>) offsets(%dma_start3A_443 : memref<72xi32, #tpu.memory_space<vmem>>) semaphore(%dma_start3A_448 : memref<!tpu.dma_semaphore, #tpu.memory_space<semaphore_mem>>)
      } else {
      }
      %dma_wait3A_359 = arith.constant 3 : i32
      %dma_wait3A_360 = arith.constant 3 : i32
      %dma_wait3A_361 = arith.constant 0 : i32
      %dma_wait3A_362 = arith.constant 0 : i32
      %dma_wait3A_363 = tpu.memref_slice %arg8[%dma_wait3A_359, %dma_wait3A_361, %dma_wait3A_362] : memref<4x200x64xf32, #tpu.memory_space<vmem>> -> memref<1x128x64xf32, #tpu.memory_space<vmem>>
      %dma_wait3A_364 = tpu.memref_squeeze %dma_wait3A_363 : memref<1x128x64xf32, #tpu.memory_space<vmem>> -> memref<128x64xf32, #tpu.memory_space<vmem>>
      %dma_wait3A_365 = arith.constant 0 : i32
      %dma_wait3A_366 = tpu.memref_slice %arg6[%add3A_351, %dma_wait3A_365] : memref<128x200xi32, #tpu.memory_space<vmem>> -> memref<1x128xi32, #tpu.memory_space<vmem>>
      %dma_wait3A_367 = tpu.memref_squeeze %dma_wait3A_366 : memref<1x128xi32, #tpu.memory_space<vmem>> -> memref<128xi32, #tpu.memory_space<vmem>>
      %dma_wait3A_368 = arith.constant 0 : i32
      %dma_wait3A_369 = arith.constant 0 : i32
      %dma_wait3A_370 = tpu.memref_slice %arg3[%dma_wait3A_368, %dma_wait3A_369] : memref<1000000x64xf32, #tpu.memory_space<hbm>> -> memref<1000000x64xf32, #tpu.memory_space<hbm>>
      %dma_wait3A_371 = tpu.memref_slice %arg10[%dma_wait3A_360] : memref<4x!tpu.dma_semaphore, #tpu.memory_space<semaphore_mem>> -> memref<1x!tpu.dma_semaphore, #tpu.memory_space<semaphore_mem>>
      %dma_wait3A_372 = tpu.memref_squeeze %dma_wait3A_371 : memref<1x!tpu.dma_semaphore, #tpu.memory_space<semaphore_mem>> -> memref<!tpu.dma_semaphore, #tpu.memory_space<semaphore_mem>>
      tpu.wait_indirect_dma semaphore(%dma_wait3A_372 : memref<!tpu.dma_semaphore, #tpu.memory_space<semaphore_mem>>) src(%dma_wait3A_370 : memref<1000000x64xf32, #tpu.memory_space<hbm>>) dst(%dma_wait3A_364 : memref<128x64xf32, #tpu.memory_space<vmem>>)
      %dma_wait3A_373 = arith.constant 3 : i32
      %dma_wait3A_374 = arith.constant 3 : i32
      %dma_wait3A_375 = arith.constant 128 : i32
      %dma_wait3A_376 = arith.constant 0 : i32
      %dma_wait3A_377 = tpu.memref_slice %arg8[%dma_wait3A_373, %dma_wait3A_375, %dma_wait3A_376] : memref<4x200x64xf32, #tpu.memory_space<vmem>> -> memref<1x72x64xf32, #tpu.memory_space<vmem>>
      %dma_wait3A_378 = tpu.memref_squeeze %dma_wait3A_377 : memref<1x72x64xf32, #tpu.memory_space<vmem>> -> memref<72x64xf32, #tpu.memory_space<vmem>>
      %dma_wait3A_379 = arith.constant 128 : i32
      %dma_wait3A_380 = tpu.memref_slice %arg6[%add3A_351, %dma_wait3A_379] : memref<128x200xi32, #tpu.memory_space<vmem>> -> memref<1x72xi32, #tpu.memory_space<vmem>>
      %dma_wait3A_381 = tpu.memref_squeeze %dma_wait3A_380 : memref<1x72xi32, #tpu.memory_space<vmem>> -> memref<72xi32, #tpu.memory_space<vmem>>
      %dma_wait3A_382 = arith.constant 0 : i32
      %dma_wait3A_383 = arith.constant 0 : i32
      %dma_wait3A_384 = tpu.memref_slice %arg3[%dma_wait3A_382, %dma_wait3A_383] : memref<1000000x64xf32, #tpu.memory_space<hbm>> -> memref<1000000x64xf32, #tpu.memory_space<hbm>>
      %dma_wait3A_385 = tpu.memref_slice %arg10[%dma_wait3A_374] : memref<4x!tpu.dma_semaphore, #tpu.memory_space<semaphore_mem>> -> memref<1x!tpu.dma_semaphore, #tpu.memory_space<semaphore_mem>>
      %dma_wait3A_386 = tpu.memref_squeeze %dma_wait3A_385 : memref<1x!tpu.dma_semaphore, #tpu.memory_space<semaphore_mem>> -> memref<!tpu.dma_semaphore, #tpu.memory_space<semaphore_mem>>
      tpu.wait_indirect_dma semaphore(%dma_wait3A_386 : memref<!tpu.dma_semaphore, #tpu.memory_space<semaphore_mem>>) src(%dma_wait3A_384 : memref<1000000x64xf32, #tpu.memory_space<hbm>>) dst(%dma_wait3A_378 : memref<72x64xf32, #tpu.memory_space<vmem>>)
      %ge3A_387 = arith.constant 2 : i32
      %ge3A_388 = arith.cmpi sge, %add3A_351, %ge3A_387 : i32
      %convert_element_type3A_389 = arith.extui %ge3A_388 : i1 to i32
      %cond3A_390 = arith.constant 0 : i32
      %cond3A_391 = arith.cmpi ne, %convert_element_type3A_389, %cond3A_390 : i32
      scf.if %cond3A_391 {
        %dma_wait3A_419 = arith.constant 1 : i32
        %dma_wait3A_420 = arith.constant 0 : i32
        %dma_wait3A_421 = arith.constant 1 : i32
        %dma_wait3A_422 = arith.constant 0 : i32
        %dma_wait3A_423 = arith.constant 0 : i32
        %dma_wait3A_424 = tpu.memref_slice %arg9[%dma_wait3A_419, %dma_wait3A_422, %dma_wait3A_423] : memref<2x100x128xf32, #tpu.memory_space<vmem>> -> memref<1x100x128xf32, #tpu.memory_space<vmem>>
        %dma_wait3A_425 = tpu.memref_squeeze %dma_wait3A_424 : memref<1x100x128xf32, #tpu.memory_space<vmem>> -> memref<100x128xf32, #tpu.memory_space<vmem>>
        %dma_wait3A_426 = arith.constant 0 : i32
        %dma_wait3A_427 = arith.constant 0 : i32
        %dma_wait3A_428 = tpu.memref_slice %arg5[%dma_wait3A_420, %dma_wait3A_426, %dma_wait3A_427] : memref<4096x100x128xf32, #tpu.memory_space<hbm>> -> memref<1x100x128xf32, #tpu.memory_space<hbm>>
        %dma_wait3A_429 = tpu.memref_squeeze %dma_wait3A_428 : memref<1x100x128xf32, #tpu.memory_space<hbm>> -> memref<100x128xf32, #tpu.memory_space<hbm>>
        %dma_wait3A_430 = tpu.memref_slice %arg11[%dma_wait3A_421] : memref<2x!tpu.dma_semaphore, #tpu.memory_space<semaphore_mem>> -> memref<1x!tpu.dma_semaphore, #tpu.memory_space<semaphore_mem>>
        %dma_wait3A_431 = tpu.memref_squeeze %dma_wait3A_430 : memref<1x!tpu.dma_semaphore, #tpu.memory_space<semaphore_mem>> -> memref<!tpu.dma_semaphore, #tpu.memory_space<semaphore_mem>>
        %dma_wait3A_432 = arith.constant 0 : i32
        %dma_wait3A_433 = arith.constant 0 : i32
        %dma_wait3A_434 = tpu.memref_slice %arg5[%dma_wait3A_420, %dma_wait3A_432, %dma_wait3A_433] : memref<4096x100x128xf32, #tpu.memory_space<hbm>> -> memref<1x100x128xf32, #tpu.memory_space<hbm>>
        %dma_wait3A_435 = tpu.memref_squeeze %dma_wait3A_434 : memref<1x100x128xf32, #tpu.memory_space<hbm>> -> memref<100x128xf32, #tpu.memory_space<hbm>>
        %dma_wait3A_436 = arith.constant 0 : i32
        %dma_wait3A_437 = arith.constant 0 : i32
        %dma_wait3A_438 = tpu.memref_slice %arg9[%dma_wait3A_419, %dma_wait3A_436, %dma_wait3A_437] : memref<2x100x128xf32, #tpu.memory_space<vmem>> -> memref<1x100x128xf32, #tpu.memory_space<vmem>>
        %dma_wait3A_439 = tpu.memref_squeeze %dma_wait3A_438 : memref<1x100x128xf32, #tpu.memory_space<vmem>> -> memref<100x128xf32, #tpu.memory_space<vmem>>
        tpu.wait_dma2 semaphore(%dma_wait3A_431 : memref<!tpu.dma_semaphore, #tpu.memory_space<semaphore_mem>>) src(%dma_wait3A_439 : memref<100x128xf32, #tpu.memory_space<vmem>>) dst(%dma_wait3A_435 : memref<100x128xf32, #tpu.memory_space<hbm>>)
      } else {
      }
      %scan3A_392 = arith.constant 0 : i32
      %scan3A_393 = arith.constant 0 : i32
      %scan3A_394 = arith.constant 100 : i32
      %scan3A_395 = arith.addi %scan3A_393, %scan3A_394 : i32
      %scan3A_396 = arith.constant 4 : i32
      scf.for %scan3A_419 = %scan3A_393 to %scan3A_395 step %scan3A_396  : i32 {
        %mul3A_420 = arith.constant 2 : i32
        %mul3A_421 = arith.muli %mul3A_420, %scan3A_419 : i32
        %add3A_422 = arith.constant 0 : i32
        %add3A_423 = arith.addi %mul3A_421, %add3A_422 : i32
        %get3A = arith.constant 3 : i32
        %get3A_424 = arith.index_cast %get3A : i32 to index
        %get3A_425 = arith.index_cast %add3A_423 : i32 to index
        %get3A_426 = arith.constant 0 : index
        %get3A_427 = tpu.vector_load %arg8[%get3A_424, %get3A_425, %get3A_426] {strides = array<i32>} : memref<4x200x64xf32, #tpu.memory_space<vmem>>, vector<1x1x16xf32>,
        %get3A_428 = vector.shape_cast %get3A_427 : vector<1x1x16xf32> to vector<16xf32>
        %mul3A_429 = arith.constant 3.200000e+01 : f32
        %mul3A_430 = vector.broadcast %mul3A_429 : f32 to vector<16xf32>
        %mul3A_431 = arith.mulf %get3A_428, %mul3A_430 : vector<16xf32>
        %get3A_432 = arith.index_cast %scan3A_419 : i32 to index
        %get3A_433 = arith.constant 0 : index
        %get3A_434 = tpu.vector_load %arg7[%get3A_432, %get3A_433] {strides = array<i32>} : memref<100x128xf32, #tpu.memory_space<vmem>>, vector<1x16xf32>,
        %get3A_435 = vector.shape_cast %get3A_434 : vector<1x16xf32> to vector<16xf32>
        %add3A_436 = arith.addf %mul3A_431, %get3A_435 : vector<16xf32>
        %swap3A = arith.constant 1 : i32
        %swap3A_437 = arith.index_cast %swap3A : i32 to index
        %swap3A_438 = arith.index_cast %scan3A_419 : i32 to index
        %swap3A_439 = arith.constant 0 : index
        %swap3A_440 = tpu.vector_load %arg9[%swap3A_437, %swap3A_438, %swap3A_439] {strides = array<i32>} : memref<2x100x128xf32, #tpu.memory_space<vmem>>, vector<1x1x16xf32>,
        %swap3A_441 = vector.shape_cast %swap3A_440 : vector<1x1x16xf32> to vector<16xf32>
        %swap3A_442 = vector.shape_cast %add3A_436 : vector<16xf32> to vector<1x1x16xf32>
        tpu.vector_store %arg9[%swap3A_437, %swap3A_438, %swap3A_439], %swap3A_442 {strides = array<i32>} : memref<2x100x128xf32, #tpu.memory_space<vmem>>, vector<1x1x16xf32>,
        %mul3A_443 = arith.constant 2 : i32
        %mul3A_444 = arith.muli %mul3A_443, %scan3A_419 : i32
        %add3A_445 = arith.constant 0 : i32
        %add3A_446 = arith.addi %mul3A_444, %add3A_445 : i32
        %get3A_447 = arith.constant 3 : i32
        %get3A_448 = arith.index_cast %get3A_447 : i32 to index
        %get3A_449 = arith.index_cast %add3A_446 : i32 to index
        %get3A_450 = arith.constant 16 : index
        %get3A_451 = tpu.vector_load %arg8[%get3A_448, %get3A_449, %get3A_450] {strides = array<i32>} : memref<4x200x64xf32, #tpu.memory_space<vmem>>, vector<1x1x16xf32>,
        %get3A_452 = vector.shape_cast %get3A_451 : vector<1x1x16xf32> to vector<16xf32>
        %mul3A_453 = arith.constant 3.200000e+01 : f32
        %mul3A_454 = vector.broadcast %mul3A_453 : f32 to vector<16xf32>
        %mul3A_455 = arith.mulf %get3A_452, %mul3A_454 : vector<16xf32>
        %get3A_456 = arith.index_cast %scan3A_419 : i32 to index
        %get3A_457 = arith.constant 16 : index
        %get3A_458 = tpu.vector_load %arg7[%get3A_456, %get3A_457] {strides = array<i32>} : memref<100x128xf32, #tpu.memory_space<vmem>>, vector<1x16xf32>,
        %get3A_459 = vector.shape_cast %get3A_458 : vector<1x16xf32> to vector<16xf32>
        %add3A_460 = arith.addf %mul3A_455, %get3A_459 : vector<16xf32>
        %swap3A_461 = arith.constant 1 : i32
        %swap3A_462 = arith.index_cast %swap3A_461 : i32 to index
        %swap3A_463 = arith.index_cast %scan3A_419 : i32 to index
        %swap3A_464 = arith.constant 16 : index
        %swap3A_465 = tpu.vector_load %arg9[%swap3A_462, %swap3A_463, %swap3A_464] {strides = array<i32>} : memref<2x100x128xf32, #tpu.memory_space<vmem>>, vector<1x1x16xf32>,
        %swap3A_466 = vector.shape_cast %swap3A_465 : vector<1x1x16xf32> to vector<16xf32>
        %swap3A_467 = vector.shape_cast %add3A_460 : vector<16xf32> to vector<1x1x16xf32>
        tpu.vector_store %arg9[%swap3A_462, %swap3A_463, %swap3A_464], %swap3A_467 {strides = array<i32>} : memref<2x100x128xf32, #tpu.memory_space<vmem>>, vector<1x1x16xf32>,
        %mul3A_468 = arith.constant 2 : i32
        %mul3A_469 = arith.muli %mul3A_468, %scan3A_419 : i32
        %add3A_470 = arith.constant 0 : i32
        %add3A_471 = arith.addi %mul3A_469, %add3A_470 : i32
        %get3A_472 = arith.constant 3 : i32
        %get3A_473 = arith.index_cast %get3A_472 : i32 to index
        %get3A_474 = arith.index_cast %add3A_471 : i32 to index
        %get3A_475 = arith.constant 32 : index
        %get3A_476 = tpu.vector_load %arg8[%get3A_473, %get3A_474, %get3A_475] {strides = array<i32>} : memref<4x200x64xf32, #tpu.memory_space<vmem>>, vector<1x1x16xf32>,
        %get3A_477 = vector.shape_cast %get3A_476 : vector<1x1x16xf32> to vector<16xf32>
        %mul3A_478 = arith.constant 3.200000e+01 : f32
        %mul3A_479 = vector.broadcast %mul3A_478 : f32 to vector<16xf32>
        %mul3A_480 = arith.mulf %get3A_477, %mul3A_479 : vector<16xf32>
        %get3A_481 = arith.index_cast %scan3A_419 : i32 to index
        %get3A_482 = arith.constant 32 : index
        %get3A_483 = tpu.vector_load %arg7[%get3A_481, %get3A_482] {strides = array<i32>} : memref<100x128xf32, #tpu.memory_space<vmem>>, vector<1x16xf32>,
        %get3A_484 = vector.shape_cast %get3A_483 : vector<1x16xf32> to vector<16xf32>
        %add3A_485 = arith.addf %mul3A_480, %get3A_484 : vector<16xf32>
        %swap3A_486 = arith.constant 1 : i32
        %swap3A_487 = arith.index_cast %swap3A_486 : i32 to index
        %swap3A_488 = arith.index_cast %scan3A_419 : i32 to index
        %swap3A_489 = arith.constant 32 : index
        %swap3A_490 = tpu.vector_load %arg9[%swap3A_487, %swap3A_488, %swap3A_489] {strides = array<i32>} : memref<2x100x128xf32, #tpu.memory_space<vmem>>, vector<1x1x16xf32>,
        %swap3A_491 = vector.shape_cast %swap3A_490 : vector<1x1x16xf32> to vector<16xf32>
        %swap3A_492 = vector.shape_cast %add3A_485 : vector<16xf32> to vector<1x1x16xf32>
        tpu.vector_store %arg9[%swap3A_487, %swap3A_488, %swap3A_489], %swap3A_492 {strides = array<i32>} : memref<2x100x128xf32, #tpu.memory_space<vmem>>, vector<1x1x16xf32>,
        %mul3A_493 = arith.constant 2 : i32
        %mul3A_494 = arith.muli %mul3A_493, %scan3A_419 : i32
        %add3A_495 = arith.constant 0 : i32
        %add3A_496 = arith.addi %mul3A_494, %add3A_495 : i32
        %get3A_497 = arith.constant 3 : i32
        %get3A_498 = arith.index_cast %get3A_497 : i32 to index
        %get3A_499 = arith.index_cast %add3A_496 : i32 to index
        %get3A_500 = arith.constant 48 : index
        %get3A_501 = tpu.vector_load %arg8[%get3A_498, %get3A_499, %get3A_500] {strides = array<i32>} : memref<4x200x64xf32, #tpu.memory_space<vmem>>, vector<1x1x16xf32>,
        %get3A_502 = vector.shape_cast %get3A_501 : vector<1x1x16xf32> to vector<16xf32>
        %mul3A_503 = arith.constant 3.200000e+01 : f32
        %mul3A_504 = vector.broadcast %mul3A_503 : f32 to vector<16xf32>
        %mul3A_505 = arith.mulf %get3A_502, %mul3A_504 : vector<16xf32>
        %get3A_506 = arith.index_cast %scan3A_419 : i32 to index
        %get3A_507 = arith.constant 48 : index
        %get3A_508 = tpu.vector_load %arg7[%get3A_506, %get3A_507] {strides = array<i32>} : memref<100x128xf32, #tpu.memory_space<vmem>>, vector<1x16xf32>,
        %get3A_509 = vector.shape_cast %get3A_508 : vector<1x16xf32> to vector<16xf32>
        %add3A_510 = arith.addf %mul3A_505, %get3A_509 : vector<16xf32>
        %swap3A_511 = arith.constant 1 : i32
        %swap3A_512 = arith.index_cast %swap3A_511 : i32 to index
        %swap3A_513 = arith.index_cast %scan3A_419 : i32 to index
        %swap3A_514 = arith.constant 48 : index
        %swap3A_515 = tpu.vector_load %arg9[%swap3A_512, %swap3A_513, %swap3A_514] {strides = array<i32>} : memref<2x100x128xf32, #tpu.memory_space<vmem>>, vector<1x1x16xf32>,
        %swap3A_516 = vector.shape_cast %swap3A_515 : vector<1x1x16xf32> to vector<16xf32>
        %swap3A_517 = vector.shape_cast %add3A_510 : vector<16xf32> to vector<1x1x16xf32>
        tpu.vector_store %arg9[%swap3A_512, %swap3A_513, %swap3A_514], %swap3A_517 {strides = array<i32>} : memref<2x100x128xf32, #tpu.memory_space<vmem>>, vector<1x1x16xf32>,
        %mul3A_518 = arith.constant 2 : i32
        %mul3A_519 = arith.muli %mul3A_518, %scan3A_419 : i32
        %add3A_520 = arith.constant 1 : i32
        %add3A_521 = arith.addi %mul3A_519, %add3A_520 : i32
        %get3A_522 = arith.constant 3 : i32
        %get3A_523 = arith.index_cast %get3A_522 : i32 to index
        %get3A_524 = arith.index_cast %add3A_521 : i32 to index
        %get3A_525 = arith.constant 0 : index
        %get3A_526 = tpu.vector_load %arg8[%get3A_523, %get3A_524, %get3A_525] {strides = array<i32>} : memref<4x200x64xf32, #tpu.memory_space<vmem>>, vector<1x1x16xf32>,
        %get3A_527 = vector.shape_cast %get3A_526 : vector<1x1x16xf32> to vector<16xf32>
        %mul3A_528 = arith.constant 3.200000e+01 : f32
        %mul3A_529 = vector.broadcast %mul3A_528 : f32 to vector<16xf32>
        %mul3A_530 = arith.mulf %get3A_527, %mul3A_529 : vector<16xf32>
        %get3A_531 = arith.index_cast %scan3A_419 : i32 to index
        %get3A_532 = arith.constant 64 : index
        %get3A_533 = tpu.vector_load %arg7[%get3A_531, %get3A_532] {strides = array<i32>} : memref<100x128xf32, #tpu.memory_space<vmem>>, vector<1x16xf32>,
        %get3A_534 = vector.shape_cast %get3A_533 : vector<1x16xf32> to vector<16xf32>
        %add3A_535 = arith.addf %mul3A_530, %get3A_534 : vector<16xf32>
        %swap3A_536 = arith.constant 1 : i32
        %swap3A_537 = arith.index_cast %swap3A_536 : i32 to index
        %swap3A_538 = arith.index_cast %scan3A_419 : i32 to index
        %swap3A_539 = arith.constant 64 : index
        %swap3A_540 = tpu.vector_load %arg9[%swap3A_537, %swap3A_538, %swap3A_539] {strides = array<i32>} : memref<2x100x128xf32, #tpu.memory_space<vmem>>, vector<1x1x16xf32>,
        %swap3A_541 = vector.shape_cast %swap3A_540 : vector<1x1x16xf32> to vector<16xf32>
        %swap3A_542 = vector.shape_cast %add3A_535 : vector<16xf32> to vector<1x1x16xf32>
        tpu.vector_store %arg9[%swap3A_537, %swap3A_538, %swap3A_539], %swap3A_542 {strides = array<i32>} : memref<2x100x128xf32, #tpu.memory_space<vmem>>, vector<1x1x16xf32>,
        %mul3A_543 = arith.constant 2 : i32
        %mul3A_544 = arith.muli %mul3A_543, %scan3A_419 : i32
        %add3A_545 = arith.constant 1 : i32
        %add3A_546 = arith.addi %mul3A_544, %add3A_545 : i32
        %get3A_547 = arith.constant 3 : i32
        %get3A_548 = arith.index_cast %get3A_547 : i32 to index
        %get3A_549 = arith.index_cast %add3A_546 : i32 to index
        %get3A_550 = arith.constant 16 : index
        %get3A_551 = tpu.vector_load %arg8[%get3A_548, %get3A_549, %get3A_550] {strides = array<i32>} : memref<4x200x64xf32, #tpu.memory_space<vmem>>, vector<1x1x16xf32>,
        %get3A_552 = vector.shape_cast %get3A_551 : vector<1x1x16xf32> to vector<16xf32>
        %mul3A_553 = arith.constant 3.200000e+01 : f32
        %mul3A_554 = vector.broadcast %mul3A_553 : f32 to vector<16xf32>
        %mul3A_555 = arith.mulf %get3A_552, %mul3A_554 : vector<16xf32>
        %get3A_556 = arith.index_cast %scan3A_419 : i32 to index
        %get3A_557 = arith.constant 80 : index
        %get3A_558 = tpu.vector_load %arg7[%get3A_556, %get3A_557] {strides = array<i32>} : memref<100x128xf32, #tpu.memory_space<vmem>>, vector<1x16xf32>,
        %get3A_559 = vector.shape_cast %get3A_558 : vector<1x16xf32> to vector<16xf32>
        %add3A_560 = arith.addf %mul3A_555, %get3A_559 : vector<16xf32>
        %swap3A_561 = arith.constant 1 : i32
        %swap3A_562 = arith.index_cast %swap3A_561 : i32 to index
        %swap3A_563 = arith.index_cast %scan3A_419 : i32 to index
        %swap3A_564 = arith.constant 80 : index
        %swap3A_565 = tpu.vector_load %arg9[%swap3A_562, %swap3A_563, %swap3A_564] {strides = array<i32>} : memref<2x100x128xf32, #tpu.memory_space<vmem>>, vector<1x1x16xf32>,
        %swap3A_566 = vector.shape_cast %swap3A_565 : vector<1x1x16xf32> to vector<16xf32>
        %swap3A_567 = vector.shape_cast %add3A_560 : vector<16xf32> to vector<1x1x16xf32>
        tpu.vector_store %arg9[%swap3A_562, %swap3A_563, %swap3A_564], %swap3A_567 {strides = array<i32>} : memref<2x100x128xf32, #tpu.memory_space<vmem>>, vector<1x1x16xf32>,
        %mul3A_568 = arith.constant 2 : i32
        %mul3A_569 = arith.muli %mul3A_568, %scan3A_419 : i32
        %add3A_570 = arith.constant 1 : i32
        %add3A_571 = arith.addi %mul3A_569, %add3A_570 : i32
        %get3A_572 = arith.constant 3 : i32
        %get3A_573 = arith.index_cast %get3A_572 : i32 to index
        %get3A_574 = arith.index_cast %add3A_571 : i32 to index
        %get3A_575 = arith.constant 32 : index
        %get3A_576 = tpu.vector_load %arg8[%get3A_573, %get3A_574, %get3A_575] {strides = array<i32>} : memref<4x200x64xf32, #tpu.memory_space<vmem>>, vector<1x1x16xf32>,
        %get3A_577 = vector.shape_cast %get3A_576 : vector<1x1x16xf32> to vector<16xf32>
        %mul3A_578 = arith.constant 3.200000e+01 : f32
        %mul3A_579 = vector.broadcast %mul3A_578 : f32 to vector<16xf32>
        %mul3A_580 = arith.mulf %get3A_577, %mul3A_579 : vector<16xf32>
        %get3A_581 = arith.index_cast %scan3A_419 : i32 to index
        %get3A_582 = arith.constant 96 : index
        %get3A_583 = tpu.vector_load %arg7[%get3A_581, %get3A_582] {strides = array<i32>} : memref<100x128xf32, #tpu.memory_space<vmem>>, vector<1x16xf32>,
        %get3A_584 = vector.shape_cast %get3A_583 : vector<1x16xf32> to vector<16xf32>
        %add3A_585 = arith.addf %mul3A_580, %get3A_584 : vector<16xf32>
        %swap3A_586 = arith.constant 1 : i32
        %swap3A_587 = arith.index_cast %swap3A_586 : i32 to index
        %swap3A_588 = arith.index_cast %scan3A_419 : i32 to index
        %swap3A_589 = arith.constant 96 : index
        %swap3A_590 = tpu.vector_load %arg9[%swap3A_587, %swap3A_588, %swap3A_589] {strides = array<i32>} : memref<2x100x128xf32, #tpu.memory_space<vmem>>, vector<1x1x16xf32>,
        %swap3A_591 = vector.shape_cast %swap3A_590 : vector<1x1x16xf32> to vector<16xf32>
        %swap3A_592 = vector.shape_cast %add3A_585 : vector<16xf32> to vector<1x1x16xf32>
        tpu.vector_store %arg9[%swap3A_587, %swap3A_588, %swap3A_589], %swap3A_592 {strides = array<i32>} : memref<2x100x128xf32, #tpu.memory_space<vmem>>, vector<1x1x16xf32>,
        %mul3A_593 = arith.constant 2 : i32
        %mul3A_594 = arith.muli %mul3A_593, %scan3A_419 : i32
        %add3A_595 = arith.constant 1 : i32
        %add3A_596 = arith.addi %mul3A_594, %add3A_595 : i32
        %get3A_597 = arith.constant 3 : i32
        %get3A_598 = arith.index_cast %get3A_597 : i32 to index
        %get3A_599 = arith.index_cast %add3A_596 : i32 to index
        %get3A_600 = arith.constant 48 : index
        %get3A_601 = tpu.vector_load %arg8[%get3A_598, %get3A_599, %get3A_600] {strides = array<i32>} : memref<4x200x64xf32, #tpu.memory_space<vmem>>, vector<1x1x16xf32>,
        %get3A_602 = vector.shape_cast %get3A_601 : vector<1x1x16xf32> to vector<16xf32>
        %mul3A_603 = arith.constant 3.200000e+01 : f32
        %mul3A_604 = vector.broadcast %mul3A_603 : f32 to vector<16xf32>
        %mul3A_605 = arith.mulf %get3A_602, %mul3A_604 : vector<16xf32>
        %get3A_606 = arith.index_cast %scan3A_419 : i32 to index
        %get3A_607 = arith.constant 112 : index
        %get3A_608 = tpu.vector_load %arg7[%get3A_606, %get3A_607] {strides = array<i32>} : memref<100x128xf32, #tpu.memory_space<vmem>>, vector<1x16xf32>,
        %get3A_609 = vector.shape_cast %get3A_608 : vector<1x16xf32> to vector<16xf32>
        %add3A_610 = arith.addf %mul3A_605, %get3A_609 : vector<16xf32>
        %swap3A_611 = arith.constant 1 : i32
        %swap3A_612 = arith.index_cast %swap3A_611 : i32 to index
        %swap3A_613 = arith.index_cast %scan3A_419 : i32 to index
        %swap3A_614 = arith.constant 112 : index
        %swap3A_615 = tpu.vector_load %arg9[%swap3A_612, %swap3A_613, %swap3A_614] {strides = array<i32>} : memref<2x100x128xf32, #tpu.memory_space<vmem>>, vector<1x1x16xf32>,
        %swap3A_616 = vector.shape_cast %swap3A_615 : vector<1x1x16xf32> to vector<16xf32>
        %swap3A_617 = vector.shape_cast %add3A_610 : vector<16xf32> to vector<1x1x16xf32>
        tpu.vector_store %arg9[%swap3A_612, %swap3A_613, %swap3A_614], %swap3A_617 {strides = array<i32>} : memref<2x100x128xf32, #tpu.memory_space<vmem>>, vector<1x1x16xf32>,
        %scan3A_618 = arith.constant 1 : i32
        %scan3A_619 = arith.addi %scan3A_419, %scan3A_618 : i32
        %mul3A_620 = arith.constant 2 : i32
        %mul3A_621 = arith.muli %mul3A_620, %scan3A_619 : i32
        %add3A_622 = arith.constant 0 : i32
        %add3A_623 = arith.addi %mul3A_621, %add3A_622 : i32
        %get3A_624 = arith.constant 3 : i32
        %get3A_625 = arith.index_cast %get3A_624 : i32 to index
        %get3A_626 = arith.index_cast %add3A_623 : i32 to index
        %get3A_627 = arith.constant 0 : index
        %get3A_628 = tpu.vector_load %arg8[%get3A_625, %get3A_626, %get3A_627] {strides = array<i32>} : memref<4x200x64xf32, #tpu.memory_space<vmem>>, vector<1x1x16xf32>,
        %get3A_629 = vector.shape_cast %get3A_628 : vector<1x1x16xf32> to vector<16xf32>
        %mul3A_630 = arith.constant 3.200000e+01 : f32
        %mul3A_631 = vector.broadcast %mul3A_630 : f32 to vector<16xf32>
        %mul3A_632 = arith.mulf %get3A_629, %mul3A_631 : vector<16xf32>
        %get3A_633 = arith.index_cast %scan3A_619 : i32 to index
        %get3A_634 = arith.constant 0 : index
        %get3A_635 = tpu.vector_load %arg7[%get3A_633, %get3A_634] {strides = array<i32>} : memref<100x128xf32, #tpu.memory_space<vmem>>, vector<1x16xf32>,
        %get3A_636 = vector.shape_cast %get3A_635 : vector<1x16xf32> to vector<16xf32>
        %add3A_637 = arith.addf %mul3A_632, %get3A_636 : vector<16xf32>
        %swap3A_638 = arith.constant 1 : i32
        %swap3A_639 = arith.index_cast %swap3A_638 : i32 to index
        %swap3A_640 = arith.index_cast %scan3A_619 : i32 to index
        %swap3A_641 = arith.constant 0 : index
        %swap3A_642 = tpu.vector_load %arg9[%swap3A_639, %swap3A_640, %swap3A_641] {strides = array<i32>} : memref<2x100x128xf32, #tpu.memory_space<vmem>>, vector<1x1x16xf32>,
        %swap3A_643 = vector.shape_cast %swap3A_642 : vector<1x1x16xf32> to vector<16xf32>
        %swap3A_644 = vector.shape_cast %add3A_637 : vector<16xf32> to vector<1x1x16xf32>
        tpu.vector_store %arg9[%swap3A_639, %swap3A_640, %swap3A_641], %swap3A_644 {strides = array<i32>} : memref<2x100x128xf32, #tpu.memory_space<vmem>>, vector<1x1x16xf32>,
        %mul3A_645 = arith.constant 2 : i32
        %mul3A_646 = arith.muli %mul3A_645, %scan3A_619 : i32
        %add3A_647 = arith.constant 0 : i32
        %add3A_648 = arith.addi %mul3A_646, %add3A_647 : i32
        %get3A_649 = arith.constant 3 : i32
        %get3A_650 = arith.index_cast %get3A_649 : i32 to index
        %get3A_651 = arith.index_cast %add3A_648 : i32 to index
        %get3A_652 = arith.constant 16 : index
        %get3A_653 = tpu.vector_load %arg8[%get3A_650, %get3A_651, %get3A_652] {strides = array<i32>} : memref<4x200x64xf32, #tpu.memory_space<vmem>>, vector<1x1x16xf32>,
        %get3A_654 = vector.shape_cast %get3A_653 : vector<1x1x16xf32> to vector<16xf32>
        %mul3A_655 = arith.constant 3.200000e+01 : f32
        %mul3A_656 = vector.broadcast %mul3A_655 : f32 to vector<16xf32>
        %mul3A_657 = arith.mulf %get3A_654, %mul3A_656 : vector<16xf32>
        %get3A_658 = arith.index_cast %scan3A_619 : i32 to index
        %get3A_659 = arith.constant 16 : index
        %get3A_660 = tpu.vector_load %arg7[%get3A_658, %get3A_659] {strides = array<i32>} : memref<100x128xf32, #tpu.memory_space<vmem>>, vector<1x16xf32>,
        %get3A_661 = vector.shape_cast %get3A_660 : vector<1x16xf32> to vector<16xf32>
        %add3A_662 = arith.addf %mul3A_657, %get3A_661 : vector<16xf32>
        %swap3A_663 = arith.constant 1 : i32
        %swap3A_664 = arith.index_cast %swap3A_663 : i32 to index
        %swap3A_665 = arith.index_cast %scan3A_619 : i32 to index
        %swap3A_666 = arith.constant 16 : index
        %swap3A_667 = tpu.vector_load %arg9[%swap3A_664, %swap3A_665, %swap3A_666] {strides = array<i32>} : memref<2x100x128xf32, #tpu.memory_space<vmem>>, vector<1x1x16xf32>,
        %swap3A_668 = vector.shape_cast %swap3A_667 : vector<1x1x16xf32> to vector<16xf32>
        %swap3A_669 = vector.shape_cast %add3A_662 : vector<16xf32> to vector<1x1x16xf32>
        tpu.vector_store %arg9[%swap3A_664, %swap3A_665, %swap3A_666], %swap3A_669 {strides = array<i32>} : memref<2x100x128xf32, #tpu.memory_space<vmem>>, vector<1x1x16xf32>,
        %mul3A_670 = arith.constant 2 : i32
        %mul3A_671 = arith.muli %mul3A_670, %scan3A_619 : i32
        %add3A_672 = arith.constant 0 : i32
        %add3A_673 = arith.addi %mul3A_671, %add3A_672 : i32
        %get3A_674 = arith.constant 3 : i32
        %get3A_675 = arith.index_cast %get3A_674 : i32 to index
        %get3A_676 = arith.index_cast %add3A_673 : i32 to index
        %get3A_677 = arith.constant 32 : index
        %get3A_678 = tpu.vector_load %arg8[%get3A_675, %get3A_676, %get3A_677] {strides = array<i32>} : memref<4x200x64xf32, #tpu.memory_space<vmem>>, vector<1x1x16xf32>,
        %get3A_679 = vector.shape_cast %get3A_678 : vector<1x1x16xf32> to vector<16xf32>
        %mul3A_680 = arith.constant 3.200000e+01 : f32
        %mul3A_681 = vector.broadcast %mul3A_680 : f32 to vector<16xf32>
        %mul3A_682 = arith.mulf %get3A_679, %mul3A_681 : vector<16xf32>
        %get3A_683 = arith.index_cast %scan3A_619 : i32 to index
        %get3A_684 = arith.constant 32 : index
        %get3A_685 = tpu.vector_load %arg7[%get3A_683, %get3A_684] {strides = array<i32>} : memref<100x128xf32, #tpu.memory_space<vmem>>, vector<1x16xf32>,
        %get3A_686 = vector.shape_cast %get3A_685 : vector<1x16xf32> to vector<16xf32>
        %add3A_687 = arith.addf %mul3A_682, %get3A_686 : vector<16xf32>
        %swap3A_688 = arith.constant 1 : i32
        %swap3A_689 = arith.index_cast %swap3A_688 : i32 to index
        %swap3A_690 = arith.index_cast %scan3A_619 : i32 to index
        %swap3A_691 = arith.constant 32 : index
        %swap3A_692 = tpu.vector_load %arg9[%swap3A_689, %swap3A_690, %swap3A_691] {strides = array<i32>} : memref<2x100x128xf32, #tpu.memory_space<vmem>>, vector<1x1x16xf32>,
        %swap3A_693 = vector.shape_cast %swap3A_692 : vector<1x1x16xf32> to vector<16xf32>
        %swap3A_694 = vector.shape_cast %add3A_687 : vector<16xf32> to vector<1x1x16xf32>
        tpu.vector_store %arg9[%swap3A_689, %swap3A_690, %swap3A_691], %swap3A_694 {strides = array<i32>} : memref<2x100x128xf32, #tpu.memory_space<vmem>>, vector<1x1x16xf32>,
        %mul3A_695 = arith.constant 2 : i32
        %mul3A_696 = arith.muli %mul3A_695, %scan3A_619 : i32
        %add3A_697 = arith.constant 0 : i32
        %add3A_698 = arith.addi %mul3A_696, %add3A_697 : i32
        %get3A_699 = arith.constant 3 : i32
        %get3A_700 = arith.index_cast %get3A_699 : i32 to index
        %get3A_701 = arith.index_cast %add3A_698 : i32 to index
        %get3A_702 = arith.constant 48 : index
        %get3A_703 = tpu.vector_load %arg8[%get3A_700, %get3A_701, %get3A_702] {strides = array<i32>} : memref<4x200x64xf32, #tpu.memory_space<vmem>>, vector<1x1x16xf32>,
        %get3A_704 = vector.shape_cast %get3A_703 : vector<1x1x16xf32> to vector<16xf32>
        %mul3A_705 = arith.constant 3.200000e+01 : f32
        %mul3A_706 = vector.broadcast %mul3A_705 : f32 to vector<16xf32>
        %mul3A_707 = arith.mulf %get3A_704, %mul3A_706 : vector<16xf32>
        %get3A_708 = arith.index_cast %scan3A_619 : i32 to index
        %get3A_709 = arith.constant 48 : index
        %get3A_710 = tpu.vector_load %arg7[%get3A_708, %get3A_709] {strides = array<i32>} : memref<100x128xf32, #tpu.memory_space<vmem>>, vector<1x16xf32>,
        %get3A_711 = vector.shape_cast %get3A_710 : vector<1x16xf32> to vector<16xf32>
        %add3A_712 = arith.addf %mul3A_707, %get3A_711 : vector<16xf32>
        %swap3A_713 = arith.constant 1 : i32
        %swap3A_714 = arith.index_cast %swap3A_713 : i32 to index
        %swap3A_715 = arith.index_cast %scan3A_619 : i32 to index
        %swap3A_716 = arith.constant 48 : index
        %swap3A_717 = tpu.vector_load %arg9[%swap3A_714, %swap3A_715, %swap3A_716] {strides = array<i32>} : memref<2x100x128xf32, #tpu.memory_space<vmem>>, vector<1x1x16xf32>,
        %swap3A_718 = vector.shape_cast %swap3A_717 : vector<1x1x16xf32> to vector<16xf32>
        %swap3A_719 = vector.shape_cast %add3A_712 : vector<16xf32> to vector<1x1x16xf32>
        tpu.vector_store %arg9[%swap3A_714, %swap3A_715, %swap3A_716], %swap3A_719 {strides = array<i32>} : memref<2x100x128xf32, #tpu.memory_space<vmem>>, vector<1x1x16xf32>,
        %mul3A_720 = arith.constant 2 : i32
        %mul3A_721 = arith.muli %mul3A_720, %scan3A_619 : i32
        %add3A_722 = arith.constant 1 : i32
        %add3A_723 = arith.addi %mul3A_721, %add3A_722 : i32
        %get3A_724 = arith.constant 3 : i32
        %get3A_725 = arith.index_cast %get3A_724 : i32 to index
        %get3A_726 = arith.index_cast %add3A_723 : i32 to index
        %get3A_727 = arith.constant 0 : index
        %get3A_728 = tpu.vector_load %arg8[%get3A_725, %get3A_726, %get3A_727] {strides = array<i32>} : memref<4x200x64xf32, #tpu.memory_space<vmem>>, vector<1x1x16xf32>,
        %get3A_729 = vector.shape_cast %get3A_728 : vector<1x1x16xf32> to vector<16xf32>
        %mul3A_730 = arith.constant 3.200000e+01 : f32
        %mul3A_731 = vector.broadcast %mul3A_730 : f32 to vector<16xf32>
        %mul3A_732 = arith.mulf %get3A_729, %mul3A_731 : vector<16xf32>
        %get3A_733 = arith.index_cast %scan3A_619 : i32 to index
        %get3A_734 = arith.constant 64 : index
        %get3A_735 = tpu.vector_load %arg7[%get3A_733, %get3A_734] {strides = array<i32>} : memref<100x128xf32, #tpu.memory_space<vmem>>, vector<1x16xf32>,
        %get3A_736 = vector.shape_cast %get3A_735 : vector<1x16xf32> to vector<16xf32>
        %add3A_737 = arith.addf %mul3A_732, %get3A_736 : vector<16xf32>
        %swap3A_738 = arith.constant 1 : i32
        %swap3A_739 = arith.index_cast %swap3A_738 : i32 to index
        %swap3A_740 = arith.index_cast %scan3A_619 : i32 to index
        %swap3A_741 = arith.constant 64 : index
        %swap3A_742 = tpu.vector_load %arg9[%swap3A_739, %swap3A_740, %swap3A_741] {strides = array<i32>} : memref<2x100x128xf32, #tpu.memory_space<vmem>>, vector<1x1x16xf32>,
        %swap3A_743 = vector.shape_cast %swap3A_742 : vector<1x1x16xf32> to vector<16xf32>
        %swap3A_744 = vector.shape_cast %add3A_737 : vector<16xf32> to vector<1x1x16xf32>
        tpu.vector_store %arg9[%swap3A_739, %swap3A_740, %swap3A_741], %swap3A_744 {strides = array<i32>} : memref<2x100x128xf32, #tpu.memory_space<vmem>>, vector<1x1x16xf32>,
        %mul3A_745 = arith.constant 2 : i32
        %mul3A_746 = arith.muli %mul3A_745, %scan3A_619 : i32
        %add3A_747 = arith.constant 1 : i32
        %add3A_748 = arith.addi %mul3A_746, %add3A_747 : i32
        %get3A_749 = arith.constant 3 : i32
        %get3A_750 = arith.index_cast %get3A_749 : i32 to index
        %get3A_751 = arith.index_cast %add3A_748 : i32 to index
        %get3A_752 = arith.constant 16 : index
        %get3A_753 = tpu.vector_load %arg8[%get3A_750, %get3A_751, %get3A_752] {strides = array<i32>} : memref<4x200x64xf32, #tpu.memory_space<vmem>>, vector<1x1x16xf32>,
        %get3A_754 = vector.shape_cast %get3A_753 : vector<1x1x16xf32> to vector<16xf32>
        %mul3A_755 = arith.constant 3.200000e+01 : f32
        %mul3A_756 = vector.broadcast %mul3A_755 : f32 to vector<16xf32>
        %mul3A_757 = arith.mulf %get3A_754, %mul3A_756 : vector<16xf32>
        %get3A_758 = arith.index_cast %scan3A_619 : i32 to index
        %get3A_759 = arith.constant 80 : index
        %get3A_760 = tpu.vector_load %arg7[%get3A_758, %get3A_759] {strides = array<i32>} : memref<100x128xf32, #tpu.memory_space<vmem>>, vector<1x16xf32>,
        %get3A_761 = vector.shape_cast %get3A_760 : vector<1x16xf32> to vector<16xf32>
        %add3A_762 = arith.addf %mul3A_757, %get3A_761 : vector<16xf32>
        %swap3A_763 = arith.constant 1 : i32
        %swap3A_764 = arith.index_cast %swap3A_763 : i32 to index
        %swap3A_765 = arith.index_cast %scan3A_619 : i32 to index
        %swap3A_766 = arith.constant 80 : index
        %swap3A_767 = tpu.vector_load %arg9[%swap3A_764, %swap3A_765, %swap3A_766] {strides = array<i32>} : memref<2x100x128xf32, #tpu.memory_space<vmem>>, vector<1x1x16xf32>,
        %swap3A_768 = vector.shape_cast %swap3A_767 : vector<1x1x16xf32> to vector<16xf32>
        %swap3A_769 = vector.shape_cast %add3A_762 : vector<16xf32> to vector<1x1x16xf32>
        tpu.vector_store %arg9[%swap3A_764, %swap3A_765, %swap3A_766], %swap3A_769 {strides = array<i32>} : memref<2x100x128xf32, #tpu.memory_space<vmem>>, vector<1x1x16xf32>,
        %mul3A_770 = arith.constant 2 : i32
        %mul3A_771 = arith.muli %mul3A_770, %scan3A_619 : i32
        %add3A_772 = arith.constant 1 : i32
        %add3A_773 = arith.addi %mul3A_771, %add3A_772 : i32
        %get3A_774 = arith.constant 3 : i32
        %get3A_775 = arith.index_cast %get3A_774 : i32 to index
        %get3A_776 = arith.index_cast %add3A_773 : i32 to index
        %get3A_777 = arith.constant 32 : index
        %get3A_778 = tpu.vector_load %arg8[%get3A_775, %get3A_776, %get3A_777] {strides = array<i32>} : memref<4x200x64xf32, #tpu.memory_space<vmem>>, vector<1x1x16xf32>,
        %get3A_779 = vector.shape_cast %get3A_778 : vector<1x1x16xf32> to vector<16xf32>
        %mul3A_780 = arith.constant 3.200000e+01 : f32
        %mul3A_781 = vector.broadcast %mul3A_780 : f32 to vector<16xf32>
        %mul3A_782 = arith.mulf %get3A_779, %mul3A_781 : vector<16xf32>
        %get3A_783 = arith.index_cast %scan3A_619 : i32 to index
        %get3A_784 = arith.constant 96 : index
        %get3A_785 = tpu.vector_load %arg7[%get3A_783, %get3A_784] {strides = array<i32>} : memref<100x128xf32, #tpu.memory_space<vmem>>, vector<1x16xf32>,
        %get3A_786 = vector.shape_cast %get3A_785 : vector<1x16xf32> to vector<16xf32>
        %add3A_787 = arith.addf %mul3A_782, %get3A_786 : vector<16xf32>
        %swap3A_788 = arith.constant 1 : i32
        %swap3A_789 = arith.index_cast %swap3A_788 : i32 to index
        %swap3A_790 = arith.index_cast %scan3A_619 : i32 to index
        %swap3A_791 = arith.constant 96 : index
        %swap3A_792 = tpu.vector_load %arg9[%swap3A_789, %swap3A_790, %swap3A_791] {strides = array<i32>} : memref<2x100x128xf32, #tpu.memory_space<vmem>>, vector<1x1x16xf32>,
        %swap3A_793 = vector.shape_cast %swap3A_792 : vector<1x1x16xf32> to vector<16xf32>
        %swap3A_794 = vector.shape_cast %add3A_787 : vector<16xf32> to vector<1x1x16xf32>
        tpu.vector_store %arg9[%swap3A_789, %swap3A_790, %swap3A_791], %swap3A_794 {strides = array<i32>} : memref<2x100x128xf32, #tpu.memory_space<vmem>>, vector<1x1x16xf32>,
        %mul3A_795 = arith.constant 2 : i32
        %mul3A_796 = arith.muli %mul3A_795, %scan3A_619 : i32
        %add3A_797 = arith.constant 1 : i32
        %add3A_798 = arith.addi %mul3A_796, %add3A_797 : i32
        %get3A_799 = arith.constant 3 : i32
        %get3A_800 = arith.index_cast %get3A_799 : i32 to index
        %get3A_801 = arith.index_cast %add3A_798 : i32 to index
        %get3A_802 = arith.constant 48 : index
        %get3A_803 = tpu.vector_load %arg8[%get3A_800, %get3A_801, %get3A_802] {strides = array<i32>} : memref<4x200x64xf32, #tpu.memory_space<vmem>>, vector<1x1x16xf32>,
        %get3A_804 = vector.shape_cast %get3A_803 : vector<1x1x16xf32> to vector<16xf32>
        %mul3A_805 = arith.constant 3.200000e+01 : f32
        %mul3A_806 = vector.broadcast %mul3A_805 : f32 to vector<16xf32>
        %mul3A_807 = arith.mulf %get3A_804, %mul3A_806 : vector<16xf32>
        %get3A_808 = arith.index_cast %scan3A_619 : i32 to index
        %get3A_809 = arith.constant 112 : index
        %get3A_810 = tpu.vector_load %arg7[%get3A_808, %get3A_809] {strides = array<i32>} : memref<100x128xf32, #tpu.memory_space<vmem>>, vector<1x16xf32>,
        %get3A_811 = vector.shape_cast %get3A_810 : vector<1x16xf32> to vector<16xf32>
        %add3A_812 = arith.addf %mul3A_807, %get3A_811 : vector<16xf32>
        %swap3A_813 = arith.constant 1 : i32
        %swap3A_814 = arith.index_cast %swap3A_813 : i32 to index
        %swap3A_815 = arith.index_cast %scan3A_619 : i32 to index
        %swap3A_816 = arith.constant 112 : index
        %swap3A_817 = tpu.vector_load %arg9[%swap3A_814, %swap3A_815, %swap3A_816] {strides = array<i32>} : memref<2x100x128xf32, #tpu.memory_space<vmem>>, vector<1x1x16xf32>,
        %swap3A_818 = vector.shape_cast %swap3A_817 : vector<1x1x16xf32> to vector<16xf32>
        %swap3A_819 = vector.shape_cast %add3A_812 : vector<16xf32> to vector<1x1x16xf32>
        tpu.vector_store %arg9[%swap3A_814, %swap3A_815, %swap3A_816], %swap3A_819 {strides = array<i32>} : memref<2x100x128xf32, #tpu.memory_space<vmem>>, vector<1x1x16xf32>,
        %scan3A_820 = arith.constant 2 : i32
        %scan3A_821 = arith.addi %scan3A_419, %scan3A_820 : i32
        %mul3A_822 = arith.constant 2 : i32
        %mul3A_823 = arith.muli %mul3A_822, %scan3A_821 : i32
        %add3A_824 = arith.constant 0 : i32
        %add3A_825 = arith.addi %mul3A_823, %add3A_824 : i32
        %get3A_826 = arith.constant 3 : i32
        %get3A_827 = arith.index_cast %get3A_826 : i32 to index
        %get3A_828 = arith.index_cast %add3A_825 : i32 to index
        %get3A_829 = arith.constant 0 : index
        %get3A_830 = tpu.vector_load %arg8[%get3A_827, %get3A_828, %get3A_829] {strides = array<i32>} : memref<4x200x64xf32, #tpu.memory_space<vmem>>, vector<1x1x16xf32>,
        %get3A_831 = vector.shape_cast %get3A_830 : vector<1x1x16xf32> to vector<16xf32>
        %mul3A_832 = arith.constant 3.200000e+01 : f32
        %mul3A_833 = vector.broadcast %mul3A_832 : f32 to vector<16xf32>
        %mul3A_834 = arith.mulf %get3A_831, %mul3A_833 : vector<16xf32>
        %get3A_835 = arith.index_cast %scan3A_821 : i32 to index
        %get3A_836 = arith.constant 0 : index
        %get3A_837 = tpu.vector_load %arg7[%get3A_835, %get3A_836] {strides = array<i32>} : memref<100x128xf32, #tpu.memory_space<vmem>>, vector<1x16xf32>,
        %get3A_838 = vector.shape_cast %get3A_837 : vector<1x16xf32> to vector<16xf32>
        %add3A_839 = arith.addf %mul3A_834, %get3A_838 : vector<16xf32>
        %swap3A_840 = arith.constant 1 : i32
        %swap3A_841 = arith.index_cast %swap3A_840 : i32 to index
        %swap3A_842 = arith.index_cast %scan3A_821 : i32 to index
        %swap3A_843 = arith.constant 0 : index
        %swap3A_844 = tpu.vector_load %arg9[%swap3A_841, %swap3A_842, %swap3A_843] {strides = array<i32>} : memref<2x100x128xf32, #tpu.memory_space<vmem>>, vector<1x1x16xf32>,
        %swap3A_845 = vector.shape_cast %swap3A_844 : vector<1x1x16xf32> to vector<16xf32>
        %swap3A_846 = vector.shape_cast %add3A_839 : vector<16xf32> to vector<1x1x16xf32>
        tpu.vector_store %arg9[%swap3A_841, %swap3A_842, %swap3A_843], %swap3A_846 {strides = array<i32>} : memref<2x100x128xf32, #tpu.memory_space<vmem>>, vector<1x1x16xf32>,
        %mul3A_847 = arith.constant 2 : i32
        %mul3A_848 = arith.muli %mul3A_847, %scan3A_821 : i32
        %add3A_849 = arith.constant 0 : i32
        %add3A_850 = arith.addi %mul3A_848, %add3A_849 : i32
        %get3A_851 = arith.constant 3 : i32
        %get3A_852 = arith.index_cast %get3A_851 : i32 to index
        %get3A_853 = arith.index_cast %add3A_850 : i32 to index
        %get3A_854 = arith.constant 16 : index
        %get3A_855 = tpu.vector_load %arg8[%get3A_852, %get3A_853, %get3A_854] {strides = array<i32>} : memref<4x200x64xf32, #tpu.memory_space<vmem>>, vector<1x1x16xf32>,
        %get3A_856 = vector.shape_cast %get3A_855 : vector<1x1x16xf32> to vector<16xf32>
        %mul3A_857 = arith.constant 3.200000e+01 : f32
        %mul3A_858 = vector.broadcast %mul3A_857 : f32 to vector<16xf32>
        %mul3A_859 = arith.mulf %get3A_856, %mul3A_858 : vector<16xf32>
        %get3A_860 = arith.index_cast %scan3A_821 : i32 to index
        %get3A_861 = arith.constant 16 : index
        %get3A_862 = tpu.vector_load %arg7[%get3A_860, %get3A_861] {strides = array<i32>} : memref<100x128xf32, #tpu.memory_space<vmem>>, vector<1x16xf32>,
        %get3A_863 = vector.shape_cast %get3A_862 : vector<1x16xf32> to vector<16xf32>
        %add3A_864 = arith.addf %mul3A_859, %get3A_863 : vector<16xf32>
        %swap3A_865 = arith.constant 1 : i32
        %swap3A_866 = arith.index_cast %swap3A_865 : i32 to index
        %swap3A_867 = arith.index_cast %scan3A_821 : i32 to index
        %swap3A_868 = arith.constant 16 : index
        %swap3A_869 = tpu.vector_load %arg9[%swap3A_866, %swap3A_867, %swap3A_868] {strides = array<i32>} : memref<2x100x128xf32, #tpu.memory_space<vmem>>, vector<1x1x16xf32>,
        %swap3A_870 = vector.shape_cast %swap3A_869 : vector<1x1x16xf32> to vector<16xf32>
        %swap3A_871 = vector.shape_cast %add3A_864 : vector<16xf32> to vector<1x1x16xf32>
        tpu.vector_store %arg9[%swap3A_866, %swap3A_867, %swap3A_868], %swap3A_871 {strides = array<i32>} : memref<2x100x128xf32, #tpu.memory_space<vmem>>, vector<1x1x16xf32>,
        %mul3A_872 = arith.constant 2 : i32
        %mul3A_873 = arith.muli %mul3A_872, %scan3A_821 : i32
        %add3A_874 = arith.constant 0 : i32
        %add3A_875 = arith.addi %mul3A_873, %add3A_874 : i32
        %get3A_876 = arith.constant 3 : i32
        %get3A_877 = arith.index_cast %get3A_876 : i32 to index
        %get3A_878 = arith.index_cast %add3A_875 : i32 to index
        %get3A_879 = arith.constant 32 : index
        %get3A_880 = tpu.vector_load %arg8[%get3A_877, %get3A_878, %get3A_879] {strides = array<i32>} : memref<4x200x64xf32, #tpu.memory_space<vmem>>, vector<1x1x16xf32>,
        %get3A_881 = vector.shape_cast %get3A_880 : vector<1x1x16xf32> to vector<16xf32>
        %mul3A_882 = arith.constant 3.200000e+01 : f32
        %mul3A_883 = vector.broadcast %mul3A_882 : f32 to vector<16xf32>
        %mul3A_884 = arith.mulf %get3A_881, %mul3A_883 : vector<16xf32>
        %get3A_885 = arith.index_cast %scan3A_821 : i32 to index
        %get3A_886 = arith.constant 32 : index
        %get3A_887 = tpu.vector_load %arg7[%get3A_885, %get3A_886] {strides = array<i32>} : memref<100x128xf32, #tpu.memory_space<vmem>>, vector<1x16xf32>,
        %get3A_888 = vector.shape_cast %get3A_887 : vector<1x16xf32> to vector<16xf32>
        %add3A_889 = arith.addf %mul3A_884, %get3A_888 : vector<16xf32>
        %swap3A_890 = arith.constant 1 : i32
        %swap3A_891 = arith.index_cast %swap3A_890 : i32 to index
        %swap3A_892 = arith.index_cast %scan3A_821 : i32 to index
        %swap3A_893 = arith.constant 32 : index
        %swap3A_894 = tpu.vector_load %arg9[%swap3A_891, %swap3A_892, %swap3A_893] {strides = array<i32>} : memref<2x100x128xf32, #tpu.memory_space<vmem>>, vector<1x1x16xf32>,
        %swap3A_895 = vector.shape_cast %swap3A_894 : vector<1x1x16xf32> to vector<16xf32>
        %swap3A_896 = vector.shape_cast %add3A_889 : vector<16xf32> to vector<1x1x16xf32>
        tpu.vector_store %arg9[%swap3A_891, %swap3A_892, %swap3A_893], %swap3A_896 {strides = array<i32>} : memref<2x100x128xf32, #tpu.memory_space<vmem>>, vector<1x1x16xf32>,
        %mul3A_897 = arith.constant 2 : i32
        %mul3A_898 = arith.muli %mul3A_897, %scan3A_821 : i32
        %add3A_899 = arith.constant 0 : i32
        %add3A_900 = arith.addi %mul3A_898, %add3A_899 : i32
        %get3A_901 = arith.constant 3 : i32
        %get3A_902 = arith.index_cast %get3A_901 : i32 to index
        %get3A_903 = arith.index_cast %add3A_900 : i32 to index
        %get3A_904 = arith.constant 48 : index
        %get3A_905 = tpu.vector_load %arg8[%get3A_902, %get3A_903, %get3A_904] {strides = array<i32>} : memref<4x200x64xf32, #tpu.memory_space<vmem>>, vector<1x1x16xf32>,
        %get3A_906 = vector.shape_cast %get3A_905 : vector<1x1x16xf32> to vector<16xf32>
        %mul3A_907 = arith.constant 3.200000e+01 : f32
        %mul3A_908 = vector.broadcast %mul3A_907 : f32 to vector<16xf32>
        %mul3A_909 = arith.mulf %get3A_906, %mul3A_908 : vector<16xf32>
        %get3A_910 = arith.index_cast %scan3A_821 : i32 to index
        %get3A_911 = arith.constant 48 : index
        %get3A_912 = tpu.vector_load %arg7[%get3A_910, %get3A_911] {strides = array<i32>} : memref<100x128xf32, #tpu.memory_space<vmem>>, vector<1x16xf32>,
        %get3A_913 = vector.shape_cast %get3A_912 : vector<1x16xf32> to vector<16xf32>
        %add3A_914 = arith.addf %mul3A_909, %get3A_913 : vector<16xf32>
        %swap3A_915 = arith.constant 1 : i32
        %swap3A_916 = arith.index_cast %swap3A_915 : i32 to index
        %swap3A_917 = arith.index_cast %scan3A_821 : i32 to index
        %swap3A_918 = arith.constant 48 : index
        %swap3A_919 = tpu.vector_load %arg9[%swap3A_916, %swap3A_917, %swap3A_918] {strides = array<i32>} : memref<2x100x128xf32, #tpu.memory_space<vmem>>, vector<1x1x16xf32>,
        %swap3A_920 = vector.shape_cast %swap3A_919 : vector<1x1x16xf32> to vector<16xf32>
        %swap3A_921 = vector.shape_cast %add3A_914 : vector<16xf32> to vector<1x1x16xf32>
        tpu.vector_store %arg9[%swap3A_916, %swap3A_917, %swap3A_918], %swap3A_921 {strides = array<i32>} : memref<2x100x128xf32, #tpu.memory_space<vmem>>, vector<1x1x16xf32>,
        %mul3A_922 = arith.constant 2 : i32
        %mul3A_923 = arith.muli %mul3A_922, %scan3A_821 : i32
        %add3A_924 = arith.constant 1 : i32
        %add3A_925 = arith.addi %mul3A_923, %add3A_924 : i32
        %get3A_926 = arith.constant 3 : i32
        %get3A_927 = arith.index_cast %get3A_926 : i32 to index
        %get3A_928 = arith.index_cast %add3A_925 : i32 to index
        %get3A_929 = arith.constant 0 : index
        %get3A_930 = tpu.vector_load %arg8[%get3A_927, %get3A_928, %get3A_929] {strides = array<i32>} : memref<4x200x64xf32, #tpu.memory_space<vmem>>, vector<1x1x16xf32>,
        %get3A_931 = vector.shape_cast %get3A_930 : vector<1x1x16xf32> to vector<16xf32>
        %mul3A_932 = arith.constant 3.200000e+01 : f32
        %mul3A_933 = vector.broadcast %mul3A_932 : f32 to vector<16xf32>
        %mul3A_934 = arith.mulf %get3A_931, %mul3A_933 : vector<16xf32>
        %get3A_935 = arith.index_cast %scan3A_821 : i32 to index
        %get3A_936 = arith.constant 64 : index
        %get3A_937 = tpu.vector_load %arg7[%get3A_935, %get3A_936] {strides = array<i32>} : memref<100x128xf32, #tpu.memory_space<vmem>>, vector<1x16xf32>,
        %get3A_938 = vector.shape_cast %get3A_937 : vector<1x16xf32> to vector<16xf32>
        %add3A_939 = arith.addf %mul3A_934, %get3A_938 : vector<16xf32>
        %swap3A_940 = arith.constant 1 : i32
        %swap3A_941 = arith.index_cast %swap3A_940 : i32 to index
        %swap3A_942 = arith.index_cast %scan3A_821 : i32 to index
        %swap3A_943 = arith.constant 64 : index
        %swap3A_944 = tpu.vector_load %arg9[%swap3A_941, %swap3A_942, %swap3A_943] {strides = array<i32>} : memref<2x100x128xf32, #tpu.memory_space<vmem>>, vector<1x1x16xf32>,
        %swap3A_945 = vector.shape_cast %swap3A_944 : vector<1x1x16xf32> to vector<16xf32>
        %swap3A_946 = vector.shape_cast %add3A_939 : vector<16xf32> to vector<1x1x16xf32>
        tpu.vector_store %arg9[%swap3A_941, %swap3A_942, %swap3A_943], %swap3A_946 {strides = array<i32>} : memref<2x100x128xf32, #tpu.memory_space<vmem>>, vector<1x1x16xf32>,
        %mul3A_947 = arith.constant 2 : i32
        %mul3A_948 = arith.muli %mul3A_947, %scan3A_821 : i32
        %add3A_949 = arith.constant 1 : i32
        %add3A_950 = arith.addi %mul3A_948, %add3A_949 : i32
        %get3A_951 = arith.constant 3 : i32
        %get3A_952 = arith.index_cast %get3A_951 : i32 to index
        %get3A_953 = arith.index_cast %add3A_950 : i32 to index
        %get3A_954 = arith.constant 16 : index
        %get3A_955 = tpu.vector_load %arg8[%get3A_952, %get3A_953, %get3A_954] {strides = array<i32>} : memref<4x200x64xf32, #tpu.memory_space<vmem>>, vector<1x1x16xf32>,
        %get3A_956 = vector.shape_cast %get3A_955 : vector<1x1x16xf32> to vector<16xf32>
        %mul3A_957 = arith.constant 3.200000e+01 : f32
        %mul3A_958 = vector.broadcast %mul3A_957 : f32 to vector<16xf32>
        %mul3A_959 = arith.mulf %get3A_956, %mul3A_958 : vector<16xf32>
        %get3A_960 = arith.index_cast %scan3A_821 : i32 to index
        %get3A_961 = arith.constant 80 : index
        %get3A_962 = tpu.vector_load %arg7[%get3A_960, %get3A_961] {strides = array<i32>} : memref<100x128xf32, #tpu.memory_space<vmem>>, vector<1x16xf32>,
        %get3A_963 = vector.shape_cast %get3A_962 : vector<1x16xf32> to vector<16xf32>
        %add3A_964 = arith.addf %mul3A_959, %get3A_963 : vector<16xf32>
        %swap3A_965 = arith.constant 1 : i32
        %swap3A_966 = arith.index_cast %swap3A_965 : i32 to index
        %swap3A_967 = arith.index_cast %scan3A_821 : i32 to index
        %swap3A_968 = arith.constant 80 : index
        %swap3A_969 = tpu.vector_load %arg9[%swap3A_966, %swap3A_967, %swap3A_968] {strides = array<i32>} : memref<2x100x128xf32, #tpu.memory_space<vmem>>, vector<1x1x16xf32>,
        %swap3A_970 = vector.shape_cast %swap3A_969 : vector<1x1x16xf32> to vector<16xf32>
        %swap3A_971 = vector.shape_cast %add3A_964 : vector<16xf32> to vector<1x1x16xf32>
        tpu.vector_store %arg9[%swap3A_966, %swap3A_967, %swap3A_968], %swap3A_971 {strides = array<i32>} : memref<2x100x128xf32, #tpu.memory_space<vmem>>, vector<1x1x16xf32>,
        %mul3A_972 = arith.constant 2 : i32
        %mul3A_973 = arith.muli %mul3A_972, %scan3A_821 : i32
        %add3A_974 = arith.constant 1 : i32
        %add3A_975 = arith.addi %mul3A_973, %add3A_974 : i32
        %get3A_976 = arith.constant 3 : i32
        %get3A_977 = arith.index_cast %get3A_976 : i32 to index
        %get3A_978 = arith.index_cast %add3A_975 : i32 to index
        %get3A_979 = arith.constant 32 : index
        %get3A_980 = tpu.vector_load %arg8[%get3A_977, %get3A_978, %get3A_979] {strides = array<i32>} : memref<4x200x64xf32, #tpu.memory_space<vmem>>, vector<1x1x16xf32>,
        %get3A_981 = vector.shape_cast %get3A_980 : vector<1x1x16xf32> to vector<16xf32>
        %mul3A_982 = arith.constant 3.200000e+01 : f32
        %mul3A_983 = vector.broadcast %mul3A_982 : f32 to vector<16xf32>
        %mul3A_984 = arith.mulf %get3A_981, %mul3A_983 : vector<16xf32>
        %get3A_985 = arith.index_cast %scan3A_821 : i32 to index
        %get3A_986 = arith.constant 96 : index
        %get3A_987 = tpu.vector_load %arg7[%get3A_985, %get3A_986] {strides = array<i32>} : memref<100x128xf32, #tpu.memory_space<vmem>>, vector<1x16xf32>,
        %get3A_988 = vector.shape_cast %get3A_987 : vector<1x16xf32> to vector<16xf32>
        %add3A_989 = arith.addf %mul3A_984, %get3A_988 : vector<16xf32>
        %swap3A_990 = arith.constant 1 : i32
        %swap3A_991 = arith.index_cast %swap3A_990 : i32 to index
        %swap3A_992 = arith.index_cast %scan3A_821 : i32 to index
        %swap3A_993 = arith.constant 96 : index
        %swap3A_994 = tpu.vector_load %arg9[%swap3A_991, %swap3A_992, %swap3A_993] {strides = array<i32>} : memref<2x100x128xf32, #tpu.memory_space<vmem>>, vector<1x1x16xf32>,
        %swap3A_995 = vector.shape_cast %swap3A_994 : vector<1x1x16xf32> to vector<16xf32>
        %swap3A_996 = vector.shape_cast %add3A_989 : vector<16xf32> to vector<1x1x16xf32>
        tpu.vector_store %arg9[%swap3A_991, %swap3A_992, %swap3A_993], %swap3A_996 {strides = array<i32>} : memref<2x100x128xf32, #tpu.memory_space<vmem>>, vector<1x1x16xf32>,
        %mul3A_997 = arith.constant 2 : i32
        %mul3A_998 = arith.muli %mul3A_997, %scan3A_821 : i32
        %add3A_999 = arith.constant 1 : i32
        %add3A_1000 = arith.addi %mul3A_998, %add3A_999 : i32
        %get3A_1001 = arith.constant 3 : i32
        %get3A_1002 = arith.index_cast %get3A_1001 : i32 to index
        %get3A_1003 = arith.index_cast %add3A_1000 : i32 to index
        %get3A_1004 = arith.constant 48 : index
        %get3A_1005 = tpu.vector_load %arg8[%get3A_1002, %get3A_1003, %get3A_1004] {strides = array<i32>} : memref<4x200x64xf32, #tpu.memory_space<vmem>>, vector<1x1x16xf32>,
        %get3A_1006 = vector.shape_cast %get3A_1005 : vector<1x1x16xf32> to vector<16xf32>
        %mul3A_1007 = arith.constant 3.200000e+01 : f32
        %mul3A_1008 = vector.broadcast %mul3A_1007 : f32 to vector<16xf32>
        %mul3A_1009 = arith.mulf %get3A_1006, %mul3A_1008 : vector<16xf32>
        %get3A_1010 = arith.index_cast %scan3A_821 : i32 to index
        %get3A_1011 = arith.constant 112 : index
        %get3A_1012 = tpu.vector_load %arg7[%get3A_1010, %get3A_1011] {strides = array<i32>} : memref<100x128xf32, #tpu.memory_space<vmem>>, vector<1x16xf32>,
        %get3A_1013 = vector.shape_cast %get3A_1012 : vector<1x16xf32> to vector<16xf32>
        %add3A_1014 = arith.addf %mul3A_1009, %get3A_1013 : vector<16xf32>
        %swap3A_1015 = arith.constant 1 : i32
        %swap3A_1016 = arith.index_cast %swap3A_1015 : i32 to index
        %swap3A_1017 = arith.index_cast %scan3A_821 : i32 to index
        %swap3A_1018 = arith.constant 112 : index
        %swap3A_1019 = tpu.vector_load %arg9[%swap3A_1016, %swap3A_1017, %swap3A_1018] {strides = array<i32>} : memref<2x100x128xf32, #tpu.memory_space<vmem>>, vector<1x1x16xf32>,
        %swap3A_1020 = vector.shape_cast %swap3A_1019 : vector<1x1x16xf32> to vector<16xf32>
        %swap3A_1021 = vector.shape_cast %add3A_1014 : vector<16xf32> to vector<1x1x16xf32>
        tpu.vector_store %arg9[%swap3A_1016, %swap3A_1017, %swap3A_1018], %swap3A_1021 {strides = array<i32>} : memref<2x100x128xf32, #tpu.memory_space<vmem>>, vector<1x1x16xf32>,
        %scan3A_1022 = arith.constant 3 : i32
        %scan3A_1023 = arith.addi %scan3A_419, %scan3A_1022 : i32
        %mul3A_1024 = arith.constant 2 : i32
        %mul3A_1025 = arith.muli %mul3A_1024, %scan3A_1023 : i32
        %add3A_1026 = arith.constant 0 : i32
        %add3A_1027 = arith.addi %mul3A_1025, %add3A_1026 : i32
        %get3A_1028 = arith.constant 3 : i32
        %get3A_1029 = arith.index_cast %get3A_1028 : i32 to index
        %get3A_1030 = arith.index_cast %add3A_1027 : i32 to index
        %get3A_1031 = arith.constant 0 : index
        %get3A_1032 = tpu.vector_load %arg8[%get3A_1029, %get3A_1030, %get3A_1031] {strides = array<i32>} : memref<4x200x64xf32, #tpu.memory_space<vmem>>, vector<1x1x16xf32>,
        %get3A_1033 = vector.shape_cast %get3A_1032 : vector<1x1x16xf32> to vector<16xf32>
        %mul3A_1034 = arith.constant 3.200000e+01 : f32
        %mul3A_1035 = vector.broadcast %mul3A_1034 : f32 to vector<16xf32>
        %mul3A_1036 = arith.mulf %get3A_1033, %mul3A_1035 : vector<16xf32>
        %get3A_1037 = arith.index_cast %scan3A_1023 : i32 to index
        %get3A_1038 = arith.constant 0 : index
        %get3A_1039 = tpu.vector_load %arg7[%get3A_1037, %get3A_1038] {strides = array<i32>} : memref<100x128xf32, #tpu.memory_space<vmem>>, vector<1x16xf32>,
        %get3A_1040 = vector.shape_cast %get3A_1039 : vector<1x16xf32> to vector<16xf32>
        %add3A_1041 = arith.addf %mul3A_1036, %get3A_1040 : vector<16xf32>
        %swap3A_1042 = arith.constant 1 : i32
        %swap3A_1043 = arith.index_cast %swap3A_1042 : i32 to index
        %swap3A_1044 = arith.index_cast %scan3A_1023 : i32 to index
        %swap3A_1045 = arith.constant 0 : index
        %swap3A_1046 = tpu.vector_load %arg9[%swap3A_1043, %swap3A_1044, %swap3A_1045] {strides = array<i32>} : memref<2x100x128xf32, #tpu.memory_space<vmem>>, vector<1x1x16xf32>,
        %swap3A_1047 = vector.shape_cast %swap3A_1046 : vector<1x1x16xf32> to vector<16xf32>
        %swap3A_1048 = vector.shape_cast %add3A_1041 : vector<16xf32> to vector<1x1x16xf32>
        tpu.vector_store %arg9[%swap3A_1043, %swap3A_1044, %swap3A_1045], %swap3A_1048 {strides = array<i32>} : memref<2x100x128xf32, #tpu.memory_space<vmem>>, vector<1x1x16xf32>,
        %mul3A_1049 = arith.constant 2 : i32
        %mul3A_1050 = arith.muli %mul3A_1049, %scan3A_1023 : i32
        %add3A_1051 = arith.constant 0 : i32
        %add3A_1052 = arith.addi %mul3A_1050, %add3A_1051 : i32
        %get3A_1053 = arith.constant 3 : i32
        %get3A_1054 = arith.index_cast %get3A_1053 : i32 to index
        %get3A_1055 = arith.index_cast %add3A_1052 : i32 to index
        %get3A_1056 = arith.constant 16 : index
        %get3A_1057 = tpu.vector_load %arg8[%get3A_1054, %get3A_1055, %get3A_1056] {strides = array<i32>} : memref<4x200x64xf32, #tpu.memory_space<vmem>>, vector<1x1x16xf32>,
        %get3A_1058 = vector.shape_cast %get3A_1057 : vector<1x1x16xf32> to vector<16xf32>
        %mul3A_1059 = arith.constant 3.200000e+01 : f32
        %mul3A_1060 = vector.broadcast %mul3A_1059 : f32 to vector<16xf32>
        %mul3A_1061 = arith.mulf %get3A_1058, %mul3A_1060 : vector<16xf32>
        %get3A_1062 = arith.index_cast %scan3A_1023 : i32 to index
        %get3A_1063 = arith.constant 16 : index
        %get3A_1064 = tpu.vector_load %arg7[%get3A_1062, %get3A_1063] {strides = array<i32>} : memref<100x128xf32, #tpu.memory_space<vmem>>, vector<1x16xf32>,
        %get3A_1065 = vector.shape_cast %get3A_1064 : vector<1x16xf32> to vector<16xf32>
        %add3A_1066 = arith.addf %mul3A_1061, %get3A_1065 : vector<16xf32>
        %swap3A_1067 = arith.constant 1 : i32
        %swap3A_1068 = arith.index_cast %swap3A_1067 : i32 to index
        %swap3A_1069 = arith.index_cast %scan3A_1023 : i32 to index
        %swap3A_1070 = arith.constant 16 : index
        %swap3A_1071 = tpu.vector_load %arg9[%swap3A_1068, %swap3A_1069, %swap3A_1070] {strides = array<i32>} : memref<2x100x128xf32, #tpu.memory_space<vmem>>, vector<1x1x16xf32>,
        %swap3A_1072 = vector.shape_cast %swap3A_1071 : vector<1x1x16xf32> to vector<16xf32>
        %swap3A_1073 = vector.shape_cast %add3A_1066 : vector<16xf32> to vector<1x1x16xf32>
        tpu.vector_store %arg9[%swap3A_1068, %swap3A_1069, %swap3A_1070], %swap3A_1073 {strides = array<i32>} : memref<2x100x128xf32, #tpu.memory_space<vmem>>, vector<1x1x16xf32>,
        %mul3A_1074 = arith.constant 2 : i32
        %mul3A_1075 = arith.muli %mul3A_1074, %scan3A_1023 : i32
        %add3A_1076 = arith.constant 0 : i32
        %add3A_1077 = arith.addi %mul3A_1075, %add3A_1076 : i32
        %get3A_1078 = arith.constant 3 : i32
        %get3A_1079 = arith.index_cast %get3A_1078 : i32 to index
        %get3A_1080 = arith.index_cast %add3A_1077 : i32 to index
        %get3A_1081 = arith.constant 32 : index
        %get3A_1082 = tpu.vector_load %arg8[%get3A_1079, %get3A_1080, %get3A_1081] {strides = array<i32>} : memref<4x200x64xf32, #tpu.memory_space<vmem>>, vector<1x1x16xf32>,
        %get3A_1083 = vector.shape_cast %get3A_1082 : vector<1x1x16xf32> to vector<16xf32>
        %mul3A_1084 = arith.constant 3.200000e+01 : f32
        %mul3A_1085 = vector.broadcast %mul3A_1084 : f32 to vector<16xf32>
        %mul3A_1086 = arith.mulf %get3A_1083, %mul3A_1085 : vector<16xf32>
        %get3A_1087 = arith.index_cast %scan3A_1023 : i32 to index
        %get3A_1088 = arith.constant 32 : index
        %get3A_1089 = tpu.vector_load %arg7[%get3A_1087, %get3A_1088] {strides = array<i32>} : memref<100x128xf32, #tpu.memory_space<vmem>>, vector<1x16xf32>,
        %get3A_1090 = vector.shape_cast %get3A_1089 : vector<1x16xf32> to vector<16xf32>
        %add3A_1091 = arith.addf %mul3A_1086, %get3A_1090 : vector<16xf32>
        %swap3A_1092 = arith.constant 1 : i32
        %swap3A_1093 = arith.index_cast %swap3A_1092 : i32 to index
        %swap3A_1094 = arith.index_cast %scan3A_1023 : i32 to index
        %swap3A_1095 = arith.constant 32 : index
        %swap3A_1096 = tpu.vector_load %arg9[%swap3A_1093, %swap3A_1094, %swap3A_1095] {strides = array<i32>} : memref<2x100x128xf32, #tpu.memory_space<vmem>>, vector<1x1x16xf32>,
        %swap3A_1097 = vector.shape_cast %swap3A_1096 : vector<1x1x16xf32> to vector<16xf32>
        %swap3A_1098 = vector.shape_cast %add3A_1091 : vector<16xf32> to vector<1x1x16xf32>
        tpu.vector_store %arg9[%swap3A_1093, %swap3A_1094, %swap3A_1095], %swap3A_1098 {strides = array<i32>} : memref<2x100x128xf32, #tpu.memory_space<vmem>>, vector<1x1x16xf32>,
        %mul3A_1099 = arith.constant 2 : i32
        %mul3A_1100 = arith.muli %mul3A_1099, %scan3A_1023 : i32
        %add3A_1101 = arith.constant 0 : i32
        %add3A_1102 = arith.addi %mul3A_1100, %add3A_1101 : i32
        %get3A_1103 = arith.constant 3 : i32
        %get3A_1104 = arith.index_cast %get3A_1103 : i32 to index
        %get3A_1105 = arith.index_cast %add3A_1102 : i32 to index
        %get3A_1106 = arith.constant 48 : index
        %get3A_1107 = tpu.vector_load %arg8[%get3A_1104, %get3A_1105, %get3A_1106] {strides = array<i32>} : memref<4x200x64xf32, #tpu.memory_space<vmem>>, vector<1x1x16xf32>,
        %get3A_1108 = vector.shape_cast %get3A_1107 : vector<1x1x16xf32> to vector<16xf32>
        %mul3A_1109 = arith.constant 3.200000e+01 : f32
        %mul3A_1110 = vector.broadcast %mul3A_1109 : f32 to vector<16xf32>
        %mul3A_1111 = arith.mulf %get3A_1108, %mul3A_1110 : vector<16xf32>
        %get3A_1112 = arith.index_cast %scan3A_1023 : i32 to index
        %get3A_1113 = arith.constant 48 : index
        %get3A_1114 = tpu.vector_load %arg7[%get3A_1112, %get3A_1113] {strides = array<i32>} : memref<100x128xf32, #tpu.memory_space<vmem>>, vector<1x16xf32>,
        %get3A_1115 = vector.shape_cast %get3A_1114 : vector<1x16xf32> to vector<16xf32>
        %add3A_1116 = arith.addf %mul3A_1111, %get3A_1115 : vector<16xf32>
        %swap3A_1117 = arith.constant 1 : i32
        %swap3A_1118 = arith.index_cast %swap3A_1117 : i32 to index
        %swap3A_1119 = arith.index_cast %scan3A_1023 : i32 to index
        %swap3A_1120 = arith.constant 48 : index
        %swap3A_1121 = tpu.vector_load %arg9[%swap3A_1118, %swap3A_1119, %swap3A_1120] {strides = array<i32>} : memref<2x100x128xf32, #tpu.memory_space<vmem>>, vector<1x1x16xf32>,
        %swap3A_1122 = vector.shape_cast %swap3A_1121 : vector<1x1x16xf32> to vector<16xf32>
        %swap3A_1123 = vector.shape_cast %add3A_1116 : vector<16xf32> to vector<1x1x16xf32>
        tpu.vector_store %arg9[%swap3A_1118, %swap3A_1119, %swap3A_1120], %swap3A_1123 {strides = array<i32>} : memref<2x100x128xf32, #tpu.memory_space<vmem>>, vector<1x1x16xf32>,
        %mul3A_1124 = arith.constant 2 : i32
        %mul3A_1125 = arith.muli %mul3A_1124, %scan3A_1023 : i32
        %add3A_1126 = arith.constant 1 : i32
        %add3A_1127 = arith.addi %mul3A_1125, %add3A_1126 : i32
        %get3A_1128 = arith.constant 3 : i32
        %get3A_1129 = arith.index_cast %get3A_1128 : i32 to index
        %get3A_1130 = arith.index_cast %add3A_1127 : i32 to index
        %get3A_1131 = arith.constant 0 : index
        %get3A_1132 = tpu.vector_load %arg8[%get3A_1129, %get3A_1130, %get3A_1131] {strides = array<i32>} : memref<4x200x64xf32, #tpu.memory_space<vmem>>, vector<1x1x16xf32>,
        %get3A_1133 = vector.shape_cast %get3A_1132 : vector<1x1x16xf32> to vector<16xf32>
        %mul3A_1134 = arith.constant 3.200000e+01 : f32
        %mul3A_1135 = vector.broadcast %mul3A_1134 : f32 to vector<16xf32>
        %mul3A_1136 = arith.mulf %get3A_1133, %mul3A_1135 : vector<16xf32>
        %get3A_1137 = arith.index_cast %scan3A_1023 : i32 to index
        %get3A_1138 = arith.constant 64 : index
        %get3A_1139 = tpu.vector_load %arg7[%get3A_1137, %get3A_1138] {strides = array<i32>} : memref<100x128xf32, #tpu.memory_space<vmem>>, vector<1x16xf32>,
        %get3A_1140 = vector.shape_cast %get3A_1139 : vector<1x16xf32> to vector<16xf32>
        %add3A_1141 = arith.addf %mul3A_1136, %get3A_1140 : vector<16xf32>
        %swap3A_1142 = arith.constant 1 : i32
        %swap3A_1143 = arith.index_cast %swap3A_1142 : i32 to index
        %swap3A_1144 = arith.index_cast %scan3A_1023 : i32 to index
        %swap3A_1145 = arith.constant 64 : index
        %swap3A_1146 = tpu.vector_load %arg9[%swap3A_1143, %swap3A_1144, %swap3A_1145] {strides = array<i32>} : memref<2x100x128xf32, #tpu.memory_space<vmem>>, vector<1x1x16xf32>,
        %swap3A_1147 = vector.shape_cast %swap3A_1146 : vector<1x1x16xf32> to vector<16xf32>
        %swap3A_1148 = vector.shape_cast %add3A_1141 : vector<16xf32> to vector<1x1x16xf32>
        tpu.vector_store %arg9[%swap3A_1143, %swap3A_1144, %swap3A_1145], %swap3A_1148 {strides = array<i32>} : memref<2x100x128xf32, #tpu.memory_space<vmem>>, vector<1x1x16xf32>,
        %mul3A_1149 = arith.constant 2 : i32
        %mul3A_1150 = arith.muli %mul3A_1149, %scan3A_1023 : i32
        %add3A_1151 = arith.constant 1 : i32
        %add3A_1152 = arith.addi %mul3A_1150, %add3A_1151 : i32
        %get3A_1153 = arith.constant 3 : i32
        %get3A_1154 = arith.index_cast %get3A_1153 : i32 to index
        %get3A_1155 = arith.index_cast %add3A_1152 : i32 to index
        %get3A_1156 = arith.constant 16 : index
        %get3A_1157 = tpu.vector_load %arg8[%get3A_1154, %get3A_1155, %get3A_1156] {strides = array<i32>} : memref<4x200x64xf32, #tpu.memory_space<vmem>>, vector<1x1x16xf32>,
        %get3A_1158 = vector.shape_cast %get3A_1157 : vector<1x1x16xf32> to vector<16xf32>
        %mul3A_1159 = arith.constant 3.200000e+01 : f32
        %mul3A_1160 = vector.broadcast %mul3A_1159 : f32 to vector<16xf32>
        %mul3A_1161 = arith.mulf %get3A_1158, %mul3A_1160 : vector<16xf32>
        %get3A_1162 = arith.index_cast %scan3A_1023 : i32 to index
        %get3A_1163 = arith.constant 80 : index
        %get3A_1164 = tpu.vector_load %arg7[%get3A_1162, %get3A_1163] {strides = array<i32>} : memref<100x128xf32, #tpu.memory_space<vmem>>, vector<1x16xf32>,
        %get3A_1165 = vector.shape_cast %get3A_1164 : vector<1x16xf32> to vector<16xf32>
        %add3A_1166 = arith.addf %mul3A_1161, %get3A_1165 : vector<16xf32>
        %swap3A_1167 = arith.constant 1 : i32
        %swap3A_1168 = arith.index_cast %swap3A_1167 : i32 to index
        %swap3A_1169 = arith.index_cast %scan3A_1023 : i32 to index
        %swap3A_1170 = arith.constant 80 : index
        %swap3A_1171 = tpu.vector_load %arg9[%swap3A_1168, %swap3A_1169, %swap3A_1170] {strides = array<i32>} : memref<2x100x128xf32, #tpu.memory_space<vmem>>, vector<1x1x16xf32>,
        %swap3A_1172 = vector.shape_cast %swap3A_1171 : vector<1x1x16xf32> to vector<16xf32>
        %swap3A_1173 = vector.shape_cast %add3A_1166 : vector<16xf32> to vector<1x1x16xf32>
        tpu.vector_store %arg9[%swap3A_1168, %swap3A_1169, %swap3A_1170], %swap3A_1173 {strides = array<i32>} : memref<2x100x128xf32, #tpu.memory_space<vmem>>, vector<1x1x16xf32>,
        %mul3A_1174 = arith.constant 2 : i32
        %mul3A_1175 = arith.muli %mul3A_1174, %scan3A_1023 : i32
        %add3A_1176 = arith.constant 1 : i32
        %add3A_1177 = arith.addi %mul3A_1175, %add3A_1176 : i32
        %get3A_1178 = arith.constant 3 : i32
        %get3A_1179 = arith.index_cast %get3A_1178 : i32 to index
        %get3A_1180 = arith.index_cast %add3A_1177 : i32 to index
        %get3A_1181 = arith.constant 32 : index
        %get3A_1182 = tpu.vector_load %arg8[%get3A_1179, %get3A_1180, %get3A_1181] {strides = array<i32>} : memref<4x200x64xf32, #tpu.memory_space<vmem>>, vector<1x1x16xf32>,
        %get3A_1183 = vector.shape_cast %get3A_1182 : vector<1x1x16xf32> to vector<16xf32>
        %mul3A_1184 = arith.constant 3.200000e+01 : f32
        %mul3A_1185 = vector.broadcast %mul3A_1184 : f32 to vector<16xf32>
        %mul3A_1186 = arith.mulf %get3A_1183, %mul3A_1185 : vector<16xf32>
        %get3A_1187 = arith.index_cast %scan3A_1023 : i32 to index
        %get3A_1188 = arith.constant 96 : index
        %get3A_1189 = tpu.vector_load %arg7[%get3A_1187, %get3A_1188] {strides = array<i32>} : memref<100x128xf32, #tpu.memory_space<vmem>>, vector<1x16xf32>,
        %get3A_1190 = vector.shape_cast %get3A_1189 : vector<1x16xf32> to vector<16xf32>
        %add3A_1191 = arith.addf %mul3A_1186, %get3A_1190 : vector<16xf32>
        %swap3A_1192 = arith.constant 1 : i32
        %swap3A_1193 = arith.index_cast %swap3A_1192 : i32 to index
        %swap3A_1194 = arith.index_cast %scan3A_1023 : i32 to index
        %swap3A_1195 = arith.constant 96 : index
        %swap3A_1196 = tpu.vector_load %arg9[%swap3A_1193, %swap3A_1194, %swap3A_1195] {strides = array<i32>} : memref<2x100x128xf32, #tpu.memory_space<vmem>>, vector<1x1x16xf32>,
        %swap3A_1197 = vector.shape_cast %swap3A_1196 : vector<1x1x16xf32> to vector<16xf32>
        %swap3A_1198 = vector.shape_cast %add3A_1191 : vector<16xf32> to vector<1x1x16xf32>
        tpu.vector_store %arg9[%swap3A_1193, %swap3A_1194, %swap3A_1195], %swap3A_1198 {strides = array<i32>} : memref<2x100x128xf32, #tpu.memory_space<vmem>>, vector<1x1x16xf32>,
        %mul3A_1199 = arith.constant 2 : i32
        %mul3A_1200 = arith.muli %mul3A_1199, %scan3A_1023 : i32
        %add3A_1201 = arith.constant 1 : i32
        %add3A_1202 = arith.addi %mul3A_1200, %add3A_1201 : i32
        %get3A_1203 = arith.constant 3 : i32
        %get3A_1204 = arith.index_cast %get3A_1203 : i32 to index
        %get3A_1205 = arith.index_cast %add3A_1202 : i32 to index
        %get3A_1206 = arith.constant 48 : index
        %get3A_1207 = tpu.vector_load %arg8[%get3A_1204, %get3A_1205, %get3A_1206] {strides = array<i32>} : memref<4x200x64xf32, #tpu.memory_space<vmem>>, vector<1x1x16xf32>,
        %get3A_1208 = vector.shape_cast %get3A_1207 : vector<1x1x16xf32> to vector<16xf32>
        %mul3A_1209 = arith.constant 3.200000e+01 : f32
        %mul3A_1210 = vector.broadcast %mul3A_1209 : f32 to vector<16xf32>
        %mul3A_1211 = arith.mulf %get3A_1208, %mul3A_1210 : vector<16xf32>
        %get3A_1212 = arith.index_cast %scan3A_1023 : i32 to index
        %get3A_1213 = arith.constant 112 : index
        %get3A_1214 = tpu.vector_load %arg7[%get3A_1212, %get3A_1213] {strides = array<i32>} : memref<100x128xf32, #tpu.memory_space<vmem>>, vector<1x16xf32>,
        %get3A_1215 = vector.shape_cast %get3A_1214 : vector<1x16xf32> to vector<16xf32>
        %add3A_1216 = arith.addf %mul3A_1211, %get3A_1215 : vector<16xf32>
        %swap3A_1217 = arith.constant 1 : i32
        %swap3A_1218 = arith.index_cast %swap3A_1217 : i32 to index
        %swap3A_1219 = arith.index_cast %scan3A_1023 : i32 to index
        %swap3A_1220 = arith.constant 112 : index
        %swap3A_1221 = tpu.vector_load %arg9[%swap3A_1218, %swap3A_1219, %swap3A_1220] {strides = array<i32>} : memref<2x100x128xf32, #tpu.memory_space<vmem>>, vector<1x1x16xf32>,
        %swap3A_1222 = vector.shape_cast %swap3A_1221 : vector<1x1x16xf32> to vector<16xf32>
        %swap3A_1223 = vector.shape_cast %add3A_1216 : vector<16xf32> to vector<1x1x16xf32>
        tpu.vector_store %arg9[%swap3A_1218, %swap3A_1219, %swap3A_1220], %swap3A_1223 {strides = array<i32>} : memref<2x100x128xf32, #tpu.memory_space<vmem>>, vector<1x1x16xf32>,
      }
      %scan3A_397 = arith.constant 100 : i32
      %add3A_398 = arith.addi %mul3A_2, %add3A_351 : i32
      %dma_start3A_399 = arith.constant 1 : i32
      %dma_start3A_400 = arith.constant 1 : i32
      %dma_start3A_401 = arith.constant 0 : i32
      %dma_start3A_402 = arith.constant 0 : i32
      %dma_start3A_403 = tpu.memref_slice %arg9[%dma_start3A_399, %dma_start3A_401, %dma_start3A_402] : memref<2x100x128xf32, #tpu.memory_space<vmem>> -> memref<1x100x128xf32, #tpu.memory_space<vmem>>
      %dma_start3A_404 = tpu.memref_squeeze %dma_start3A_403 : memref<1x100x128xf32, #tpu.memory_space<vmem>> -> memref<100x128xf32, #tpu.memory_space<vmem>>
      %dma_start3A_405 = arith.constant 0 : i32
      %dma_start3A_406 = arith.constant 0 : i32
      %dma_start3A_407 = tpu.memref_slice %arg5[%add3A_398, %dma_start3A_405, %dma_start3A_406] : memref<4096x100x128xf32, #tpu.memory_space<hbm>> -> memref<1x100x128xf32, #tpu.memory_space<hbm>>
      %dma_start3A_408 = tpu.memref_squeeze %dma_start3A_407 : memref<1x100x128xf32, #tpu.memory_space<hbm>> -> memref<100x128xf32, #tpu.memory_space<hbm>>
      %dma_start3A_409 = tpu.memref_slice %arg11[%dma_start3A_400] : memref<2x!tpu.dma_semaphore, #tpu.memory_space<semaphore_mem>> -> memref<1x!tpu.dma_semaphore, #tpu.memory_space<semaphore_mem>>
      %dma_start3A_410 = tpu.memref_squeeze %dma_start3A_409 : memref<1x!tpu.dma_semaphore, #tpu.memory_space<semaphore_mem>> -> memref<!tpu.dma_semaphore, #tpu.memory_space<semaphore_mem>>
      %dma_start3A_411 = arith.constant 0 : i32
      %dma_start3A_412 = arith.constant 0 : i32
      %dma_start3A_413 = tpu.memref_slice %arg5[%add3A_398, %dma_start3A_411, %dma_start3A_412] : memref<4096x100x128xf32, #tpu.memory_space<hbm>> -> memref<1x100x128xf32, #tpu.memory_space<hbm>>
      %dma_start3A_414 = tpu.memref_squeeze %dma_start3A_413 : memref<1x100x128xf32, #tpu.memory_space<hbm>> -> memref<100x128xf32, #tpu.memory_space<hbm>>
      %dma_start3A_415 = arith.constant 0 : i32
      %dma_start3A_416 = arith.constant 0 : i32
      %dma_start3A_417 = tpu.memref_slice %arg9[%dma_start3A_399, %dma_start3A_415, %dma_start3A_416] : memref<2x100x128xf32, #tpu.memory_space<vmem>> -> memref<1x100x128xf32, #tpu.memory_space<vmem>>
      %dma_start3A_418 = tpu.memref_squeeze %dma_start3A_417 : memref<1x100x128xf32, #tpu.memory_space<vmem>> -> memref<100x128xf32, #tpu.memory_space<vmem>>
      tpu.enqueue_dma source(%dma_start3A_418 : memref<100x128xf32, #tpu.memory_space<vmem>>) target(%dma_start3A_414 : memref<100x128xf32, #tpu.memory_space<hbm>>) target_semaphore(%dma_start3A_410 : memref<!tpu.dma_semaphore, #tpu.memory_space<semaphore_mem>>)
    }
    %scan3A_96 = arith.constant 32 : i32
    %dma_wait3A = arith.constant 0 : i32
    %dma_wait3A_97 = arith.constant 0 : i32
    %dma_wait3A_98 = arith.constant 0 : i32
    %dma_wait3A_99 = arith.constant 0 : i32
    %dma_wait3A_100 = arith.constant 0 : i32
    %dma_wait3A_101 = tpu.memref_slice %arg9[%dma_wait3A, %dma_wait3A_99, %dma_wait3A_100] : memref<2x100x128xf32, #tpu.memory_space<vmem>> -> memref<1x100x128xf32, #tpu.memory_space<vmem>>
    %dma_wait3A_102 = tpu.memref_squeeze %dma_wait3A_101 : memref<1x100x128xf32, #tpu.memory_space<vmem>> -> memref<100x128xf32, #tpu.memory_space<vmem>>
    %dma_wait3A_103 = arith.constant 0 : i32
    %dma_wait3A_104 = arith.constant 0 : i32
    %dma_wait3A_105 = tpu.memref_slice %arg5[%dma_wait3A_97, %dma_wait3A_103, %dma_wait3A_104] : memref<4096x100x128xf32, #tpu.memory_space<hbm>> -> memref<1x100x128xf32, #tpu.memory_space<hbm>>
    %dma_wait3A_106 = tpu.memref_squeeze %dma_wait3A_105 : memref<1x100x128xf32, #tpu.memory_space<hbm>> -> memref<100x128xf32, #tpu.memory_space<hbm>>
    %dma_wait3A_107 = tpu.memref_slice %arg11[%dma_wait3A_98] : memref<2x!tpu.dma_semaphore, #tpu.memory_space<semaphore_mem>> -> memref<1x!tpu.dma_semaphore, #tpu.memory_space<semaphore_mem>>
    %dma_wait3A_108 = tpu.memref_squeeze %dma_wait3A_107 : memref<1x!tpu.dma_semaphore, #tpu.memory_space<semaphore_mem>> -> memref<!tpu.dma_semaphore, #tpu.memory_space<semaphore_mem>>
    %dma_wait3A_109 = arith.constant 0 : i32
    %dma_wait3A_110 = arith.constant 0 : i32
    %dma_wait3A_111 = tpu.memref_slice %arg5[%dma_wait3A_97, %dma_wait3A_109, %dma_wait3A_110] : memref<4096x100x128xf32, #tpu.memory_space<hbm>> -> memref<1x100x128xf32, #tpu.memory_space<hbm>>
    %dma_wait3A_112 = tpu.memref_squeeze %dma_wait3A_111 : memref<1x100x128xf32, #tpu.memory_space<hbm>> -> memref<100x128xf32, #tpu.memory_space<hbm>>
    %dma_wait3A_113 = arith.constant 0 : i32
    %dma_wait3A_114 = arith.constant 0 : i32
    %dma_wait3A_115 = tpu.memref_slice %arg9[%dma_wait3A, %dma_wait3A_113, %dma_wait3A_114] : memref<2x100x128xf32, #tpu.memory_space<vmem>> -> memref<1x100x128xf32, #tpu.memory_space<vmem>>
    %dma_wait3A_116 = tpu.memref_squeeze %dma_wait3A_115 : memref<1x100x128xf32, #tpu.memory_space<vmem>> -> memref<100x128xf32, #tpu.memory_space<vmem>>
    tpu.wait_dma2 semaphore(%dma_wait3A_108 : memref<!tpu.dma_semaphore, #tpu.memory_space<semaphore_mem>>) src(%dma_wait3A_116 : memref<100x128xf32, #tpu.memory_space<vmem>>) dst(%dma_wait3A_112 : memref<100x128xf32, #tpu.memory_space<hbm>>)
    %dma_wait3A_117 = arith.constant 1 : i32
    %dma_wait3A_118 = arith.constant 0 : i32
    %dma_wait3A_119 = arith.constant 1 : i32
    %dma_wait3A_120 = arith.constant 0 : i32
    %dma_wait3A_121 = arith.constant 0 : i32
    %dma_wait3A_122 = tpu.memref_slice %arg9[%dma_wait3A_117, %dma_wait3A_120, %dma_wait3A_121] : memref<2x100x128xf32, #tpu.memory_space<vmem>> -> memref<1x100x128xf32, #tpu.memory_space<vmem>>
    %dma_wait3A_123 = tpu.memref_squeeze %dma_wait3A_122 : memref<1x100x128xf32, #tpu.memory_space<vmem>> -> memref<100x128xf32, #tpu.memory_space<vmem>>
    %dma_wait3A_124 = arith.constant 0 : i32
    %dma_wait3A_125 = arith.constant 0 : i32
    %dma_wait3A_126 = tpu.memref_slice %arg5[%dma_wait3A_118, %dma_wait3A_124, %dma_wait3A_125] : memref<4096x100x128xf32, #tpu.memory_space<hbm>> -> memref<1x100x128xf32, #tpu.memory_space<hbm>>
    %dma_wait3A_127 = tpu.memref_squeeze %dma_wait3A_126 : memref<1x100x128xf32, #tpu.memory_space<hbm>> -> memref<100x128xf32, #tpu.memory_space<hbm>>
    %dma_wait3A_128 = tpu.memref_slice %arg11[%dma_wait3A_119] : memref<2x!tpu.dma_semaphore, #tpu.memory_space<semaphore_mem>> -> memref<1x!tpu.dma_semaphore, #tpu.memory_space<semaphore_mem>>
    %dma_wait3A_129 = tpu.memref_squeeze %dma_wait3A_128 : memref<1x!tpu.dma_semaphore, #tpu.memory_space<semaphore_mem>> -> memref<!tpu.dma_semaphore, #tpu.memory_space<semaphore_mem>>
    %dma_wait3A_130 = arith.constant 0 : i32
    %dma_wait3A_131 = arith.constant 0 : i32
    %dma_wait3A_132 = tpu.memref_slice %arg5[%dma_wait3A_118, %dma_wait3A_130, %dma_wait3A_131] : memref<4096x100x128xf32, #tpu.memory_space<hbm>> -> memref<1x100x128xf32, #tpu.memory_space<hbm>>
    %dma_wait3A_133 = tpu.memref_squeeze %dma_wait3A_132 : memref<1x100x128xf32, #tpu.memory_space<hbm>> -> memref<100x128xf32, #tpu.memory_space<hbm>>
    %dma_wait3A_134 = arith.constant 0 : i32
    %dma_wait3A_135 = arith.constant 0 : i32
    %dma_wait3A_136 = tpu.memref_slice %arg9[%dma_wait3A_117, %dma_wait3A_134, %dma_wait3A_135] : memref<2x100x128xf32, #tpu.memory_space<vmem>> -> memref<1x100x128xf32, #tpu.memory_space<vmem>>
    %dma_wait3A_137 = tpu.memref_squeeze %dma_wait3A_136 : memref<1x100x128xf32, #tpu.memory_space<vmem>> -> memref<100x128xf32, #tpu.memory_space<vmem>>
    tpu.wait_dma2 semaphore(%dma_wait3A_129 : memref<!tpu.dma_semaphore, #tpu.memory_space<semaphore_mem>>) src(%dma_wait3A_137 : memref<100x128xf32, #tpu.memory_space<vmem>>) dst(%dma_wait3A_133 : memref<100x128xf32, #tpu.memory_space<hbm>>)
    return
  }
}

</mosaic_0001>

<sc_bundles>
// kernel: kernel.3.cloned.1.call-start
scs
__scs_entry_jumppad:
0x0: {  	(pc) =	sbr.rel $0x88, $3  }
0x1: {  	(tag) =	ssettag $0x0;
	lr =	simm.s32 $0x1  }
0x2: {  	[smem:$0x3F9D] =	sst lr;
	_ =	strace $0xD0000000  }
0x3: {  	_ = 	snop  }
0x4: {  	_ = 	snop  }
0x5: {  	_ = 	snop  }
0x6: {  	_ = 	snop  }
0x7: {  	_ = 	snop  }
__scs_overlays_trampoline_lowered:
0x8: {  	[smem:$0x3FAC] =	sst s0  }
0x9: {  	[smem:$0x3FAD] =	sst s1  }
0xa: {  	[smem:$0x3FAE] =	sst s2  }
0xb: {  	[smem:$0x3FAF] =	sst s3  }
0xc: {  	[smem:$0x3FB0] =	sst s4  }
0xd: {  	[smem:$0x3FB1] =	sst s5  }
0xe: {  	[smem:$0x3FB2] =	sst s6  }
0xf: {  	[smem:$0x3FB3] =	sst s7  }
0x10: {  	[smem:$0x3FB4] =	sst s8  }
0x11: {  	[smem:$0x3FB5] =	sst s9;
	s0 =	simm.s32 @!p0 $0x0  }
0x12: {  	s1 =	sld [smem:$0x3F9B];
	s0 =	simm.s32 @p0 $0x1  }
0x13: {  	[smem:$0x3FB6] =	sst s0;
	s0 =	simm.s32 @!p1 $0x0  }
0x14: {  	s2 =	sld [smem:$0x3F9A];
	s0 =	simm.s32 @p1 $0x1  }
0x15: {  	[smem:$0x3FB7] =	sst s0;
	s0 =	simm.s32 @!p2 $0x0  }
0x16: {  	s3 =	sld [smem:$0x3FDB];
	s0 =	simm.s32 @p2 $0x1  }
0x17: {  	s4 =	simm.s32 $0x1BF5;
	[smem:$0x3FB9] =	sst s0  }
0x18: {  	s0 =	sld [smem:$0x3F9C];
	_ =	swait.ge [sflag:s4], $0x0  }
0x19: {  	s7 =	sld [smem:$0x3F9D]  }
0x1a: {  	s8 =	sadd.s32 $0xFFFFE003, lr  }
0x1b: {  	s9 =	sadd.s32 $0xFFFFFEF7, lr;
	s5 =	simm.s32 $0xFFFFFFFF;
	p2 =	slt.u32 s8, $0xFFFFF086  }
0x1c: {  	p1 =	slt.u32 s9, $0xF7A;
	s5 =	simm.s32 @!p2 $0x0  }
0x1d: {  	s5 =	simm.s32 @p1 $0x1;
	p0 =	seq.s32 s7, s2  }
0x1e: {  	s7 =	smul.u32 @!p0 $0xF7A, s2;
	p2 =	seq.s32 @!p0 s5, $0x0  }
0x1f: {  	s9 =	smul.u32 $0xF7A, s1;
	s8 =	simm.s32 @!p0 $0x1BF5;
	p2 =	por !p2, p0  }
0x20: {  	[sflag:s8] =	ssyncset.s32 @!p0 $0xFFFFF086;
	s6 =	sadd.s32 @!p0 s3, s7;
	s7 =	simm.s32 @!p0 $0x108  }
0x21: {  	s3 =	sadd.s32 s3, s9;
	s6 =	sadd.s32 @!p0 $0x88, s6;
	s7 =	simm.s32 @p2 $0x1082  }
0x22: {  	[simem:s7], [sflag:s8] =	dma.local @!p0 [hbm:s6], $0xF7A  }
0x23: {  	s9 =	sor.u32 $0xD0000000, s2;
	s6 =	simm.s32 $0x108;
	_ =	swait.ge @!p0 [sflag:s8], $0x0  }
0x24: {  	s3 =	sadd.s32 $0x88, s3;
	s6 =	simm.s32 @!p1 $0x1082;
	[sflag:s4] =	ssyncset.s32 $0xFFFFF086  }
0x25: {  	[simem:s6], [sflag:s4] =	dma.local [hbm:s3], $0xF7A  }
0x26: {  	[smem:$0x3F9D] =	sst s1;
	(tag) =	ssettag s2;
	_ =	strace s9  }
0x27: {  	s1 =	sld [smem:$0x3FAD]  }
0x28: {  	s2 =	sld [smem:$0x3FAE]  }
0x29: {  	s4 =	sld [smem:$0x3FB0]  }
0x2a: {  	p0 =	seq.s32 s5, $0x0;
	s5 =	sld [smem:$0x3FB1]  }
0x2b: {  	s6 =	sld [smem:$0x3FB2]  }
0x2c: {  	s7 =	sld [smem:$0x3FB3]  }
0x2d: {  	s3 =	simm.s32 $0x108;
	s8 =	sld [smem:$0x3FB4]  }
0x2e: {  	s3 =	simm.s32 @!p0 $0x1082;
	s9 =	sld [smem:$0x3FB5]  }
0x2f: {  	lr =	sadd.s32 s0, s3;
	s0 =	sld [smem:$0x3FAC]  }
0x30: {  	s3 =	sld [smem:$0x3FAF]  }
0x31: {  	[smem:$0x3FB8] =	sst s10  }
0x32: {  	s10 =	sld [smem:$0x3FB6];
	_ =	sdelay $0x3  }
0x33: {  	p0 =	seq.s32 s10, $0x1;
	s10 =	sld [smem:$0x3FB8];
	_ =	sdelay $0x3  }
0x34: {  	[smem:$0x3FB8] =	sst s10  }
0x35: {  	s10 =	sld [smem:$0x3FB7];
	_ =	sdelay $0x3  }
0x36: {  	p1 =	seq.s32 s10, $0x1;
	s10 =	sld [smem:$0x3FB8];
	_ =	sdelay $0x3  }
0x37: {  	[smem:$0x3FB8] =	sst s10  }
0x38: {  	s10 =	sld [smem:$0x3FB9]  }
0x39: {  	_ = 	snop;
	(pc) =	sbr.ind lr, $3  }
0x3a: {  	_ = 	snop  }
0x3b: {  	_ = 	snop  }
0x3c: {  	p2 =	seq.s32 s10, $0x1;
	s10 =	sld [smem:$0x3FB8]  }
0x3d: {  	_ =	shalt  }
0x3e: {  	_ =	shalt  }
0x3f: {  	_ =	shalt  }
0x40: {  	_ =	shalt  }
0x41: {  	_ =	shalt  }
0x42: {  	_ =	shalt  }
0x43: {  	_ =	shalt  }
0x44: {  	_ =	shalt  }
0x45: {  	_ =	shalt  }
0x46: {  	_ =	shalt  }
0x47: {  	_ =	shalt  }
0x48: {  	_ =	shalt  }
0x49: {  	_ =	shalt  }
0x4a: {  	_ =	shalt  }
0x4b: {  	_ =	shalt  }
0x4c: {  	_ =	shalt  }
0x4d: {  	_ =	shalt  }
0x4e: {  	_ =	shalt  }
0x4f: {  	_ =	shalt  }
0x50: {  	_ =	shalt  }
0x51: {  	_ =	shalt  }
0x52: {  	_ =	shalt  }
0x53: {  	_ =	shalt  }
0x54: {  	_ =	shalt  }
0x55: {  	_ =	shalt  }
0x56: {  	_ =	shalt  }
0x57: {  	_ =	shalt  }
0x58: {  	_ =	shalt  }
0x59: {  	_ =	shalt  }
0x5a: {  	_ =	shalt  }
0x5b: {  	_ =	shalt  }
0x5c: {  	_ =	shalt  }
0x5d: {  	_ =	shalt  }
0x5e: {  	_ =	shalt  }
0x5f: {  	_ =	shalt  }
0x60: {  	_ =	shalt  }
0x61: {  	_ =	shalt  }
0x62: {  	_ =	shalt  }
0x63: {  	_ =	shalt  }
0x64: {  	_ =	shalt  }
0x65: {  	_ =	shalt  }
0x66: {  	_ =	shalt  }
0x67: {  	_ =	shalt  }
0x68: {  	_ =	shalt  }
0x69: {  	_ =	shalt  }
0x6a: {  	_ =	shalt  }
0x6b: {  	_ =	shalt  }
0x6c: {  	_ =	shalt  }
0x6d: {  	_ =	shalt  }
0x6e: {  	_ =	shalt  }
0x6f: {  	_ =	shalt  }
0x70: {  	_ =	shalt  }
0x71: {  	_ =	shalt  }
0x72: {  	_ =	shalt  }
0x73: {  	_ =	shalt  }
0x74: {  	_ =	shalt  }
0x75: {  	_ =	shalt  }
0x76: {  	_ =	shalt  }
0x77: {  	_ =	shalt  }
0x78: {  	_ =	shalt  }
0x79: {  	_ =	shalt  }
0x7a: {  	_ =	shalt  }
0x7b: {  	_ =	shalt  }
0x7c: {  	_ =	shalt  }
0x7d: {  	_ =	shalt  }
0x7e: {  	_ =	shalt  }
0x7f: {  	_ =	shalt  }
0x80: {  	_ =	shalt  }
0x81: {  	_ =	shalt  }
0x82: {  	_ =	shalt  }
0x83: {  	_ =	shalt  }
0x84: {  	_ =	shalt  }
0x85: {  	_ =	shalt  }
0x86: {  	_ =	shalt  }
0x87: {  	_ =	shalt  }
.Lfunc_end0:
.L_simem_size_0:
called_computation.1_lowered:
.L_overlay_start_0:
0x88: {  	s2 =	sld [smem:$0x3FD9]  }
0x89: {  	s3 =	sld [smem:$0x3FFE];
	_ =	sdelay $0x1  }
0x8a: {  	s1 =	srdreg.scid  }
0x8b: {  	s0 =	sand.u32 $0x1, s1  }
0x8c: {  	s14 =	sshll.u32 s0, $0xA;
	s2 =	sadd.s32 s3, s2  }
0x8d: {  	s2 =	sadd.s32 s2, s14  }
0x8e: {  	[smem:$0x3FC4] =	sst s2  }
0x8f: {  	_ = 	snop  }
0x90: {  	s2 =	sld [smem:$0x3FD0];
	_ =	sdelay $0x2  }
0x91: {  	s15 =	simm.s32 $0xA;
	s4 =	simm.s32 $0x10  }
0x92: {  	[smem:s4], [sflag:s15] =	dma.local [hbm:s2], $0x1  }
0x93: {  	_ =	swait.eq [sflag:s15], $0x1  }
0x94: {  	[sflag:s15] =	ssyncset.done $0x0  }
0x95: {  	[sflag:s15] =	ssyncadd.s32 $0xFFFFFFFF  }
0x96: {  	s16 =	sld [smem:$0x10];
	(tm) =	ssettm $0x1  }
0x97: {  	s17 =	sld [smem:$0x3FFB];
	_ =	sdelay $0x3  }
0x98: {  	_ =	strace s17  }
0x99: {  	s3 =	sld [smem:$0x3FFC];
	_ =	sdelay $0x3  }
0x9a: {  	_ =	strace s3  }
0x9b: {  	s3 =	sld [smem:$0x3FFD];
	_ =	sdelay $0x3  }
0x9c: {  	_ =	strace s3  }
0x9d: {  	_ =	strace $0x8FFFFFFF  }
0x9e: {  	s18 =	sld [smem:$0x3FDB];
	_ =	sdelay $0x1  }
0x9f: {  	s19 =	simm.s32 $_scs_section_size  }
0xa0: {  	s5 =	simm.s32 $_size__tile_overlayer_lowered;
	s6 =	simm.s32 $_tile_overlayer_lowered  }
0xa1: {  	s22 =	simm.s32 $0x1BFF;
	s21 =	sshll.u32 s6, $0x1;
	s3 =	sadd.s32 s19, s18  }
0xa2: {  	s7 =	simm.s32 $0x0;
	s20 =	sshll.u32 s5, $0x1;
	s5 =	sadd.s32 s21, s3  }
0xa3: {  	[timem:s7], [sflag:s22] =	dma.local [hbm:s5], s20  }
0xa4: {  	_ =	swait.ge [sflag:s22], s20  }
0xa5: {  	s4 =	ssub.s32 $0x0, s20;
	[sflag:s22] =	ssyncset.done $0x0  }
0xa6: {  	[sflag:s22] =	ssyncadd.s32 s4;
	_ =	sdelay $0x1  }
0xa7: {  	s23 =	simm.s32 $0x1B8B  }
0xa8: {  	_ =	swait.ge [sflag:s23], $0x1  }
0xa9: {  	[sflag:s23] =	ssyncset.done $0x0  }
0xaa: {  	s25 =	simm.s32 $0x1B8E;
	s24 =	sld [smem:$0x3FFE];
	[sflag:s23] =	ssyncadd.s32 $0xFFFFFFFF  }
0xab: {  	s26 =	simm.s32 $execute0_lowered;
	[smem:$0x3FD2] =	sst s25  }
0xac: {  	s5 =	sshll.u32 s26, $0x1;
	_ =	strace $0x80000046;
	[dreg:$0x1] =	wrdreg $0xFFFFFFFF  }
0xad: {  	s28 =	simm.s32 $_size_execute0_lowered;
	s3 =	sadd.s32 s3, s5;
	[dreg:$0x0] =	wrdreg $0x0  }
0xae: {  	s5 =	sshll.u32 s28, $0x1;
	[dreg:$0x2] =	wrdreg s3  }
0xaf: {  	[dreg:$0x3] =	wrdreg s5  }
0xb0: {  	[dreg:$0x4] =	wrdreg $0xC0  }
0xb1: {  	_ =	task [dreg:s7], $0x5FFFF  }
0xb2: {  	[dreg:$0x1] =	wrdreg $0xFFFFFFFF  }
0xb3: {  	[dreg:$0x0] =	wrdreg $0x60  }
0xb4: {  	[dreg:$0x2] =	wrdreg s24  }
0xb5: {  	[dreg:$0x3] =	wrdreg s16  }
0xb6: {  	[dreg:$0x4] =	wrdreg $0x9  }
0xb7: {  	_ =	task.clear_ibuf [dreg:s7], $0x5FFFF;
	_ =	strace $0x90000046  }
0xb8: {  	s29 =	simm.s32 $0x9;
	_ =	strace $0x80000048  }
0xb9: {  	_ =	swait.ge [sflag:s29], $0x1  }
0xba: {  	[sflag:s29] =	ssyncadd.s32 $0xFFFFFFFF  }
0xbb: {  	_ =	strace $0x90000048  }
0xbc: {  	_ =	sfence  }
0xbd: {  	s30 =	sld [smem:$0x0];
	_ =	sdelay $0x2  }
0xbe: {  	s31 =	sshll.u32 s1, $0xD;
	s1 =	sshrl.u32 s1, $0x2  }
0xbf: {  	s3 =	sand.u32 $0x4000, s31;
	s1 =	sadd.s32 s1, s30  }
0xc0: {  	s0 =	sor.u32 s3, s0;
	s1 =	sshll.u32 s1, $0x11  }
0xc1: {  	s0 =	sor.u32 s1, s0  }
0xc2: {  	s0 =	sadd.s32 $0x8F2B, s0  }
0xc3: {  	[sflag:s0] =	ssyncadd.remote.s32 $0x1  }
0xc4: {  	_ =	sfence.sel $0xFFFF  }
0xc5: {  	[dreg:$0x0] =	wrdreg $0xFFFFFFFF;
	(pc) =	sbr.abs _section_cstart, $3  }
0xc6: {  	[dreg:$0x1] =	wrdreg $0xFFFFFFFF  }
0xc7: {  	_ =	task.clear_ibuf [dreg:s7], $0x2FFFF;
	_ =	strace $0x9FFFFFFF  }
0xc8: {  	(tm) =	ssettm $0x7FFFFFFF  }
0xc9: {  	_ =	shalt  }
tec
execute0_lowered:
.L_overlay_start_1:
0x0: {  	(tag) =	ssettag $0x1  }
0x1: {  	s0 =	srdreg.scid;
	s2 =	stileid.u32  }
0x2: {  	s1 =	rddreg [dreg:$0x0];
	s9 =	simm.s32 $0x7;
	s11 =	simm.s32 $0x80  }
0x3: {  	s13 =	simm.s32 $0x48;
	s22 =	simm.s32 $0x11A00;
	s23 =	simm.s32 $0x12C00  }
0x4: {  	s24 =	simm.s32 $0x14C00;
	s25 =	simm.s32 $0x1;
	s26 =	simm.s32 $0x15E00  }
0x5: {  	s28 =	simm.s32 $0x2;
	s29 =	simm.s32 $0x19000;
	s30 =	simm.s32 $0x3  }
0x6: {  	s31 =	simm.s32 $0x5;
	s10 =	simm.s32 $0x0;
	s0 =	sand.u32 $0x1, s0  }
0x7: {  	s3 =	sshll.u32 s2, $0x8;
	s2 =	rddreg [dreg:$0x1];
	s4 =	sshll.u32 s0, $0x7  }
0x8: {  	s0 =	ssub.s32 $0x2, s0;
	s3 =	sor.u32 s4, s3;
	s4 =	simm.s32 $0x0  }
0x9: {  	s8 =	sshrl.u32 s0, $0x1;
	s5 =	smul.u32 $0x19, s3;
	[smem:$0x7FF] =	sst s4  }
0xa: {  	s6 =	sadd.s32 $0x19E00, s1;
	s0 =	ssub.s32 s0, s8;
	_ =	strace $0x80000047  }
0xb: {  	s8 =	smax.u32 s0, $0x1;
	s0 =	simm.s32 $0x6;
	s7 =	sadd.s32 s5, s1  }
0xc: {  	s5 =	sadd.s32 $0xF43200, s1;
	s1 =	simm.s32 $0x4;
	s7 =	sadd.s32 $0xE00, s7  }
.LBB2_1:
0xd: {  	[tilespmem:s4], [sflag:$0x7] =	stream.linear.gather [hbm4b:s7+s4], $0x6400, $0x38;
	[tilespmem:$0x1C200] =	vst v63  }
0xe: {  	_ =	swait.ge [sflag:s9], $0x6400  }
0xf: {  	[sflag:s9] =	ssyncset.done $0x0  }
0x10: {  	s12 =	simm.s32 $0x6400;
	[sflag:s9] =	ssyncadd.s32 $0xFFFF9C00  }
0x11: {  	[tilespmem:s12], [sflag:$0x7] =	stream.linear.gather [hbm4b:s6+s4], $0x3200, $0x38;
	[tilespmem:$0x1C200] =	vst v63  }
0x12: {  	_ =	swait.ge [sflag:s9], $0x3200  }
0x13: {  	[sflag:s9] =	ssyncset.done $0x0  }
0x14: {  	s14 =	simm.s32 $0x9600;
	[sflag:s9] =	ssyncadd.s32 $0xFFFFCE00  }
0x15: {  	[tilespmem:s14], [sflag:$0x1] =	stream.indirect.gather [hbm4b:s5+s11], $0x40, s4, s11, $0xb8;
	[tilespmem:$0x1C200] =	vst v63  }
0x16: {  	s15 =	simm.s32 $0xB600  }
0x17: {  	[tilespmem:s15], [sflag:$0x1] =	stream.indirect.gather [hbm4b:s5+s13], $0x40, s11, s13, $0xb8;
	[tilespmem:$0x1C200] =	vst v63  }
0x18: {  	s16 =	simm.s32 $0xC8;
	s14 =	simm.s32 $0xC800  }
0x19: {  	[tilespmem:s14], [sflag:$0x2] =	stream.indirect.gather [hbm4b:s5+s11], $0x40, s16, s11, $0xb8;
	[tilespmem:$0x1C200] =	vst v63  }
0x1a: {  	s17 =	simm.s32 $0x148;
	s18 =	simm.s32 $0xE800  }
0x1b: {  	[tilespmem:s18], [sflag:$0x2] =	stream.indirect.gather [hbm4b:s5+s13], $0x40, s17, s13, $0xb8;
	[tilespmem:$0x1C200] =	vst v63  }
0x1c: {  	s19 =	simm.s32 $0x190;
	s20 =	simm.s32 $0xFA00  }
0x1d: {  	[tilespmem:s20], [sflag:$0x3] =	stream.indirect.gather [hbm4b:s5+s11], $0x40, s19, s11, $0xb8;
	[tilespmem:$0x1C200] =	vst v63  }
0x1e: {  	s21 =	simm.s32 $0x210;
	s12 =	simm.s32 $0x0  }
0x1f: {  	[tilespmem:s22], [sflag:$0x3] =	stream.indirect.gather [hbm4b:s5+s13], $0x40, s21, s13, $0xb8;
	[tilespmem:$0x1C200] =	vst v63  }
.LBB2_2:
0x20: {  	s14 =	sshllo.u32 s12, $0x2  }
0x21: {  	s15 =	smul.u32 $0x320, s14;
	_ =	sdelay $0x1  }
0x22: {  	s15 =	sshra.s32 s15, $0x2  }
0x23: {  	[tilespmem:s23], [sflag:$0x4] =	stream.indirect.gather [hbm4b:s5+s11], $0x40, s15, s11, $0xb8;
	[tilespmem:$0x1C200] =	vst v63  }
0x24: {  	s15 =	sadd.s32 $0x80, s15  }
0x25: {  	[tilespmem:s24], [sflag:$0x4] =	stream.indirect.gather [hbm4b:s5+s13], $0x40, s15, s13, $0xb8;
	[tilespmem:$0x1C200] =	vst v63  }
0x26: {  	_ =	swait.ge [sflag:s25], $0x2000  }
0x27: {  	[sflag:s25] =	ssyncset.done $0x0  }
0x28: {  	[sflag:s25] =	ssyncadd.s32 $0xFFFFE000  }
0x29: {  	_ =	swait.ge [sflag:s25], $0x1200  }
0x2a: {  	p1 =	seq.s32 s12, $0x0;
	[sflag:s25] =	ssyncset.done $0x0  }
0x2b: {  	s15 =	simm.s32 @!p1 $0x5;
	[sflag:s25] =	ssyncadd.s32 $0xFFFFEE00  }
0x2c: {  	s16 =	sshll.u32 s12, $0x2;
	_ =	swait.ge @!p1 [sflag:s15], $0x3200  }
0x2d: {  	s17 =	simm.s32 $0x9700;
	s18 =	simm.s32 $0x15F00;
	[sflag:s15] =	ssyncset.done @!p1 $0x0  }
0x2e: {  	s19 =	simm.s32 $0x6500;
	[sflag:s15] =	ssyncadd.s32 @!p1 $0xFFFFCE00;
	s15 =	simm.s32 $0xFFFFFFFC  }
.LBB2_3:
0x2f: {  	v0 =	vld [tilespmem:s17+$0xFFFFFF00];
	_ =	sdelay $0x1  }
0x30: {  	v1 =	vld [tilespmem:s19+$0xFFFFFF00];
	_ =	sdelay $0x2  }
0x31: {  	v0 =	vmul.f32 $3.200000000e+01, v0;
	_ =	sdelay $0x1  }
0x32: {  	v0 =	vadd.f32 v1, v0;
	_ =	sdelay $0x1  }
0x33: {  	[tilespmem:s18+$0xFFFFFF00] =	vst v0  }
0x34: {  	v0 =	vld [tilespmem:s17+$0xFFFFFF10];
	_ =	sdelay $0x1  }
0x35: {  	v33 =	vld [tilespmem:s19+$0xFFFFFF10];
	_ =	sdelay $0x2  }
0x36: {  	v0 =	vmul.f32 $3.200000000e+01, v0;
	_ =	sdelay $0x1  }
0x37: {  	v0 =	vadd.f32 v33, v0;
	_ =	sdelay $0x1  }
0x38: {  	[tilespmem:s18+$0xFFFFFF10] =	vst v0  }
0x39: {  	v0 =	vld [tilespmem:s17+$0xFFFFFF20];
	_ =	sdelay $0x1  }
0x3a: {  	v34 =	vld [tilespmem:s19+$0xFFFFFF20];
	_ =	sdelay $0x2  }
0x3b: {  	v0 =	vmul.f32 $3.200000000e+01, v0;
	_ =	sdelay $0x1  }
0x3c: {  	v0 =	vadd.f32 v34, v0;
	_ =	sdelay $0x1  }
0x3d: {  	[tilespmem:s18+$0xFFFFFF20] =	vst v0  }
0x3e: {  	v0 =	vld [tilespmem:s17+$0xFFFFFF30];
	_ =	sdelay $0x1  }
0x3f: {  	v35 =	vld [tilespmem:s19+$0xFFFFFF30];
	_ =	sdelay $0x2  }
0x40: {  	v0 =	vmul.f32 $3.200000000e+01, v0;
	_ =	sdelay $0x1  }
0x41: {  	v0 =	vadd.f32 v35, v0;
	_ =	sdelay $0x1  }
0x42: {  	[tilespmem:s18+$0xFFFFFF30] =	vst v0  }
0x43: {  	v0 =	vld [tilespmem:s17+$0xFFFFFF40];
	_ =	sdelay $0x1  }
0x44: {  	v36 =	vld [tilespmem:s19+$0xFFFFFF40];
	_ =	sdelay $0x2  }
0x45: {  	v0 =	vmul.f32 $3.200000000e+01, v0;
	_ =	sdelay $0x1  }
0x46: {  	v0 =	vadd.f32 v36, v0;
	_ =	sdelay $0x1  }
0x47: {  	[tilespmem:s18+$0xFFFFFF40] =	vst v0  }
0x48: {  	v0 =	vld [tilespmem:s17+$0xFFFFFF50];
	_ =	sdelay $0x1  }
0x49: {  	v37 =	vld [tilespmem:s19+$0xFFFFFF50];
	_ =	sdelay $0x2  }
0x4a: {  	v0 =	vmul.f32 $3.200000000e+01, v0;
	_ =	sdelay $0x1  }
0x4b: {  	v0 =	vadd.f32 v37, v0;
	_ =	sdelay $0x1  }
0x4c: {  	[tilespmem:s18+$0xFFFFFF50] =	vst v0  }
0x4d: {  	v0 =	vld [tilespmem:s17+$0xFFFFFF60];
	_ =	sdelay $0x1  }
0x4e: {  	v38 =	vld [tilespmem:s19+$0xFFFFFF60];
	_ =	sdelay $0x2  }
0x4f: {  	v0 =	vmul.f32 $3.200000000e+01, v0;
	_ =	sdelay $0x1  }
0x50: {  	v0 =	vadd.f32 v38, v0;
	_ =	sdelay $0x1  }
0x51: {  	[tilespmem:s18+$0xFFFFFF60] =	vst v0  }
0x52: {  	v0 =	vld [tilespmem:s17+$0xFFFFFF70];
	_ =	sdelay $0x1  }
0x53: {  	v39 =	vld [tilespmem:s19+$0xFFFFFF70];
	_ =	sdelay $0x2  }
0x54: {  	v0 =	vmul.f32 $3.200000000e+01, v0;
	_ =	sdelay $0x1  }
0x55: {  	v0 =	vadd.f32 v39, v0;
	_ =	sdelay $0x1  }
0x56: {  	[tilespmem:s18+$0xFFFFFF70] =	vst v0  }
0x57: {  	v0 =	vld [tilespmem:s17+$0xFFFFFF80];
	_ =	sdelay $0x1  }
0x58: {  	v40 =	vld [tilespmem:s19+$0xFFFFFF80];
	_ =	sdelay $0x2  }
0x59: {  	v0 =	vmul.f32 $3.200000000e+01, v0;
	_ =	sdelay $0x1  }
0x5a: {  	v0 =	vadd.f32 v40, v0;
	_ =	sdelay $0x1  }
0x5b: {  	[tilespmem:s18+$0xFFFFFF80] =	vst v0  }
0x5c: {  	v0 =	vld [tilespmem:s17+$0xFFFFFF90];
	_ =	sdelay $0x1  }
0x5d: {  	v41 =	vld [tilespmem:s19+$0xFFFFFF90];
	_ =	sdelay $0x2  }
0x5e: {  	v0 =	vmul.f32 $3.200000000e+01, v0;
	_ =	sdelay $0x1  }
0x5f: {  	v0 =	vadd.f32 v41, v0;
	_ =	sdelay $0x1  }
0x60: {  	[tilespmem:s18+$0xFFFFFF90] =	vst v0  }
0x61: {  	v0 =	vld [tilespmem:s17+$0xFFFFFFA0];
	_ =	sdelay $0x1  }
0x62: {  	v42 =	vld [tilespmem:s19+$0xFFFFFFA0];
	_ =	sdelay $0x2  }
0x63: {  	v0 =	vmul.f32 $3.200000000e+01, v0;
	_ =	sdelay $0x1  }
0x64: {  	v0 =	vadd.f32 v42, v0;
	_ =	sdelay $0x1  }
0x65: {  	[tilespmem:s18+$0xFFFFFFA0] =	vst v0  }
0x66: {  	v0 =	vld [tilespmem:s17+$0xFFFFFFB0];
	_ =	sdelay $0x1  }
0x67: {  	v43 =	vld [tilespmem:s19+$0xFFFFFFB0];
	_ =	sdelay $0x2  }
0x68: {  	v0 =	vmul.f32 $3.200000000e+01, v0;
	_ =	sdelay $0x1  }
0x69: {  	v0 =	vadd.f32 v43, v0;
	_ =	sdelay $0x1  }
0x6a: {  	[tilespmem:s18+$0xFFFFFFB0] =	vst v0  }
0x6b: {  	v0 =	vld [tilespmem:s17+$0xFFFFFFC0];
	_ =	sdelay $0x1  }
0x6c: {  	v44 =	vld [tilespmem:s19+$0xFFFFFFC0];
	_ =	sdelay $0x2  }
0x6d: {  	v0 =	vmul.f32 $3.200000000e+01, v0;
	_ =	sdelay $0x1  }
0x6e: {  	v0 =	vadd.f32 v44, v0;
	_ =	sdelay $0x1  }
0x6f: {  	[tilespmem:s18+$0xFFFFFFC0] =	vst v0  }
0x70: {  	v0 =	vld [tilespmem:s17+$0xFFFFFFD0];
	_ =	sdelay $0x1  }
0x71: {  	v45 =	vld [tilespmem:s19+$0xFFFFFFD0];
	_ =	sdelay $0x2  }
0x72: {  	v0 =	vmul.f32 $3.200000000e+01, v0;
	_ =	sdelay $0x1  }
0x73: {  	v0 =	vadd.f32 v45, v0;
	_ =	sdelay $0x1  }
0x74: {  	[tilespmem:s18+$0xFFFFFFD0] =	vst v0  }
0x75: {  	v0 =	vld [tilespmem:s17+$0xFFFFFFE0];
	_ =	sdelay $0x1  }
0x76: {  	v46 =	vld [tilespmem:s19+$0xFFFFFFE0];
	_ =	sdelay $0x2  }
0x77: {  	v0 =	vmul.f32 $3.200000000e+01, v0;
	_ =	sdelay $0x1  }
0x78: {  	v0 =	vadd.f32 v46, v0;
	_ =	sdelay $0x1  }
0x79: {  	[tilespmem:s18+$0xFFFFFFE0] =	vst v0  }
0x7a: {  	v0 =	vld [tilespmem:s17+$0xFFFFFFF0];
	_ =	sdelay $0x1  }
0x7b: {  	v47 =	vld [tilespmem:s19+$0xFFFFFFF0];
	_ =	sdelay $0x2  }
0x7c: {  	v0 =	vmul.f32 $3.200000000e+01, v0;
	_ =	sdelay $0x1  }
0x7d: {  	v0 =	vadd.f32 v47, v0;
	_ =	sdelay $0x1  }
0x7e: {  	[tilespmem:s18+$0xFFFFFFF0] =	vst v0  }
0x7f: {  	v0 =	vld [tilespmem:s17+$0x0];
	_ =	sdelay $0x1  }
0x80: {  	v48 =	vld [tilespmem:s19+$0x0];
	_ =	sdelay $0x2  }
0x81: {  	v0 =	vmul.f32 $3.200000000e+01, v0;
	_ =	sdelay $0x1  }
0x82: {  	v0 =	vadd.f32 v48, v0;
	_ =	sdelay $0x1  }
0x83: {  	[tilespmem:s18+$0x0] =	vst v0  }
0x84: {  	v0 =	vld [tilespmem:s17+$0x10];
	_ =	sdelay $0x1  }
0x85: {  	v49 =	vld [tilespmem:s19+$0x10];
	_ =	sdelay $0x2  }
0x86: {  	v0 =	vmul.f32 $3.200000000e+01, v0;
	_ =	sdelay $0x1  }
0x87: {  	v0 =	vadd.f32 v49, v0;
	_ =	sdelay $0x1  }
0x88: {  	[tilespmem:s18+$0x10] =	vst v0  }
0x89: {  	v0 =	vld [tilespmem:s17+$0x20];
	_ =	sdelay $0x1  }
0x8a: {  	v50 =	vld [tilespmem:s19+$0x20];
	_ =	sdelay $0x2  }
0x8b: {  	v0 =	vmul.f32 $3.200000000e+01, v0;
	_ =	sdelay $0x1  }
0x8c: {  	v0 =	vadd.f32 v50, v0;
	_ =	sdelay $0x1  }
0x8d: {  	[tilespmem:s18+$0x20] =	vst v0  }
0x8e: {  	v0 =	vld [tilespmem:s17+$0x30];
	_ =	sdelay $0x1  }
0x8f: {  	v51 =	vld [tilespmem:s19+$0x30];
	_ =	sdelay $0x2  }
0x90: {  	v0 =	vmul.f32 $3.200000000e+01, v0;
	_ =	sdelay $0x1  }
0x91: {  	v0 =	vadd.f32 v51, v0;
	_ =	sdelay $0x1  }
0x92: {  	[tilespmem:s18+$0x30] =	vst v0  }
0x93: {  	v0 =	vld [tilespmem:s17+$0x40];
	_ =	sdelay $0x1  }
0x94: {  	v52 =	vld [tilespmem:s19+$0x40];
	_ =	sdelay $0x2  }
0x95: {  	v0 =	vmul.f32 $3.200000000e+01, v0;
	_ =	sdelay $0x1  }
0x96: {  	v0 =	vadd.f32 v52, v0;
	_ =	sdelay $0x1  }
0x97: {  	[tilespmem:s18+$0x40] =	vst v0  }
0x98: {  	v0 =	vld [tilespmem:s17+$0x50];
	_ =	sdelay $0x1  }
0x99: {  	v53 =	vld [tilespmem:s19+$0x50];
	_ =	sdelay $0x2  }
0x9a: {  	v0 =	vmul.f32 $3.200000000e+01, v0;
	_ =	sdelay $0x1  }
0x9b: {  	v0 =	vadd.f32 v53, v0;
	_ =	sdelay $0x1  }
0x9c: {  	[tilespmem:s18+$0x50] =	vst v0  }
0x9d: {  	v0 =	vld [tilespmem:s17+$0x60];
	_ =	sdelay $0x1  }
0x9e: {  	v54 =	vld [tilespmem:s19+$0x60];
	_ =	sdelay $0x2  }
0x9f: {  	v0 =	vmul.f32 $3.200000000e+01, v0;
	_ =	sdelay $0x1  }
0xa0: {  	v0 =	vadd.f32 v54, v0;
	_ =	sdelay $0x1  }
0xa1: {  	[tilespmem:s18+$0x60] =	vst v0  }
0xa2: {  	v0 =	vld [tilespmem:s17+$0x70];
	_ =	sdelay $0x1  }
0xa3: {  	v55 =	vld [tilespmem:s19+$0x70];
	_ =	sdelay $0x2  }
0xa4: {  	v0 =	vmul.f32 $3.200000000e+01, v0;
	_ =	sdelay $0x1  }
0xa5: {  	v0 =	vadd.f32 v55, v0;
	_ =	sdelay $0x1  }
0xa6: {  	[tilespmem:s18+$0x70] =	vst v0  }
0xa7: {  	v0 =	vld [tilespmem:s17+$0x80];
	_ =	sdelay $0x1  }
0xa8: {  	v56 =	vld [tilespmem:s19+$0x80];
	_ =	sdelay $0x2  }
0xa9: {  	v0 =	vmul.f32 $3.200000000e+01, v0;
	_ =	sdelay $0x1  }
0xaa: {  	v0 =	vadd.f32 v56, v0;
	_ =	sdelay $0x1  }
0xab: {  	[tilespmem:s18+$0x80] =	vst v0  }
0xac: {  	v0 =	vld [tilespmem:s17+$0x90];
	_ =	sdelay $0x1  }
0xad: {  	v57 =	vld [tilespmem:s19+$0x90];
	_ =	sdelay $0x2  }
0xae: {  	v0 =	vmul.f32 $3.200000000e+01, v0;
	_ =	sdelay $0x1  }
0xaf: {  	v0 =	vadd.f32 v57, v0;
	_ =	sdelay $0x1  }
0xb0: {  	[tilespmem:s18+$0x90] =	vst v0  }
0xb1: {  	v0 =	vld [tilespmem:s17+$0xA0];
	_ =	sdelay $0x1  }
0xb2: {  	v58 =	vld [tilespmem:s19+$0xA0];
	_ =	sdelay $0x2  }
0xb3: {  	v0 =	vmul.f32 $3.200000000e+01, v0;
	_ =	sdelay $0x1  }
0xb4: {  	v0 =	vadd.f32 v58, v0;
	_ =	sdelay $0x1  }
0xb5: {  	[tilespmem:s18+$0xA0] =	vst v0  }
0xb6: {  	v0 =	vld [tilespmem:s17+$0xB0];
	_ =	sdelay $0x1  }
0xb7: {  	v59 =	vld [tilespmem:s19+$0xB0];
	_ =	sdelay $0x2  }
0xb8: {  	v0 =	vmul.f32 $3.200000000e+01, v0;
	_ =	sdelay $0x1  }
0xb9: {  	v0 =	vadd.f32 v59, v0;
	_ =	sdelay $0x1  }
0xba: {  	[tilespmem:s18+$0xB0] =	vst v0  }
0xbb: {  	v0 =	vld [tilespmem:s17+$0xC0];
	_ =	sdelay $0x1  }
0xbc: {  	v60 =	vld [tilespmem:s19+$0xC0];
	_ =	sdelay $0x2  }
0xbd: {  	v0 =	vmul.f32 $3.200000000e+01, v0;
	_ =	sdelay $0x1  }
0xbe: {  	v0 =	vadd.f32 v60, v0;
	_ =	sdelay $0x1  }
0xbf: {  	[tilespmem:s18+$0xC0] =	vst v0  }
0xc0: {  	v0 =	vld [tilespmem:s17+$0xD0];
	_ =	sdelay $0x1  }
0xc1: {  	v61 =	vld [tilespmem:s19+$0xD0];
	_ =	sdelay $0x2  }
0xc2: {  	v0 =	vmul.f32 $3.200000000e+01, v0;
	_ =	sdelay $0x1  }
0xc3: {  	v0 =	vadd.f32 v61, v0;
	_ =	sdelay $0x1  }
0xc4: {  	[tilespmem:s18+$0xD0] =	vst v0  }
0xc5: {  	v0 =	vld [tilespmem:s17+$0xE0];
	_ =	sdelay $0x1  }
0xc6: {  	v62 =	vld [tilespmem:s19+$0xE0];
	_ =	sdelay $0x2  }
0xc7: {  	v0 =	vmul.f32 $3.200000000e+01, v0;
	_ =	sdelay $0x1  }
0xc8: {  	v0 =	vadd.f32 v62, v0;
	_ =	sdelay $0x1  }
0xc9: {  	[tilespmem:s18+$0xE0] =	vst v0  }
0xca: {  	v0 =	vld [tilespmem:s17+$0xF0];
	_ =	sdelay $0x1  }
0xcb: {  	v63 =	vld [tilespmem:s19+$0xF0]  }
0xcc: {  	s15 =	sadd.s32 $0x4, s15  }
0xcd: {  	p0 =	slt.u32 s15, $0x60  }
.Ltmp0:
0xce: {  	v0 =	vmul.f32 $3.200000000e+01, v0;
	(pc) =	sbr.rel @p0 .LBB2_3-.Ltmp0, $3  }
0xcf: {  	_ = 	snop  }
0xd0: {  	v0 =	vadd.f32 v63, v0;
	_ =	sdelay $0x1  }
0xd1: {  	s17 =	sadd.s32 $0x200, s17;
	s19 =	sadd.s32 $0x200, s19;
	[tilespmem:s18+$0xF0] =	vst v0;
	s18 =	sadd.s32 $0x200, s18  }
0xd2: {  	s15 =	sadd.s32 s3, s16  }
0xd3: {  	s15 =	smul.u32 $0x640, s15  }
0xd4: {  	p0 =	seq.s32 s12, $0x1F  }
0xd5: {  	s17 =	smul.u32 @!p0 $0xC80, s12;
	s15 =	sadd.s32 s2, s15  }
0xd6: {  	[hbm4b:s15+s4] =	stream.linear.scatter [tilespmem:s26], [sflag:$0x5], $0x3200, $0x38;
	[tilespmem:$0x1C200] =	vst v63  }
0xd7: {  	s15 =	sshra.s32 @!p0 s17, $0x2  }
0xd8: {  	s18 =	simm.s32 @!p0 $0x80;
	s19 =	simm.s32 @!p0 $0x9600;
	s17 =	sadd.s32 @!p0 $0x320, s15  }
0xd9: {  	[tilespmem:s19], [sflag:$0x1] =	stream.indirect.gather @!p0 [hbm4b:s5+s18], $0x40, s17, s18, $0xb8;
	[tilespmem:$0x1C200] =	vst v63  }
0xda: {  	s17 =	sadd.s32 @!p0 $0x3A0, s15;
	s18 =	simm.s32 @!p0 $0x48;
	s19 =	simm.s32 @!p0 $0xB600  }
0xdb: {  	[tilespmem:s19], [sflag:$0x1] =	stream.indirect.gather @!p0 [hbm4b:s5+s18], $0x40, s17, s18, $0xb8;
	[tilespmem:$0x1C200] =	vst v63  }
0xdc: {  	_ =	swait.ge [sflag:s28], $0x2000  }
0xdd: {  	[sflag:s28] =	ssyncset.done $0x0  }
0xde: {  	[sflag:s28] =	ssyncadd.s32 $0xFFFFE000  }
0xdf: {  	_ =	swait.ge [sflag:s28], $0x1200  }
0xe0: {  	[sflag:s28] =	ssyncset.done $0x0  }
0xe1: {  	s18 =	simm.s32 @!p1 $0x6;
	[sflag:s28] =	ssyncadd.s32 $0xFFFFEE00  }
0xe2: {  	s20 =	simm.s32 $0x6500;
	_ =	swait.ge @!p1 [sflag:s18], $0x3200  }
0xe3: {  	s21 =	simm.s32 $0x191F0;
	s17 =	sor.u32 $0x1, s16;
	[sflag:s18] =	ssyncset.done @!p1 $0x0  }
0xe4: {  	s19 =	simm.s32 $0xC9F0;
	[sflag:s18] =	ssyncadd.s32 @!p1 $0xFFFFCE00;
	s18 =	simm.s32 $0xFFFFFFFC  }
.LBB2_5:
0xe5: {  	v0 =	vld [tilespmem:s19+$0xFFFFFE10];
	_ =	sdelay $0x1  }
0xe6: {  	v1 =	vld [tilespmem:s20+$0xFFFFFF00];
	_ =	sdelay $0x2  }
0xe7: {  	v0 =	vmul.f32 $3.200000000e+01, v0;
	_ =	sdelay $0x1  }
0xe8: {  	v0 =	vadd.f32 v1, v0;
	_ =	sdelay $0x1  }
0xe9: {  	[tilespmem:s21+$0xFFFFFE10] =	vst v0  }
0xea: {  	v0 =	vld [tilespmem:s19+$0xFFFFFE20];
	_ =	sdelay $0x1  }
0xeb: {  	v33 =	vld [tilespmem:s20+$0xFFFFFF10];
	_ =	sdelay $0x2  }
0xec: {  	v0 =	vmul.f32 $3.200000000e+01, v0;
	_ =	sdelay $0x1  }
0xed: {  	v0 =	vadd.f32 v33, v0;
	_ =	sdelay $0x1  }
0xee: {  	[tilespmem:s21+$0xFFFFFE20] =	vst v0  }
0xef: {  	v0 =	vld [tilespmem:s19+$0xFFFFFE30];
	_ =	sdelay $0x1  }
0xf0: {  	v34 =	vld [tilespmem:s20+$0xFFFFFF20];
	_ =	sdelay $0x2  }
0xf1: {  	v0 =	vmul.f32 $3.200000000e+01, v0;
	_ =	sdelay $0x1  }
0xf2: {  	v0 =	vadd.f32 v34, v0;
	_ =	sdelay $0x1  }
0xf3: {  	[tilespmem:s21+$0xFFFFFE30] =	vst v0  }
0xf4: {  	v0 =	vld [tilespmem:s19+$0xFFFFFE40];
	_ =	sdelay $0x1  }
0xf5: {  	v35 =	vld [tilespmem:s20+$0xFFFFFF30];
	_ =	sdelay $0x2  }
0xf6: {  	v0 =	vmul.f32 $3.200000000e+01, v0;
	_ =	sdelay $0x1  }
0xf7: {  	v0 =	vadd.f32 v35, v0;
	_ =	sdelay $0x1  }
0xf8: {  	[tilespmem:s21+$0xFFFFFE40] =	vst v0  }
0xf9: {  	v0 =	vld [tilespmem:s19+$0xFFFFFE50];
	_ =	sdelay $0x1  }
0xfa: {  	v36 =	vld [tilespmem:s20+$0xFFFFFF40];
	_ =	sdelay $0x2  }
0xfb: {  	v0 =	vmul.f32 $3.200000000e+01, v0;
	_ =	sdelay $0x1  }
0xfc: {  	v0 =	vadd.f32 v36, v0;
	_ =	sdelay $0x1  }
0xfd: {  	[tilespmem:s21+$0xFFFFFE50] =	vst v0  }
0xfe: {  	v0 =	vld [tilespmem:s19+$0xFFFFFE60];
	_ =	sdelay $0x1  }
0xff: {  	v37 =	vld [tilespmem:s20+$0xFFFFFF50];
	_ =	sdelay $0x2  }
0x100: {  	v0 =	vmul.f32 $3.200000000e+01, v0;
	_ =	sdelay $0x1  }
0x101: {  	v0 =	vadd.f32 v37, v0;
	_ =	sdelay $0x1  }
0x102: {  	[tilespmem:s21+$0xFFFFFE60] =	vst v0  }
0x103: {  	v0 =	vld [tilespmem:s19+$0xFFFFFE70];
	_ =	sdelay $0x1  }
0x104: {  	v38 =	vld [tilespmem:s20+$0xFFFFFF60];
	_ =	sdelay $0x2  }
0x105: {  	v0 =	vmul.f32 $3.200000000e+01, v0;
	_ =	sdelay $0x1  }
0x106: {  	v0 =	vadd.f32 v38, v0;
	_ =	sdelay $0x1  }
0x107: {  	[tilespmem:s21+$0xFFFFFE70] =	vst v0  }
0x108: {  	v0 =	vld [tilespmem:s19+$0xFFFFFE80];
	_ =	sdelay $0x1  }
0x109: {  	v39 =	vld [tilespmem:s20+$0xFFFFFF70];
	_ =	sdelay $0x2  }
0x10a: {  	v0 =	vmul.f32 $3.200000000e+01, v0;
	_ =	sdelay $0x1  }
0x10b: {  	v0 =	vadd.f32 v39, v0;
	_ =	sdelay $0x1  }
0x10c: {  	[tilespmem:s21+$0xFFFFFE80] =	vst v0  }
0x10d: {  	v0 =	vld [tilespmem:s19+$0xFFFFFE90];
	_ =	sdelay $0x1  }
0x10e: {  	v40 =	vld [tilespmem:s20+$0xFFFFFF80];
	_ =	sdelay $0x2  }
0x10f: {  	v0 =	vmul.f32 $3.200000000e+01, v0;
	_ =	sdelay $0x1  }
0x110: {  	v0 =	vadd.f32 v40, v0;
	_ =	sdelay $0x1  }
0x111: {  	[tilespmem:s21+$0xFFFFFE90] =	vst v0  }
0x112: {  	v0 =	vld [tilespmem:s19+$0xFFFFFEA0];
	_ =	sdelay $0x1  }
0x113: {  	v41 =	vld [tilespmem:s20+$0xFFFFFF90];
	_ =	sdelay $0x2  }
0x114: {  	v0 =	vmul.f32 $3.200000000e+01, v0;
	_ =	sdelay $0x1  }
0x115: {  	v0 =	vadd.f32 v41, v0;
	_ =	sdelay $0x1  }
0x116: {  	[tilespmem:s21+$0xFFFFFEA0] =	vst v0  }
0x117: {  	v0 =	vld [tilespmem:s19+$0xFFFFFEB0];
	_ =	sdelay $0x1  }
0x118: {  	v42 =	vld [tilespmem:s20+$0xFFFFFFA0];
	_ =	sdelay $0x2  }
0x119: {  	v0 =	vmul.f32 $3.200000000e+01, v0;
	_ =	sdelay $0x1  }
0x11a: {  	v0 =	vadd.f32 v42, v0;
	_ =	sdelay $0x1  }
0x11b: {  	[tilespmem:s21+$0xFFFFFEB0] =	vst v0  }
0x11c: {  	v0 =	vld [tilespmem:s19+$0xFFFFFEC0];
	_ =	sdelay $0x1  }
0x11d: {  	v43 =	vld [tilespmem:s20+$0xFFFFFFB0];
	_ =	sdelay $0x2  }
0x11e: {  	v0 =	vmul.f32 $3.200000000e+01, v0;
	_ =	sdelay $0x1  }
0x11f: {  	v0 =	vadd.f32 v43, v0;
	_ =	sdelay $0x1  }
0x120: {  	[tilespmem:s21+$0xFFFFFEC0] =	vst v0  }
0x121: {  	v0 =	vld [tilespmem:s19+$0xFFFFFED0];
	_ =	sdelay $0x1  }
0x122: {  	v44 =	vld [tilespmem:s20+$0xFFFFFFC0];
	_ =	sdelay $0x2  }
0x123: {  	v0 =	vmul.f32 $3.200000000e+01, v0;
	_ =	sdelay $0x1  }
0x124: {  	v0 =	vadd.f32 v44, v0;
	_ =	sdelay $0x1  }
0x125: {  	[tilespmem:s21+$0xFFFFFED0] =	vst v0  }
0x126: {  	v0 =	vld [tilespmem:s19+$0xFFFFFEE0];
	_ =	sdelay $0x1  }
0x127: {  	v45 =	vld [tilespmem:s20+$0xFFFFFFD0];
	_ =	sdelay $0x2  }
0x128: {  	v0 =	vmul.f32 $3.200000000e+01, v0;
	_ =	sdelay $0x1  }
0x129: {  	v0 =	vadd.f32 v45, v0;
	_ =	sdelay $0x1  }
0x12a: {  	[tilespmem:s21+$0xFFFFFEE0] =	vst v0  }
0x12b: {  	v0 =	vld [tilespmem:s19+$0xFFFFFEF0];
	_ =	sdelay $0x1  }
0x12c: {  	v46 =	vld [tilespmem:s20+$0xFFFFFFE0];
	_ =	sdelay $0x2  }
0x12d: {  	v0 =	vmul.f32 $3.200000000e+01, v0;
	_ =	sdelay $0x1  }
0x12e: {  	v0 =	vadd.f32 v46, v0;
	_ =	sdelay $0x1  }
0x12f: {  	[tilespmem:s21+$0xFFFFFEF0] =	vst v0  }
0x130: {  	v0 =	vld [tilespmem:s19+$0xFFFFFF00];
	_ =	sdelay $0x1  }
0x131: {  	v47 =	vld [tilespmem:s20+$0xFFFFFFF0];
	_ =	sdelay $0x2  }
0x132: {  	v0 =	vmul.f32 $3.200000000e+01, v0;
	_ =	sdelay $0x1  }
0x133: {  	v0 =	vadd.f32 v47, v0;
	_ =	sdelay $0x1  }
0x134: {  	[tilespmem:s21+$0xFFFFFF00] =	vst v0  }
0x135: {  	v0 =	vld [tilespmem:s19+$0xFFFFFF10];
	_ =	sdelay $0x1  }
0x136: {  	v48 =	vld [tilespmem:s20+$0x0];
	_ =	sdelay $0x2  }
0x137: {  	v0 =	vmul.f32 $3.200000000e+01, v0;
	_ =	sdelay $0x1  }
0x138: {  	v0 =	vadd.f32 v48, v0;
	_ =	sdelay $0x1  }
0x139: {  	[tilespmem:s21+$0xFFFFFF10] =	vst v0  }
0x13a: {  	v0 =	vld [tilespmem:s19+$0xFFFFFF20];
	_ =	sdelay $0x1  }
0x13b: {  	v49 =	vld [tilespmem:s20+$0x10];
	_ =	sdelay $0x2  }
0x13c: {  	v0 =	vmul.f32 $3.200000000e+01, v0;
	_ =	sdelay $0x1  }
0x13d: {  	v0 =	vadd.f32 v49, v0;
	_ =	sdelay $0x1  }
0x13e: {  	[tilespmem:s21+$0xFFFFFF20] =	vst v0  }
0x13f: {  	v0 =	vld [tilespmem:s19+$0xFFFFFF30];
	_ =	sdelay $0x1  }
0x140: {  	v50 =	vld [tilespmem:s20+$0x20];
	_ =	sdelay $0x2  }
0x141: {  	v0 =	vmul.f32 $3.200000000e+01, v0;
	_ =	sdelay $0x1  }
0x142: {  	v0 =	vadd.f32 v50, v0;
	_ =	sdelay $0x1  }
0x143: {  	[tilespmem:s21+$0xFFFFFF30] =	vst v0  }
0x144: {  	v0 =	vld [tilespmem:s19+$0xFFFFFF40];
	_ =	sdelay $0x1  }
0x145: {  	v51 =	vld [tilespmem:s20+$0x30];
	_ =	sdelay $0x2  }
0x146: {  	v0 =	vmul.f32 $3.200000000e+01, v0;
	_ =	sdelay $0x1  }
0x147: {  	v0 =	vadd.f32 v51, v0;
	_ =	sdelay $0x1  }
0x148: {  	[tilespmem:s21+$0xFFFFFF40] =	vst v0  }
0x149: {  	v0 =	vld [tilespmem:s19+$0xFFFFFF50];
	_ =	sdelay $0x1  }
0x14a: {  	v52 =	vld [tilespmem:s20+$0x40];
	_ =	sdelay $0x2  }
0x14b: {  	v0 =	vmul.f32 $3.200000000e+01, v0;
	_ =	sdelay $0x1  }
0x14c: {  	v0 =	vadd.f32 v52, v0;
	_ =	sdelay $0x1  }
0x14d: {  	[tilespmem:s21+$0xFFFFFF50] =	vst v0  }
0x14e: {  	v0 =	vld [tilespmem:s19+$0xFFFFFF60];
	_ =	sdelay $0x1  }
0x14f: {  	v53 =	vld [tilespmem:s20+$0x50];
	_ =	sdelay $0x2  }
0x150: {  	v0 =	vmul.f32 $3.200000000e+01, v0;
	_ =	sdelay $0x1  }
0x151: {  	v0 =	vadd.f32 v53, v0;
	_ =	sdelay $0x1  }
0x152: {  	[tilespmem:s21+$0xFFFFFF60] =	vst v0  }
0x153: {  	v0 =	vld [tilespmem:s19+$0xFFFFFF70];
	_ =	sdelay $0x1  }
0x154: {  	v54 =	vld [tilespmem:s20+$0x60];
	_ =	sdelay $0x2  }
0x155: {  	v0 =	vmul.f32 $3.200000000e+01, v0;
	_ =	sdelay $0x1  }
0x156: {  	v0 =	vadd.f32 v54, v0;
	_ =	sdelay $0x1  }
0x157: {  	[tilespmem:s21+$0xFFFFFF70] =	vst v0  }
0x158: {  	v0 =	vld [tilespmem:s19+$0xFFFFFF80];
	_ =	sdelay $0x1  }
0x159: {  	v55 =	vld [tilespmem:s20+$0x70];
	_ =	sdelay $0x2  }
0x15a: {  	v0 =	vmul.f32 $3.200000000e+01, v0;
	_ =	sdelay $0x1  }
0x15b: {  	v0 =	vadd.f32 v55, v0;
	_ =	sdelay $0x1  }
0x15c: {  	[tilespmem:s21+$0xFFFFFF80] =	vst v0  }
0x15d: {  	v0 =	vld [tilespmem:s19+$0xFFFFFF90];
	_ =	sdelay $0x1  }
0x15e: {  	v56 =	vld [tilespmem:s20+$0x80];
	_ =	sdelay $0x2  }
0x15f: {  	v0 =	vmul.f32 $3.200000000e+01, v0;
	_ =	sdelay $0x1  }
0x160: {  	v0 =	vadd.f32 v56, v0;
	_ =	sdelay $0x1  }
0x161: {  	[tilespmem:s21+$0xFFFFFF90] =	vst v0  }
0x162: {  	v0 =	vld [tilespmem:s19+$0xFFFFFFA0];
	_ =	sdelay $0x1  }
0x163: {  	v57 =	vld [tilespmem:s20+$0x90];
	_ =	sdelay $0x2  }
0x164: {  	v0 =	vmul.f32 $3.200000000e+01, v0;
	_ =	sdelay $0x1  }
0x165: {  	v0 =	vadd.f32 v57, v0;
	_ =	sdelay $0x1  }
0x166: {  	[tilespmem:s21+$0xFFFFFFA0] =	vst v0  }
0x167: {  	v0 =	vld [tilespmem:s19+$0xFFFFFFB0];
	_ =	sdelay $0x1  }
0x168: {  	v58 =	vld [tilespmem:s20+$0xA0];
	_ =	sdelay $0x2  }
0x169: {  	v0 =	vmul.f32 $3.200000000e+01, v0;
	_ =	sdelay $0x1  }
0x16a: {  	v0 =	vadd.f32 v58, v0;
	_ =	sdelay $0x1  }
0x16b: {  	[tilespmem:s21+$0xFFFFFFB0] =	vst v0  }
0x16c: {  	v0 =	vld [tilespmem:s19+$0xFFFFFFC0];
	_ =	sdelay $0x1  }
0x16d: {  	v59 =	vld [tilespmem:s20+$0xB0];
	_ =	sdelay $0x2  }
0x16e: {  	v0 =	vmul.f32 $3.200000000e+01, v0;
	_ =	sdelay $0x1  }
0x16f: {  	v0 =	vadd.f32 v59, v0;
	_ =	sdelay $0x1  }
0x170: {  	[tilespmem:s21+$0xFFFFFFC0] =	vst v0  }
0x171: {  	v0 =	vld [tilespmem:s19+$0xFFFFFFD0];
	_ =	sdelay $0x1  }
0x172: {  	v60 =	vld [tilespmem:s20+$0xC0];
	_ =	sdelay $0x2  }
0x173: {  	v0 =	vmul.f32 $3.200000000e+01, v0;
	_ =	sdelay $0x1  }
0x174: {  	v0 =	vadd.f32 v60, v0;
	_ =	sdelay $0x1  }
0x175: {  	[tilespmem:s21+$0xFFFFFFD0] =	vst v0  }
0x176: {  	v0 =	vld [tilespmem:s19+$0xFFFFFFE0];
	_ =	sdelay $0x1  }
0x177: {  	v61 =	vld [tilespmem:s20+$0xD0];
	_ =	sdelay $0x2  }
0x178: {  	v0 =	vmul.f32 $3.200000000e+01, v0;
	_ =	sdelay $0x1  }
0x179: {  	v0 =	vadd.f32 v61, v0;
	_ =	sdelay $0x1  }
0x17a: {  	[tilespmem:s21+$0xFFFFFFE0] =	vst v0  }
0x17b: {  	v0 =	vld [tilespmem:s19+$0xFFFFFFF0];
	_ =	sdelay $0x1  }
0x17c: {  	v62 =	vld [tilespmem:s20+$0xE0];
	_ =	sdelay $0x2  }
0x17d: {  	v0 =	vmul.f32 $3.200000000e+01, v0;
	_ =	sdelay $0x1  }
0x17e: {  	v0 =	vadd.f32 v62, v0;
	_ =	sdelay $0x1  }
0x17f: {  	[tilespmem:s21+$0xFFFFFFF0] =	vst v0  }
0x180: {  	v0 =	vld [tilespmem:s19+$0x0];
	_ =	sdelay $0x1  }
0x181: {  	v63 =	vld [tilespmem:s20+$0xF0]  }
0x182: {  	s18 =	sadd.s32 $0x4, s18  }
0x183: {  	p1 =	slt.u32 s18, $0x60  }
.Ltmp1:
0x184: {  	v0 =	vmul.f32 $3.200000000e+01, v0;
	(pc) =	sbr.rel @p1 .LBB2_5-.Ltmp1, $3  }
0x185: {  	_ = 	snop  }
0x186: {  	v0 =	vadd.f32 v63, v0;
	_ =	sdelay $0x1  }
0x187: {  	s19 =	sadd.s32 $0x200, s19;
	s20 =	sadd.s32 $0x200, s20;
	[tilespmem:s21+$0x0] =	vst v0;
	s21 =	sadd.s32 $0x200, s21  }
0x188: {  	s17 =	sadd.s32 s3, s17  }
0x189: {  	s17 =	smul.u32 $0x640, s17;
	_ =	sdelay $0x1  }
0x18a: {  	s17 =	sadd.s32 s2, s17  }
0x18b: {  	[hbm4b:s17+s4] =	stream.linear.scatter [tilespmem:s29], [sflag:$0x6], $0x3200, $0x38;
	[tilespmem:$0x1C200] =	vst v63  }
0x18c: {  	s18 =	simm.s32 @!p0 $0x80;
	s19 =	simm.s32 @!p0 $0xC800;
	s17 =	sadd.s32 @!p0 $0x3E8, s15  }
0x18d: {  	[tilespmem:s19], [sflag:$0x2] =	stream.indirect.gather @!p0 [hbm4b:s5+s18], $0x40, s17, s18, $0xb8;
	[tilespmem:$0x1C200] =	vst v63  }
0x18e: {  	s17 =	sadd.s32 @!p0 $0x468, s15;
	s18 =	simm.s32 @!p0 $0x48;
	s19 =	simm.s32 @!p0 $0xE800  }
0x18f: {  	[tilespmem:s19], [sflag:$0x2] =	stream.indirect.gather @!p0 [hbm4b:s5+s18], $0x40, s17, s18, $0xb8;
	[tilespmem:$0x1C200] =	vst v63  }
0x190: {  	_ =	swait.ge [sflag:s30], $0x2000  }
0x191: {  	[sflag:s30] =	ssyncset.done $0x0  }
0x192: {  	[sflag:s30] =	ssyncadd.s32 $0xFFFFE000  }
0x193: {  	_ =	swait.ge [sflag:s30], $0x1200  }
0x194: {  	[sflag:s30] =	ssyncset.done $0x0  }
0x195: {  	[sflag:s30] =	ssyncadd.s32 $0xFFFFEE00  }
0x196: {  	_ =	swait.ge [sflag:s31], $0x3200  }
0x197: {  	[sflag:s31] =	ssyncset.done $0x0  }
0x198: {  	s17 =	simm.s32 $0x0;
	[sflag:s31] =	ssyncadd.s32 $0xFFFFCE00  }
0x199: {  	v0 =	vld [tilespmem:s17+$0xFBF0]  }
0x19a: {  	v1 =	vld [tilespmem:s17+$0xFA00]  }
0x19b: {  	v2 =	vld [tilespmem:s17+$0x65F0]  }
0x19c: {  	v3 =	vld [tilespmem:s17+$0xFA10]  }
0x19d: {  	v4 =	vld [tilespmem:s17+$0xFA20]  }
0x19e: {  	v5 =	vld [tilespmem:s17+$0xFA30]  }
0x19f: {  	v6 =	vld [tilespmem:s17+$0xFA40]  }
0x1a0: {  	v7 =	vld [tilespmem:s17+$0xFA50]  }
0x1a1: {  	v8 =	vld [tilespmem:s17+$0xFA70]  }
0x1a2: {  	v9 =	vld [tilespmem:s17+$0xFA90]  }
0x1a3: {  	v10 =	vld [tilespmem:s17+$0xFAA0]  }
0x1a4: {  	v11 =	vld [tilespmem:s17+$0xFAB0]  }
0x1a5: {  	v12 =	vld [tilespmem:s17+$0xFAC0]  }
0x1a6: {  	v13 =	vld [tilespmem:s17+$0xFAD0]  }
0x1a7: {  	v14 =	vld [tilespmem:s17+$0xFAE0]  }
0x1a8: {  	v15 =	vld [tilespmem:s17+$0xFAF0]  }
0x1a9: {  	v16 =	vld [tilespmem:s17+$0xFB00]  }
0x1aa: {  	v17 =	vld [tilespmem:s17+$0xFB10]  }
0x1ab: {  	v18 =	vld [tilespmem:s17+$0xFB20]  }
0x1ac: {  	v19 =	vld [tilespmem:s17+$0xFB30]  }
0x1ad: {  	v20 =	vld [tilespmem:s17+$0xFB40]  }
0x1ae: {  	v21 =	vld [tilespmem:s17+$0xFB50]  }
0x1af: {  	v22 =	vld [tilespmem:s17+$0xFB60]  }
0x1b0: {  	v23 =	vld [tilespmem:s17+$0xFB70]  }
0x1b1: {  	v24 =	vld [tilespmem:s17+$0xFB80]  }
0x1b2: {  	v25 =	vld [tilespmem:s17+$0xFB90]  }
0x1b3: {  	v26 =	vld [tilespmem:s17+$0xFBA0]  }
0x1b4: {  	v27 =	vld [tilespmem:s17+$0xFBB0]  }
0x1b5: {  	v28 =	vld [tilespmem:s17+$0xFBC0]  }
0x1b6: {  	v29 =	vld [tilespmem:s17+$0xFBD0]  }
0x1b7: {  	v31 =	vld [tilespmem:s17+$0x6400]  }
0x1b8: {  	v32 =	vld [tilespmem:s17+$0x6410]  }
0x1b9: {  	v33 =	vld [tilespmem:s17+$0x6420]  }
0x1ba: {  	v34 =	vld [tilespmem:s17+$0x6430]  }
0x1bb: {  	v35 =	vld [tilespmem:s17+$0x6440];
	v0 =	vmul.f32 $3.200000000e+01, v0  }
0x1bc: {  	v63 =	vld [tilespmem:s17+$0x6450];
	v1 =	vmul.f32 $3.200000000e+01, v1  }
0x1bd: {  	v3 =	vmul.f32 $3.200000000e+01, v3;
	v0 =	vadd.f32 v2, v0;
	v2 =	vld [tilespmem:s17+$0xFA60]  }
0x1be: {  	v36 =	vld [tilespmem:s17+$0x6460];
	v4 =	vmul.f32 $3.200000000e+01, v4;
	v1 =	vadd.f32 v31, v1  }
0x1bf: {  	v5 =	vmul.f32 $3.200000000e+01, v5;
	v3 =	vadd.f32 v32, v3;
	[tilespmem:s17+$0x15FF0] =	vst v0;
	v0 =	vld [tilespmem:s17+$0xFA80]  }
0x1c0: {  	v6 =	vmul.f32 $3.200000000e+01, v6;
	v4 =	vadd.f32 v33, v4;
	[tilespmem:s17+$0x15E00] =	vst v1;
	v1 =	vld [tilespmem:s17+$0x6470]  }
0x1c1: {  	v7 =	vmul.f32 $3.200000000e+01, v7;
	v5 =	vadd.f32 v34, v5;
	[tilespmem:s17+$0x15E10] =	vst v3;
	v3 =	vld [tilespmem:s17+$0x6480]  }
0x1c2: {  	v6 =	vadd.f32 v35, v6;
	[tilespmem:s17+$0x15E20] =	vst v4;
	v4 =	vld [tilespmem:s17+$0x6490];
	v2 =	vmul.f32 $3.200000000e+01, v2  }
0x1c3: {  	v8 =	vmul.f32 $3.200000000e+01, v8;
	v7 =	vadd.f32 v63, v7;
	[tilespmem:s17+$0x15E30] =	vst v5;
	v5 =	vld [tilespmem:s17+$0x64A0]  }
0x1c4: {  	[tilespmem:s17+$0x15E40] =	vst v6;
	v6 =	vld [tilespmem:s17+$0x64B0];
	v2 =	vadd.f32 v36, v2;
	v0 =	vmul.f32 $3.200000000e+01, v0  }
0x1c5: {  	[tilespmem:s17+$0x15E50] =	vst v7;
	v7 =	vld [tilespmem:s17+$0x64C0];
	v1 =	vadd.f32 v1, v8;
	v8 =	vmul.f32 $3.200000000e+01, v9  }
0x1c6: {  	[tilespmem:s17+$0x15E60] =	vst v2;
	v2 =	vld [tilespmem:s17+$0x64D0];
	v0 =	vadd.f32 v3, v0;
	v3 =	vmul.f32 $3.200000000e+01, v10  }
0x1c7: {  	[tilespmem:s17+$0x15E70] =	vst v1;
	v1 =	vld [tilespmem:s17+$0x64E0];
	v4 =	vadd.f32 v4, v8;
	v8 =	vmul.f32 $3.200000000e+01, v11  }
0x1c8: {  	[tilespmem:s17+$0x15E80] =	vst v0;
	v0 =	vld [tilespmem:s17+$0x64F0];
	v3 =	vadd.f32 v5, v3;
	v5 =	vmul.f32 $3.200000000e+01, v12  }
0x1c9: {  	[tilespmem:s17+$0x15E90] =	vst v4;
	v4 =	vld [tilespmem:s17+$0x6500];
	v6 =	vadd.f32 v6, v8;
	v8 =	vmul.f32 $3.200000000e+01, v13  }
0x1ca: {  	[tilespmem:s17+$0x15EA0] =	vst v3;
	v3 =	vld [tilespmem:s17+$0x6510];
	v5 =	vadd.f32 v7, v5;
	v7 =	vmul.f32 $3.200000000e+01, v14  }
0x1cb: {  	v30 =	vld [tilespmem:s17+$0xFBE0];
	[tilespmem:s17+$0x15EB0] =	vst v6;
	v2 =	vadd.f32 v2, v8;
	v8 =	vmul.f32 $3.200000000e+01, v15  }
0x1cc: {  	v6 =	vld [tilespmem:s17+$0x6520];
	[tilespmem:s17+$0x15EC0] =	vst v5;
	v1 =	vadd.f32 v1, v7;
	v7 =	vmul.f32 $3.200000000e+01, v16  }
0x1cd: {  	v5 =	vld [tilespmem:s17+$0x6530];
	[tilespmem:s17+$0x15ED0] =	vst v2;
	v0 =	vadd.f32 v0, v8;
	v8 =	vmul.f32 $3.200000000e+01, v17  }
0x1ce: {  	v2 =	vld [tilespmem:s17+$0x6540];
	[tilespmem:s17+$0x15EE0] =	vst v1;
	v4 =	vadd.f32 v4, v7  }
0x1cf: {  	v1 =	vld [tilespmem:s17+$0x6550];
	v7 =	vmul.f32 $3.200000000e+01, v18;
	[tilespmem:s17+$0x15EF0] =	vst v0;
	v3 =	vadd.f32 v3, v8  }
0x1d0: {  	v0 =	vld [tilespmem:s17+$0x6560];
	[tilespmem:s17+$0x15F00] =	vst v4;
	v4 =	vmul.f32 $3.200000000e+01, v19  }
0x1d1: {  	v10 =	vld [tilespmem:s17+$0x6570];
	v6 =	vadd.f32 v6, v7;
	[tilespmem:s17+$0x15F10] =	vst v3;
	v3 =	vmul.f32 $3.200000000e+01, v20  }
0x1d2: {  	v11 =	vld [tilespmem:s17+$0x6580];
	v4 =	vadd.f32 v5, v4;
	v5 =	vmul.f32 $3.200000000e+01, v21  }
0x1d3: {  	v7 =	vld [tilespmem:s17+$0x6590];
	[tilespmem:s17+$0x15F20] =	vst v6;
	v2 =	vadd.f32 v2, v3;
	v3 =	vmul.f32 $3.200000000e+01, v22  }
0x1d4: {  	v12 =	vmul.f32 $3.200000000e+01, v23;
	v13 =	vmul.f32 $3.200000000e+01, v24;
	v6 =	vld [tilespmem:s17+$0x65A0];
	[tilespmem:s17+$0x15F30] =	vst v4;
	v1 =	vadd.f32 v1, v5  }
0x1d5: {  	v8 =	vld [tilespmem:s17+$0x65B0];
	v5 =	vmul.f32 $3.200000000e+01, v25;
	v4 =	vmul.f32 $3.200000000e+01, v26;
	[tilespmem:s17+$0x15F40] =	vst v2;
	v14 =	vadd.f32 v0, v3  }
0x1d6: {  	v9 =	vld [tilespmem:s17+$0x65C0];
	v12 =	vadd.f32 v10, v12;
	v3 =	vmul.f32 $3.200000000e+01, v27;
	v2 =	vmul.f32 $3.200000000e+01, v28;
	[tilespmem:s17+$0x15F50] =	vst v1  }
0x1d7: {  	s16 =	sor.u32 $0x2, s16;
	s18 =	simm.s32 $0x0;
	s19 =	simm.s32 $0x800;
	v11 =	vadd.f32 v11, v13;
	v10 =	vld [tilespmem:s17+$0x65D0];
	v0 =	vmul.f32 $3.200000000e+01, v29;
	v1 =	vmul.f32 $3.200000000e+01, v30;
	[tilespmem:s17+$0x15F60] =	vst v14  }
.LBB2_7:
0x1d8: {  	s20 =	sshra.s32 s19, $0x2;
	s18 =	sadd.s32 $0x4, s18;
	[tilespmem:s17+$0x15F70] =	vst v12;
	v5 =	vadd.f32 v7, v5;
	v7 =	vld [tilespmem:s17+$0x65E0]  }
0x1d9: {  	v12 =	vld [tilespmem:s20+$0xFBF0];
	p1 =	slt.u32 s18, $0x60;
	[tilespmem:s17+$0x15F80] =	vst v11;
	v4 =	vadd.f32 v6, v4  }
0x1da: {  	v6 =	vld [tilespmem:s20+$0xFA00];
	[tilespmem:s17+$0x15F90] =	vst v5;
	v3 =	vadd.f32 v8, v3  }
0x1db: {  	v5 =	vld [tilespmem:s20+$0x65F0];
	[tilespmem:s17+$0x15FA0] =	vst v4;
	v2 =	vadd.f32 v9, v2  }
0x1dc: {  	v4 =	vld [tilespmem:s20+$0xFA10];
	[tilespmem:s17+$0x15FB0] =	vst v3;
	v0 =	vadd.f32 v10, v0  }
0x1dd: {  	v3 =	vld [tilespmem:s20+$0xFA20];
	[tilespmem:s17+$0x15FC0] =	vst v2;
	v1 =	vadd.f32 v7, v1  }
0x1de: {  	v2 =	vld [tilespmem:s20+$0xFA30];
	v7 =	vmul.f32 $3.200000000e+01, v12;
	[tilespmem:s17+$0x15FD0] =	vst v0  }
0x1df: {  	v6 =	vmul.f32 $3.200000000e+01, v6;
	v0 =	vld [tilespmem:s20+$0xFA40];
	[tilespmem:s17+$0x15FE0] =	vst v1;
	s17 =	smov.u32 s20  }
0x1e0: {  	v1 =	vld [tilespmem:s17+$0xFA50];
	v5 =	vadd.f32 v5, v7  }
0x1e1: {  	v7 =	vmul.f32 $3.200000000e+01, v4;
	v4 =	vld [tilespmem:s17+$0xFA60]  }
0x1e2: {  	v8 =	vmul.f32 $3.200000000e+01, v3;
	v3 =	vld [tilespmem:s17+$0xFA70];
	[tilespmem:s17+$0x15FF0] =	vst v5  }
0x1e3: {  	v9 =	vmul.f32 $3.200000000e+01, v2;
	v2 =	vld [tilespmem:s17+$0xFA80]  }
0x1e4: {  	v10 =	vmul.f32 $3.200000000e+01, v0;
	v0 =	vld [tilespmem:s17+$0xFA90]  }
0x1e5: {  	v11 =	vmul.f32 $3.200000000e+01, v1;
	v1 =	vld [tilespmem:s17+$0xFAA0]  }
0x1e6: {  	v12 =	vmul.f32 $3.200000000e+01, v4;
	v4 =	vld [tilespmem:s17+$0xFAB0]  }
0x1e7: {  	v13 =	vmul.f32 $3.200000000e+01, v3;
	v3 =	vld [tilespmem:s17+$0xFAC0]  }
0x1e8: {  	v14 =	vmul.f32 $3.200000000e+01, v2;
	v2 =	vld [tilespmem:s17+$0xFAD0]  }
0x1e9: {  	v15 =	vmul.f32 $3.200000000e+01, v0;
	v0 =	vld [tilespmem:s17+$0xFAE0]  }
0x1ea: {  	v16 =	vmul.f32 $3.200000000e+01, v1;
	v1 =	vld [tilespmem:s17+$0xFAF0]  }
0x1eb: {  	v17 =	vmul.f32 $3.200000000e+01, v4;
	v4 =	vld [tilespmem:s17+$0xFB00]  }
0x1ec: {  	v18 =	vmul.f32 $3.200000000e+01, v3;
	v3 =	vld [tilespmem:s17+$0xFB10]  }
0x1ed: {  	v19 =	vmul.f32 $3.200000000e+01, v2;
	v2 =	vld [tilespmem:s17+$0xFB20]  }
0x1ee: {  	v20 =	vmul.f32 $3.200000000e+01, v0;
	v0 =	vld [tilespmem:s17+$0xFB30]  }
0x1ef: {  	v21 =	vmul.f32 $3.200000000e+01, v1;
	v1 =	vld [tilespmem:s17+$0xFB40]  }
0x1f0: {  	v22 =	vmul.f32 $3.200000000e+01, v4;
	v4 =	vld [tilespmem:s17+$0xFB50]  }
0x1f1: {  	v23 =	vmul.f32 $3.200000000e+01, v3;
	v3 =	vld [tilespmem:s17+$0xFB60]  }
0x1f2: {  	v24 =	vmul.f32 $3.200000000e+01, v2;
	v2 =	vld [tilespmem:s17+$0xFB70]  }
0x1f3: {  	v25 =	vmul.f32 $3.200000000e+01, v0;
	v0 =	vld [tilespmem:s17+$0xFB80]  }
0x1f4: {  	v26 =	vmul.f32 $3.200000000e+01, v1;
	v1 =	vld [tilespmem:s17+$0xFB90]  }
0x1f5: {  	v27 =	vmul.f32 $3.200000000e+01, v4;
	v4 =	vld [tilespmem:s17+$0xFBA0]  }
0x1f6: {  	v28 =	vmul.f32 $3.200000000e+01, v3;
	v3 =	vld [tilespmem:s17+$0xFBB0]  }
0x1f7: {  	v29 =	vmul.f32 $3.200000000e+01, v2;
	v2 =	vld [tilespmem:s17+$0xFBC0]  }
0x1f8: {  	v30 =	vmul.f32 $3.200000000e+01, v0;
	v0 =	vld [tilespmem:s17+$0xFBD0]  }
0x1f9: {  	v5 =	vmul.f32 $3.200000000e+01, v1;
	v1 =	vld [tilespmem:s17+$0xFBE0]  }
0x1fa: {  	v31 =	vld [tilespmem:s17+$0x6400];
	v4 =	vmul.f32 $3.200000000e+01, v4  }
0x1fb: {  	v32 =	vld [tilespmem:s17+$0x6410];
	v3 =	vmul.f32 $3.200000000e+01, v3  }
0x1fc: {  	v33 =	vld [tilespmem:s17+$0x6420];
	v2 =	vmul.f32 $3.200000000e+01, v2  }
0x1fd: {  	v34 =	vld [tilespmem:s17+$0x6430];
	v0 =	vmul.f32 $3.200000000e+01, v0  }
0x1fe: {  	v35 =	vld [tilespmem:s17+$0x6440];
	v1 =	vmul.f32 $3.200000000e+01, v1  }
0x1ff: {  	v6 =	vadd.f32 v31, v6;
	v31 =	vld [tilespmem:s17+$0x6450]  }
0x200: {  	v7 =	vadd.f32 v32, v7;
	v32 =	vld [tilespmem:s17+$0x6460]  }
0x201: {  	[tilespmem:s17+$0x15E00] =	vst v6;
	v6 =	vadd.f32 v33, v8;
	v8 =	vld [tilespmem:s17+$0x6470]  }
0x202: {  	[tilespmem:s17+$0x15E10] =	vst v7;
	v7 =	vadd.f32 v34, v9;
	v9 =	vld [tilespmem:s17+$0x6480]  }
0x203: {  	[tilespmem:s17+$0x15E20] =	vst v6;
	v6 =	vadd.f32 v35, v10;
	v10 =	vld [tilespmem:s17+$0x6490]  }
0x204: {  	[tilespmem:s17+$0x15E30] =	vst v7;
	v7 =	vadd.f32 v31, v11;
	v11 =	vld [tilespmem:s17+$0x64A0]  }
0x205: {  	[tilespmem:s17+$0x15E40] =	vst v6;
	v6 =	vadd.f32 v32, v12;
	v12 =	vld [tilespmem:s17+$0x64B0]  }
0x206: {  	[tilespmem:s17+$0x15E50] =	vst v7;
	v7 =	vadd.f32 v8, v13;
	v8 =	vld [tilespmem:s17+$0x64C0]  }
0x207: {  	[tilespmem:s17+$0x15E60] =	vst v6;
	v6 =	vadd.f32 v9, v14;
	v9 =	vld [tilespmem:s17+$0x64D0]  }
0x208: {  	[tilespmem:s17+$0x15E70] =	vst v7;
	v7 =	vadd.f32 v10, v15;
	v10 =	vld [tilespmem:s17+$0x64E0]  }
0x209: {  	[tilespmem:s17+$0x15E80] =	vst v6;
	v6 =	vadd.f32 v11, v16;
	v11 =	vld [tilespmem:s17+$0x64F0]  }
0x20a: {  	[tilespmem:s17+$0x15E90] =	vst v7;
	v7 =	vadd.f32 v12, v17;
	v12 =	vld [tilespmem:s17+$0x6500]  }
0x20b: {  	[tilespmem:s17+$0x15EA0] =	vst v6;
	v6 =	vadd.f32 v8, v18;
	v8 =	vld [tilespmem:s17+$0x6510]  }
0x20c: {  	[tilespmem:s17+$0x15EB0] =	vst v7;
	v7 =	vadd.f32 v9, v19;
	v9 =	vld [tilespmem:s17+$0x6520]  }
0x20d: {  	[tilespmem:s17+$0x15EC0] =	vst v6;
	v6 =	vadd.f32 v10, v20;
	v10 =	vld [tilespmem:s17+$0x6530]  }
0x20e: {  	[tilespmem:s17+$0x15ED0] =	vst v7;
	v7 =	vadd.f32 v11, v21;
	v11 =	vld [tilespmem:s17+$0x6540]  }
0x20f: {  	[tilespmem:s17+$0x15EE0] =	vst v6;
	v6 =	vadd.f32 v12, v22;
	v12 =	vld [tilespmem:s17+$0x6550]  }
0x210: {  	[tilespmem:s17+$0x15EF0] =	vst v7;
	v7 =	vadd.f32 v8, v23;
	v8 =	vld [tilespmem:s17+$0x6560]  }
0x211: {  	[tilespmem:s17+$0x15F00] =	vst v6;
	v6 =	vadd.f32 v9, v24;
	v9 =	vld [tilespmem:s17+$0x6570]  }
0x212: {  	[tilespmem:s17+$0x15F10] =	vst v7;
	v10 =	vadd.f32 v10, v25;
	v13 =	vld [tilespmem:s17+$0x6580]  }
.Ltmp2:
0x213: {  	[tilespmem:s17+$0x15F20] =	vst v6;
	v11 =	vadd.f32 v11, v26;
	v7 =	vld [tilespmem:s17+$0x6590];
	(pc) =	sbr.rel @p1 .LBB2_7-.Ltmp2, $4  }
0x214: {  	[tilespmem:s17+$0x15F30] =	vst v10;
	v10 =	vadd.f32 v12, v27;
	v6 =	vld [tilespmem:s17+$0x65A0]  }
0x215: {  	[tilespmem:s17+$0x15F40] =	vst v11;
	v11 =	vadd.f32 v8, v28;
	v8 =	vld [tilespmem:s17+$0x65B0]  }
0x216: {  	[tilespmem:s17+$0x15F50] =	vst v10;
	v12 =	vadd.f32 v9, v29;
	v9 =	vld [tilespmem:s17+$0x65C0]  }
0x217: {  	s19 =	sadd.s32 $0x800, s19;
	[tilespmem:s17+$0x15F60] =	vst v11;
	v11 =	vadd.f32 v13, v30;
	v10 =	vld [tilespmem:s17+$0x65D0]  }
0x218: {  	[tilespmem:s17+$0x15F70] =	vst v12;
	v5 =	vadd.f32 v7, v5;
	v7 =	vld [tilespmem:s17+$0x65E0]  }
0x219: {  	[tilespmem:s17+$0x15F80] =	vst v11;
	v4 =	vadd.f32 v6, v4  }
0x21a: {  	[tilespmem:s17+$0x15F90] =	vst v5;
	v3 =	vadd.f32 v8, v3  }
0x21b: {  	[tilespmem:s17+$0x15FA0] =	vst v4;
	v2 =	vadd.f32 v9, v2  }
0x21c: {  	s16 =	sadd.s32 s3, s16;
	[tilespmem:s17+$0x15FB0] =	vst v3;
	v0 =	vadd.f32 v10, v0  }
0x21d: {  	s16 =	smul.u32 $0x640, s16;
	[tilespmem:s17+$0x15FC0] =	vst v2;
	v1 =	vadd.f32 v7, v1  }
0x21e: {  	[tilespmem:s17+$0x15FD0] =	vst v0  }
0x21f: {  	s16 =	sadd.s32 s2, s16;
	[tilespmem:s17+$0x15FE0] =	vst v1  }
0x220: {  	[hbm4b:s16+s4] =	stream.linear.scatter [tilespmem:s26], [sflag:$0x5], $0x3200, $0x38;
	[tilespmem:$0x1C200] =	vst v63  }
0x221: {  	s18 =	simm.s32 @!p0 $0xFA00;
	s17 =	simm.s32 @!p0 $0x80;
	s16 =	sadd.s32 @!p0 $0x4B0, s15  }
0x222: {  	[tilespmem:s18], [sflag:$0x3] =	stream.indirect.gather @!p0 [hbm4b:s5+s17], $0x40, s16, s17, $0xb8;
	[tilespmem:$0x1C200] =	vst v63  }
0x223: {  	s15 =	sadd.s32 @!p0 $0x530, s15;
	s16 =	simm.s32 @!p0 $0x48;
	s17 =	simm.s32 @!p0 $0x11A00  }
0x224: {  	[tilespmem:s17], [sflag:$0x3] =	stream.indirect.gather @!p0 [hbm4b:s5+s16], $0x40, s15, s16, $0xb8;
	[tilespmem:$0x1C200] =	vst v63  }
0x225: {  	_ =	swait.ge [sflag:s1], $0x2000  }
0x226: {  	[sflag:s1] =	ssyncset.done $0x0  }
0x227: {  	[sflag:s1] =	ssyncadd.s32 $0xFFFFE000  }
0x228: {  	_ =	swait.ge [sflag:s1], $0x1200  }
0x229: {  	[sflag:s1] =	ssyncset.done $0x0  }
0x22a: {  	[sflag:s1] =	ssyncadd.s32 $0xFFFFEE00  }
0x22b: {  	_ =	swait.ge [sflag:s0], $0x3200  }
0x22c: {  	[sflag:s0] =	ssyncset.done $0x0  }
0x22d: {  	s15 =	simm.s32 $0x0;
	[sflag:s0] =	ssyncadd.s32 $0xFFFFCE00  }
0x22e: {  	v0 =	vld [tilespmem:s15+$0x12DF0]  }
0x22f: {  	v1 =	vld [tilespmem:s15+$0x12C00]  }
0x230: {  	v2 =	vld [tilespmem:s15+$0x65F0]  }
0x231: {  	v3 =	vld [tilespmem:s15+$0x12C10]  }
0x232: {  	v4 =	vld [tilespmem:s15+$0x12C20]  }
0x233: {  	v5 =	vld [tilespmem:s15+$0x12C30]  }
0x234: {  	v6 =	vld [tilespmem:s15+$0x12C40]  }
0x235: {  	v7 =	vld [tilespmem:s15+$0x12C50]  }
0x236: {  	v8 =	vld [tilespmem:s15+$0x12C70]  }
0x237: {  	v9 =	vld [tilespmem:s15+$0x12C90]  }
0x238: {  	v10 =	vld [tilespmem:s15+$0x12CA0]  }
0x239: {  	v11 =	vld [tilespmem:s15+$0x12CB0]  }
0x23a: {  	v12 =	vld [tilespmem:s15+$0x12CC0]  }
0x23b: {  	v13 =	vld [tilespmem:s15+$0x12CD0]  }
0x23c: {  	v14 =	vld [tilespmem:s15+$0x12CE0]  }
0x23d: {  	v15 =	vld [tilespmem:s15+$0x12CF0]  }
0x23e: {  	v16 =	vld [tilespmem:s15+$0x12D00]  }
0x23f: {  	v17 =	vld [tilespmem:s15+$0x12D10]  }
0x240: {  	v18 =	vld [tilespmem:s15+$0x12D20]  }
0x241: {  	v19 =	vld [tilespmem:s15+$0x12D30]  }
0x242: {  	v20 =	vld [tilespmem:s15+$0x12D40]  }
0x243: {  	v21 =	vld [tilespmem:s15+$0x12D50]  }
0x244: {  	v22 =	vld [tilespmem:s15+$0x12D60]  }
0x245: {  	v23 =	vld [tilespmem:s15+$0x12D70]  }
0x246: {  	v24 =	vld [tilespmem:s15+$0x12D80]  }
0x247: {  	v25 =	vld [tilespmem:s15+$0x12D90]  }
0x248: {  	v26 =	vld [tilespmem:s15+$0x12DA0]  }
0x249: {  	v27 =	vld [tilespmem:s15+$0x12DB0]  }
0x24a: {  	v28 =	vld [tilespmem:s15+$0x12DC0]  }
0x24b: {  	v29 =	vld [tilespmem:s15+$0x12DD0]  }
0x24c: {  	v31 =	vld [tilespmem:s15+$0x6400]  }
0x24d: {  	v32 =	vld [tilespmem:s15+$0x6410]  }
0x24e: {  	v33 =	vld [tilespmem:s15+$0x6420]  }
0x24f: {  	v34 =	vld [tilespmem:s15+$0x6430]  }
0x250: {  	v35 =	vld [tilespmem:s15+$0x6440];
	v0 =	vmul.f32 $3.200000000e+01, v0  }
0x251: {  	v63 =	vld [tilespmem:s15+$0x6450];
	v1 =	vmul.f32 $3.200000000e+01, v1  }
0x252: {  	v3 =	vmul.f32 $3.200000000e+01, v3;
	v0 =	vadd.f32 v2, v0;
	v2 =	vld [tilespmem:s15+$0x12C60]  }
0x253: {  	v36 =	vld [tilespmem:s15+$0x6460];
	v4 =	vmul.f32 $3.200000000e+01, v4;
	v1 =	vadd.f32 v31, v1  }
0x254: {  	v5 =	vmul.f32 $3.200000000e+01, v5;
	v3 =	vadd.f32 v32, v3;
	[tilespmem:s15+$0x191F0] =	vst v0;
	v0 =	vld [tilespmem:s15+$0x12C80]  }
0x255: {  	v6 =	vmul.f32 $3.200000000e+01, v6;
	v4 =	vadd.f32 v33, v4;
	[tilespmem:s15+$0x19000] =	vst v1;
	v1 =	vld [tilespmem:s15+$0x6470]  }
0x256: {  	v7 =	vmul.f32 $3.200000000e+01, v7;
	v5 =	vadd.f32 v34, v5;
	[tilespmem:s15+$0x19010] =	vst v3;
	v3 =	vld [tilespmem:s15+$0x6480]  }
0x257: {  	v6 =	vadd.f32 v35, v6;
	[tilespmem:s15+$0x19020] =	vst v4;
	v4 =	vld [tilespmem:s15+$0x6490];
	v2 =	vmul.f32 $3.200000000e+01, v2  }
0x258: {  	v8 =	vmul.f32 $3.200000000e+01, v8;
	v7 =	vadd.f32 v63, v7;
	[tilespmem:s15+$0x19030] =	vst v5;
	v5 =	vld [tilespmem:s15+$0x64A0]  }
0x259: {  	[tilespmem:s15+$0x19040] =	vst v6;
	v6 =	vld [tilespmem:s15+$0x64B0];
	v2 =	vadd.f32 v36, v2;
	v0 =	vmul.f32 $3.200000000e+01, v0  }
0x25a: {  	[tilespmem:s15+$0x19050] =	vst v7;
	v7 =	vld [tilespmem:s15+$0x64C0];
	v1 =	vadd.f32 v1, v8;
	v8 =	vmul.f32 $3.200000000e+01, v9  }
0x25b: {  	[tilespmem:s15+$0x19060] =	vst v2;
	v2 =	vld [tilespmem:s15+$0x64D0];
	v0 =	vadd.f32 v3, v0;
	v3 =	vmul.f32 $3.200000000e+01, v10  }
0x25c: {  	[tilespmem:s15+$0x19070] =	vst v1;
	v1 =	vld [tilespmem:s15+$0x64E0];
	v4 =	vadd.f32 v4, v8;
	v8 =	vmul.f32 $3.200000000e+01, v11  }
0x25d: {  	[tilespmem:s15+$0x19080] =	vst v0;
	v0 =	vld [tilespmem:s15+$0x64F0];
	v3 =	vadd.f32 v5, v3;
	v5 =	vmul.f32 $3.200000000e+01, v12  }
0x25e: {  	[tilespmem:s15+$0x19090] =	vst v4;
	v4 =	vld [tilespmem:s15+$0x6500];
	v6 =	vadd.f32 v6, v8;
	v8 =	vmul.f32 $3.200000000e+01, v13  }
0x25f: {  	[tilespmem:s15+$0x190A0] =	vst v3;
	v3 =	vld [tilespmem:s15+$0x6510];
	v5 =	vadd.f32 v7, v5;
	v7 =	vmul.f32 $3.200000000e+01, v14  }
0x260: {  	v30 =	vld [tilespmem:s15+$0x12DE0];
	[tilespmem:s15+$0x190B0] =	vst v6;
	v2 =	vadd.f32 v2, v8;
	v8 =	vmul.f32 $3.200000000e+01, v15  }
0x261: {  	v6 =	vld [tilespmem:s15+$0x6520];
	[tilespmem:s15+$0x190C0] =	vst v5;
	v1 =	vadd.f32 v1, v7;
	v7 =	vmul.f32 $3.200000000e+01, v16  }
0x262: {  	v5 =	vld [tilespmem:s15+$0x6530];
	[tilespmem:s15+$0x190D0] =	vst v2;
	v0 =	vadd.f32 v0, v8;
	v8 =	vmul.f32 $3.200000000e+01, v17  }
0x263: {  	v2 =	vld [tilespmem:s15+$0x6540];
	[tilespmem:s15+$0x190E0] =	vst v1;
	v4 =	vadd.f32 v4, v7  }
0x264: {  	v1 =	vld [tilespmem:s15+$0x6550];
	v7 =	vmul.f32 $3.200000000e+01, v18;
	[tilespmem:s15+$0x190F0] =	vst v0;
	v3 =	vadd.f32 v3, v8  }
0x265: {  	v0 =	vld [tilespmem:s15+$0x6560];
	[tilespmem:s15+$0x19100] =	vst v4;
	v4 =	vmul.f32 $3.200000000e+01, v19  }
0x266: {  	v10 =	vld [tilespmem:s15+$0x6570];
	v6 =	vadd.f32 v6, v7;
	[tilespmem:s15+$0x19110] =	vst v3;
	v3 =	vmul.f32 $3.200000000e+01, v20  }
0x267: {  	v11 =	vld [tilespmem:s15+$0x6580];
	v4 =	vadd.f32 v5, v4;
	v5 =	vmul.f32 $3.200000000e+01, v21  }
0x268: {  	v7 =	vld [tilespmem:s15+$0x6590];
	[tilespmem:s15+$0x19120] =	vst v6;
	v2 =	vadd.f32 v2, v3;
	v3 =	vmul.f32 $3.200000000e+01, v22  }
0x269: {  	v12 =	vmul.f32 $3.200000000e+01, v23;
	v13 =	vmul.f32 $3.200000000e+01, v24;
	v6 =	vld [tilespmem:s15+$0x65A0];
	[tilespmem:s15+$0x19130] =	vst v4;
	v1 =	vadd.f32 v1, v5  }
0x26a: {  	v8 =	vld [tilespmem:s15+$0x65B0];
	v5 =	vmul.f32 $3.200000000e+01, v25;
	v4 =	vmul.f32 $3.200000000e+01, v26;
	[tilespmem:s15+$0x19140] =	vst v2;
	v0 =	vadd.f32 v0, v3  }
0x26b: {  	v9 =	vld [tilespmem:s15+$0x65C0];
	v12 =	vadd.f32 v10, v12;
	v3 =	vmul.f32 $3.200000000e+01, v27;
	v2 =	vmul.f32 $3.200000000e+01, v28;
	[tilespmem:s15+$0x19150] =	vst v1  }
0x26c: {  	s16 =	simm.s32 $0x0;
	s17 =	simm.s32 $0x800;
	v11 =	vadd.f32 v11, v13;
	v10 =	vld [tilespmem:s15+$0x65D0];
	v1 =	vmul.f32 $3.200000000e+01, v29;
	[tilespmem:s15+$0x19160] =	vst v0;
	v0 =	vmul.f32 $3.200000000e+01, v30  }
.LBB2_9:
0x26d: {  	s18 =	sshra.s32 s17, $0x2;
	s16 =	sadd.s32 $0x4, s16;
	[tilespmem:s15+$0x19170] =	vst v12;
	v5 =	vadd.f32 v7, v5;
	v7 =	vld [tilespmem:s15+$0x65E0]  }
0x26e: {  	v12 =	vld [tilespmem:s18+$0x12DF0];
	p0 =	slt.u32 s16, $0x60;
	[tilespmem:s15+$0x19180] =	vst v11;
	v4 =	vadd.f32 v6, v4  }
0x26f: {  	v6 =	vld [tilespmem:s18+$0x12C00];
	[tilespmem:s15+$0x19190] =	vst v5;
	v3 =	vadd.f32 v8, v3  }
0x270: {  	v5 =	vld [tilespmem:s18+$0x65F0];
	[tilespmem:s15+$0x191A0] =	vst v4;
	v2 =	vadd.f32 v9, v2  }
0x271: {  	v4 =	vld [tilespmem:s18+$0x12C10];
	[tilespmem:s15+$0x191B0] =	vst v3;
	v1 =	vadd.f32 v10, v1  }
0x272: {  	v3 =	vld [tilespmem:s18+$0x12C20];
	[tilespmem:s15+$0x191C0] =	vst v2;
	v0 =	vadd.f32 v7, v0  }
0x273: {  	v2 =	vld [tilespmem:s18+$0x12C30];
	v7 =	vmul.f32 $3.200000000e+01, v12;
	[tilespmem:s15+$0x191D0] =	vst v1  }
0x274: {  	v6 =	vmul.f32 $3.200000000e+01, v6;
	v1 =	vld [tilespmem:s18+$0x12C40];
	[tilespmem:s15+$0x191E0] =	vst v0;
	s15 =	smov.u32 s18  }
0x275: {  	v0 =	vld [tilespmem:s15+$0x12C50];
	v5 =	vadd.f32 v5, v7  }
0x276: {  	v7 =	vmul.f32 $3.200000000e+01, v4;
	v4 =	vld [tilespmem:s15+$0x12C60]  }
0x277: {  	v8 =	vmul.f32 $3.200000000e+01, v3;
	v3 =	vld [tilespmem:s15+$0x12C70];
	[tilespmem:s15+$0x191F0] =	vst v5  }
0x278: {  	v9 =	vmul.f32 $3.200000000e+01, v2;
	v2 =	vld [tilespmem:s15+$0x12C80]  }
0x279: {  	v10 =	vmul.f32 $3.200000000e+01, v1;
	v1 =	vld [tilespmem:s15+$0x12C90]  }
0x27a: {  	v11 =	vmul.f32 $3.200000000e+01, v0;
	v0 =	vld [tilespmem:s15+$0x12CA0]  }
0x27b: {  	v12 =	vmul.f32 $3.200000000e+01, v4;
	v4 =	vld [tilespmem:s15+$0x12CB0]  }
0x27c: {  	v13 =	vmul.f32 $3.200000000e+01, v3;
	v3 =	vld [tilespmem:s15+$0x12CC0]  }
0x27d: {  	v14 =	vmul.f32 $3.200000000e+01, v2;
	v2 =	vld [tilespmem:s15+$0x12CD0]  }
0x27e: {  	v15 =	vmul.f32 $3.200000000e+01, v1;
	v1 =	vld [tilespmem:s15+$0x12CE0]  }
0x27f: {  	v16 =	vmul.f32 $3.200000000e+01, v0;
	v0 =	vld [tilespmem:s15+$0x12CF0]  }
0x280: {  	v17 =	vmul.f32 $3.200000000e+01, v4;
	v4 =	vld [tilespmem:s15+$0x12D00]  }
0x281: {  	v18 =	vmul.f32 $3.200000000e+01, v3;
	v3 =	vld [tilespmem:s15+$0x12D10]  }
0x282: {  	v19 =	vmul.f32 $3.200000000e+01, v2;
	v2 =	vld [tilespmem:s15+$0x12D20]  }
0x283: {  	v20 =	vmul.f32 $3.200000000e+01, v1;
	v1 =	vld [tilespmem:s15+$0x12D30]  }
0x284: {  	v21 =	vmul.f32 $3.200000000e+01, v0;
	v0 =	vld [tilespmem:s15+$0x12D40]  }
0x285: {  	v22 =	vmul.f32 $3.200000000e+01, v4;
	v4 =	vld [tilespmem:s15+$0x12D50]  }
0x286: {  	v23 =	vmul.f32 $3.200000000e+01, v3;
	v3 =	vld [tilespmem:s15+$0x12D60]  }
0x287: {  	v24 =	vmul.f32 $3.200000000e+01, v2;
	v2 =	vld [tilespmem:s15+$0x12D70]  }
0x288: {  	v25 =	vmul.f32 $3.200000000e+01, v1;
	v1 =	vld [tilespmem:s15+$0x12D80]  }
0x289: {  	v26 =	vmul.f32 $3.200000000e+01, v0;
	v0 =	vld [tilespmem:s15+$0x12D90]  }
0x28a: {  	v27 =	vmul.f32 $3.200000000e+01, v4;
	v4 =	vld [tilespmem:s15+$0x12DA0]  }
0x28b: {  	v28 =	vmul.f32 $3.200000000e+01, v3;
	v3 =	vld [tilespmem:s15+$0x12DB0]  }
0x28c: {  	v29 =	vmul.f32 $3.200000000e+01, v2;
	v2 =	vld [tilespmem:s15+$0x12DC0]  }
0x28d: {  	v30 =	vmul.f32 $3.200000000e+01, v1;
	v1 =	vld [tilespmem:s15+$0x12DD0]  }
0x28e: {  	v5 =	vmul.f32 $3.200000000e+01, v0;
	v0 =	vld [tilespmem:s15+$0x12DE0]  }
0x28f: {  	v31 =	vld [tilespmem:s15+$0x6400];
	v4 =	vmul.f32 $3.200000000e+01, v4  }
0x290: {  	v32 =	vld [tilespmem:s15+$0x6410];
	v3 =	vmul.f32 $3.200000000e+01, v3  }
0x291: {  	v33 =	vld [tilespmem:s15+$0x6420];
	v2 =	vmul.f32 $3.200000000e+01, v2  }
0x292: {  	v34 =	vld [tilespmem:s15+$0x6430];
	v1 =	vmul.f32 $3.200000000e+01, v1  }
0x293: {  	v35 =	vld [tilespmem:s15+$0x6440];
	v0 =	vmul.f32 $3.200000000e+01, v0  }
0x294: {  	v6 =	vadd.f32 v31, v6;
	v31 =	vld [tilespmem:s15+$0x6450]  }
0x295: {  	v7 =	vadd.f32 v32, v7;
	v32 =	vld [tilespmem:s15+$0x6460]  }
0x296: {  	[tilespmem:s15+$0x19000] =	vst v6;
	v6 =	vadd.f32 v33, v8;
	v8 =	vld [tilespmem:s15+$0x6470]  }
0x297: {  	[tilespmem:s15+$0x19010] =	vst v7;
	v7 =	vadd.f32 v34, v9;
	v9 =	vld [tilespmem:s15+$0x6480]  }
0x298: {  	[tilespmem:s15+$0x19020] =	vst v6;
	v6 =	vadd.f32 v35, v10;
	v10 =	vld [tilespmem:s15+$0x6490]  }
0x299: {  	[tilespmem:s15+$0x19030] =	vst v7;
	v7 =	vadd.f32 v31, v11;
	v11 =	vld [tilespmem:s15+$0x64A0]  }
0x29a: {  	[tilespmem:s15+$0x19040] =	vst v6;
	v6 =	vadd.f32 v32, v12;
	v12 =	vld [tilespmem:s15+$0x64B0]  }
0x29b: {  	[tilespmem:s15+$0x19050] =	vst v7;
	v7 =	vadd.f32 v8, v13;
	v8 =	vld [tilespmem:s15+$0x64C0]  }
0x29c: {  	[tilespmem:s15+$0x19060] =	vst v6;
	v6 =	vadd.f32 v9, v14;
	v9 =	vld [tilespmem:s15+$0x64D0]  }
0x29d: {  	[tilespmem:s15+$0x19070] =	vst v7;
	v7 =	vadd.f32 v10, v15;
	v10 =	vld [tilespmem:s15+$0x64E0]  }
0x29e: {  	[tilespmem:s15+$0x19080] =	vst v6;
	v6 =	vadd.f32 v11, v16;
	v11 =	vld [tilespmem:s15+$0x64F0]  }
0x29f: {  	[tilespmem:s15+$0x19090] =	vst v7;
	v7 =	vadd.f32 v12, v17;
	v12 =	vld [tilespmem:s15+$0x6500]  }
0x2a0: {  	[tilespmem:s15+$0x190A0] =	vst v6;
	v6 =	vadd.f32 v8, v18;
	v8 =	vld [tilespmem:s15+$0x6510]  }
0x2a1: {  	[tilespmem:s15+$0x190B0] =	vst v7;
	v7 =	vadd.f32 v9, v19;
	v9 =	vld [tilespmem:s15+$0x6520]  }
0x2a2: {  	[tilespmem:s15+$0x190C0] =	vst v6;
	v6 =	vadd.f32 v10, v20;
	v10 =	vld [tilespmem:s15+$0x6530]  }
0x2a3: {  	[tilespmem:s15+$0x190D0] =	vst v7;
	v7 =	vadd.f32 v11, v21;
	v11 =	vld [tilespmem:s15+$0x6540]  }
0x2a4: {  	[tilespmem:s15+$0x190E0] =	vst v6;
	v6 =	vadd.f32 v12, v22;
	v12 =	vld [tilespmem:s15+$0x6550]  }
0x2a5: {  	[tilespmem:s15+$0x190F0] =	vst v7;
	v7 =	vadd.f32 v8, v23;
	v8 =	vld [tilespmem:s15+$0x6560]  }
0x2a6: {  	[tilespmem:s15+$0x19100] =	vst v6;
	v6 =	vadd.f32 v9, v24;
	v9 =	vld [tilespmem:s15+$0x6570]  }
0x2a7: {  	[tilespmem:s15+$0x19110] =	vst v7;
	v10 =	vadd.f32 v10, v25;
	v13 =	vld [tilespmem:s15+$0x6580]  }
.Ltmp3:
0x2a8: {  	[tilespmem:s15+$0x19120] =	vst v6;
	v11 =	vadd.f32 v11, v26;
	v7 =	vld [tilespmem:s15+$0x6590];
	(pc) =	sbr.rel @p0 .LBB2_9-.Ltmp3, $4  }
0x2a9: {  	[tilespmem:s15+$0x19130] =	vst v10;
	v10 =	vadd.f32 v12, v27;
	v6 =	vld [tilespmem:s15+$0x65A0]  }
0x2aa: {  	[tilespmem:s15+$0x19140] =	vst v11;
	v11 =	vadd.f32 v8, v28;
	v8 =	vld [tilespmem:s15+$0x65B0]  }
0x2ab: {  	[tilespmem:s15+$0x19150] =	vst v10;
	v12 =	vadd.f32 v9, v29;
	v9 =	vld [tilespmem:s15+$0x65C0]  }
0x2ac: {  	s17 =	sadd.s32 $0x800, s17;
	[tilespmem:s15+$0x19160] =	vst v11;
	v11 =	vadd.f32 v13, v30;
	v10 =	vld [tilespmem:s15+$0x65D0]  }
0x2ad: {  	[tilespmem:s15+$0x19170] =	vst v12;
	v5 =	vadd.f32 v7, v5;
	v63 =	vld [tilespmem:s15+$0x65E0]  }
0x2ae: {  	[tilespmem:s15+$0x19180] =	vst v11;
	v4 =	vadd.f32 v6, v4  }
0x2af: {  	s12 =	sadd.s32 $0x1, s12;
	[tilespmem:s15+$0x19190] =	vst v5;
	v3 =	vadd.f32 v8, v3  }
0x2b0: {  	p0 =	sne.s32 s12, $0x20;
	[tilespmem:s15+$0x191A0] =	vst v4;
	v2 =	vadd.f32 v9, v2  }
.Ltmp4:
0x2b1: {  	s14 =	sadd.s32 s3, s14;
	[tilespmem:s15+$0x191B0] =	vst v3;
	v1 =	vadd.f32 v10, v1;
	(pc) =	sbr.rel @p0 .LBB2_2-.Ltmp4, $4  }
0x2b2: {  	s14 =	smul.u32 $0x640, s14;
	[tilespmem:s15+$0x191C0] =	vst v2;
	v0 =	vadd.f32 v63, v0  }
0x2b3: {  	[tilespmem:s15+$0x191D0] =	vst v1  }
0x2b4: {  	s14 =	sadd.s32 s2, s14;
	[tilespmem:s15+$0x191E0] =	vst v0  }
0x2b5: {  	[hbm4b:s14+s4] =	stream.linear.scatter [tilespmem:s29], [sflag:$0x6], $0x3200, $0x38;
	[tilespmem:$0x1C200] =	vst v63  }
0x2b6: {  	s10 =	sadd.s32 $0x1, s10  }
0x2b7: {  	_ =	swait.ge [sflag:s31], $0x3200;
	p0 =	sne.s32 s10, s8  }
.Ltmp5:
0x2b8: {  	[sflag:s31] =	ssyncset.done $0x0;
	(pc) =	sbr.rel @p0 .LBB2_1-.Ltmp5, $4  }
0x2b9: {  	[sflag:s31] =	ssyncadd.s32 $0xFFFFCE00  }
0x2ba: {  	_ =	swait.ge [sflag:s0], $0x3200  }
0x2bb: {  	[sflag:s0] =	ssyncset.done $0x0  }
0x2bc: {  	[sflag:s0] =	ssyncadd.s32 $0xFFFFCE00  }
0x2bd: {  	_ =	sfence.sel $0x180000  }
0x2be: {  	[bflag:$0x0] =	sbarrier.arrive $0xFFFF  }
0x2bf: {  	_ =	strace $0x90000047  }
0x2c0: {  	s0 =	stileid.u32;
	[bflag:$0x2] =	sbarrier.arrive $0xFFFF  }
0x2c1: {  	p0 =	sne.s32 s0, $0x0;
	s0 =	rddreg [dreg:$0x2]  }
0x2c2: {  	s0 =	sadd.s32 @!p0 $0x100000, s0  }
0x2c3: {  	[sflag:s0] =	ssyncadd.tile.s32 @!p0 $0x1;
	_ =	shalt  }
.Lfunc_end2:
_tile_overlayer_lowered:
.L_overlay_start_2:
0x2c4: {  	(tag) =	ssettag $0x2  }
0x2c5: {  	s0 =	rddreg [dreg:$0x0];
	s2 =	stileid.u32  }
0x2c6: {  	s1 =	rddreg [dreg:$0x1];
	p0 =	sne.s32 s2, $0x0  }
0x2c7: {  	s3 =	rddreg [dreg:$0x2];
	[bflag:$0x3] =	sbarrier.arrive $0xFFFF;
	s2 =	simm.s32 @!p0 $0x1C07  }
0x2c8: {  	[timem:s3], [sflag:s2] =	dma.local @!p0 [hbm:s0], s1  }
0x2c9: {  	s0 =	simm.s32 @!p0 $0x7  }
0x2ca: {  	_ =	swait.ge @!p0 [sflag:s0], s1  }
0x2cb: {  	s1 =	ssub.s32 @!p0 $0x0, s1;
	[sflag:s0] =	ssyncset.done @!p0 $0x0  }
0x2cc: {  	[sflag:s0] =	ssyncadd.s32 @!p0 s1  }
0x2cd: {  	[bflag:$0x3] =	sbarrier.arrive $0xFFFF  }
0x2ce: {  	_ =	shalt  }

// kernel: sparse-core-data-format-call.cloned.1.call-start
scs
called_computation_lowered:
.L_overlay_start_0:
0x0: {  	s2 =	sld [smem:$0x3FD9]  }
0x1: {  	s3 =	sld [smem:$0x3FFE];
	_ =	sdelay $0x1  }
0x2: {  	s1 =	srdreg.scid  }
0x3: {  	s0 =	sand.u32 $0x1, s1  }
0x4: {  	s15 =	sshll.u32 s0, $0xA;
	s2 =	sadd.s32 s3, s2  }
0x5: {  	s2 =	sadd.s32 s2, s15  }
0x6: {  	[smem:$0x3FC4] =	sst s2  }
0x7: {  	_ = 	snop  }
0x8: {  	s2 =	sld [smem:$0x3FD0];
	_ =	sdelay $0x2  }
0x9: {  	s16 =	simm.s32 $0xA;
	s4 =	simm.s32 $0x10  }
0xa: {  	[smem:s4], [sflag:s16] =	dma.local [hbm:s2], $0x1  }
0xb: {  	_ =	swait.eq [sflag:s16], $0x1  }
0xc: {  	[sflag:s16] =	ssyncset.done $0x0  }
0xd: {  	[sflag:s16] =	ssyncadd.s32 $0xFFFFFFFF  }
0xe: {  	s17 =	sld [smem:$0x10];
	(tm) =	ssettm $0x1  }
0xf: {  	s18 =	sld [smem:$0x3FFB];
	_ =	sdelay $0x3  }
0x10: {  	_ =	strace s18  }
0x11: {  	s3 =	sld [smem:$0x3FFC];
	_ =	sdelay $0x3  }
0x12: {  	_ =	strace s3  }
0x13: {  	s3 =	sld [smem:$0x3FFD];
	_ =	sdelay $0x3  }
0x14: {  	_ =	strace s3  }
0x15: {  	_ =	strace $0x8FFFFFFF  }
0x16: {  	s19 =	sld [smem:$0x3FDB];
	_ =	sdelay $0x1  }
0x17: {  	s20 =	simm.s32 $_scs_section_size  }
0x18: {  	s5 =	simm.s32 $_size__tile_overlayer_lowered;
	s6 =	simm.s32 $_tile_overlayer_lowered  }
0x19: {  	s23 =	simm.s32 $0x1BFF;
	s22 =	sshll.u32 s6, $0x1;
	s3 =	sadd.s32 s20, s19  }
0x1a: {  	s7 =	simm.s32 $0x0;
	s21 =	sshll.u32 s5, $0x1;
	s5 =	sadd.s32 s22, s3  }
0x1b: {  	[timem:s7], [sflag:s23] =	dma.local [hbm:s5], s21  }
0x1c: {  	_ =	swait.ge [sflag:s23], s21  }
0x1d: {  	s4 =	ssub.s32 $0x0, s21;
	[sflag:s23] =	ssyncset.done $0x0  }
0x1e: {  	[sflag:s23] =	ssyncadd.s32 s4;
	_ =	sdelay $0x1  }
0x1f: {  	s24 =	simm.s32 $0x1B8B  }
0x20: {  	_ =	swait.ge [sflag:s24], $0x1  }
0x21: {  	[sflag:s24] =	ssyncset.done $0x0  }
0x22: {  	s26 =	simm.s32 $0x1B8E;
	s25 =	sld [smem:$0x3FFE];
	[sflag:s24] =	ssyncadd.s32 $0xFFFFFFFF  }
0x23: {  	s27 =	simm.s32 $execute0_lowered;
	[smem:$0x3FD2] =	sst s26  }
0x24: {  	s5 =	sshll.u32 s27, $0x1;
	_ =	strace $0x80000049;
	[dreg:$0x1] =	wrdreg $0xFFFFFFFF  }
0x25: {  	s28 =	simm.s32 $_size_execute0_lowered;
	s3 =	sadd.s32 s3, s5;
	[dreg:$0x0] =	wrdreg $0x0  }
0x26: {  	s5 =	sshll.u32 s28, $0x1;
	[dreg:$0x2] =	wrdreg s3  }
0x27: {  	[dreg:$0x3] =	wrdreg s5  }
0x28: {  	[dreg:$0x4] =	wrdreg $0xC0  }
0x29: {  	_ =	task [dreg:s7], $0x5FFFF  }
0x2a: {  	[dreg:$0x1] =	wrdreg $0xFFFFFFFF  }
0x2b: {  	[dreg:$0x0] =	wrdreg $0x60  }
0x2c: {  	[dreg:$0x2] =	wrdreg s25  }
0x2d: {  	[dreg:$0x3] =	wrdreg s17  }
0x2e: {  	[dreg:$0x4] =	wrdreg $0x9  }
0x2f: {  	_ =	task.clear_ibuf [dreg:s7], $0x5FFFF;
	_ =	strace $0x90000049  }
0x30: {  	s29 =	simm.s32 $0x9;
	_ =	strace $0x8000004B  }
0x31: {  	_ =	swait.ge [sflag:s29], $0x1  }
0x32: {  	[sflag:s29] =	ssyncadd.s32 $0xFFFFFFFF  }
0x33: {  	_ =	strace $0x9000004B  }
0x34: {  	_ =	sfence  }
0x35: {  	s30 =	sld [smem:$0x0];
	_ =	sdelay $0x2  }
0x36: {  	s31 =	sshll.u32 s1, $0xD;
	s1 =	sshrl.u32 s1, $0x2  }
0x37: {  	s3 =	sand.u32 $0x4000, s31;
	s1 =	sadd.s32 s1, s30  }
0x38: {  	s0 =	sor.u32 s3, s0;
	s1 =	sshll.u32 s1, $0x11  }
0x39: {  	s0 =	sor.u32 s1, s0  }
0x3a: {  	s0 =	sadd.s32 $0x8F2B, s0  }
0x3b: {  	[sflag:s0] =	ssyncadd.remote.s32 $0x1  }
0x3c: {  	_ =	sfence.sel $0xFFFF  }
0x3d: {  	[dreg:$0x0] =	wrdreg $0xFFFFFFFF;
	(pc) =	sbr.abs _section_cstart, $3  }
0x3e: {  	[dreg:$0x1] =	wrdreg $0xFFFFFFFF  }
0x3f: {  	_ =	task.clear_ibuf [dreg:s7], $0x2FFFF;
	_ =	strace $0x9FFFFFFF  }
0x40: {  	(tm) =	ssettm $0x7FFFFFFF  }
0x41: {  	_ =	shalt  }
tec
execute0_lowered:
.L_overlay_start_1:
0x0: {  	(tag) =	ssettag $0x1  }
0x1: {  	s0 =	srdreg.scid  }
0x2: {  	s1 =	sshll.u32 s0, $0x4  }
0x3: {  	s0 =	stileid.u32;
	s1 =	sand.u32 $0x10, s1  }
0x4: {  	s1 =	sor.u32 s0, s1  }
0x5: {  	s6 =	rddreg [dreg:$0x0];
	s4 =	simm.s32 $0x1;
	s2 =	sshll.u32 s1, $0x7  }
0x6: {  	s7 =	simm.s32 $0x2;
	s12 =	simm.s32 $0x0;
	s1 =	ssub.s32 $0x1000, s2  }
0x7: {  	s8 =	simm.s32 $0x8000;
	s13 =	simm.s32 $0x0;
	s3 =	sand.u32 $0xF80, s1  }
0x8: {  	s9 =	simm.s32 $0x0;
	s5 =	sshrl.u32 s1, $0xC;
	p0 =	sne.s32 s3, $0x0  }
.Ltmp0:
0x9: {  	s1 =	rddreg [dreg:$0x2];
	s4 =	simm.s32 @!p0 $0x0;
	(pc) =	sbr.rel .LBB1_1-.Ltmp0, $4  }
0xa: {  	s11 =	simm.s32 $0x0;
	s3 =	rddreg [dreg:$0x1];
	s5 =	sadd.s32 s4, s5  }
0xb: {  	_ =	strace $0x8000004A;
	s4 =	simm.s32 $0x1;
	s5 =	smul.u32 $0x64, s5  }
0xc: {  	s6 =	sadd.s32 $0xE00, s6;
	s10 =	smov.u32 s2;
	[sflag:s4] =	ssyncpa.u1 $0x0  }
0xd: {  	p0 =	por $0x0, $0x0;
	[sflag:s7] =	ssyncpa.u1 $0x0;
	s7 =	sor.u32 $0x1, s5  }
.LBB1_4:
0xe: {  	v5 =	vld [tilespmem:s17+$0xFFFFFFD0];
	[tilespmem:s16+$0x2040 ss:$0x81] =	vst.msk $0xffff, v1  }
0xf: {  	v58 =	vld [tilespmem:s17+$0xFFFFFFE0];
	[tilespmem:s16+$0x2850 ss:$0x81] =	vst.msk $0xffff, v2  }
0x10: {  	s18 =	sshra.s32 s18, $0x2;
	v59 =	vld [tilespmem:s17+$0xFFFFFFF0];
	[tilespmem:s16+$0x3060 ss:$0x81] =	vst.msk $0xffff, v3  }
0x11: {  	v60 =	vld [tilespmem:s17+$0x0];
	[tilespmem:s16+$0x0 ss:$0x81] =	vst.msk $0xffff, v0;
	s15 =	sadd.s32 s18, s15  }
0x12: {  	v61 =	vld [tilespmem:s17+$0x10];
	[tilespmem:s15+$0x3870 ss:$0x81] =	vst.msk $0xffff, v4  }
0x13: {  	v62 =	vld [tilespmem:s17+$0x20];
	[tilespmem:s15+$0x810 ss:$0x81] =	vst.msk $0xffff, v5  }
0x14: {  	v63 =	vld [tilespmem:s17+$0xFFFFFFC0];
	[tilespmem:s15+$0x1020 ss:$0x81] =	vst.msk $0xffff, v58  }
0x15: {  	s28 =	sshll.u32 s13, $0x3;
	s29 =	sand.u32 $0x78, s13;
	[tilespmem:s15+$0x1830 ss:$0x81] =	vst.msk $0xffff, v59  }
0x16: {  	s30 =	sand.u32 $0xFE00, s13;
	s12 =	sshll.u32 s12, $0x10;
	s16 =	sand.u32 $0xC00, s28;
	[tilespmem:s15+$0x2040 ss:$0x81] =	vst.msk $0xffff, v60  }
0x17: {  	s31 =	sand.u32 $0x7, s13;
	s17 =	sadd.s32 s3, s30;
	s16 =	sor.u32 s29, s16;
	[tilespmem:s15+$0x2850 ss:$0x81] =	vst.msk $0xffff, v61  }
0x18: {  	s13 =	sshll.u32 s31, $0x12;
	s12 =	sadd.s32 s12, s17;
	s16 =	sshrl.u32 s16, $0x3;
	[tilespmem:s15+$0x3060 ss:$0x81] =	vst.msk $0xffff, v62  }
0x19: {  	s13 =	sor.u32 $0x400, s13;
	s12 =	sadd.s32 s16, s12;
	[tilespmem:s15+$0x0 ss:$0x81] =	vst.msk $0xffff, v63  }
0x1a: {  	[hbm4b:s12+s13] =	stream.strided.scatter [tilespmem:s14], [sflag:$0x2], $0x4000, s8, s13, $0x20;
	[tilespmem:$0x10100] =	vst v63  }
.LBB1_5:
0x1b: {  	s14 =	sadd.s32 $0x1, s9  }
0x1c: {  	s12 =	sadd.s32 $0x1000, s10;
	s16 =	smov.u32 s10;
	p2 =	sgt.s32 s14, $0x63  }
0x1d: {  	s16 =	smov.u32 @p2 s12  }
0x1e: {  	s14 =	simm.s32 @p2 $0x0;
	p2 =	sgt.s32 s16, $0xFFF  }
0x1f: {  	s16 =	smov.u32 @p2 s2;
	p2 =	sne.s32 s11, s7  }
.Ltmp1:
0x20: {  	p1 =	slt.u32 s11, $0x2;
	(pc) =	sbr.rel @!p2 .LBB1_6-.Ltmp1, $4  }
0x21: {  	s15 =	simm.s32 @!p1 $0x2  }
0x22: {  	s13 =	smov.u32 s10;
	p0 =	por !p0, !p0;
	_ =	swait.ge @!p1 [sflag:s15], $0x4000  }
0x23: {  	s12 =	smov.u32 s9;
	[sflag:s15] =	ssyncset.done @!p1 $0x0;
	s9 =	smov.u32 s14  }
0x24: {  	s11 =	sadd.s32 $0x1, s11;
	[sflag:s15] =	ssyncadd.s32 @!p1 $0xFFFFC000;
	s10 =	smov.u32 s16  }
.LBB1_1:
0x25: {  	p1 =	sge.u32 s11, s5  }
0x26: {  	s14 =	sand.u32 @!p1 $0x1FFFFFF, s9  }
0x27: {  	s15 =	smulhi.u32 @!p1 $0x2762763, s14;
	_ =	sdelay $0x1  }
0x28: {  	s15 =	smul.u32 @!p1 $0x68, s15  }
0x29: {  	s16 =	sxor.u32 @!p1 $0xFFFFFFFF, s11;
	s17 =	smul.u32 @!p1 $0x680, s10  }
0x2a: {  	s31 =	sadd.s32 $0xFFFFFFFF, s11;
	s16 =	sshll.u32 @!p1 s16, $0xE;
	s14 =	ssub.s32 @!p1 s14, s15  }
0x2b: {  	s15 =	sand.u32 @!p1 $0x4000, s16;
	s16 =	sadd.s32 @!p1 s6, s17;
	s14 =	sshll.u32 @!p1 s14, $0x4  }
0x2c: {  	s17 =	simm.s32 @!p1 $0x3400;
	s14 =	sadd.s32 @!p1 s14, s16;
	s16 =	simm.s32 @!p1 $0x80  }
0x2d: {  	[tilespmem:s15], [sflag:$0x1] =	stream.strided.gather @!p1 [hbm4b:s14+s16], $0x4000, s17, s16, $0x38;
	[tilespmem:$0x10100] =	vst v63  }
0x2e: {  	p1 =	sge.u32 s31, s5  }
.Ltmp2:
0x2f: {  	_ = 	snop;
	(pc) =	sbr.rel @p1 .LBB1_5-.Ltmp2, $1  }
0x30: {  	_ =	sdelay $0x3  }
0x31: {  	s14 =	simm.s32 $0x1  }
0x32: {  	_ =	swait.ge [sflag:s4], $0x4000;
	s14 =	simm.s32 @!p0 $0x0  }
0x33: {  	[sflag:s4] =	ssyncset.done $0x0;
	s15 =	sshll.u32 s14, $0xE  }
0x34: {  	[sflag:s4] =	ssyncadd.s32 $0xFFFFC000;
	s17 =	sor.u32 $0x40, s15  }
0x35: {  	s14 =	smul.u32 $0x10200, s14;
	v0 =	vld [tilespmem:s17+$0x30]  }
0x36: {  	v3 =	vld [tilespmem:s17+$0xFFFFFFD0]  }
0x37: {  	s14 =	sshrl.u32 s14, $0x2;
	v4 =	vld [tilespmem:s17+$0xFFFFFFE0]  }
0x38: {  	v5 =	vld [tilespmem:s17+$0xFFFFFFF0];
	s15 =	sor.u32 $0x8000, s14  }
0x39: {  	s31 =	sand.u32 $0x1, s11;
	v1 =	vld [tilespmem:s17+$0x0];
	s16 =	sadd.s32 $0x0, s15  }
0x3a: {  	v2 =	vld [tilespmem:s17+$0x10];
	s14 =	smul.u32 $0x10200, s31;
	[tilespmem:s16+$0x3870 ss:$0x81] =	vst.msk $0xffff, v0  }
0x3b: {  	[tilespmem:s16+$0x810 ss:$0x81] =	vst.msk $0xffff, v3;
	v3 =	vld [tilespmem:s17+$0x20]  }
0x3c: {  	s14 =	sshrl.u32 s14, $0x2;
	v0 =	vld [tilespmem:s17+$0xFFFFFFC0];
	[tilespmem:s16+$0x1020 ss:$0x81] =	vst.msk $0xffff, v4;
	s17 =	sadd.s32 $0x80, s17  }
0x3d: {  	s18 =	simm.s32 $0x4;
	s19 =	simm.s32 $0x8;
	s14 =	sor.u32 $0x8000, s14;
	[tilespmem:s16+$0x1830 ss:$0x81] =	vst.msk $0xffff, v5;
	v4 =	vld [tilespmem:s17+$0x30]  }
.LBB1_3:
0x3e: {  	p1 =	sne.s32 s19, $0x1FC;
	v5 =	vld [tilespmem:s17+$0xFFFFFFD0];
	[tilespmem:s16+$0x2040 ss:$0x81] =	vst.msk $0xffff, v1  }
0x3f: {  	v6 =	vld [tilespmem:s17+$0xFFFFFFE0];
	[tilespmem:s16+$0x2850 ss:$0x81] =	vst.msk $0xffff, v2  }
0x40: {  	s20 =	sshra.s32 s18, $0x2;
	s18 =	smov.u32 s19;
	v7 =	vld [tilespmem:s17+$0xFFFFFFF0];
	[tilespmem:s16+$0x3060 ss:$0x81] =	vst.msk $0xffff, v3  }
.Ltmp3:
0x41: {  	v1 =	vld [tilespmem:s17+$0x0];
	[tilespmem:s16+$0x0 ss:$0x81] =	vst.msk $0xffff, v0;
	s16 =	sadd.s32 s20, s15;
	(pc) =	sbr.rel @p1 .LBB1_3-.Ltmp3, $4  }
0x42: {  	v2 =	vld [tilespmem:s17+$0x10];
	[tilespmem:s16+$0x3870 ss:$0x81] =	vst.msk $0xffff, v4  }
0x43: {  	[tilespmem:s16+$0x810 ss:$0x81] =	vst.msk $0xffff, v5;
	v3 =	vld [tilespmem:s17+$0x20]  }
0x44: {  	v0 =	vld [tilespmem:s17+$0xFFFFFFC0];
	[tilespmem:s16+$0x1020 ss:$0x81] =	vst.msk $0xffff, v6;
	s17 =	sadd.s32 $0x80, s17  }
0x45: {  	s19 =	sadd.s32 $0x4, s19;
	v4 =	vld [tilespmem:s17+$0x30];
	[tilespmem:s16+$0x1830 ss:$0x81] =	vst.msk $0xffff, v7  }
.Ltmp4:
0x46: {  	_ = 	snop;
	(pc) =	sbr.rel .LBB1_4-.Ltmp4, $1  }
0x47: {  	_ =	sdelay $0x3  }
.LBB1_6:
0x48: {  	_ =	sfence.sel $0x180000  }
0x49: {  	s2 =	simm.s32 $0x1;
	[bflag:$0x0] =	sbarrier.arrive $0xFFFF  }
0x4a: {  	s31 =	simm.s32 $0x2;
	[sflag:s2] =	ssyncpa.u1 $0x1  }
0x4b: {  	[sflag:s31] =	ssyncpa.u1 $0x1  }
0x4c: {  	p0 =	sne.s32 s0, $0x0;
	_ =	strace $0x9000004A  }
0x4d: {  	s0 =	sadd.s32 @!p0 $0x100000, s1;
	[bflag:$0x2] =	sbarrier.arrive $0xFFFF  }
0x4e: {  	[sflag:s0] =	ssyncadd.tile.s32 @!p0 $0x1;
	_ =	shalt  }
.Lfunc_end1:
_tile_overlayer_lowered:
.L_overlay_start_2:
0x4f: {  	(tag) =	ssettag $0x2  }
0x50: {  	s0 =	rddreg [dreg:$0x0];
	s2 =	stileid.u32  }
0x51: {  	s1 =	rddreg [dreg:$0x1];
	p0 =	sne.s32 s2, $0x0  }
0x52: {  	s3 =	rddreg [dreg:$0x2];
	[bflag:$0x3] =	sbarrier.arrive $0xFFFF;
	s2 =	simm.s32 @!p0 $0x1C01  }
0x53: {  	[timem:s3], [sflag:s2] =	dma.local @!p0 [hbm:s0], s1  }
0x54: {  	s0 =	simm.s32 @!p0 $0x1  }
0x55: {  	_ =	swait.ge @!p0 [sflag:s0], s1  }
0x56: {  	s1 =	ssub.s32 @!p0 $0x0, s1;
	[sflag:s0] =	ssyncset.done @!p0 $0x0  }
0x57: {  	[sflag:s0] =	ssyncadd.s32 @!p0 s1  }
0x58: {  	[bflag:$0x3] =	sbarrier.arrive $0xFFFF  }
0x59: {  	_ =	shalt  }

</sc_bundles>
